<compile_context>
chip_gen: v7x
topology: tpu7x:2x2x1
jax: 0.10.2.dev20260603
libtpu: 0.0.44.dev20260713+nightly
codegen_flags: <defaults>
</compile_context>

<pallas_src>
import functools

import jax
import jax.numpy as jnp
from jax import lax
from jax.experimental import pallas as pl
from jax.experimental.pallas import tpu as pltpu
from jax.experimental.pallas import tpu_sc as plsc

N = 10000
E = 320000
D = 128
G = 64
VOCAB = 119
K = 4

NC = 2
NS = 16
NW = NC * NS
C = 128
CH = 80
E_PAD = NW * CH * C
N_PAD = 10240
RW = N_PAD // NS
XCH = N_PAD // C
GE = 8
GROUPS = CH // GE
PPG = GE // 2

_f32 = jnp.float32


def _zero_fill_2d(buf, rows):
    zv = jnp.zeros((16,), _f32)

    def body(i, _):
        for jj in range(D // 16):
            buf[i, pl.ds(jj * 16, 16)] = zv
        return 0

    lax.fori_loop(0, rows, body, 0)


@functools.lru_cache(maxsize=1)
def _build_sc_prep():
    mesh = plsc.VectorSubcoreMesh(core_axis_name="c", subcore_axis_name="s")

    @functools.partial(
        pl.kernel,
        out_type=[
            jax.ShapeDtypeStruct((NC * N_PAD,), _f32),
            jax.ShapeDtypeStruct((N_PAD, D), _f32),
        ],
        mesh=mesh,
        scratch_types=[
            pltpu.VMEM((CH, C), jnp.int32),
            pltpu.VMEM((C,), jnp.int32),
            pltpu.VMEM((C, D), _f32),
            pltpu.VMEM((C,), _f32),
            pltpu.VMEM((RW,), _f32),
            pltpu.VMEM_SHARED((N_PAD,), _f32),
            pltpu.SemaphoreType.DMA,
        ],
    )
    def sc_prep(cols_hbm, x_hbm, table_hbm, degp_hbm, h0_hbm,
                colv, xv, embuf, onesv, stage, degacc, sem):
        cid = lax.axis_index("c")
        sid = lax.axis_index("s")
        wid = cid * NS + sid

        def emb_chunk(cj):
            pltpu.sync_copy(x_hbm.at[cj], xv)
            pltpu.async_copy(table_hbm.at[xv], embuf, sem).wait()
            pltpu.sync_copy(embuf, h0_hbm.at[pl.ds(cj * C, C)])

        emb_chunk(wid)
        emb_chunk(wid + NW)

        @pl.when(wid < XCH - 2 * NW)
        def _():
            emb_chunk(wid + 2 * NW)

        def fill(i, _):
            stage[pl.ds(i * 16, 16)] = jnp.zeros((16,), _f32)
            return 0

        lax.fori_loop(0, RW // 16, fill, 0)
        for jj in range(C // 16):
            onesv[pl.ds(jj * 16, 16)] = jnp.ones((16,), _f32)

        pltpu.sync_copy(cols_hbm.at[wid], colv)
        base = sid * RW
        pltpu.sync_copy(stage, degacc.at[pl.ds(base, RW)])
        plsc.subcore_barrier()

        def scat(j, _):
            pltpu.sync_copy(onesv, degacc.at[colv.at[j]], add=True)
            return 0

        lax.fori_loop(0, CH, scat, 0)
        plsc.subcore_barrier()

        pltpu.sync_copy(degacc.at[pl.ds(base, RW)], stage)
        pltpu.sync_copy(stage, degp_hbm.at[pl.ds(cid * N_PAD + base, RW)])

    return sc_prep


@functools.lru_cache(maxsize=1)
def _build_sc_hop():
    mesh = plsc.VectorSubcoreMesh(core_axis_name="c", subcore_axis_name="s")

    @functools.partial(
        pl.kernel,
        out_type=jax.ShapeDtypeStruct((NC * N_PAD, D), _f32),
        mesh=mesh,
        scratch_types=[
            pltpu.VMEM((2, GE, C), jnp.int32),
            pltpu.VMEM((2, GE, C), jnp.int32),
            pltpu.VMEM((C, D), _f32),
            pltpu.VMEM((C, D), _f32),
            pltpu.VMEM_SHARED((N_PAD, D), _f32),
            pltpu.SemaphoreType.DMA,
            pltpu.SemaphoreType.DMA,
        ],
    )
    def sc_hop(g_hbm, rows_hbm, cols_hbm, u_hbm,
               rowv, colv, bufa, bufb, acc, sema, semb):
        cid = lax.axis_index("c")
        sid = lax.axis_index("s")
        wid = cid * NS + sid

        _zero_fill_2d(bufa, C)
        base = sid * RW
        for t in range(RW // C):
            pltpu.sync_copy(bufa, acc.at[pl.ds(base + t * C, C)])

        pltpu.sync_copy(rows_hbm.at[wid, pl.ds(0, GE)], rowv.at[0])
        pltpu.sync_copy(cols_hbm.at[wid, pl.ds(0, GE)], colv.at[0])
        plsc.subcore_barrier()

        def body(p, _):
            grp = p // PPG
            rp = lax.rem(p, PPG)
            par = lax.rem(grp, 2)
            r0 = 2 * rp
            pltpu.async_copy(g_hbm.at[rowv.at[par, r0]], bufa, sema)
            pltpu.async_copy(g_hbm.at[rowv.at[par, r0 + 1]], bufb, semb)

            @pl.when(jnp.logical_and(rp == 0, grp + 1 < GROUPS))
            def _():
                nxt = lax.rem(grp + 1, 2)
                pltpu.sync_copy(rows_hbm.at[wid, pl.ds((grp + 1) * GE, GE)],
                                rowv.at[nxt])
                pltpu.sync_copy(cols_hbm.at[wid, pl.ds((grp + 1) * GE, GE)],
                                colv.at[nxt])

            pltpu.make_async_copy(g_hbm.at[rowv.at[par, r0]], bufa, sema).wait()
            pltpu.sync_copy(bufa, acc.at[colv.at[par, r0]], add=True)
            pltpu.make_async_copy(
                g_hbm.at[rowv.at[par, r0 + 1]], bufb, semb).wait()
            pltpu.sync_copy(bufb, acc.at[colv.at[par, r0 + 1]], add=True)
            return 0

        lax.fori_loop(0, CH // 2, body, 0)
        plsc.subcore_barrier()

        for t in range(RW // C):
            pltpu.sync_copy(acc.at[pl.ds(base + t * C, C)], bufa)
            pltpu.sync_copy(
                bufa, u_hbm.at[pl.ds(cid * N_PAD + base + t * C, C)])

    return sc_hop


def _tc_scalings(degp_ref, h0_ref, g_ref, dinv_ref, s_ref):
    dp = degp_ref[...]
    deg = dp[:N_PAD] + dp[N_PAD:] + 1.0
    dinv = lax.rsqrt(deg)
    dinv_ref[...] = dinv
    s_ref[...] = 1.0 / deg
    g_ref[...] = h0_ref[...] * dinv


def _tc_combine(u_ref, g_ref, s_ref, out_ref):
    uu = u_ref[...]
    out_ref[...] = (uu[:N_PAD] + uu[N_PAD:] + g_ref[...]) * s_ref[...]


def _tc_head(u_ref, g_ref, dinv_ref, batch_ref, wsgc_ref, bsgc_ref,
             w1_ref, b1_ref, g1_ref, be1_ref, w2_ref, b2_ref, g2_ref, be2_ref,
             w3_ref, b3_ref, out_ref):
    def mm(a, b):
        return jnp.dot(a, b, precision=jax.lax.Precision.DEFAULT,
                       preferred_element_type=_f32)

    uu = u_ref[...]
    v = uu[:N_PAD] + uu[N_PAD:] + g_ref[...]
    h = v * dinv_ref[...]
    hw = mm(h, wsgc_ref[...]) + bsgc_ref[...]
    gid = lax.broadcasted_iota(jnp.int32, (G, 1), 0)
    oh = (batch_ref[...] == gid).astype(_f32)
    hg = jnp.dot(oh, hw, precision=jax.lax.Precision.HIGHEST,
                 preferred_element_type=_f32)

    def bn_relu(hh, gamma, beta):
        m = jnp.mean(hh, axis=0, keepdims=True)
        var = jnp.mean((hh - m) ** 2, axis=0, keepdims=True)
        hh = (hh - m) / jnp.sqrt(var + 1e-5) * gamma + beta
        return jnp.maximum(hh, 0.0)

    hg = bn_relu(mm(hg, w1_ref[...]) + b1_ref[...], g1_ref[...], be1_ref[...])
    hg = bn_relu(mm(hg, w2_ref[...]) + b2_ref[...], g2_ref[...], be2_ref[...])
    out_ref[...] = mm(hg, w3_ref[...]) + b3_ref[...]


def kernel(x, edge_index, edge_attr, batch, node_table, W_sgc, b_sgc,
           W1, b1, g1, be1, W2, b2, g2, be2, W3, b3):
    del edge_attr
    i32 = jnp.int32

    pad_e = E_PAD - E
    rows = edge_index[0].astype(i32)
    cols = edge_index[1].astype(i32)
    pad_tgt = N + (jnp.arange(pad_e, dtype=i32) % (N_PAD - N))
    rows_p = jnp.concatenate([rows, pad_tgt]).reshape(NW, CH, C)
    cols_p = jnp.concatenate([cols, pad_tgt]).reshape(NW, CH, C)

    x_p = jnp.concatenate(
        [x.astype(i32), jnp.full((N_PAD - N,), VOCAB, i32)]).reshape(XCH, C)
    table_p = jnp.zeros((C, D), _f32).at[:VOCAB].set(node_table)

    batch_p = jnp.concatenate(
        [batch.astype(i32), jnp.full((N_PAD - N,), G, i32)]).reshape(1, N_PAD)

    degp, h0 = _build_sc_prep()(cols_p, x_p, table_p)
    degp = degp.reshape(NC * N_PAD, 1)

    g, dinv, s = pl.pallas_call(
        _tc_scalings,
        out_shape=[
            jax.ShapeDtypeStruct((N_PAD, D), _f32),
            jax.ShapeDtypeStruct((N_PAD, 1), _f32),
            jax.ShapeDtypeStruct((N_PAD, 1), _f32),
        ],
    )(degp, h0)

    sc_hop = _build_sc_hop()
    combine = pl.pallas_call(
        _tc_combine, out_shape=jax.ShapeDtypeStruct((N_PAD, D), _f32))
    for _ in range(K - 1):
        u = sc_hop(g, rows_p, cols_p)
        g = combine(u, g, s)
    u = sc_hop(g, rows_p, cols_p)

    out = pl.pallas_call(
        _tc_head, out_shape=jax.ShapeDtypeStruct((G, 1), _f32),
    )(u, g, dinv, batch_p,
      W_sgc, b_sgc.reshape(1, D),
      W1, b1.reshape(1, 2 * D), g1.reshape(1, 2 * D), be1.reshape(1, 2 * D),
      W2, b2.reshape(1, D), g2.reshape(1, D), be2.reshape(1, D),
      W3, b3.reshape(1, 1))
    return out

# --- scband reference (transcript-rebuilt; emitter-appended) ---
"""Pipeline reference for scband-net-70643622085086 (READ-ONLY COPY).

The authoritative reference and input builder live on the scoring server;
editing this copy changes nothing except your own understanding.
"""

import jax, jax.numpy as jnp
import numpy as np

N = 10000
E = 320000
D = 128
G = 64
VOCAB = 119
K = 4
NUM_TASKS = 1


def _batchnorm(h, gamma, beta, eps=1e-5):
    mean = jnp.mean(h, axis=0, keepdims=True)
    var = jnp.var(h, axis=0, keepdims=True)
    return (h - mean) / jnp.sqrt(var + eps) * gamma + beta


def setup_inputs(seed: int = 0) -> dict:
    key = jax.random.key(seed)
    ks = jax.random.split(key, 20)
    x = jax.random.randint(ks[0], (N,), 0, VOCAB, dtype=jnp.int64 if jax.config.jax_enable_x64 else jnp.int32)
    edge_index = jax.random.randint(ks[1], (2, E), 0, N)
    edge_attr = jax.random.randint(ks[2], (E,), 0, 4)
    batch = jnp.sort(jax.random.randint(ks[3], (N,), 0, G))
    s = 0.05
    node_table = jax.random.normal(ks[4], (VOCAB, D), dtype=jnp.float32) * s
    W_sgc = jax.random.normal(ks[5], (D, D), dtype=jnp.float32) * s
    b_sgc = jnp.zeros((D,), dtype=jnp.float32)
    W1 = jax.random.normal(ks[6], (D, 2 * D), dtype=jnp.float32) * s
    b1 = jnp.zeros((2 * D,), dtype=jnp.float32)
    g1 = jnp.ones((2 * D,), dtype=jnp.float32)
    be1 = jnp.zeros((2 * D,), dtype=jnp.float32)
    W2 = jax.random.normal(ks[7], (2 * D, D), dtype=jnp.float32) * s
    b2 = jnp.zeros((D,), dtype=jnp.float32)
    g2 = jnp.ones((D,), dtype=jnp.float32)
    be2 = jnp.zeros((D,), dtype=jnp.float32)
    W3 = jax.random.normal(ks[8], (D, NUM_TASKS), dtype=jnp.float32) * s
    b3 = jnp.zeros((NUM_TASKS,), dtype=jnp.float32)
    return dict(x=x, edge_index=edge_index, edge_attr=edge_attr, batch=batch,
                node_table=node_table, W_sgc=W_sgc, b_sgc=b_sgc,
                W1=W1, b1=b1, g1=g1, be1=be1,
                W2=W2, b2=b2, g2=g2, be2=be2,
                W3=W3, b3=b3)


def reference(x, edge_index, edge_attr, batch, node_table, W_sgc, b_sgc,
              W1, b1, g1, be1, W2, b2, g2, be2, W3, b3):
    # NodeEncoder: embedding lookup
    h = jnp.take(node_table, x, axis=0)
    # SGConv with K hops: sym-normalized adjacency with self-loops, then linear
    row = edge_index[0]
    col = edge_index[1]
    sl = jnp.arange(N, dtype=row.dtype)
    row_f = jnp.concatenate([row, sl])
    col_f = jnp.concatenate([col, sl])
    deg = jnp.zeros((N,), dtype=jnp.float32).at[col_f].add(1.0)
    dinv = jnp.where(deg > 0, deg ** -0.5, 0.0)
    norm = dinv[row_f] * dinv[col_f]
    for _ in range(K):
        h = jnp.zeros((N, D), dtype=jnp.float32).at[col_f].add(norm[:, None] * h[row_f])
    h = h @ W_sgc + b_sgc
    # global_add_pool over graphs (dropout = identity in eval/reference mode)
    hg = jax.ops.segment_sum(h, batch, num_segments=G)
    hg = hg @ W1 + b1
    hg = _batchnorm(hg, g1, be1)
    hg = jax.nn.relu(hg)
    hg = hg @ W2 + b2
    hg = _batchnorm(hg, g2, be2)
    hg = jax.nn.relu(hg)
    return hg @ W3 + b3

if __name__ == "__main__":
    import jax
    _d = setup_inputs()
    print(jax.jit(kernel)(*tuple(_d.values())))

</pallas_src>

<mosaic_0001>
#map = affine_map<(d0, d1) -> (0, 0)>
#map1 = affine_map<(d0, d1) -> (0, 0, 0)>
module attributes {stable_mosaic.version = 14 : i64} {
  func.func @sc_hop(%arg0: i32, %arg1: i32, %arg2: memref<10240x128xf32, #tpu.memory_space<hbm>>, %arg3: memref<32x80x128xi32, #tpu.memory_space<hbm>>, %arg4: memref<32x80x128xi32, #tpu.memory_space<hbm>>, %arg5: memref<20480x128xf32, #tpu.memory_space<hbm>>, %arg6: memref<2x8x128xi32, #tpu.memory_space<vmem>>, %arg7: memref<2x8x128xi32, #tpu.memory_space<vmem>>, %arg8: memref<128x128xf32, #tpu.memory_space<vmem>>, %arg9: memref<128x128xf32, #tpu.memory_space<vmem>>, %arg10: memref<10240x128xf32, #tpu.memory_space<vmem_shared>>, %arg11: memref<!tpu.dma_semaphore, #tpu.memory_space<semaphore_mem>>, %arg12: memref<!tpu.dma_semaphore, #tpu.memory_space<semaphore_mem>>) attributes {dimension_semantics = [#tpu.dimension_semantics<core_parallel>, #tpu.dimension_semantics<subcore_parallel>], iteration_bounds = array<i64: 2, 16>, scalar_prefetch = 0 : i64, scratch_operands = 7 : i64, tpu.core_type = #tpu.core_type<sc_vector_subcore>, window_params = [{transform_indices = #map}, {transform_indices = #map1}, {transform_indices = #map1}, {transform_indices = #map}]} {
    %mul3A = arith.constant 16 : i32
    %mul3A_0 = arith.muli %arg0, %mul3A : i32
    %add3A = arith.addi %mul3A_0, %arg1 : i32
    %broadcast_in_dim3A = arith.constant 0.000000e+00 : f32
    %broadcast_in_dim3A_1 = vector.broadcast %broadcast_in_dim3A : f32 to vector<16xf32>
    %scan3A = arith.constant 0 : i32
    %scan3A_2 = arith.constant 0 : i32
    %scan3A_3 = arith.constant 128 : i32
    %scan3A_4 = arith.addi %scan3A_2, %scan3A_3 : i32
    %scan3A_5 = arith.constant 1 : i32
    %scan3A_6 = scf.for %scan3A_64 = %scan3A_2 to %scan3A_4 step %scan3A_5 iter_args(%scan3A_65 = %scan3A) -> (i32)  : i32 {
      %swap3A = arith.index_cast %scan3A_64 : i32 to index
      %swap3A_66 = arith.constant 0 : index
      %swap3A_67 = tpu.vector_load %arg8[%swap3A, %swap3A_66] {strides = array<i32>} : memref<128x128xf32, #tpu.memory_space<vmem>>, vector<1x16xf32>,
      %swap3A_68 = vector.shape_cast %swap3A_67 : vector<1x16xf32> to vector<16xf32>
      %swap3A_69 = vector.shape_cast %broadcast_in_dim3A_1 : vector<16xf32> to vector<1x16xf32>
      tpu.vector_store %arg8[%swap3A, %swap3A_66], %swap3A_69 {strides = array<i32>} : memref<128x128xf32, #tpu.memory_space<vmem>>, vector<1x16xf32>,
      %swap3A_70 = arith.index_cast %scan3A_64 : i32 to index
      %swap3A_71 = arith.constant 16 : index
      %swap3A_72 = tpu.vector_load %arg8[%swap3A_70, %swap3A_71] {strides = array<i32>} : memref<128x128xf32, #tpu.memory_space<vmem>>, vector<1x16xf32>,
      %swap3A_73 = vector.shape_cast %swap3A_72 : vector<1x16xf32> to vector<16xf32>
      %swap3A_74 = vector.shape_cast %broadcast_in_dim3A_1 : vector<16xf32> to vector<1x16xf32>
      tpu.vector_store %arg8[%swap3A_70, %swap3A_71], %swap3A_74 {strides = array<i32>} : memref<128x128xf32, #tpu.memory_space<vmem>>, vector<1x16xf32>,
      %swap3A_75 = arith.index_cast %scan3A_64 : i32 to index
      %swap3A_76 = arith.constant 32 : index
      %swap3A_77 = tpu.vector_load %arg8[%swap3A_75, %swap3A_76] {strides = array<i32>} : memref<128x128xf32, #tpu.memory_space<vmem>>, vector<1x16xf32>,
      %swap3A_78 = vector.shape_cast %swap3A_77 : vector<1x16xf32> to vector<16xf32>
      %swap3A_79 = vector.shape_cast %broadcast_in_dim3A_1 : vector<16xf32> to vector<1x16xf32>
      tpu.vector_store %arg8[%swap3A_75, %swap3A_76], %swap3A_79 {strides = array<i32>} : memref<128x128xf32, #tpu.memory_space<vmem>>, vector<1x16xf32>,
      %swap3A_80 = arith.index_cast %scan3A_64 : i32 to index
      %swap3A_81 = arith.constant 48 : index
      %swap3A_82 = tpu.vector_load %arg8[%swap3A_80, %swap3A_81] {strides = array<i32>} : memref<128x128xf32, #tpu.memory_space<vmem>>, vector<1x16xf32>,
      %swap3A_83 = vector.shape_cast %swap3A_82 : vector<1x16xf32> to vector<16xf32>
      %swap3A_84 = vector.shape_cast %broadcast_in_dim3A_1 : vector<16xf32> to vector<1x16xf32>
      tpu.vector_store %arg8[%swap3A_80, %swap3A_81], %swap3A_84 {strides = array<i32>} : memref<128x128xf32, #tpu.memory_space<vmem>>, vector<1x16xf32>,
      %swap3A_85 = arith.index_cast %scan3A_64 : i32 to index
      %swap3A_86 = arith.constant 64 : index
      %swap3A_87 = tpu.vector_load %arg8[%swap3A_85, %swap3A_86] {strides = array<i32>} : memref<128x128xf32, #tpu.memory_space<vmem>>, vector<1x16xf32>,
      %swap3A_88 = vector.shape_cast %swap3A_87 : vector<1x16xf32> to vector<16xf32>
      %swap3A_89 = vector.shape_cast %broadcast_in_dim3A_1 : vector<16xf32> to vector<1x16xf32>
      tpu.vector_store %arg8[%swap3A_85, %swap3A_86], %swap3A_89 {strides = array<i32>} : memref<128x128xf32, #tpu.memory_space<vmem>>, vector<1x16xf32>,
      %swap3A_90 = arith.index_cast %scan3A_64 : i32 to index
      %swap3A_91 = arith.constant 80 : index
      %swap3A_92 = tpu.vector_load %arg8[%swap3A_90, %swap3A_91] {strides = array<i32>} : memref<128x128xf32, #tpu.memory_space<vmem>>, vector<1x16xf32>,
      %swap3A_93 = vector.shape_cast %swap3A_92 : vector<1x16xf32> to vector<16xf32>
      %swap3A_94 = vector.shape_cast %broadcast_in_dim3A_1 : vector<16xf32> to vector<1x16xf32>
      tpu.vector_store %arg8[%swap3A_90, %swap3A_91], %swap3A_94 {strides = array<i32>} : memref<128x128xf32, #tpu.memory_space<vmem>>, vector<1x16xf32>,
      %swap3A_95 = arith.index_cast %scan3A_64 : i32 to index
      %swap3A_96 = arith.constant 96 : index
      %swap3A_97 = tpu.vector_load %arg8[%swap3A_95, %swap3A_96] {strides = array<i32>} : memref<128x128xf32, #tpu.memory_space<vmem>>, vector<1x16xf32>,
      %swap3A_98 = vector.shape_cast %swap3A_97 : vector<1x16xf32> to vector<16xf32>
      %swap3A_99 = vector.shape_cast %broadcast_in_dim3A_1 : vector<16xf32> to vector<1x16xf32>
      tpu.vector_store %arg8[%swap3A_95, %swap3A_96], %swap3A_99 {strides = array<i32>} : memref<128x128xf32, #tpu.memory_space<vmem>>, vector<1x16xf32>,
      %swap3A_100 = arith.index_cast %scan3A_64 : i32 to index
      %swap3A_101 = arith.constant 112 : index
      %swap3A_102 = tpu.vector_load %arg8[%swap3A_100, %swap3A_101] {strides = array<i32>} : memref<128x128xf32, #tpu.memory_space<vmem>>, vector<1x16xf32>,
      %swap3A_103 = vector.shape_cast %swap3A_102 : vector<1x16xf32> to vector<16xf32>
      %swap3A_104 = vector.shape_cast %broadcast_in_dim3A_1 : vector<16xf32> to vector<1x16xf32>
      tpu.vector_store %arg8[%swap3A_100, %swap3A_101], %swap3A_104 {strides = array<i32>} : memref<128x128xf32, #tpu.memory_space<vmem>>, vector<1x16xf32>,
      %scan3A_105 = arith.constant 0 : i32
      scf.yield %scan3A_105 : i32
    }
    %scan3A_7 = arith.constant 128 : i32
    %mul3A_8 = arith.constant 640 : i32
    %mul3A_9 = arith.muli %arg1, %mul3A_8 : i32
    %add3A_10 = arith.constant 0 : i32
    %add3A_11 = arith.addi %mul3A_9, %add3A_10 : i32
    "tpu.region"() ({
      %run_scoped3A_64 = tpu.sem_alloc : memref<!tpu.dma_semaphore, #tpu.memory_space<semaphore_mem>>
      %dma_start3A = arith.constant 0 : i32
      %dma_start3A_65 = tpu.memref_slice %arg10[%add3A_11, %dma_start3A] : memref<10240x128xf32, #tpu.memory_space<vmem_shared>> -> memref<128x128xf32, #tpu.memory_space<vmem_shared>>
      %dma_start3A_66 = arith.constant 0 : i32
      %dma_start3A_67 = tpu.memref_slice %arg10[%add3A_11, %dma_start3A_66] : memref<10240x128xf32, #tpu.memory_space<vmem_shared>> -> memref<128x128xf32, #tpu.memory_space<vmem_shared>>
      tpu.enqueue_dma source(%arg8 : memref<128x128xf32, #tpu.memory_space<vmem>>) target(%dma_start3A_67 : memref<128x128xf32, #tpu.memory_space<vmem_shared>>) target_semaphore(%run_scoped3A_64 : memref<!tpu.dma_semaphore, #tpu.memory_space<semaphore_mem>>)
      %dma_wait3A = arith.constant 0 : i32
      %dma_wait3A_68 = tpu.memref_slice %arg10[%add3A_11, %dma_wait3A] : memref<10240x128xf32, #tpu.memory_space<vmem_shared>> -> memref<128x128xf32, #tpu.memory_space<vmem_shared>>
      %dma_wait3A_69 = arith.constant 0 : i32
      %dma_wait3A_70 = tpu.memref_slice %arg10[%add3A_11, %dma_wait3A_69] : memref<10240x128xf32, #tpu.memory_space<vmem_shared>> -> memref<128x128xf32, #tpu.memory_space<vmem_shared>>
      tpu.wait_dma2 semaphore(%run_scoped3A_64 : memref<!tpu.dma_semaphore, #tpu.memory_space<semaphore_mem>>) src(%arg8 : memref<128x128xf32, #tpu.memory_space<vmem>>) dst(%dma_wait3A_70 : memref<128x128xf32, #tpu.memory_space<vmem_shared>>)
      tpu.yield
    }) : () -> ()
    %add3A_12 = arith.constant 128 : i32
    %add3A_13 = arith.addi %mul3A_9, %add3A_12 : i32
    "tpu.region"() ({
      %run_scoped3A_64 = tpu.sem_alloc : memref<!tpu.dma_semaphore, #tpu.memory_space<semaphore_mem>>
      %dma_start3A = arith.constant 0 : i32
      %dma_start3A_65 = tpu.memref_slice %arg10[%add3A_13, %dma_start3A] : memref<10240x128xf32, #tpu.memory_space<vmem_shared>> -> memref<128x128xf32, #tpu.memory_space<vmem_shared>>
      %dma_start3A_66 = arith.constant 0 : i32
      %dma_start3A_67 = tpu.memref_slice %arg10[%add3A_13, %dma_start3A_66] : memref<10240x128xf32, #tpu.memory_space<vmem_shared>> -> memref<128x128xf32, #tpu.memory_space<vmem_shared>>
      tpu.enqueue_dma source(%arg8 : memref<128x128xf32, #tpu.memory_space<vmem>>) target(%dma_start3A_67 : memref<128x128xf32, #tpu.memory_space<vmem_shared>>) target_semaphore(%run_scoped3A_64 : memref<!tpu.dma_semaphore, #tpu.memory_space<semaphore_mem>>)
      %dma_wait3A = arith.constant 0 : i32
      %dma_wait3A_68 = tpu.memref_slice %arg10[%add3A_13, %dma_wait3A] : memref<10240x128xf32, #tpu.memory_space<vmem_shared>> -> memref<128x128xf32, #tpu.memory_space<vmem_shared>>
      %dma_wait3A_69 = arith.constant 0 : i32
      %dma_wait3A_70 = tpu.memref_slice %arg10[%add3A_13, %dma_wait3A_69] : memref<10240x128xf32, #tpu.memory_space<vmem_shared>> -> memref<128x128xf32, #tpu.memory_space<vmem_shared>>
      tpu.wait_dma2 semaphore(%run_scoped3A_64 : memref<!tpu.dma_semaphore, #tpu.memory_space<semaphore_mem>>) src(%arg8 : memref<128x128xf32, #tpu.memory_space<vmem>>) dst(%dma_wait3A_70 : memref<128x128xf32, #tpu.memory_space<vmem_shared>>)
      tpu.yield
    }) : () -> ()
    %add3A_14 = arith.constant 256 : i32
    %add3A_15 = arith.addi %mul3A_9, %add3A_14 : i32
    "tpu.region"() ({
      %run_scoped3A_64 = tpu.sem_alloc : memref<!tpu.dma_semaphore, #tpu.memory_space<semaphore_mem>>
      %dma_start3A = arith.constant 0 : i32
      %dma_start3A_65 = tpu.memref_slice %arg10[%add3A_15, %dma_start3A] : memref<10240x128xf32, #tpu.memory_space<vmem_shared>> -> memref<128x128xf32, #tpu.memory_space<vmem_shared>>
      %dma_start3A_66 = arith.constant 0 : i32
      %dma_start3A_67 = tpu.memref_slice %arg10[%add3A_15, %dma_start3A_66] : memref<10240x128xf32, #tpu.memory_space<vmem_shared>> -> memref<128x128xf32, #tpu.memory_space<vmem_shared>>
      tpu.enqueue_dma source(%arg8 : memref<128x128xf32, #tpu.memory_space<vmem>>) target(%dma_start3A_67 : memref<128x128xf32, #tpu.memory_space<vmem_shared>>) target_semaphore(%run_scoped3A_64 : memref<!tpu.dma_semaphore, #tpu.memory_space<semaphore_mem>>)
      %dma_wait3A = arith.constant 0 : i32
      %dma_wait3A_68 = tpu.memref_slice %arg10[%add3A_15, %dma_wait3A] : memref<10240x128xf32, #tpu.memory_space<vmem_shared>> -> memref<128x128xf32, #tpu.memory_space<vmem_shared>>
      %dma_wait3A_69 = arith.constant 0 : i32
      %dma_wait3A_70 = tpu.memref_slice %arg10[%add3A_15, %dma_wait3A_69] : memref<10240x128xf32, #tpu.memory_space<vmem_shared>> -> memref<128x128xf32, #tpu.memory_space<vmem_shared>>
      tpu.wait_dma2 semaphore(%run_scoped3A_64 : memref<!tpu.dma_semaphore, #tpu.memory_space<semaphore_mem>>) src(%arg8 : memref<128x128xf32, #tpu.memory_space<vmem>>) dst(%dma_wait3A_70 : memref<128x128xf32, #tpu.memory_space<vmem_shared>>)
      tpu.yield
    }) : () -> ()
    %add3A_16 = arith.constant 384 : i32
    %add3A_17 = arith.addi %mul3A_9, %add3A_16 : i32
    "tpu.region"() ({
      %run_scoped3A_64 = tpu.sem_alloc : memref<!tpu.dma_semaphore, #tpu.memory_space<semaphore_mem>>
      %dma_start3A = arith.constant 0 : i32
      %dma_start3A_65 = tpu.memref_slice %arg10[%add3A_17, %dma_start3A] : memref<10240x128xf32, #tpu.memory_space<vmem_shared>> -> memref<128x128xf32, #tpu.memory_space<vmem_shared>>
      %dma_start3A_66 = arith.constant 0 : i32
      %dma_start3A_67 = tpu.memref_slice %arg10[%add3A_17, %dma_start3A_66] : memref<10240x128xf32, #tpu.memory_space<vmem_shared>> -> memref<128x128xf32, #tpu.memory_space<vmem_shared>>
      tpu.enqueue_dma source(%arg8 : memref<128x128xf32, #tpu.memory_space<vmem>>) target(%dma_start3A_67 : memref<128x128xf32, #tpu.memory_space<vmem_shared>>) target_semaphore(%run_scoped3A_64 : memref<!tpu.dma_semaphore, #tpu.memory_space<semaphore_mem>>)
      %dma_wait3A = arith.constant 0 : i32
      %dma_wait3A_68 = tpu.memref_slice %arg10[%add3A_17, %dma_wait3A] : memref<10240x128xf32, #tpu.memory_space<vmem_shared>> -> memref<128x128xf32, #tpu.memory_space<vmem_shared>>
      %dma_wait3A_69 = arith.constant 0 : i32
      %dma_wait3A_70 = tpu.memref_slice %arg10[%add3A_17, %dma_wait3A_69] : memref<10240x128xf32, #tpu.memory_space<vmem_shared>> -> memref<128x128xf32, #tpu.memory_space<vmem_shared>>
      tpu.wait_dma2 semaphore(%run_scoped3A_64 : memref<!tpu.dma_semaphore, #tpu.memory_space<semaphore_mem>>) src(%arg8 : memref<128x128xf32, #tpu.memory_space<vmem>>) dst(%dma_wait3A_70 : memref<128x128xf32, #tpu.memory_space<vmem_shared>>)
      tpu.yield
    }) : () -> ()
    %add3A_18 = arith.constant 512 : i32
    %add3A_19 = arith.addi %mul3A_9, %add3A_18 : i32
    "tpu.region"() ({
      %run_scoped3A_64 = tpu.sem_alloc : memref<!tpu.dma_semaphore, #tpu.memory_space<semaphore_mem>>
      %dma_start3A = arith.constant 0 : i32
      %dma_start3A_65 = tpu.memref_slice %arg10[%add3A_19, %dma_start3A] : memref<10240x128xf32, #tpu.memory_space<vmem_shared>> -> memref<128x128xf32, #tpu.memory_space<vmem_shared>>
      %dma_start3A_66 = arith.constant 0 : i32
      %dma_start3A_67 = tpu.memref_slice %arg10[%add3A_19, %dma_start3A_66] : memref<10240x128xf32, #tpu.memory_space<vmem_shared>> -> memref<128x128xf32, #tpu.memory_space<vmem_shared>>
      tpu.enqueue_dma source(%arg8 : memref<128x128xf32, #tpu.memory_space<vmem>>) target(%dma_start3A_67 : memref<128x128xf32, #tpu.memory_space<vmem_shared>>) target_semaphore(%run_scoped3A_64 : memref<!tpu.dma_semaphore, #tpu.memory_space<semaphore_mem>>)
      %dma_wait3A = arith.constant 0 : i32
      %dma_wait3A_68 = tpu.memref_slice %arg10[%add3A_19, %dma_wait3A] : memref<10240x128xf32, #tpu.memory_space<vmem_shared>> -> memref<128x128xf32, #tpu.memory_space<vmem_shared>>
      %dma_wait3A_69 = arith.constant 0 : i32
      %dma_wait3A_70 = tpu.memref_slice %arg10[%add3A_19, %dma_wait3A_69] : memref<10240x128xf32, #tpu.memory_space<vmem_shared>> -> memref<128x128xf32, #tpu.memory_space<vmem_shared>>
      tpu.wait_dma2 semaphore(%run_scoped3A_64 : memref<!tpu.dma_semaphore, #tpu.memory_space<semaphore_mem>>) src(%arg8 : memref<128x128xf32, #tpu.memory_space<vmem>>) dst(%dma_wait3A_70 : memref<128x128xf32, #tpu.memory_space<vmem_shared>>)
      tpu.yield
    }) : () -> ()
    %run_scoped3A = arith.constant 0 : i32
    "tpu.region"() ({
      %run_scoped3A_64 = tpu.sem_alloc : memref<!tpu.dma_semaphore, #tpu.memory_space<semaphore_mem>>
      %dma_start3A = arith.constant 0 : i32
      %dma_start3A_65 = arith.constant 0 : i32
      %dma_start3A_66 = tpu.memref_slice %arg6[%run_scoped3A, %dma_start3A, %dma_start3A_65] : memref<2x8x128xi32, #tpu.memory_space<vmem>> -> memref<1x8x128xi32, #tpu.memory_space<vmem>>
      %dma_start3A_67 = tpu.memref_squeeze %dma_start3A_66 : memref<1x8x128xi32, #tpu.memory_space<vmem>> -> memref<8x128xi32, #tpu.memory_space<vmem>>
      %dma_start3A_68 = arith.constant 0 : i32
      %dma_start3A_69 = arith.constant 0 : i32
      %dma_start3A_70 = tpu.memref_slice %arg3[%add3A, %dma_start3A_68, %dma_start3A_69] : memref<32x80x128xi32, #tpu.memory_space<hbm>> -> memref<1x8x128xi32, #tpu.memory_space<hbm>>
      %dma_start3A_71 = tpu.memref_squeeze %dma_start3A_70 : memref<1x8x128xi32, #tpu.memory_space<hbm>> -> memref<8x128xi32, #tpu.memory_space<hbm>>
      %dma_start3A_72 = arith.constant 0 : i32
      %dma_start3A_73 = arith.constant 0 : i32
      %dma_start3A_74 = tpu.memref_slice %arg6[%run_scoped3A, %dma_start3A_72, %dma_start3A_73] : memref<2x8x128xi32, #tpu.memory_space<vmem>> -> memref<1x8x128xi32, #tpu.memory_space<vmem>>
      %dma_start3A_75 = tpu.memref_squeeze %dma_start3A_74 : memref<1x8x128xi32, #tpu.memory_space<vmem>> -> memref<8x128xi32, #tpu.memory_space<vmem>>
      %dma_start3A_76 = arith.constant 0 : i32
      %dma_start3A_77 = arith.constant 0 : i32
      %dma_start3A_78 = tpu.memref_slice %arg3[%add3A, %dma_start3A_76, %dma_start3A_77] : memref<32x80x128xi32, #tpu.memory_space<hbm>> -> memref<1x8x128xi32, #tpu.memory_space<hbm>>
      %dma_start3A_79 = tpu.memref_squeeze %dma_start3A_78 : memref<1x8x128xi32, #tpu.memory_space<hbm>> -> memref<8x128xi32, #tpu.memory_space<hbm>>
      tpu.enqueue_dma source(%dma_start3A_79 : memref<8x128xi32, #tpu.memory_space<hbm>>) target(%dma_start3A_75 : memref<8x128xi32, #tpu.memory_space<vmem>>) target_semaphore(%run_scoped3A_64 : memref<!tpu.dma_semaphore, #tpu.memory_space<semaphore_mem>>)
      %dma_wait3A = arith.constant 0 : i32
      %dma_wait3A_80 = arith.constant 0 : i32
      %dma_wait3A_81 = tpu.memref_slice %arg6[%run_scoped3A, %dma_wait3A, %dma_wait3A_80] : memref<2x8x128xi32, #tpu.memory_space<vmem>> -> memref<1x8x128xi32, #tpu.memory_space<vmem>>
      %dma_wait3A_82 = tpu.memref_squeeze %dma_wait3A_81 : memref<1x8x128xi32, #tpu.memory_space<vmem>> -> memref<8x128xi32, #tpu.memory_space<vmem>>
      %dma_wait3A_83 = arith.constant 0 : i32
      %dma_wait3A_84 = arith.constant 0 : i32
      %dma_wait3A_85 = tpu.memref_slice %arg3[%add3A, %dma_wait3A_83, %dma_wait3A_84] : memref<32x80x128xi32, #tpu.memory_space<hbm>> -> memref<1x8x128xi32, #tpu.memory_space<hbm>>
      %dma_wait3A_86 = tpu.memref_squeeze %dma_wait3A_85 : memref<1x8x128xi32, #tpu.memory_space<hbm>> -> memref<8x128xi32, #tpu.memory_space<hbm>>
      %dma_wait3A_87 = arith.constant 0 : i32
      %dma_wait3A_88 = arith.constant 0 : i32
      %dma_wait3A_89 = tpu.memref_slice %arg6[%run_scoped3A, %dma_wait3A_87, %dma_wait3A_88] : memref<2x8x128xi32, #tpu.memory_space<vmem>> -> memref<1x8x128xi32, #tpu.memory_space<vmem>>
      %dma_wait3A_90 = tpu.memref_squeeze %dma_wait3A_89 : memref<1x8x128xi32, #tpu.memory_space<vmem>> -> memref<8x128xi32, #tpu.memory_space<vmem>>
      %dma_wait3A_91 = arith.constant 0 : i32
      %dma_wait3A_92 = arith.constant 0 : i32
      %dma_wait3A_93 = tpu.memref_slice %arg3[%add3A, %dma_wait3A_91, %dma_wait3A_92] : memref<32x80x128xi32, #tpu.memory_space<hbm>> -> memref<1x8x128xi32, #tpu.memory_space<hbm>>
      %dma_wait3A_94 = tpu.memref_squeeze %dma_wait3A_93 : memref<1x8x128xi32, #tpu.memory_space<hbm>> -> memref<8x128xi32, #tpu.memory_space<hbm>>
      tpu.wait_dma2 semaphore(%run_scoped3A_64 : memref<!tpu.dma_semaphore, #tpu.memory_space<semaphore_mem>>) src(%dma_wait3A_94 : memref<8x128xi32, #tpu.memory_space<hbm>>) dst(%dma_wait3A_90 : memref<8x128xi32, #tpu.memory_space<vmem>>)
      tpu.yield
    }) : () -> ()
    %run_scoped3A_20 = arith.constant 0 : i32
    "tpu.region"() ({
      %run_scoped3A_64 = tpu.sem_alloc : memref<!tpu.dma_semaphore, #tpu.memory_space<semaphore_mem>>
      %dma_start3A = arith.constant 0 : i32
      %dma_start3A_65 = arith.constant 0 : i32
      %dma_start3A_66 = tpu.memref_slice %arg7[%run_scoped3A_20, %dma_start3A, %dma_start3A_65] : memref<2x8x128xi32, #tpu.memory_space<vmem>> -> memref<1x8x128xi32, #tpu.memory_space<vmem>>
      %dma_start3A_67 = tpu.memref_squeeze %dma_start3A_66 : memref<1x8x128xi32, #tpu.memory_space<vmem>> -> memref<8x128xi32, #tpu.memory_space<vmem>>
      %dma_start3A_68 = arith.constant 0 : i32
      %dma_start3A_69 = arith.constant 0 : i32
      %dma_start3A_70 = tpu.memref_slice %arg4[%add3A, %dma_start3A_68, %dma_start3A_69] : memref<32x80x128xi32, #tpu.memory_space<hbm>> -> memref<1x8x128xi32, #tpu.memory_space<hbm>>
      %dma_start3A_71 = tpu.memref_squeeze %dma_start3A_70 : memref<1x8x128xi32, #tpu.memory_space<hbm>> -> memref<8x128xi32, #tpu.memory_space<hbm>>
      %dma_start3A_72 = arith.constant 0 : i32
      %dma_start3A_73 = arith.constant 0 : i32
      %dma_start3A_74 = tpu.memref_slice %arg7[%run_scoped3A_20, %dma_start3A_72, %dma_start3A_73] : memref<2x8x128xi32, #tpu.memory_space<vmem>> -> memref<1x8x128xi32, #tpu.memory_space<vmem>>
      %dma_start3A_75 = tpu.memref_squeeze %dma_start3A_74 : memref<1x8x128xi32, #tpu.memory_space<vmem>> -> memref<8x128xi32, #tpu.memory_space<vmem>>
      %dma_start3A_76 = arith.constant 0 : i32
      %dma_start3A_77 = arith.constant 0 : i32
      %dma_start3A_78 = tpu.memref_slice %arg4[%add3A, %dma_start3A_76, %dma_start3A_77] : memref<32x80x128xi32, #tpu.memory_space<hbm>> -> memref<1x8x128xi32, #tpu.memory_space<hbm>>
      %dma_start3A_79 = tpu.memref_squeeze %dma_start3A_78 : memref<1x8x128xi32, #tpu.memory_space<hbm>> -> memref<8x128xi32, #tpu.memory_space<hbm>>
      tpu.enqueue_dma source(%dma_start3A_79 : memref<8x128xi32, #tpu.memory_space<hbm>>) target(%dma_start3A_75 : memref<8x128xi32, #tpu.memory_space<vmem>>) target_semaphore(%run_scoped3A_64 : memref<!tpu.dma_semaphore, #tpu.memory_space<semaphore_mem>>)
      %dma_wait3A = arith.constant 0 : i32
      %dma_wait3A_80 = arith.constant 0 : i32
      %dma_wait3A_81 = tpu.memref_slice %arg7[%run_scoped3A_20, %dma_wait3A, %dma_wait3A_80] : memref<2x8x128xi32, #tpu.memory_space<vmem>> -> memref<1x8x128xi32, #tpu.memory_space<vmem>>
      %dma_wait3A_82 = tpu.memref_squeeze %dma_wait3A_81 : memref<1x8x128xi32, #tpu.memory_space<vmem>> -> memref<8x128xi32, #tpu.memory_space<vmem>>
      %dma_wait3A_83 = arith.constant 0 : i32
      %dma_wait3A_84 = arith.constant 0 : i32
      %dma_wait3A_85 = tpu.memref_slice %arg4[%add3A, %dma_wait3A_83, %dma_wait3A_84] : memref<32x80x128xi32, #tpu.memory_space<hbm>> -> memref<1x8x128xi32, #tpu.memory_space<hbm>>
      %dma_wait3A_86 = tpu.memref_squeeze %dma_wait3A_85 : memref<1x8x128xi32, #tpu.memory_space<hbm>> -> memref<8x128xi32, #tpu.memory_space<hbm>>
      %dma_wait3A_87 = arith.constant 0 : i32
      %dma_wait3A_88 = arith.constant 0 : i32
      %dma_wait3A_89 = tpu.memref_slice %arg7[%run_scoped3A_20, %dma_wait3A_87, %dma_wait3A_88] : memref<2x8x128xi32, #tpu.memory_space<vmem>> -> memref<1x8x128xi32, #tpu.memory_space<vmem>>
      %dma_wait3A_90 = tpu.memref_squeeze %dma_wait3A_89 : memref<1x8x128xi32, #tpu.memory_space<vmem>> -> memref<8x128xi32, #tpu.memory_space<vmem>>
      %dma_wait3A_91 = arith.constant 0 : i32
      %dma_wait3A_92 = arith.constant 0 : i32
      %dma_wait3A_93 = tpu.memref_slice %arg4[%add3A, %dma_wait3A_91, %dma_wait3A_92] : memref<32x80x128xi32, #tpu.memory_space<hbm>> -> memref<1x8x128xi32, #tpu.memory_space<hbm>>
      %dma_wait3A_94 = tpu.memref_squeeze %dma_wait3A_93 : memref<1x8x128xi32, #tpu.memory_space<hbm>> -> memref<8x128xi32, #tpu.memory_space<hbm>>
      tpu.wait_dma2 semaphore(%run_scoped3A_64 : memref<!tpu.dma_semaphore, #tpu.memory_space<semaphore_mem>>) src(%dma_wait3A_94 : memref<8x128xi32, #tpu.memory_space<hbm>>) dst(%dma_wait3A_90 : memref<8x128xi32, #tpu.memory_space<vmem>>)
      tpu.yield
    }) : () -> ()
    %barrier3A = arith.constant 0 : index
    tpu.barrier barrier_id(%barrier3A)
    %scan3A_21 = arith.constant 0 : i32
    %scan3A_22 = arith.constant 0 : i32
    %scan3A_23 = arith.constant 40 : i32
    %scan3A_24 = arith.addi %scan3A_22, %scan3A_23 : i32
    %scan3A_25 = arith.constant 1 : i32
    %scan3A_26 = scf.for %scan3A_64 = %scan3A_22 to %scan3A_24 step %scan3A_25 iter_args(%scan3A_65 = %scan3A_21) -> (i32)  : i32 {
      %jit3A = arith.constant 4 : i32
      %div3A = arith.divsi %scan3A_64, %jit3A : i32
      %sign3A = arith.constant 0 : i32
      %sign3A_66 = arith.cmpi sgt, %scan3A_64, %sign3A : i32
      %sign3A_67 = arith.extui %sign3A_66 : i1 to i32
      %sign3A_68 = arith.constant 0 : i32
      %sign3A_69 = arith.cmpi slt, %scan3A_64, %sign3A_68 : i32
      %sign3A_70 = arith.extui %sign3A_69 : i1 to i32
      %sign3A_71 = arith.subi %sign3A_67, %sign3A_70 : i32
      %sign3A_72 = arith.constant 0 : i32
      %sign3A_73 = arith.cmpi sgt, %jit3A, %sign3A_72 : i32
      %sign3A_74 = arith.extui %sign3A_73 : i1 to i32
      %sign3A_75 = arith.constant 0 : i32
      %sign3A_76 = arith.cmpi slt, %jit3A, %sign3A_75 : i32
      %sign3A_77 = arith.extui %sign3A_76 : i1 to i32
      %sign3A_78 = arith.subi %sign3A_74, %sign3A_77 : i32
      %ne3A = arith.cmpi ne, %sign3A_71, %sign3A_78 : i32
      %rem3A = arith.remsi %scan3A_64, %jit3A : i32
      %ne3A_79 = arith.constant 0 : i32
      %ne3A_80 = arith.cmpi ne, %rem3A, %ne3A_79 : i32
      %and3A = arith.andi %ne3A, %ne3A_80 : i1
      %sub3A = arith.constant 1 : i32
      %sub3A_81 = arith.subi %div3A, %sub3A : i32
      %select_n3A = arith.select %and3A, %sub3A_81, %div3A : i32
      %rem3A_82 = arith.constant 4 : i32
      %rem3A_83 = arith.remsi %scan3A_64, %rem3A_82 : i32
      %rem3A_84 = arith.constant 2 : i32
      %rem3A_85 = arith.remsi %select_n3A, %rem3A_84 : i32
      %mul3A_86 = arith.constant 2 : i32
      %mul3A_87 = arith.muli %mul3A_86, %rem3A_83 : i32
      %dma_start3A = arith.constant 0 : i32
      %dma_start3A_88 = tpu.memref_slice %arg6[%rem3A_85, %mul3A_87, %dma_start3A] : memref<2x8x128xi32, #tpu.memory_space<vmem>> -> memref<1x1x128xi32, #tpu.memory_space<vmem>>
      %dma_start3A_89 = tpu.memref_squeeze %dma_start3A_88 : memref<1x1x128xi32, #tpu.memory_space<vmem>> -> memref<128xi32, #tpu.memory_space<vmem>>
      %dma_start3A_90 = arith.constant 0 : i32
      %dma_start3A_91 = arith.constant 0 : i32
      %dma_start3A_92 = tpu.memref_slice %arg2[%dma_start3A_90, %dma_start3A_91] : memref<10240x128xf32, #tpu.memory_space<hbm>> -> memref<10240x128xf32, #tpu.memory_space<hbm>>
      tpu.enqueue_indirect_dma source(%dma_start3A_92 : memref<10240x128xf32, #tpu.memory_space<hbm>>) target(%arg8 : memref<128x128xf32, #tpu.memory_space<vmem>>) offsets(%dma_start3A_89 : memref<128xi32, #tpu.memory_space<vmem>>) semaphore(%arg11 : memref<!tpu.dma_semaphore, #tpu.memory_space<semaphore_mem>>)
      %add3A_93 = arith.constant 1 : i32
      %add3A_94 = arith.addi %mul3A_87, %add3A_93 : i32
      %dma_start3A_95 = arith.constant 0 : i32
      %dma_start3A_96 = tpu.memref_slice %arg6[%rem3A_85, %add3A_94, %dma_start3A_95] : memref<2x8x128xi32, #tpu.memory_space<vmem>> -> memref<1x1x128xi32, #tpu.memory_space<vmem>>
      %dma_start3A_97 = tpu.memref_squeeze %dma_start3A_96 : memref<1x1x128xi32, #tpu.memory_space<vmem>> -> memref<128xi32, #tpu.memory_space<vmem>>
      %dma_start3A_98 = arith.constant 0 : i32
      %dma_start3A_99 = arith.constant 0 : i32
      %dma_start3A_100 = tpu.memref_slice %arg2[%dma_start3A_98, %dma_start3A_99] : memref<10240x128xf32, #tpu.memory_space<hbm>> -> memref<10240x128xf32, #tpu.memory_space<hbm>>
      tpu.enqueue_indirect_dma source(%dma_start3A_100 : memref<10240x128xf32, #tpu.memory_space<hbm>>) target(%arg9 : memref<128x128xf32, #tpu.memory_space<vmem>>) offsets(%dma_start3A_97 : memref<128xi32, #tpu.memory_space<vmem>>) semaphore(%arg12 : memref<!tpu.dma_semaphore, #tpu.memory_space<semaphore_mem>>)
      %eq3A = arith.constant 0 : i32
      %eq3A_101 = arith.cmpi eq, %rem3A_83, %eq3A : i32
      %add3A_102 = arith.constant 1 : i32
      %add3A_103 = arith.addi %select_n3A, %add3A_102 : i32
      %lt3A = arith.constant 10 : i32
      %lt3A_104 = arith.cmpi slt, %add3A_103, %lt3A : i32
      %and3A_105 = arith.andi %eq3A_101, %lt3A_104 : i1
      %convert_element_type3A = arith.extui %and3A_105 : i1 to i32
      %cond3A = arith.constant 0 : i32
      %cond3A_106 = arith.cmpi ne, %convert_element_type3A, %cond3A : i32
      scf.if %cond3A_106 {
        %add3A_123 = arith.constant 1 : i32
        %add3A_124 = arith.addi %select_n3A, %add3A_123 : i32
        %rem3A_125 = arith.constant 2 : i32
        %rem3A_126 = arith.remsi %add3A_124, %rem3A_125 : i32
        %add3A_127 = arith.constant 1 : i32
        %add3A_128 = arith.addi %select_n3A, %add3A_127 : i32
        %mul3A_129 = arith.constant 8 : i32
        %mul3A_130 = arith.muli %add3A_128, %mul3A_129 : i32
        "tpu.region"() ({
          %run_scoped3A_135 = tpu.sem_alloc : memref<!tpu.dma_semaphore, #tpu.memory_space<semaphore_mem>>
          %dma_start3A_136 = arith.constant 0 : i32
          %dma_start3A_137 = arith.constant 0 : i32
          %dma_start3A_138 = tpu.memref_slice %arg6[%rem3A_126, %dma_start3A_136, %dma_start3A_137] : memref<2x8x128xi32, #tpu.memory_space<vmem>> -> memref<1x8x128xi32, #tpu.memory_space<vmem>>
          %dma_start3A_139 = tpu.memref_squeeze %dma_start3A_138 : memref<1x8x128xi32, #tpu.memory_space<vmem>> -> memref<8x128xi32, #tpu.memory_space<vmem>>
          %dma_start3A_140 = arith.constant 0 : i32
          %dma_start3A_141 = tpu.memref_slice %arg3[%add3A, %mul3A_130, %dma_start3A_140] : memref<32x80x128xi32, #tpu.memory_space<hbm>> -> memref<1x8x128xi32, #tpu.memory_space<hbm>>
          %dma_start3A_142 = tpu.memref_squeeze %dma_start3A_141 : memref<1x8x128xi32, #tpu.memory_space<hbm>> -> memref<8x128xi32, #tpu.memory_space<hbm>>
          %dma_start3A_143 = arith.constant 0 : i32
          %dma_start3A_144 = arith.constant 0 : i32
          %dma_start3A_145 = tpu.memref_slice %arg6[%rem3A_126, %dma_start3A_143, %dma_start3A_144] : memref<2x8x128xi32, #tpu.memory_space<vmem>> -> memref<1x8x128xi32, #tpu.memory_space<vmem>>
          %dma_start3A_146 = tpu.memref_squeeze %dma_start3A_145 : memref<1x8x128xi32, #tpu.memory_space<vmem>> -> memref<8x128xi32, #tpu.memory_space<vmem>>
          %dma_start3A_147 = arith.constant 0 : i32
          %dma_start3A_148 = tpu.memref_slice %arg3[%add3A, %mul3A_130, %dma_start3A_147] : memref<32x80x128xi32, #tpu.memory_space<hbm>> -> memref<1x8x128xi32, #tpu.memory_space<hbm>>
          %dma_start3A_149 = tpu.memref_squeeze %dma_start3A_148 : memref<1x8x128xi32, #tpu.memory_space<hbm>> -> memref<8x128xi32, #tpu.memory_space<hbm>>
          tpu.enqueue_dma source(%dma_start3A_149 : memref<8x128xi32, #tpu.memory_space<hbm>>) target(%dma_start3A_146 : memref<8x128xi32, #tpu.memory_space<vmem>>) target_semaphore(%run_scoped3A_135 : memref<!tpu.dma_semaphore, #tpu.memory_space<semaphore_mem>>)
          %dma_wait3A_150 = arith.constant 0 : i32
          %dma_wait3A_151 = arith.constant 0 : i32
          %dma_wait3A_152 = tpu.memref_slice %arg6[%rem3A_126, %dma_wait3A_150, %dma_wait3A_151] : memref<2x8x128xi32, #tpu.memory_space<vmem>> -> memref<1x8x128xi32, #tpu.memory_space<vmem>>
          %dma_wait3A_153 = tpu.memref_squeeze %dma_wait3A_152 : memref<1x8x128xi32, #tpu.memory_space<vmem>> -> memref<8x128xi32, #tpu.memory_space<vmem>>
          %dma_wait3A_154 = arith.constant 0 : i32
          %dma_wait3A_155 = tpu.memref_slice %arg3[%add3A, %mul3A_130, %dma_wait3A_154] : memref<32x80x128xi32, #tpu.memory_space<hbm>> -> memref<1x8x128xi32, #tpu.memory_space<hbm>>
          %dma_wait3A_156 = tpu.memref_squeeze %dma_wait3A_155 : memref<1x8x128xi32, #tpu.memory_space<hbm>> -> memref<8x128xi32, #tpu.memory_space<hbm>>
          %dma_wait3A_157 = arith.constant 0 : i32
          %dma_wait3A_158 = arith.constant 0 : i32
          %dma_wait3A_159 = tpu.memref_slice %arg6[%rem3A_126, %dma_wait3A_157, %dma_wait3A_158] : memref<2x8x128xi32, #tpu.memory_space<vmem>> -> memref<1x8x128xi32, #tpu.memory_space<vmem>>
          %dma_wait3A_160 = tpu.memref_squeeze %dma_wait3A_159 : memref<1x8x128xi32, #tpu.memory_space<vmem>> -> memref<8x128xi32, #tpu.memory_space<vmem>>
          %dma_wait3A_161 = arith.constant 0 : i32
          %dma_wait3A_162 = tpu.memref_slice %arg3[%add3A, %mul3A_130, %dma_wait3A_161] : memref<32x80x128xi32, #tpu.memory_space<hbm>> -> memref<1x8x128xi32, #tpu.memory_space<hbm>>
          %dma_wait3A_163 = tpu.memref_squeeze %dma_wait3A_162 : memref<1x8x128xi32, #tpu.memory_space<hbm>> -> memref<8x128xi32, #tpu.memory_space<hbm>>
          tpu.wait_dma2 semaphore(%run_scoped3A_135 : memref<!tpu.dma_semaphore, #tpu.memory_space<semaphore_mem>>) src(%dma_wait3A_163 : memref<8x128xi32, #tpu.memory_space<hbm>>) dst(%dma_wait3A_160 : memref<8x128xi32, #tpu.memory_space<vmem>>)
          tpu.yield
        }) : () -> ()
        %add3A_131 = arith.constant 1 : i32
        %add3A_132 = arith.addi %select_n3A, %add3A_131 : i32
        %mul3A_133 = arith.constant 8 : i32
        %mul3A_134 = arith.muli %add3A_132, %mul3A_133 : i32
        "tpu.region"() ({
          %run_scoped3A_135 = tpu.sem_alloc : memref<!tpu.dma_semaphore, #tpu.memory_space<semaphore_mem>>
          %dma_start3A_136 = arith.constant 0 : i32
          %dma_start3A_137 = arith.constant 0 : i32
          %dma_start3A_138 = tpu.memref_slice %arg7[%rem3A_126, %dma_start3A_136, %dma_start3A_137] : memref<2x8x128xi32, #tpu.memory_space<vmem>> -> memref<1x8x128xi32, #tpu.memory_space<vmem>>
          %dma_start3A_139 = tpu.memref_squeeze %dma_start3A_138 : memref<1x8x128xi32, #tpu.memory_space<vmem>> -> memref<8x128xi32, #tpu.memory_space<vmem>>
          %dma_start3A_140 = arith.constant 0 : i32
          %dma_start3A_141 = tpu.memref_slice %arg4[%add3A, %mul3A_134, %dma_start3A_140] : memref<32x80x128xi32, #tpu.memory_space<hbm>> -> memref<1x8x128xi32, #tpu.memory_space<hbm>>
          %dma_start3A_142 = tpu.memref_squeeze %dma_start3A_141 : memref<1x8x128xi32, #tpu.memory_space<hbm>> -> memref<8x128xi32, #tpu.memory_space<hbm>>
          %dma_start3A_143 = arith.constant 0 : i32
          %dma_start3A_144 = arith.constant 0 : i32
          %dma_start3A_145 = tpu.memref_slice %arg7[%rem3A_126, %dma_start3A_143, %dma_start3A_144] : memref<2x8x128xi32, #tpu.memory_space<vmem>> -> memref<1x8x128xi32, #tpu.memory_space<vmem>>
          %dma_start3A_146 = tpu.memref_squeeze %dma_start3A_145 : memref<1x8x128xi32, #tpu.memory_space<vmem>> -> memref<8x128xi32, #tpu.memory_space<vmem>>
          %dma_start3A_147 = arith.constant 0 : i32
          %dma_start3A_148 = tpu.memref_slice %arg4[%add3A, %mul3A_134, %dma_start3A_147] : memref<32x80x128xi32, #tpu.memory_space<hbm>> -> memref<1x8x128xi32, #tpu.memory_space<hbm>>
          %dma_start3A_149 = tpu.memref_squeeze %dma_start3A_148 : memref<1x8x128xi32, #tpu.memory_space<hbm>> -> memref<8x128xi32, #tpu.memory_space<hbm>>
          tpu.enqueue_dma source(%dma_start3A_149 : memref<8x128xi32, #tpu.memory_space<hbm>>) target(%dma_start3A_146 : memref<8x128xi32, #tpu.memory_space<vmem>>) target_semaphore(%run_scoped3A_135 : memref<!tpu.dma_semaphore, #tpu.memory_space<semaphore_mem>>)
          %dma_wait3A_150 = arith.constant 0 : i32
          %dma_wait3A_151 = arith.constant 0 : i32
          %dma_wait3A_152 = tpu.memref_slice %arg7[%rem3A_126, %dma_wait3A_150, %dma_wait3A_151] : memref<2x8x128xi32, #tpu.memory_space<vmem>> -> memref<1x8x128xi32, #tpu.memory_space<vmem>>
          %dma_wait3A_153 = tpu.memref_squeeze %dma_wait3A_152 : memref<1x8x128xi32, #tpu.memory_space<vmem>> -> memref<8x128xi32, #tpu.memory_space<vmem>>
          %dma_wait3A_154 = arith.constant 0 : i32
          %dma_wait3A_155 = tpu.memref_slice %arg4[%add3A, %mul3A_134, %dma_wait3A_154] : memref<32x80x128xi32, #tpu.memory_space<hbm>> -> memref<1x8x128xi32, #tpu.memory_space<hbm>>
          %dma_wait3A_156 = tpu.memref_squeeze %dma_wait3A_155 : memref<1x8x128xi32, #tpu.memory_space<hbm>> -> memref<8x128xi32, #tpu.memory_space<hbm>>
          %dma_wait3A_157 = arith.constant 0 : i32
          %dma_wait3A_158 = arith.constant 0 : i32
          %dma_wait3A_159 = tpu.memref_slice %arg7[%rem3A_126, %dma_wait3A_157, %dma_wait3A_158] : memref<2x8x128xi32, #tpu.memory_space<vmem>> -> memref<1x8x128xi32, #tpu.memory_space<vmem>>
          %dma_wait3A_160 = tpu.memref_squeeze %dma_wait3A_159 : memref<1x8x128xi32, #tpu.memory_space<vmem>> -> memref<8x128xi32, #tpu.memory_space<vmem>>
          %dma_wait3A_161 = arith.constant 0 : i32
          %dma_wait3A_162 = tpu.memref_slice %arg4[%add3A, %mul3A_134, %dma_wait3A_161] : memref<32x80x128xi32, #tpu.memory_space<hbm>> -> memref<1x8x128xi32, #tpu.memory_space<hbm>>
          %dma_wait3A_163 = tpu.memref_squeeze %dma_wait3A_162 : memref<1x8x128xi32, #tpu.memory_space<hbm>> -> memref<8x128xi32, #tpu.memory_space<hbm>>
          tpu.wait_dma2 semaphore(%run_scoped3A_135 : memref<!tpu.dma_semaphore, #tpu.memory_space<semaphore_mem>>) src(%dma_wait3A_163 : memref<8x128xi32, #tpu.memory_space<hbm>>) dst(%dma_wait3A_160 : memref<8x128xi32, #tpu.memory_space<vmem>>)
          tpu.yield
        }) : () -> ()
      } else {
      }
      %dma_wait3A = arith.constant 0 : i32
      %dma_wait3A_107 = tpu.memref_slice %arg6[%rem3A_85, %mul3A_87, %dma_wait3A] : memref<2x8x128xi32, #tpu.memory_space<vmem>> -> memref<1x1x128xi32, #tpu.memory_space<vmem>>
      %dma_wait3A_108 = tpu.memref_squeeze %dma_wait3A_107 : memref<1x1x128xi32, #tpu.memory_space<vmem>> -> memref<128xi32, #tpu.memory_space<vmem>>
      %dma_wait3A_109 = arith.constant 0 : i32
      %dma_wait3A_110 = arith.constant 0 : i32
      %dma_wait3A_111 = tpu.memref_slice %arg2[%dma_wait3A_109, %dma_wait3A_110] : memref<10240x128xf32, #tpu.memory_space<hbm>> -> memref<10240x128xf32, #tpu.memory_space<hbm>>
      tpu.wait_indirect_dma semaphore(%arg11 : memref<!tpu.dma_semaphore, #tpu.memory_space<semaphore_mem>>) src(%dma_wait3A_111 : memref<10240x128xf32, #tpu.memory_space<hbm>>) dst(%arg8 : memref<128x128xf32, #tpu.memory_space<vmem>>)
      "tpu.region"() ({
        %run_scoped3A_123 = tpu.sem_alloc : memref<!tpu.dma_semaphore, #tpu.memory_space<semaphore_mem>>
        %dma_start3A_124 = arith.constant 0 : i32
        %dma_start3A_125 = tpu.memref_slice %arg7[%rem3A_85, %mul3A_87, %dma_start3A_124] : memref<2x8x128xi32, #tpu.memory_space<vmem>> -> memref<1x1x128xi32, #tpu.memory_space<vmem>>
        %dma_start3A_126 = tpu.memref_squeeze %dma_start3A_125 : memref<1x1x128xi32, #tpu.memory_space<vmem>> -> memref<128xi32, #tpu.memory_space<vmem>>
        %dma_start3A_127 = arith.constant 0 : i32
        %dma_start3A_128 = arith.constant 0 : i32
        %dma_start3A_129 = tpu.memref_slice %arg10[%dma_start3A_127, %dma_start3A_128] : memref<10240x128xf32, #tpu.memory_space<vmem_shared>> -> memref<10240x128xf32, #tpu.memory_space<vmem_shared>>
        tpu.enqueue_indirect_dma source(%arg8 : memref<128x128xf32, #tpu.memory_space<vmem>>) target(%dma_start3A_129 : memref<10240x128xf32, #tpu.memory_space<vmem_shared>>) offsets(%dma_start3A_126 : memref<128xi32, #tpu.memory_space<vmem>>) semaphore(%run_scoped3A_123 : memref<!tpu.dma_semaphore, #tpu.memory_space<semaphore_mem>>) {add = true}
        %dma_wait3A_130 = arith.constant 0 : i32
        %dma_wait3A_131 = tpu.memref_slice %arg7[%rem3A_85, %mul3A_87, %dma_wait3A_130] : memref<2x8x128xi32, #tpu.memory_space<vmem>> -> memref<1x1x128xi32, #tpu.memory_space<vmem>>
        %dma_wait3A_132 = tpu.memref_squeeze %dma_wait3A_131 : memref<1x1x128xi32, #tpu.memory_space<vmem>> -> memref<128xi32, #tpu.memory_space<vmem>>
        %dma_wait3A_133 = arith.constant 0 : i32
        %dma_wait3A_134 = arith.constant 0 : i32
        %dma_wait3A_135 = tpu.memref_slice %arg10[%dma_wait3A_133, %dma_wait3A_134] : memref<10240x128xf32, #tpu.memory_space<vmem_shared>> -> memref<10240x128xf32, #tpu.memory_space<vmem_shared>>
        tpu.wait_indirect_dma semaphore(%run_scoped3A_123 : memref<!tpu.dma_semaphore, #tpu.memory_space<semaphore_mem>>) src(%arg8 : memref<128x128xf32, #tpu.memory_space<vmem>>) dst(%dma_wait3A_135 : memref<10240x128xf32, #tpu.memory_space<vmem_shared>>)
        tpu.yield
      }) : () -> ()
      %add3A_112 = arith.constant 1 : i32
      %add3A_113 = arith.addi %mul3A_87, %add3A_112 : i32
      %dma_wait3A_114 = arith.constant 0 : i32
      %dma_wait3A_115 = tpu.memref_slice %arg6[%rem3A_85, %add3A_113, %dma_wait3A_114] : memref<2x8x128xi32, #tpu.memory_space<vmem>> -> memref<1x1x128xi32, #tpu.memory_space<vmem>>
      %dma_wait3A_116 = tpu.memref_squeeze %dma_wait3A_115 : memref<1x1x128xi32, #tpu.memory_space<vmem>> -> memref<128xi32, #tpu.memory_space<vmem>>
      %dma_wait3A_117 = arith.constant 0 : i32
      %dma_wait3A_118 = arith.constant 0 : i32
      %dma_wait3A_119 = tpu.memref_slice %arg2[%dma_wait3A_117, %dma_wait3A_118] : memref<10240x128xf32, #tpu.memory_space<hbm>> -> memref<10240x128xf32, #tpu.memory_space<hbm>>
      tpu.wait_indirect_dma semaphore(%arg12 : memref<!tpu.dma_semaphore, #tpu.memory_space<semaphore_mem>>) src(%dma_wait3A_119 : memref<10240x128xf32, #tpu.memory_space<hbm>>) dst(%arg9 : memref<128x128xf32, #tpu.memory_space<vmem>>)
      %add3A_120 = arith.constant 1 : i32
      %add3A_121 = arith.addi %mul3A_87, %add3A_120 : i32
      "tpu.region"() ({
        %run_scoped3A_123 = tpu.sem_alloc : memref<!tpu.dma_semaphore, #tpu.memory_space<semaphore_mem>>
        %dma_start3A_124 = arith.constant 0 : i32
        %dma_start3A_125 = tpu.memref_slice %arg7[%rem3A_85, %add3A_121, %dma_start3A_124] : memref<2x8x128xi32, #tpu.memory_space<vmem>> -> memref<1x1x128xi32, #tpu.memory_space<vmem>>
        %dma_start3A_126 = tpu.memref_squeeze %dma_start3A_125 : memref<1x1x128xi32, #tpu.memory_space<vmem>> -> memref<128xi32, #tpu.memory_space<vmem>>
        %dma_start3A_127 = arith.constant 0 : i32
        %dma_start3A_128 = arith.constant 0 : i32
        %dma_start3A_129 = tpu.memref_slice %arg10[%dma_start3A_127, %dma_start3A_128] : memref<10240x128xf32, #tpu.memory_space<vmem_shared>> -> memref<10240x128xf32, #tpu.memory_space<vmem_shared>>
        tpu.enqueue_indirect_dma source(%arg9 : memref<128x128xf32, #tpu.memory_space<vmem>>) target(%dma_start3A_129 : memref<10240x128xf32, #tpu.memory_space<vmem_shared>>) offsets(%dma_start3A_126 : memref<128xi32, #tpu.memory_space<vmem>>) semaphore(%run_scoped3A_123 : memref<!tpu.dma_semaphore, #tpu.memory_space<semaphore_mem>>) {add = true}
        %dma_wait3A_130 = arith.constant 0 : i32
        %dma_wait3A_131 = tpu.memref_slice %arg7[%rem3A_85, %add3A_121, %dma_wait3A_130] : memref<2x8x128xi32, #tpu.memory_space<vmem>> -> memref<1x1x128xi32, #tpu.memory_space<vmem>>
        %dma_wait3A_132 = tpu.memref_squeeze %dma_wait3A_131 : memref<1x1x128xi32, #tpu.memory_space<vmem>> -> memref<128xi32, #tpu.memory_space<vmem>>
        %dma_wait3A_133 = arith.constant 0 : i32
        %dma_wait3A_134 = arith.constant 0 : i32
        %dma_wait3A_135 = tpu.memref_slice %arg10[%dma_wait3A_133, %dma_wait3A_134] : memref<10240x128xf32, #tpu.memory_space<vmem_shared>> -> memref<10240x128xf32, #tpu.memory_space<vmem_shared>>
        tpu.wait_indirect_dma semaphore(%run_scoped3A_123 : memref<!tpu.dma_semaphore, #tpu.memory_space<semaphore_mem>>) src(%arg9 : memref<128x128xf32, #tpu.memory_space<vmem>>) dst(%dma_wait3A_135 : memref<10240x128xf32, #tpu.memory_space<vmem_shared>>)
        tpu.yield
      }) : () -> ()
      %scan3A_122 = arith.constant 0 : i32
      scf.yield %scan3A_122 : i32
    }
    %scan3A_27 = arith.constant 40 : i32
    %barrier3A_28 = arith.constant 0 : index
    tpu.barrier barrier_id(%barrier3A_28)
    %add3A_29 = arith.constant 0 : i32
    %add3A_30 = arith.addi %mul3A_9, %add3A_29 : i32
    "tpu.region"() ({
      %run_scoped3A_64 = tpu.sem_alloc : memref<!tpu.dma_semaphore, #tpu.memory_space<semaphore_mem>>
      %dma_start3A = arith.constant 0 : i32
      %dma_start3A_65 = tpu.memref_slice %arg10[%add3A_30, %dma_start3A] : memref<10240x128xf32, #tpu.memory_space<vmem_shared>> -> memref<128x128xf32, #tpu.memory_space<vmem_shared>>
      %dma_start3A_66 = arith.constant 0 : i32
      %dma_start3A_67 = tpu.memref_slice %arg10[%add3A_30, %dma_start3A_66] : memref<10240x128xf32, #tpu.memory_space<vmem_shared>> -> memref<128x128xf32, #tpu.memory_space<vmem_shared>>
      tpu.enqueue_dma source(%dma_start3A_67 : memref<128x128xf32, #tpu.memory_space<vmem_shared>>) target(%arg8 : memref<128x128xf32, #tpu.memory_space<vmem>>) target_semaphore(%run_scoped3A_64 : memref<!tpu.dma_semaphore, #tpu.memory_space<semaphore_mem>>)
      %dma_wait3A = arith.constant 0 : i32
      %dma_wait3A_68 = tpu.memref_slice %arg10[%add3A_30, %dma_wait3A] : memref<10240x128xf32, #tpu.memory_space<vmem_shared>> -> memref<128x128xf32, #tpu.memory_space<vmem_shared>>
      %dma_wait3A_69 = arith.constant 0 : i32
      %dma_wait3A_70 = tpu.memref_slice %arg10[%add3A_30, %dma_wait3A_69] : memref<10240x128xf32, #tpu.memory_space<vmem_shared>> -> memref<128x128xf32, #tpu.memory_space<vmem_shared>>
      tpu.wait_dma2 semaphore(%run_scoped3A_64 : memref<!tpu.dma_semaphore, #tpu.memory_space<semaphore_mem>>) src(%dma_wait3A_70 : memref<128x128xf32, #tpu.memory_space<vmem_shared>>) dst(%arg8 : memref<128x128xf32, #tpu.memory_space<vmem>>)
      tpu.yield
    }) : () -> ()
    %mul3A_31 = arith.constant 10240 : i32
    %mul3A_32 = arith.muli %arg0, %mul3A_31 : i32
    %add3A_33 = arith.addi %mul3A_32, %mul3A_9 : i32
    %add3A_34 = arith.constant 0 : i32
    %add3A_35 = arith.addi %add3A_33, %add3A_34 : i32
    "tpu.region"() ({
      %run_scoped3A_64 = tpu.sem_alloc : memref<!tpu.dma_semaphore, #tpu.memory_space<semaphore_mem>>
      %dma_start3A = arith.constant 0 : i32
      %dma_start3A_65 = tpu.memref_slice %arg5[%add3A_35, %dma_start3A] : memref<20480x128xf32, #tpu.memory_space<hbm>> -> memref<128x128xf32, #tpu.memory_space<hbm>>
      %dma_start3A_66 = arith.constant 0 : i32
      %dma_start3A_67 = tpu.memref_slice %arg5[%add3A_35, %dma_start3A_66] : memref<20480x128xf32, #tpu.memory_space<hbm>> -> memref<128x128xf32, #tpu.memory_space<hbm>>
      tpu.enqueue_dma source(%arg8 : memref<128x128xf32, #tpu.memory_space<vmem>>) target(%dma_start3A_67 : memref<128x128xf32, #tpu.memory_space<hbm>>) target_semaphore(%run_scoped3A_64 : memref<!tpu.dma_semaphore, #tpu.memory_space<semaphore_mem>>)
      %dma_wait3A = arith.constant 0 : i32
      %dma_wait3A_68 = tpu.memref_slice %arg5[%add3A_35, %dma_wait3A] : memref<20480x128xf32, #tpu.memory_space<hbm>> -> memref<128x128xf32, #tpu.memory_space<hbm>>
      %dma_wait3A_69 = arith.constant 0 : i32
      %dma_wait3A_70 = tpu.memref_slice %arg5[%add3A_35, %dma_wait3A_69] : memref<20480x128xf32, #tpu.memory_space<hbm>> -> memref<128x128xf32, #tpu.memory_space<hbm>>
      tpu.wait_dma2 semaphore(%run_scoped3A_64 : memref<!tpu.dma_semaphore, #tpu.memory_space<semaphore_mem>>) src(%arg8 : memref<128x128xf32, #tpu.memory_space<vmem>>) dst(%dma_wait3A_70 : memref<128x128xf32, #tpu.memory_space<hbm>>)
      tpu.yield
    }) : () -> ()
    %add3A_36 = arith.constant 128 : i32
    %add3A_37 = arith.addi %mul3A_9, %add3A_36 : i32
    "tpu.region"() ({
      %run_scoped3A_64 = tpu.sem_alloc : memref<!tpu.dma_semaphore, #tpu.memory_space<semaphore_mem>>
      %dma_start3A = arith.constant 0 : i32
      %dma_start3A_65 = tpu.memref_slice %arg10[%add3A_37, %dma_start3A] : memref<10240x128xf32, #tpu.memory_space<vmem_shared>> -> memref<128x128xf32, #tpu.memory_space<vmem_shared>>
      %dma_start3A_66 = arith.constant 0 : i32
      %dma_start3A_67 = tpu.memref_slice %arg10[%add3A_37, %dma_start3A_66] : memref<10240x128xf32, #tpu.memory_space<vmem_shared>> -> memref<128x128xf32, #tpu.memory_space<vmem_shared>>
      tpu.enqueue_dma source(%dma_start3A_67 : memref<128x128xf32, #tpu.memory_space<vmem_shared>>) target(%arg8 : memref<128x128xf32, #tpu.memory_space<vmem>>) target_semaphore(%run_scoped3A_64 : memref<!tpu.dma_semaphore, #tpu.memory_space<semaphore_mem>>)
      %dma_wait3A = arith.constant 0 : i32
      %dma_wait3A_68 = tpu.memref_slice %arg10[%add3A_37, %dma_wait3A] : memref<10240x128xf32, #tpu.memory_space<vmem_shared>> -> memref<128x128xf32, #tpu.memory_space<vmem_shared>>
      %dma_wait3A_69 = arith.constant 0 : i32
      %dma_wait3A_70 = tpu.memref_slice %arg10[%add3A_37, %dma_wait3A_69] : memref<10240x128xf32, #tpu.memory_space<vmem_shared>> -> memref<128x128xf32, #tpu.memory_space<vmem_shared>>
      tpu.wait_dma2 semaphore(%run_scoped3A_64 : memref<!tpu.dma_semaphore, #tpu.memory_space<semaphore_mem>>) src(%dma_wait3A_70 : memref<128x128xf32, #tpu.memory_space<vmem_shared>>) dst(%arg8 : memref<128x128xf32, #tpu.memory_space<vmem>>)
      tpu.yield
    }) : () -> ()
    %mul3A_38 = arith.constant 10240 : i32
    %mul3A_39 = arith.muli %arg0, %mul3A_38 : i32
    %add3A_40 = arith.addi %mul3A_39, %mul3A_9 : i32
    %add3A_41 = arith.constant 128 : i32
    %add3A_42 = arith.addi %add3A_40, %add3A_41 : i32
    "tpu.region"() ({
      %run_scoped3A_64 = tpu.sem_alloc : memref<!tpu.dma_semaphore, #tpu.memory_space<semaphore_mem>>
      %dma_start3A = arith.constant 0 : i32
      %dma_start3A_65 = tpu.memref_slice %arg5[%add3A_42, %dma_start3A] : memref<20480x128xf32, #tpu.memory_space<hbm>> -> memref<128x128xf32, #tpu.memory_space<hbm>>
      %dma_start3A_66 = arith.constant 0 : i32
      %dma_start3A_67 = tpu.memref_slice %arg5[%add3A_42, %dma_start3A_66] : memref<20480x128xf32, #tpu.memory_space<hbm>> -> memref<128x128xf32, #tpu.memory_space<hbm>>
      tpu.enqueue_dma source(%arg8 : memref<128x128xf32, #tpu.memory_space<vmem>>) target(%dma_start3A_67 : memref<128x128xf32, #tpu.memory_space<hbm>>) target_semaphore(%run_scoped3A_64 : memref<!tpu.dma_semaphore, #tpu.memory_space<semaphore_mem>>)
      %dma_wait3A = arith.constant 0 : i32
      %dma_wait3A_68 = tpu.memref_slice %arg5[%add3A_42, %dma_wait3A] : memref<20480x128xf32, #tpu.memory_space<hbm>> -> memref<128x128xf32, #tpu.memory_space<hbm>>
      %dma_wait3A_69 = arith.constant 0 : i32
      %dma_wait3A_70 = tpu.memref_slice %arg5[%add3A_42, %dma_wait3A_69] : memref<20480x128xf32, #tpu.memory_space<hbm>> -> memref<128x128xf32, #tpu.memory_space<hbm>>
      tpu.wait_dma2 semaphore(%run_scoped3A_64 : memref<!tpu.dma_semaphore, #tpu.memory_space<semaphore_mem>>) src(%arg8 : memref<128x128xf32, #tpu.memory_space<vmem>>) dst(%dma_wait3A_70 : memref<128x128xf32, #tpu.memory_space<hbm>>)
      tpu.yield
    }) : () -> ()
    %add3A_43 = arith.constant 256 : i32
    %add3A_44 = arith.addi %mul3A_9, %add3A_43 : i32
    "tpu.region"() ({
      %run_scoped3A_64 = tpu.sem_alloc : memref<!tpu.dma_semaphore, #tpu.memory_space<semaphore_mem>>
      %dma_start3A = arith.constant 0 : i32
      %dma_start3A_65 = tpu.memref_slice %arg10[%add3A_44, %dma_start3A] : memref<10240x128xf32, #tpu.memory_space<vmem_shared>> -> memref<128x128xf32, #tpu.memory_space<vmem_shared>>
      %dma_start3A_66 = arith.constant 0 : i32
      %dma_start3A_67 = tpu.memref_slice %arg10[%add3A_44, %dma_start3A_66] : memref<10240x128xf32, #tpu.memory_space<vmem_shared>> -> memref<128x128xf32, #tpu.memory_space<vmem_shared>>
      tpu.enqueue_dma source(%dma_start3A_67 : memref<128x128xf32, #tpu.memory_space<vmem_shared>>) target(%arg8 : memref<128x128xf32, #tpu.memory_space<vmem>>) target_semaphore(%run_scoped3A_64 : memref<!tpu.dma_semaphore, #tpu.memory_space<semaphore_mem>>)
      %dma_wait3A = arith.constant 0 : i32
      %dma_wait3A_68 = tpu.memref_slice %arg10[%add3A_44, %dma_wait3A] : memref<10240x128xf32, #tpu.memory_space<vmem_shared>> -> memref<128x128xf32, #tpu.memory_space<vmem_shared>>
      %dma_wait3A_69 = arith.constant 0 : i32
      %dma_wait3A_70 = tpu.memref_slice %arg10[%add3A_44, %dma_wait3A_69] : memref<10240x128xf32, #tpu.memory_space<vmem_shared>> -> memref<128x128xf32, #tpu.memory_space<vmem_shared>>
      tpu.wait_dma2 semaphore(%run_scoped3A_64 : memref<!tpu.dma_semaphore, #tpu.memory_space<semaphore_mem>>) src(%dma_wait3A_70 : memref<128x128xf32, #tpu.memory_space<vmem_shared>>) dst(%arg8 : memref<128x128xf32, #tpu.memory_space<vmem>>)
      tpu.yield
    }) : () -> ()
    %mul3A_45 = arith.constant 10240 : i32
    %mul3A_46 = arith.muli %arg0, %mul3A_45 : i32
    %add3A_47 = arith.addi %mul3A_46, %mul3A_9 : i32
    %add3A_48 = arith.constant 256 : i32
    %add3A_49 = arith.addi %add3A_47, %add3A_48 : i32
    "tpu.region"() ({
      %run_scoped3A_64 = tpu.sem_alloc : memref<!tpu.dma_semaphore, #tpu.memory_space<semaphore_mem>>
      %dma_start3A = arith.constant 0 : i32
      %dma_start3A_65 = tpu.memref_slice %arg5[%add3A_49, %dma_start3A] : memref<20480x128xf32, #tpu.memory_space<hbm>> -> memref<128x128xf32, #tpu.memory_space<hbm>>
      %dma_start3A_66 = arith.constant 0 : i32
      %dma_start3A_67 = tpu.memref_slice %arg5[%add3A_49, %dma_start3A_66] : memref<20480x128xf32, #tpu.memory_space<hbm>> -> memref<128x128xf32, #tpu.memory_space<hbm>>
      tpu.enqueue_dma source(%arg8 : memref<128x128xf32, #tpu.memory_space<vmem>>) target(%dma_start3A_67 : memref<128x128xf32, #tpu.memory_space<hbm>>) target_semaphore(%run_scoped3A_64 : memref<!tpu.dma_semaphore, #tpu.memory_space<semaphore_mem>>)
      %dma_wait3A = arith.constant 0 : i32
      %dma_wait3A_68 = tpu.memref_slice %arg5[%add3A_49, %dma_wait3A] : memref<20480x128xf32, #tpu.memory_space<hbm>> -> memref<128x128xf32, #tpu.memory_space<hbm>>
      %dma_wait3A_69 = arith.constant 0 : i32
      %dma_wait3A_70 = tpu.memref_slice %arg5[%add3A_49, %dma_wait3A_69] : memref<20480x128xf32, #tpu.memory_space<hbm>> -> memref<128x128xf32, #tpu.memory_space<hbm>>
      tpu.wait_dma2 semaphore(%run_scoped3A_64 : memref<!tpu.dma_semaphore, #tpu.memory_space<semaphore_mem>>) src(%arg8 : memref<128x128xf32, #tpu.memory_space<vmem>>) dst(%dma_wait3A_70 : memref<128x128xf32, #tpu.memory_space<hbm>>)
      tpu.yield
    }) : () -> ()
    %add3A_50 = arith.constant 384 : i32
    %add3A_51 = arith.addi %mul3A_9, %add3A_50 : i32
    "tpu.region"() ({
      %run_scoped3A_64 = tpu.sem_alloc : memref<!tpu.dma_semaphore, #tpu.memory_space<semaphore_mem>>
      %dma_start3A = arith.constant 0 : i32
      %dma_start3A_65 = tpu.memref_slice %arg10[%add3A_51, %dma_start3A] : memref<10240x128xf32, #tpu.memory_space<vmem_shared>> -> memref<128x128xf32, #tpu.memory_space<vmem_shared>>
      %dma_start3A_66 = arith.constant 0 : i32
      %dma_start3A_67 = tpu.memref_slice %arg10[%add3A_51, %dma_start3A_66] : memref<10240x128xf32, #tpu.memory_space<vmem_shared>> -> memref<128x128xf32, #tpu.memory_space<vmem_shared>>
      tpu.enqueue_dma source(%dma_start3A_67 : memref<128x128xf32, #tpu.memory_space<vmem_shared>>) target(%arg8 : memref<128x128xf32, #tpu.memory_space<vmem>>) target_semaphore(%run_scoped3A_64 : memref<!tpu.dma_semaphore, #tpu.memory_space<semaphore_mem>>)
      %dma_wait3A = arith.constant 0 : i32
      %dma_wait3A_68 = tpu.memref_slice %arg10[%add3A_51, %dma_wait3A] : memref<10240x128xf32, #tpu.memory_space<vmem_shared>> -> memref<128x128xf32, #tpu.memory_space<vmem_shared>>
      %dma_wait3A_69 = arith.constant 0 : i32
      %dma_wait3A_70 = tpu.memref_slice %arg10[%add3A_51, %dma_wait3A_69] : memref<10240x128xf32, #tpu.memory_space<vmem_shared>> -> memref<128x128xf32, #tpu.memory_space<vmem_shared>>
      tpu.wait_dma2 semaphore(%run_scoped3A_64 : memref<!tpu.dma_semaphore, #tpu.memory_space<semaphore_mem>>) src(%dma_wait3A_70 : memref<128x128xf32, #tpu.memory_space<vmem_shared>>) dst(%arg8 : memref<128x128xf32, #tpu.memory_space<vmem>>)
      tpu.yield
    }) : () -> ()
    %mul3A_52 = arith.constant 10240 : i32
    %mul3A_53 = arith.muli %arg0, %mul3A_52 : i32
    %add3A_54 = arith.addi %mul3A_53, %mul3A_9 : i32
    %add3A_55 = arith.constant 384 : i32
    %add3A_56 = arith.addi %add3A_54, %add3A_55 : i32
    "tpu.region"() ({
      %run_scoped3A_64 = tpu.sem_alloc : memref<!tpu.dma_semaphore, #tpu.memory_space<semaphore_mem>>
      %dma_start3A = arith.constant 0 : i32
      %dma_start3A_65 = tpu.memref_slice %arg5[%add3A_56, %dma_start3A] : memref<20480x128xf32, #tpu.memory_space<hbm>> -> memref<128x128xf32, #tpu.memory_space<hbm>>
      %dma_start3A_66 = arith.constant 0 : i32
      %dma_start3A_67 = tpu.memref_slice %arg5[%add3A_56, %dma_start3A_66] : memref<20480x128xf32, #tpu.memory_space<hbm>> -> memref<128x128xf32, #tpu.memory_space<hbm>>
      tpu.enqueue_dma source(%arg8 : memref<128x128xf32, #tpu.memory_space<vmem>>) target(%dma_start3A_67 : memref<128x128xf32, #tpu.memory_space<hbm>>) target_semaphore(%run_scoped3A_64 : memref<!tpu.dma_semaphore, #tpu.memory_space<semaphore_mem>>)
      %dma_wait3A = arith.constant 0 : i32
      %dma_wait3A_68 = tpu.memref_slice %arg5[%add3A_56, %dma_wait3A] : memref<20480x128xf32, #tpu.memory_space<hbm>> -> memref<128x128xf32, #tpu.memory_space<hbm>>
      %dma_wait3A_69 = arith.constant 0 : i32
      %dma_wait3A_70 = tpu.memref_slice %arg5[%add3A_56, %dma_wait3A_69] : memref<20480x128xf32, #tpu.memory_space<hbm>> -> memref<128x128xf32, #tpu.memory_space<hbm>>
      tpu.wait_dma2 semaphore(%run_scoped3A_64 : memref<!tpu.dma_semaphore, #tpu.memory_space<semaphore_mem>>) src(%arg8 : memref<128x128xf32, #tpu.memory_space<vmem>>) dst(%dma_wait3A_70 : memref<128x128xf32, #tpu.memory_space<hbm>>)
      tpu.yield
    }) : () -> ()
    %add3A_57 = arith.constant 512 : i32
    %add3A_58 = arith.addi %mul3A_9, %add3A_57 : i32
    "tpu.region"() ({
      %run_scoped3A_64 = tpu.sem_alloc : memref<!tpu.dma_semaphore, #tpu.memory_space<semaphore_mem>>
      %dma_start3A = arith.constant 0 : i32
      %dma_start3A_65 = tpu.memref_slice %arg10[%add3A_58, %dma_start3A] : memref<10240x128xf32, #tpu.memory_space<vmem_shared>> -> memref<128x128xf32, #tpu.memory_space<vmem_shared>>
      %dma_start3A_66 = arith.constant 0 : i32
      %dma_start3A_67 = tpu.memref_slice %arg10[%add3A_58, %dma_start3A_66] : memref<10240x128xf32, #tpu.memory_space<vmem_shared>> -> memref<128x128xf32, #tpu.memory_space<vmem_shared>>
      tpu.enqueue_dma source(%dma_start3A_67 : memref<128x128xf32, #tpu.memory_space<vmem_shared>>) target(%arg8 : memref<128x128xf32, #tpu.memory_space<vmem>>) target_semaphore(%run_scoped3A_64 : memref<!tpu.dma_semaphore, #tpu.memory_space<semaphore_mem>>)
      %dma_wait3A = arith.constant 0 : i32
      %dma_wait3A_68 = tpu.memref_slice %arg10[%add3A_58, %dma_wait3A] : memref<10240x128xf32, #tpu.memory_space<vmem_shared>> -> memref<128x128xf32, #tpu.memory_space<vmem_shared>>
      %dma_wait3A_69 = arith.constant 0 : i32
      %dma_wait3A_70 = tpu.memref_slice %arg10[%add3A_58, %dma_wait3A_69] : memref<10240x128xf32, #tpu.memory_space<vmem_shared>> -> memref<128x128xf32, #tpu.memory_space<vmem_shared>>
      tpu.wait_dma2 semaphore(%run_scoped3A_64 : memref<!tpu.dma_semaphore, #tpu.memory_space<semaphore_mem>>) src(%dma_wait3A_70 : memref<128x128xf32, #tpu.memory_space<vmem_shared>>) dst(%arg8 : memref<128x128xf32, #tpu.memory_space<vmem>>)
      tpu.yield
    }) : () -> ()
    %mul3A_59 = arith.constant 10240 : i32
    %mul3A_60 = arith.muli %arg0, %mul3A_59 : i32
    %add3A_61 = arith.addi %mul3A_60, %mul3A_9 : i32
    %add3A_62 = arith.constant 512 : i32
    %add3A_63 = arith.addi %add3A_61, %add3A_62 : i32
    "tpu.region"() ({
      %run_scoped3A_64 = tpu.sem_alloc : memref<!tpu.dma_semaphore, #tpu.memory_space<semaphore_mem>>
      %dma_start3A = arith.constant 0 : i32
      %dma_start3A_65 = tpu.memref_slice %arg5[%add3A_63, %dma_start3A] : memref<20480x128xf32, #tpu.memory_space<hbm>> -> memref<128x128xf32, #tpu.memory_space<hbm>>
      %dma_start3A_66 = arith.constant 0 : i32
      %dma_start3A_67 = tpu.memref_slice %arg5[%add3A_63, %dma_start3A_66] : memref<20480x128xf32, #tpu.memory_space<hbm>> -> memref<128x128xf32, #tpu.memory_space<hbm>>
      tpu.enqueue_dma source(%arg8 : memref<128x128xf32, #tpu.memory_space<vmem>>) target(%dma_start3A_67 : memref<128x128xf32, #tpu.memory_space<hbm>>) target_semaphore(%run_scoped3A_64 : memref<!tpu.dma_semaphore, #tpu.memory_space<semaphore_mem>>)
      %dma_wait3A = arith.constant 0 : i32
      %dma_wait3A_68 = tpu.memref_slice %arg5[%add3A_63, %dma_wait3A] : memref<20480x128xf32, #tpu.memory_space<hbm>> -> memref<128x128xf32, #tpu.memory_space<hbm>>
      %dma_wait3A_69 = arith.constant 0 : i32
      %dma_wait3A_70 = tpu.memref_slice %arg5[%add3A_63, %dma_wait3A_69] : memref<20480x128xf32, #tpu.memory_space<hbm>> -> memref<128x128xf32, #tpu.memory_space<hbm>>
      tpu.wait_dma2 semaphore(%run_scoped3A_64 : memref<!tpu.dma_semaphore, #tpu.memory_space<semaphore_mem>>) src(%arg8 : memref<128x128xf32, #tpu.memory_space<vmem>>) dst(%dma_wait3A_70 : memref<128x128xf32, #tpu.memory_space<hbm>>)
      tpu.yield
    }) : () -> ()
    return
  }
}

#map = affine_map<(d0, d1) -> (0, 0)>
#map1 = affine_map<(d0, d1) -> (0, 0, 0)>
module attributes {stable_mosaic.version = 14 : i64} {
  func.func @sc_hop(%arg0: i32, %arg1: i32, %arg2: memref<10240x128xf32, #tpu.memory_space<hbm>>, %arg3: memref<32x80x128xi32, #tpu.memory_space<hbm>>, %arg4: memref<32x80x128xi32, #tpu.memory_space<hbm>>, %arg5: memref<20480x128xf32, #tpu.memory_space<hbm>>, %arg6: memref<2x8x128xi32, #tpu.memory_space<vmem>>, %arg7: memref<2x8x128xi32, #tpu.memory_space<vmem>>, %arg8: memref<128x128xf32, #tpu.memory_space<vmem>>, %arg9: memref<128x128xf32, #tpu.memory_space<vmem>>, %arg10: memref<10240x128xf32, #tpu.memory_space<vmem_shared>>, %arg11: memref<!tpu.dma_semaphore, #tpu.memory_space<semaphore_mem>>, %arg12: memref<!tpu.dma_semaphore, #tpu.memory_space<semaphore_mem>>) attributes {dimension_semantics = [#tpu.dimension_semantics<core_parallel>, #tpu.dimension_semantics<subcore_parallel>], iteration_bounds = array<i64: 2, 16>, scalar_prefetch = 0 : i64, scratch_operands = 7 : i64, tpu.core_type = #tpu.core_type<sc_vector_subcore>, window_params = [{transform_indices = #map}, {transform_indices = #map1}, {transform_indices = #map1}, {transform_indices = #map}]} {
    %mul3A = arith.constant 16 : i32
    %mul3A_0 = arith.muli %arg0, %mul3A : i32
    %add3A = arith.addi %mul3A_0, %arg1 : i32
    %broadcast_in_dim3A = arith.constant 0.000000e+00 : f32
    %broadcast_in_dim3A_1 = vector.broadcast %broadcast_in_dim3A : f32 to vector<16xf32>
    %scan3A = arith.constant 0 : i32
    %scan3A_2 = arith.constant 0 : i32
    %scan3A_3 = arith.constant 128 : i32
    %scan3A_4 = arith.addi %scan3A_2, %scan3A_3 : i32
    %scan3A_5 = arith.constant 1 : i32
    %scan3A_6 = scf.for %scan3A_64 = %scan3A_2 to %scan3A_4 step %scan3A_5 iter_args(%scan3A_65 = %scan3A) -> (i32)  : i32 {
      %swap3A = arith.index_cast %scan3A_64 : i32 to index
      %swap3A_66 = arith.constant 0 : index
      %swap3A_67 = tpu.vector_load %arg8[%swap3A, %swap3A_66] {strides = array<i32>} : memref<128x128xf32, #tpu.memory_space<vmem>>, vector<1x16xf32>,
      %swap3A_68 = vector.shape_cast %swap3A_67 : vector<1x16xf32> to vector<16xf32>
      %swap3A_69 = vector.shape_cast %broadcast_in_dim3A_1 : vector<16xf32> to vector<1x16xf32>
      tpu.vector_store %arg8[%swap3A, %swap3A_66], %swap3A_69 {strides = array<i32>} : memref<128x128xf32, #tpu.memory_space<vmem>>, vector<1x16xf32>,
      %swap3A_70 = arith.index_cast %scan3A_64 : i32 to index
      %swap3A_71 = arith.constant 16 : index
      %swap3A_72 = tpu.vector_load %arg8[%swap3A_70, %swap3A_71] {strides = array<i32>} : memref<128x128xf32, #tpu.memory_space<vmem>>, vector<1x16xf32>,
      %swap3A_73 = vector.shape_cast %swap3A_72 : vector<1x16xf32> to vector<16xf32>
      %swap3A_74 = vector.shape_cast %broadcast_in_dim3A_1 : vector<16xf32> to vector<1x16xf32>
      tpu.vector_store %arg8[%swap3A_70, %swap3A_71], %swap3A_74 {strides = array<i32>} : memref<128x128xf32, #tpu.memory_space<vmem>>, vector<1x16xf32>,
      %swap3A_75 = arith.index_cast %scan3A_64 : i32 to index
      %swap3A_76 = arith.constant 32 : index
      %swap3A_77 = tpu.vector_load %arg8[%swap3A_75, %swap3A_76] {strides = array<i32>} : memref<128x128xf32, #tpu.memory_space<vmem>>, vector<1x16xf32>,
      %swap3A_78 = vector.shape_cast %swap3A_77 : vector<1x16xf32> to vector<16xf32>
      %swap3A_79 = vector.shape_cast %broadcast_in_dim3A_1 : vector<16xf32> to vector<1x16xf32>
      tpu.vector_store %arg8[%swap3A_75, %swap3A_76], %swap3A_79 {strides = array<i32>} : memref<128x128xf32, #tpu.memory_space<vmem>>, vector<1x16xf32>,
      %swap3A_80 = arith.index_cast %scan3A_64 : i32 to index
      %swap3A_81 = arith.constant 48 : index
      %swap3A_82 = tpu.vector_load %arg8[%swap3A_80, %swap3A_81] {strides = array<i32>} : memref<128x128xf32, #tpu.memory_space<vmem>>, vector<1x16xf32>,
      %swap3A_83 = vector.shape_cast %swap3A_82 : vector<1x16xf32> to vector<16xf32>
      %swap3A_84 = vector.shape_cast %broadcast_in_dim3A_1 : vector<16xf32> to vector<1x16xf32>
      tpu.vector_store %arg8[%swap3A_80, %swap3A_81], %swap3A_84 {strides = array<i32>} : memref<128x128xf32, #tpu.memory_space<vmem>>, vector<1x16xf32>,
      %swap3A_85 = arith.index_cast %scan3A_64 : i32 to index
      %swap3A_86 = arith.constant 64 : index
      %swap3A_87 = tpu.vector_load %arg8[%swap3A_85, %swap3A_86] {strides = array<i32>} : memref<128x128xf32, #tpu.memory_space<vmem>>, vector<1x16xf32>,
      %swap3A_88 = vector.shape_cast %swap3A_87 : vector<1x16xf32> to vector<16xf32>
      %swap3A_89 = vector.shape_cast %broadcast_in_dim3A_1 : vector<16xf32> to vector<1x16xf32>
      tpu.vector_store %arg8[%swap3A_85, %swap3A_86], %swap3A_89 {strides = array<i32>} : memref<128x128xf32, #tpu.memory_space<vmem>>, vector<1x16xf32>,
      %swap3A_90 = arith.index_cast %scan3A_64 : i32 to index
      %swap3A_91 = arith.constant 80 : index
      %swap3A_92 = tpu.vector_load %arg8[%swap3A_90, %swap3A_91] {strides = array<i32>} : memref<128x128xf32, #tpu.memory_space<vmem>>, vector<1x16xf32>,
      %swap3A_93 = vector.shape_cast %swap3A_92 : vector<1x16xf32> to vector<16xf32>
      %swap3A_94 = vector.shape_cast %broadcast_in_dim3A_1 : vector<16xf32> to vector<1x16xf32>
      tpu.vector_store %arg8[%swap3A_90, %swap3A_91], %swap3A_94 {strides = array<i32>} : memref<128x128xf32, #tpu.memory_space<vmem>>, vector<1x16xf32>,
      %swap3A_95 = arith.index_cast %scan3A_64 : i32 to index
      %swap3A_96 = arith.constant 96 : index
      %swap3A_97 = tpu.vector_load %arg8[%swap3A_95, %swap3A_96] {strides = array<i32>} : memref<128x128xf32, #tpu.memory_space<vmem>>, vector<1x16xf32>,
      %swap3A_98 = vector.shape_cast %swap3A_97 : vector<1x16xf32> to vector<16xf32>
      %swap3A_99 = vector.shape_cast %broadcast_in_dim3A_1 : vector<16xf32> to vector<1x16xf32>
      tpu.vector_store %arg8[%swap3A_95, %swap3A_96], %swap3A_99 {strides = array<i32>} : memref<128x128xf32, #tpu.memory_space<vmem>>, vector<1x16xf32>,
      %swap3A_100 = arith.index_cast %scan3A_64 : i32 to index
      %swap3A_101 = arith.constant 112 : index
      %swap3A_102 = tpu.vector_load %arg8[%swap3A_100, %swap3A_101] {strides = array<i32>} : memref<128x128xf32, #tpu.memory_space<vmem>>, vector<1x16xf32>,
      %swap3A_103 = vector.shape_cast %swap3A_102 : vector<1x16xf32> to vector<16xf32>
      %swap3A_104 = vector.shape_cast %broadcast_in_dim3A_1 : vector<16xf32> to vector<1x16xf32>
      tpu.vector_store %arg8[%swap3A_100, %swap3A_101], %swap3A_104 {strides = array<i32>} : memref<128x128xf32, #tpu.memory_space<vmem>>, vector<1x16xf32>,
      %scan3A_105 = arith.constant 0 : i32
      scf.yield %scan3A_105 : i32
    }
    %scan3A_7 = arith.constant 128 : i32
    %mul3A_8 = arith.constant 640 : i32
    %mul3A_9 = arith.muli %arg1, %mul3A_8 : i32
    %add3A_10 = arith.constant 0 : i32
    %add3A_11 = arith.addi %mul3A_9, %add3A_10 : i32
    "tpu.region"() ({
      %run_scoped3A_64 = tpu.sem_alloc : memref<!tpu.dma_semaphore, #tpu.memory_space<semaphore_mem>>
      %dma_start3A = arith.constant 0 : i32
      %dma_start3A_65 = tpu.memref_slice %arg10[%add3A_11, %dma_start3A] : memref<10240x128xf32, #tpu.memory_space<vmem_shared>> -> memref<128x128xf32, #tpu.memory_space<vmem_shared>>
      %dma_start3A_66 = arith.constant 0 : i32
      %dma_start3A_67 = tpu.memref_slice %arg10[%add3A_11, %dma_start3A_66] : memref<10240x128xf32, #tpu.memory_space<vmem_shared>> -> memref<128x128xf32, #tpu.memory_space<vmem_shared>>
      tpu.enqueue_dma source(%arg8 : memref<128x128xf32, #tpu.memory_space<vmem>>) target(%dma_start3A_67 : memref<128x128xf32, #tpu.memory_space<vmem_shared>>) target_semaphore(%run_scoped3A_64 : memref<!tpu.dma_semaphore, #tpu.memory_space<semaphore_mem>>)
      %dma_wait3A = arith.constant 0 : i32
      %dma_wait3A_68 = tpu.memref_slice %arg10[%add3A_11, %dma_wait3A] : memref<10240x128xf32, #tpu.memory_space<vmem_shared>> -> memref<128x128xf32, #tpu.memory_space<vmem_shared>>
      %dma_wait3A_69 = arith.constant 0 : i32
      %dma_wait3A_70 = tpu.memref_slice %arg10[%add3A_11, %dma_wait3A_69] : memref<10240x128xf32, #tpu.memory_space<vmem_shared>> -> memref<128x128xf32, #tpu.memory_space<vmem_shared>>
      tpu.wait_dma2 semaphore(%run_scoped3A_64 : memref<!tpu.dma_semaphore, #tpu.memory_space<semaphore_mem>>) src(%arg8 : memref<128x128xf32, #tpu.memory_space<vmem>>) dst(%dma_wait3A_70 : memref<128x128xf32, #tpu.memory_space<vmem_shared>>)
      tpu.yield
    }) : () -> ()
    %add3A_12 = arith.constant 128 : i32
    %add3A_13 = arith.addi %mul3A_9, %add3A_12 : i32
    "tpu.region"() ({
      %run_scoped3A_64 = tpu.sem_alloc : memref<!tpu.dma_semaphore, #tpu.memory_space<semaphore_mem>>
      %dma_start3A = arith.constant 0 : i32
      %dma_start3A_65 = tpu.memref_slice %arg10[%add3A_13, %dma_start3A] : memref<10240x128xf32, #tpu.memory_space<vmem_shared>> -> memref<128x128xf32, #tpu.memory_space<vmem_shared>>
      %dma_start3A_66 = arith.constant 0 : i32
      %dma_start3A_67 = tpu.memref_slice %arg10[%add3A_13, %dma_start3A_66] : memref<10240x128xf32, #tpu.memory_space<vmem_shared>> -> memref<128x128xf32, #tpu.memory_space<vmem_shared>>
      tpu.enqueue_dma source(%arg8 : memref<128x128xf32, #tpu.memory_space<vmem>>) target(%dma_start3A_67 : memref<128x128xf32, #tpu.memory_space<vmem_shared>>) target_semaphore(%run_scoped3A_64 : memref<!tpu.dma_semaphore, #tpu.memory_space<semaphore_mem>>)
      %dma_wait3A = arith.constant 0 : i32
      %dma_wait3A_68 = tpu.memref_slice %arg10[%add3A_13, %dma_wait3A] : memref<10240x128xf32, #tpu.memory_space<vmem_shared>> -> memref<128x128xf32, #tpu.memory_space<vmem_shared>>
      %dma_wait3A_69 = arith.constant 0 : i32
      %dma_wait3A_70 = tpu.memref_slice %arg10[%add3A_13, %dma_wait3A_69] : memref<10240x128xf32, #tpu.memory_space<vmem_shared>> -> memref<128x128xf32, #tpu.memory_space<vmem_shared>>
      tpu.wait_dma2 semaphore(%run_scoped3A_64 : memref<!tpu.dma_semaphore, #tpu.memory_space<semaphore_mem>>) src(%arg8 : memref<128x128xf32, #tpu.memory_space<vmem>>) dst(%dma_wait3A_70 : memref<128x128xf32, #tpu.memory_space<vmem_shared>>)
      tpu.yield
    }) : () -> ()
    %add3A_14 = arith.constant 256 : i32
    %add3A_15 = arith.addi %mul3A_9, %add3A_14 : i32
    "tpu.region"() ({
      %run_scoped3A_64 = tpu.sem_alloc : memref<!tpu.dma_semaphore, #tpu.memory_space<semaphore_mem>>
      %dma_start3A = arith.constant 0 : i32
      %dma_start3A_65 = tpu.memref_slice %arg10[%add3A_15, %dma_start3A] : memref<10240x128xf32, #tpu.memory_space<vmem_shared>> -> memref<128x128xf32, #tpu.memory_space<vmem_shared>>
      %dma_start3A_66 = arith.constant 0 : i32
      %dma_start3A_67 = tpu.memref_slice %arg10[%add3A_15, %dma_start3A_66] : memref<10240x128xf32, #tpu.memory_space<vmem_shared>> -> memref<128x128xf32, #tpu.memory_space<vmem_shared>>
      tpu.enqueue_dma source(%arg8 : memref<128x128xf32, #tpu.memory_space<vmem>>) target(%dma_start3A_67 : memref<128x128xf32, #tpu.memory_space<vmem_shared>>) target_semaphore(%run_scoped3A_64 : memref<!tpu.dma_semaphore, #tpu.memory_space<semaphore_mem>>)
      %dma_wait3A = arith.constant 0 : i32
      %dma_wait3A_68 = tpu.memref_slice %arg10[%add3A_15, %dma_wait3A] : memref<10240x128xf32, #tpu.memory_space<vmem_shared>> -> memref<128x128xf32, #tpu.memory_space<vmem_shared>>
      %dma_wait3A_69 = arith.constant 0 : i32
      %dma_wait3A_70 = tpu.memref_slice %arg10[%add3A_15, %dma_wait3A_69] : memref<10240x128xf32, #tpu.memory_space<vmem_shared>> -> memref<128x128xf32, #tpu.memory_space<vmem_shared>>
      tpu.wait_dma2 semaphore(%run_scoped3A_64 : memref<!tpu.dma_semaphore, #tpu.memory_space<semaphore_mem>>) src(%arg8 : memref<128x128xf32, #tpu.memory_space<vmem>>) dst(%dma_wait3A_70 : memref<128x128xf32, #tpu.memory_space<vmem_shared>>)
      tpu.yield
    }) : () -> ()
    %add3A_16 = arith.constant 384 : i32
    %add3A_17 = arith.addi %mul3A_9, %add3A_16 : i32
    "tpu.region"() ({
      %run_scoped3A_64 = tpu.sem_alloc : memref<!tpu.dma_semaphore, #tpu.memory_space<semaphore_mem>>
      %dma_start3A = arith.constant 0 : i32
      %dma_start3A_65 = tpu.memref_slice %arg10[%add3A_17, %dma_start3A] : memref<10240x128xf32, #tpu.memory_space<vmem_shared>> -> memref<128x128xf32, #tpu.memory_space<vmem_shared>>
      %dma_start3A_66 = arith.constant 0 : i32
      %dma_start3A_67 = tpu.memref_slice %arg10[%add3A_17, %dma_start3A_66] : memref<10240x128xf32, #tpu.memory_space<vmem_shared>> -> memref<128x128xf32, #tpu.memory_space<vmem_shared>>
      tpu.enqueue_dma source(%arg8 : memref<128x128xf32, #tpu.memory_space<vmem>>) target(%dma_start3A_67 : memref<128x128xf32, #tpu.memory_space<vmem_shared>>) target_semaphore(%run_scoped3A_64 : memref<!tpu.dma_semaphore, #tpu.memory_space<semaphore_mem>>)
      %dma_wait3A = arith.constant 0 : i32
      %dma_wait3A_68 = tpu.memref_slice %arg10[%add3A_17, %dma_wait3A] : memref<10240x128xf32, #tpu.memory_space<vmem_shared>> -> memref<128x128xf32, #tpu.memory_space<vmem_shared>>
      %dma_wait3A_69 = arith.constant 0 : i32
      %dma_wait3A_70 = tpu.memref_slice %arg10[%add3A_17, %dma_wait3A_69] : memref<10240x128xf32, #tpu.memory_space<vmem_shared>> -> memref<128x128xf32, #tpu.memory_space<vmem_shared>>
      tpu.wait_dma2 semaphore(%run_scoped3A_64 : memref<!tpu.dma_semaphore, #tpu.memory_space<semaphore_mem>>) src(%arg8 : memref<128x128xf32, #tpu.memory_space<vmem>>) dst(%dma_wait3A_70 : memref<128x128xf32, #tpu.memory_space<vmem_shared>>)
      tpu.yield
    }) : () -> ()
    %add3A_18 = arith.constant 512 : i32
    %add3A_19 = arith.addi %mul3A_9, %add3A_18 : i32
    "tpu.region"() ({
      %run_scoped3A_64 = tpu.sem_alloc : memref<!tpu.dma_semaphore, #tpu.memory_space<semaphore_mem>>
      %dma_start3A = arith.constant 0 : i32
      %dma_start3A_65 = tpu.memref_slice %arg10[%add3A_19, %dma_start3A] : memref<10240x128xf32, #tpu.memory_space<vmem_shared>> -> memref<128x128xf32, #tpu.memory_space<vmem_shared>>
      %dma_start3A_66 = arith.constant 0 : i32
      %dma_start3A_67 = tpu.memref_slice %arg10[%add3A_19, %dma_start3A_66] : memref<10240x128xf32, #tpu.memory_space<vmem_shared>> -> memref<128x128xf32, #tpu.memory_space<vmem_shared>>
      tpu.enqueue_dma source(%arg8 : memref<128x128xf32, #tpu.memory_space<vmem>>) target(%dma_start3A_67 : memref<128x128xf32, #tpu.memory_space<vmem_shared>>) target_semaphore(%run_scoped3A_64 : memref<!tpu.dma_semaphore, #tpu.memory_space<semaphore_mem>>)
      %dma_wait3A = arith.constant 0 : i32
      %dma_wait3A_68 = tpu.memref_slice %arg10[%add3A_19, %dma_wait3A] : memref<10240x128xf32, #tpu.memory_space<vmem_shared>> -> memref<128x128xf32, #tpu.memory_space<vmem_shared>>
      %dma_wait3A_69 = arith.constant 0 : i32
      %dma_wait3A_70 = tpu.memref_slice %arg10[%add3A_19, %dma_wait3A_69] : memref<10240x128xf32, #tpu.memory_space<vmem_shared>> -> memref<128x128xf32, #tpu.memory_space<vmem_shared>>
      tpu.wait_dma2 semaphore(%run_scoped3A_64 : memref<!tpu.dma_semaphore, #tpu.memory_space<semaphore_mem>>) src(%arg8 : memref<128x128xf32, #tpu.memory_space<vmem>>) dst(%dma_wait3A_70 : memref<128x128xf32, #tpu.memory_space<vmem_shared>>)
      tpu.yield
    }) : () -> ()
    %run_scoped3A = arith.constant 0 : i32
    "tpu.region"() ({
      %run_scoped3A_64 = tpu.sem_alloc : memref<!tpu.dma_semaphore, #tpu.memory_space<semaphore_mem>>
      %dma_start3A = arith.constant 0 : i32
      %dma_start3A_65 = arith.constant 0 : i32
      %dma_start3A_66 = tpu.memref_slice %arg6[%run_scoped3A, %dma_start3A, %dma_start3A_65] : memref<2x8x128xi32, #tpu.memory_space<vmem>> -> memref<1x8x128xi32, #tpu.memory_space<vmem>>
      %dma_start3A_67 = tpu.memref_squeeze %dma_start3A_66 : memref<1x8x128xi32, #tpu.memory_space<vmem>> -> memref<8x128xi32, #tpu.memory_space<vmem>>
      %dma_start3A_68 = arith.constant 0 : i32
      %dma_start3A_69 = arith.constant 0 : i32
      %dma_start3A_70 = tpu.memref_slice %arg3[%add3A, %dma_start3A_68, %dma_start3A_69] : memref<32x80x128xi32, #tpu.memory_space<hbm>> -> memref<1x8x128xi32, #tpu.memory_space<hbm>>
      %dma_start3A_71 = tpu.memref_squeeze %dma_start3A_70 : memref<1x8x128xi32, #tpu.memory_space<hbm>> -> memref<8x128xi32, #tpu.memory_space<hbm>>
      %dma_start3A_72 = arith.constant 0 : i32
      %dma_start3A_73 = arith.constant 0 : i32
      %dma_start3A_74 = tpu.memref_slice %arg6[%run_scoped3A, %dma_start3A_72, %dma_start3A_73] : memref<2x8x128xi32, #tpu.memory_space<vmem>> -> memref<1x8x128xi32, #tpu.memory_space<vmem>>
      %dma_start3A_75 = tpu.memref_squeeze %dma_start3A_74 : memref<1x8x128xi32, #tpu.memory_space<vmem>> -> memref<8x128xi32, #tpu.memory_space<vmem>>
      %dma_start3A_76 = arith.constant 0 : i32
      %dma_start3A_77 = arith.constant 0 : i32
      %dma_start3A_78 = tpu.memref_slice %arg3[%add3A, %dma_start3A_76, %dma_start3A_77] : memref<32x80x128xi32, #tpu.memory_space<hbm>> -> memref<1x8x128xi32, #tpu.memory_space<hbm>>
      %dma_start3A_79 = tpu.memref_squeeze %dma_start3A_78 : memref<1x8x128xi32, #tpu.memory_space<hbm>> -> memref<8x128xi32, #tpu.memory_space<hbm>>
      tpu.enqueue_dma source(%dma_start3A_79 : memref<8x128xi32, #tpu.memory_space<hbm>>) target(%dma_start3A_75 : memref<8x128xi32, #tpu.memory_space<vmem>>) target_semaphore(%run_scoped3A_64 : memref<!tpu.dma_semaphore, #tpu.memory_space<semaphore_mem>>)
      %dma_wait3A = arith.constant 0 : i32
      %dma_wait3A_80 = arith.constant 0 : i32
      %dma_wait3A_81 = tpu.memref_slice %arg6[%run_scoped3A, %dma_wait3A, %dma_wait3A_80] : memref<2x8x128xi32, #tpu.memory_space<vmem>> -> memref<1x8x128xi32, #tpu.memory_space<vmem>>
      %dma_wait3A_82 = tpu.memref_squeeze %dma_wait3A_81 : memref<1x8x128xi32, #tpu.memory_space<vmem>> -> memref<8x128xi32, #tpu.memory_space<vmem>>
      %dma_wait3A_83 = arith.constant 0 : i32
      %dma_wait3A_84 = arith.constant 0 : i32
      %dma_wait3A_85 = tpu.memref_slice %arg3[%add3A, %dma_wait3A_83, %dma_wait3A_84] : memref<32x80x128xi32, #tpu.memory_space<hbm>> -> memref<1x8x128xi32, #tpu.memory_space<hbm>>
      %dma_wait3A_86 = tpu.memref_squeeze %dma_wait3A_85 : memref<1x8x128xi32, #tpu.memory_space<hbm>> -> memref<8x128xi32, #tpu.memory_space<hbm>>
      %dma_wait3A_87 = arith.constant 0 : i32
      %dma_wait3A_88 = arith.constant 0 : i32
      %dma_wait3A_89 = tpu.memref_slice %arg6[%run_scoped3A, %dma_wait3A_87, %dma_wait3A_88] : memref<2x8x128xi32, #tpu.memory_space<vmem>> -> memref<1x8x128xi32, #tpu.memory_space<vmem>>
      %dma_wait3A_90 = tpu.memref_squeeze %dma_wait3A_89 : memref<1x8x128xi32, #tpu.memory_space<vmem>> -> memref<8x128xi32, #tpu.memory_space<vmem>>
      %dma_wait3A_91 = arith.constant 0 : i32
      %dma_wait3A_92 = arith.constant 0 : i32
      %dma_wait3A_93 = tpu.memref_slice %arg3[%add3A, %dma_wait3A_91, %dma_wait3A_92] : memref<32x80x128xi32, #tpu.memory_space<hbm>> -> memref<1x8x128xi32, #tpu.memory_space<hbm>>
      %dma_wait3A_94 = tpu.memref_squeeze %dma_wait3A_93 : memref<1x8x128xi32, #tpu.memory_space<hbm>> -> memref<8x128xi32, #tpu.memory_space<hbm>>
      tpu.wait_dma2 semaphore(%run_scoped3A_64 : memref<!tpu.dma_semaphore, #tpu.memory_space<semaphore_mem>>) src(%dma_wait3A_94 : memref<8x128xi32, #tpu.memory_space<hbm>>) dst(%dma_wait3A_90 : memref<8x128xi32, #tpu.memory_space<vmem>>)
      tpu.yield
    }) : () -> ()
    %run_scoped3A_20 = arith.constant 0 : i32
    "tpu.region"() ({
      %run_scoped3A_64 = tpu.sem_alloc : memref<!tpu.dma_semaphore, #tpu.memory_space<semaphore_mem>>
      %dma_start3A = arith.constant 0 : i32
      %dma_start3A_65 = arith.constant 0 : i32
      %dma_start3A_66 = tpu.memref_slice %arg7[%run_scoped3A_20, %dma_start3A, %dma_start3A_65] : memref<2x8x128xi32, #tpu.memory_space<vmem>> -> memref<1x8x128xi32, #tpu.memory_space<vmem>>
      %dma_start3A_67 = tpu.memref_squeeze %dma_start3A_66 : memref<1x8x128xi32, #tpu.memory_space<vmem>> -> memref<8x128xi32, #tpu.memory_space<vmem>>
      %dma_start3A_68 = arith.constant 0 : i32
      %dma_start3A_69 = arith.constant 0 : i32
      %dma_start3A_70 = tpu.memref_slice %arg4[%add3A, %dma_start3A_68, %dma_start3A_69] : memref<32x80x128xi32, #tpu.memory_space<hbm>> -> memref<1x8x128xi32, #tpu.memory_space<hbm>>
      %dma_start3A_71 = tpu.memref_squeeze %dma_start3A_70 : memref<1x8x128xi32, #tpu.memory_space<hbm>> -> memref<8x128xi32, #tpu.memory_space<hbm>>
      %dma_start3A_72 = arith.constant 0 : i32
      %dma_start3A_73 = arith.constant 0 : i32
      %dma_start3A_74 = tpu.memref_slice %arg7[%run_scoped3A_20, %dma_start3A_72, %dma_start3A_73] : memref<2x8x128xi32, #tpu.memory_space<vmem>> -> memref<1x8x128xi32, #tpu.memory_space<vmem>>
      %dma_start3A_75 = tpu.memref_squeeze %dma_start3A_74 : memref<1x8x128xi32, #tpu.memory_space<vmem>> -> memref<8x128xi32, #tpu.memory_space<vmem>>
      %dma_start3A_76 = arith.constant 0 : i32
      %dma_start3A_77 = arith.constant 0 : i32
      %dma_start3A_78 = tpu.memref_slice %arg4[%add3A, %dma_start3A_76, %dma_start3A_77] : memref<32x80x128xi32, #tpu.memory_space<hbm>> -> memref<1x8x128xi32, #tpu.memory_space<hbm>>
      %dma_start3A_79 = tpu.memref_squeeze %dma_start3A_78 : memref<1x8x128xi32, #tpu.memory_space<hbm>> -> memref<8x128xi32, #tpu.memory_space<hbm>>
      tpu.enqueue_dma source(%dma_start3A_79 : memref<8x128xi32, #tpu.memory_space<hbm>>) target(%dma_start3A_75 : memref<8x128xi32, #tpu.memory_space<vmem>>) target_semaphore(%run_scoped3A_64 : memref<!tpu.dma_semaphore, #tpu.memory_space<semaphore_mem>>)
      %dma_wait3A = arith.constant 0 : i32
      %dma_wait3A_80 = arith.constant 0 : i32
      %dma_wait3A_81 = tpu.memref_slice %arg7[%run_scoped3A_20, %dma_wait3A, %dma_wait3A_80] : memref<2x8x128xi32, #tpu.memory_space<vmem>> -> memref<1x8x128xi32, #tpu.memory_space<vmem>>
      %dma_wait3A_82 = tpu.memref_squeeze %dma_wait3A_81 : memref<1x8x128xi32, #tpu.memory_space<vmem>> -> memref<8x128xi32, #tpu.memory_space<vmem>>
      %dma_wait3A_83 = arith.constant 0 : i32
      %dma_wait3A_84 = arith.constant 0 : i32
      %dma_wait3A_85 = tpu.memref_slice %arg4[%add3A, %dma_wait3A_83, %dma_wait3A_84] : memref<32x80x128xi32, #tpu.memory_space<hbm>> -> memref<1x8x128xi32, #tpu.memory_space<hbm>>
      %dma_wait3A_86 = tpu.memref_squeeze %dma_wait3A_85 : memref<1x8x128xi32, #tpu.memory_space<hbm>> -> memref<8x128xi32, #tpu.memory_space<hbm>>
      %dma_wait3A_87 = arith.constant 0 : i32
      %dma_wait3A_88 = arith.constant 0 : i32
      %dma_wait3A_89 = tpu.memref_slice %arg7[%run_scoped3A_20, %dma_wait3A_87, %dma_wait3A_88] : memref<2x8x128xi32, #tpu.memory_space<vmem>> -> memref<1x8x128xi32, #tpu.memory_space<vmem>>
      %dma_wait3A_90 = tpu.memref_squeeze %dma_wait3A_89 : memref<1x8x128xi32, #tpu.memory_space<vmem>> -> memref<8x128xi32, #tpu.memory_space<vmem>>
      %dma_wait3A_91 = arith.constant 0 : i32
      %dma_wait3A_92 = arith.constant 0 : i32
      %dma_wait3A_93 = tpu.memref_slice %arg4[%add3A, %dma_wait3A_91, %dma_wait3A_92] : memref<32x80x128xi32, #tpu.memory_space<hbm>> -> memref<1x8x128xi32, #tpu.memory_space<hbm>>
      %dma_wait3A_94 = tpu.memref_squeeze %dma_wait3A_93 : memref<1x8x128xi32, #tpu.memory_space<hbm>> -> memref<8x128xi32, #tpu.memory_space<hbm>>
      tpu.wait_dma2 semaphore(%run_scoped3A_64 : memref<!tpu.dma_semaphore, #tpu.memory_space<semaphore_mem>>) src(%dma_wait3A_94 : memref<8x128xi32, #tpu.memory_space<hbm>>) dst(%dma_wait3A_90 : memref<8x128xi32, #tpu.memory_space<vmem>>)
      tpu.yield
    }) : () -> ()
    %barrier3A = arith.constant 0 : index
    tpu.barrier barrier_id(%barrier3A)
    %scan3A_21 = arith.constant 0 : i32
    %scan3A_22 = arith.constant 0 : i32
    %scan3A_23 = arith.constant 40 : i32
    %scan3A_24 = arith.addi %scan3A_22, %scan3A_23 : i32
    %scan3A_25 = arith.constant 1 : i32
    %scan3A_26 = scf.for %scan3A_64 = %scan3A_22 to %scan3A_24 step %scan3A_25 iter_args(%scan3A_65 = %scan3A_21) -> (i32)  : i32 {
      %jit3A = arith.constant 4 : i32
      %div3A = arith.divsi %scan3A_64, %jit3A : i32
      %sign3A = arith.constant 0 : i32
      %sign3A_66 = arith.cmpi sgt, %scan3A_64, %sign3A : i32
      %sign3A_67 = arith.extui %sign3A_66 : i1 to i32
      %sign3A_68 = arith.constant 0 : i32
      %sign3A_69 = arith.cmpi slt, %scan3A_64, %sign3A_68 : i32
      %sign3A_70 = arith.extui %sign3A_69 : i1 to i32
      %sign3A_71 = arith.subi %sign3A_67, %sign3A_70 : i32
      %sign3A_72 = arith.constant 0 : i32
      %sign3A_73 = arith.cmpi sgt, %jit3A, %sign3A_72 : i32
      %sign3A_74 = arith.extui %sign3A_73 : i1 to i32
      %sign3A_75 = arith.constant 0 : i32
      %sign3A_76 = arith.cmpi slt, %jit3A, %sign3A_75 : i32
      %sign3A_77 = arith.extui %sign3A_76 : i1 to i32
      %sign3A_78 = arith.subi %sign3A_74, %sign3A_77 : i32
      %ne3A = arith.cmpi ne, %sign3A_71, %sign3A_78 : i32
      %rem3A = arith.remsi %scan3A_64, %jit3A : i32
      %ne3A_79 = arith.constant 0 : i32
      %ne3A_80 = arith.cmpi ne, %rem3A, %ne3A_79 : i32
      %and3A = arith.andi %ne3A, %ne3A_80 : i1
      %sub3A = arith.constant 1 : i32
      %sub3A_81 = arith.subi %div3A, %sub3A : i32
      %select_n3A = arith.select %and3A, %sub3A_81, %div3A : i32
      %rem3A_82 = arith.constant 4 : i32
      %rem3A_83 = arith.remsi %scan3A_64, %rem3A_82 : i32
      %rem3A_84 = arith.constant 2 : i32
      %rem3A_85 = arith.remsi %select_n3A, %rem3A_84 : i32
      %mul3A_86 = arith.constant 2 : i32
      %mul3A_87 = arith.muli %mul3A_86, %rem3A_83 : i32
      %dma_start3A = arith.constant 0 : i32
      %dma_start3A_88 = tpu.memref_slice %arg6[%rem3A_85, %mul3A_87, %dma_start3A] : memref<2x8x128xi32, #tpu.memory_space<vmem>> -> memref<1x1x128xi32, #tpu.memory_space<vmem>>
      %dma_start3A_89 = tpu.memref_squeeze %dma_start3A_88 : memref<1x1x128xi32, #tpu.memory_space<vmem>> -> memref<128xi32, #tpu.memory_space<vmem>>
      %dma_start3A_90 = arith.constant 0 : i32
      %dma_start3A_91 = arith.constant 0 : i32
      %dma_start3A_92 = tpu.memref_slice %arg2[%dma_start3A_90, %dma_start3A_91] : memref<10240x128xf32, #tpu.memory_space<hbm>> -> memref<10240x128xf32, #tpu.memory_space<hbm>>
      tpu.enqueue_indirect_dma source(%dma_start3A_92 : memref<10240x128xf32, #tpu.memory_space<hbm>>) target(%arg8 : memref<128x128xf32, #tpu.memory_space<vmem>>) offsets(%dma_start3A_89 : memref<128xi32, #tpu.memory_space<vmem>>) semaphore(%arg11 : memref<!tpu.dma_semaphore, #tpu.memory_space<semaphore_mem>>)
      %add3A_93 = arith.constant 1 : i32
      %add3A_94 = arith.addi %mul3A_87, %add3A_93 : i32
      %dma_start3A_95 = arith.constant 0 : i32
      %dma_start3A_96 = tpu.memref_slice %arg6[%rem3A_85, %add3A_94, %dma_start3A_95] : memref<2x8x128xi32, #tpu.memory_space<vmem>> -> memref<1x1x128xi32, #tpu.memory_space<vmem>>
      %dma_start3A_97 = tpu.memref_squeeze %dma_start3A_96 : memref<1x1x128xi32, #tpu.memory_space<vmem>> -> memref<128xi32, #tpu.memory_space<vmem>>
      %dma_start3A_98 = arith.constant 0 : i32
      %dma_start3A_99 = arith.constant 0 : i32
      %dma_start3A_100 = tpu.memref_slice %arg2[%dma_start3A_98, %dma_start3A_99] : memref<10240x128xf32, #tpu.memory_space<hbm>> -> memref<10240x128xf32, #tpu.memory_space<hbm>>
      tpu.enqueue_indirect_dma source(%dma_start3A_100 : memref<10240x128xf32, #tpu.memory_space<hbm>>) target(%arg9 : memref<128x128xf32, #tpu.memory_space<vmem>>) offsets(%dma_start3A_97 : memref<128xi32, #tpu.memory_space<vmem>>) semaphore(%arg12 : memref<!tpu.dma_semaphore, #tpu.memory_space<semaphore_mem>>)
      %eq3A = arith.constant 0 : i32
      %eq3A_101 = arith.cmpi eq, %rem3A_83, %eq3A : i32
      %add3A_102 = arith.constant 1 : i32
      %add3A_103 = arith.addi %select_n3A, %add3A_102 : i32
      %lt3A = arith.constant 10 : i32
      %lt3A_104 = arith.cmpi slt, %add3A_103, %lt3A : i32
      %and3A_105 = arith.andi %eq3A_101, %lt3A_104 : i1
      %convert_element_type3A = arith.extui %and3A_105 : i1 to i32
      %cond3A = arith.constant 0 : i32
      %cond3A_106 = arith.cmpi ne, %convert_element_type3A, %cond3A : i32
      scf.if %cond3A_106 {
        %add3A_123 = arith.constant 1 : i32
        %add3A_124 = arith.addi %select_n3A, %add3A_123 : i32
        %rem3A_125 = arith.constant 2 : i32
        %rem3A_126 = arith.remsi %add3A_124, %rem3A_125 : i32
        %add3A_127 = arith.constant 1 : i32
        %add3A_128 = arith.addi %select_n3A, %add3A_127 : i32
        %mul3A_129 = arith.constant 8 : i32
        %mul3A_130 = arith.muli %add3A_128, %mul3A_129 : i32
        "tpu.region"() ({
          %run_scoped3A_135 = tpu.sem_alloc : memref<!tpu.dma_semaphore, #tpu.memory_space<semaphore_mem>>
          %dma_start3A_136 = arith.constant 0 : i32
          %dma_start3A_137 = arith.constant 0 : i32
          %dma_start3A_138 = tpu.memref_slice %arg6[%rem3A_126, %dma_start3A_136, %dma_start3A_137] : memref<2x8x128xi32, #tpu.memory_space<vmem>> -> memref<1x8x128xi32, #tpu.memory_space<vmem>>
          %dma_start3A_139 = tpu.memref_squeeze %dma_start3A_138 : memref<1x8x128xi32, #tpu.memory_space<vmem>> -> memref<8x128xi32, #tpu.memory_space<vmem>>
          %dma_start3A_140 = arith.constant 0 : i32
          %dma_start3A_141 = tpu.memref_slice %arg3[%add3A, %mul3A_130, %dma_start3A_140] : memref<32x80x128xi32, #tpu.memory_space<hbm>> -> memref<1x8x128xi32, #tpu.memory_space<hbm>>
          %dma_start3A_142 = tpu.memref_squeeze %dma_start3A_141 : memref<1x8x128xi32, #tpu.memory_space<hbm>> -> memref<8x128xi32, #tpu.memory_space<hbm>>
          %dma_start3A_143 = arith.constant 0 : i32
          %dma_start3A_144 = arith.constant 0 : i32
          %dma_start3A_145 = tpu.memref_slice %arg6[%rem3A_126, %dma_start3A_143, %dma_start3A_144] : memref<2x8x128xi32, #tpu.memory_space<vmem>> -> memref<1x8x128xi32, #tpu.memory_space<vmem>>
          %dma_start3A_146 = tpu.memref_squeeze %dma_start3A_145 : memref<1x8x128xi32, #tpu.memory_space<vmem>> -> memref<8x128xi32, #tpu.memory_space<vmem>>
          %dma_start3A_147 = arith.constant 0 : i32
          %dma_start3A_148 = tpu.memref_slice %arg3[%add3A, %mul3A_130, %dma_start3A_147] : memref<32x80x128xi32, #tpu.memory_space<hbm>> -> memref<1x8x128xi32, #tpu.memory_space<hbm>>
          %dma_start3A_149 = tpu.memref_squeeze %dma_start3A_148 : memref<1x8x128xi32, #tpu.memory_space<hbm>> -> memref<8x128xi32, #tpu.memory_space<hbm>>
          tpu.enqueue_dma source(%dma_start3A_149 : memref<8x128xi32, #tpu.memory_space<hbm>>) target(%dma_start3A_146 : memref<8x128xi32, #tpu.memory_space<vmem>>) target_semaphore(%run_scoped3A_135 : memref<!tpu.dma_semaphore, #tpu.memory_space<semaphore_mem>>)
          %dma_wait3A_150 = arith.constant 0 : i32
          %dma_wait3A_151 = arith.constant 0 : i32
          %dma_wait3A_152 = tpu.memref_slice %arg6[%rem3A_126, %dma_wait3A_150, %dma_wait3A_151] : memref<2x8x128xi32, #tpu.memory_space<vmem>> -> memref<1x8x128xi32, #tpu.memory_space<vmem>>
          %dma_wait3A_153 = tpu.memref_squeeze %dma_wait3A_152 : memref<1x8x128xi32, #tpu.memory_space<vmem>> -> memref<8x128xi32, #tpu.memory_space<vmem>>
          %dma_wait3A_154 = arith.constant 0 : i32
          %dma_wait3A_155 = tpu.memref_slice %arg3[%add3A, %mul3A_130, %dma_wait3A_154] : memref<32x80x128xi32, #tpu.memory_space<hbm>> -> memref<1x8x128xi32, #tpu.memory_space<hbm>>
          %dma_wait3A_156 = tpu.memref_squeeze %dma_wait3A_155 : memref<1x8x128xi32, #tpu.memory_space<hbm>> -> memref<8x128xi32, #tpu.memory_space<hbm>>
          %dma_wait3A_157 = arith.constant 0 : i32
          %dma_wait3A_158 = arith.constant 0 : i32
          %dma_wait3A_159 = tpu.memref_slice %arg6[%rem3A_126, %dma_wait3A_157, %dma_wait3A_158] : memref<2x8x128xi32, #tpu.memory_space<vmem>> -> memref<1x8x128xi32, #tpu.memory_space<vmem>>
          %dma_wait3A_160 = tpu.memref_squeeze %dma_wait3A_159 : memref<1x8x128xi32, #tpu.memory_space<vmem>> -> memref<8x128xi32, #tpu.memory_space<vmem>>
          %dma_wait3A_161 = arith.constant 0 : i32
          %dma_wait3A_162 = tpu.memref_slice %arg3[%add3A, %mul3A_130, %dma_wait3A_161] : memref<32x80x128xi32, #tpu.memory_space<hbm>> -> memref<1x8x128xi32, #tpu.memory_space<hbm>>
          %dma_wait3A_163 = tpu.memref_squeeze %dma_wait3A_162 : memref<1x8x128xi32, #tpu.memory_space<hbm>> -> memref<8x128xi32, #tpu.memory_space<hbm>>
          tpu.wait_dma2 semaphore(%run_scoped3A_135 : memref<!tpu.dma_semaphore, #tpu.memory_space<semaphore_mem>>) src(%dma_wait3A_163 : memref<8x128xi32, #tpu.memory_space<hbm>>) dst(%dma_wait3A_160 : memref<8x128xi32, #tpu.memory_space<vmem>>)
          tpu.yield
        }) : () -> ()
        %add3A_131 = arith.constant 1 : i32
        %add3A_132 = arith.addi %select_n3A, %add3A_131 : i32
        %mul3A_133 = arith.constant 8 : i32
        %mul3A_134 = arith.muli %add3A_132, %mul3A_133 : i32
        "tpu.region"() ({
          %run_scoped3A_135 = tpu.sem_alloc : memref<!tpu.dma_semaphore, #tpu.memory_space<semaphore_mem>>
          %dma_start3A_136 = arith.constant 0 : i32
          %dma_start3A_137 = arith.constant 0 : i32
          %dma_start3A_138 = tpu.memref_slice %arg7[%rem3A_126, %dma_start3A_136, %dma_start3A_137] : memref<2x8x128xi32, #tpu.memory_space<vmem>> -> memref<1x8x128xi32, #tpu.memory_space<vmem>>
          %dma_start3A_139 = tpu.memref_squeeze %dma_start3A_138 : memref<1x8x128xi32, #tpu.memory_space<vmem>> -> memref<8x128xi32, #tpu.memory_space<vmem>>
          %dma_start3A_140 = arith.constant 0 : i32
          %dma_start3A_141 = tpu.memref_slice %arg4[%add3A, %mul3A_134, %dma_start3A_140] : memref<32x80x128xi32, #tpu.memory_space<hbm>> -> memref<1x8x128xi32, #tpu.memory_space<hbm>>
          %dma_start3A_142 = tpu.memref_squeeze %dma_start3A_141 : memref<1x8x128xi32, #tpu.memory_space<hbm>> -> memref<8x128xi32, #tpu.memory_space<hbm>>
          %dma_start3A_143 = arith.constant 0 : i32
          %dma_start3A_144 = arith.constant 0 : i32
          %dma_start3A_145 = tpu.memref_slice %arg7[%rem3A_126, %dma_start3A_143, %dma_start3A_144] : memref<2x8x128xi32, #tpu.memory_space<vmem>> -> memref<1x8x128xi32, #tpu.memory_space<vmem>>
          %dma_start3A_146 = tpu.memref_squeeze %dma_start3A_145 : memref<1x8x128xi32, #tpu.memory_space<vmem>> -> memref<8x128xi32, #tpu.memory_space<vmem>>
          %dma_start3A_147 = arith.constant 0 : i32
          %dma_start3A_148 = tpu.memref_slice %arg4[%add3A, %mul3A_134, %dma_start3A_147] : memref<32x80x128xi32, #tpu.memory_space<hbm>> -> memref<1x8x128xi32, #tpu.memory_space<hbm>>
          %dma_start3A_149 = tpu.memref_squeeze %dma_start3A_148 : memref<1x8x128xi32, #tpu.memory_space<hbm>> -> memref<8x128xi32, #tpu.memory_space<hbm>>
          tpu.enqueue_dma source(%dma_start3A_149 : memref<8x128xi32, #tpu.memory_space<hbm>>) target(%dma_start3A_146 : memref<8x128xi32, #tpu.memory_space<vmem>>) target_semaphore(%run_scoped3A_135 : memref<!tpu.dma_semaphore, #tpu.memory_space<semaphore_mem>>)
          %dma_wait3A_150 = arith.constant 0 : i32
          %dma_wait3A_151 = arith.constant 0 : i32
          %dma_wait3A_152 = tpu.memref_slice %arg7[%rem3A_126, %dma_wait3A_150, %dma_wait3A_151] : memref<2x8x128xi32, #tpu.memory_space<vmem>> -> memref<1x8x128xi32, #tpu.memory_space<vmem>>
          %dma_wait3A_153 = tpu.memref_squeeze %dma_wait3A_152 : memref<1x8x128xi32, #tpu.memory_space<vmem>> -> memref<8x128xi32, #tpu.memory_space<vmem>>
          %dma_wait3A_154 = arith.constant 0 : i32
          %dma_wait3A_155 = tpu.memref_slice %arg4[%add3A, %mul3A_134, %dma_wait3A_154] : memref<32x80x128xi32, #tpu.memory_space<hbm>> -> memref<1x8x128xi32, #tpu.memory_space<hbm>>
          %dma_wait3A_156 = tpu.memref_squeeze %dma_wait3A_155 : memref<1x8x128xi32, #tpu.memory_space<hbm>> -> memref<8x128xi32, #tpu.memory_space<hbm>>
          %dma_wait3A_157 = arith.constant 0 : i32
          %dma_wait3A_158 = arith.constant 0 : i32
          %dma_wait3A_159 = tpu.memref_slice %arg7[%rem3A_126, %dma_wait3A_157, %dma_wait3A_158] : memref<2x8x128xi32, #tpu.memory_space<vmem>> -> memref<1x8x128xi32, #tpu.memory_space<vmem>>
          %dma_wait3A_160 = tpu.memref_squeeze %dma_wait3A_159 : memref<1x8x128xi32, #tpu.memory_space<vmem>> -> memref<8x128xi32, #tpu.memory_space<vmem>>
          %dma_wait3A_161 = arith.constant 0 : i32
          %dma_wait3A_162 = tpu.memref_slice %arg4[%add3A, %mul3A_134, %dma_wait3A_161] : memref<32x80x128xi32, #tpu.memory_space<hbm>> -> memref<1x8x128xi32, #tpu.memory_space<hbm>>
          %dma_wait3A_163 = tpu.memref_squeeze %dma_wait3A_162 : memref<1x8x128xi32, #tpu.memory_space<hbm>> -> memref<8x128xi32, #tpu.memory_space<hbm>>
          tpu.wait_dma2 semaphore(%run_scoped3A_135 : memref<!tpu.dma_semaphore, #tpu.memory_space<semaphore_mem>>) src(%dma_wait3A_163 : memref<8x128xi32, #tpu.memory_space<hbm>>) dst(%dma_wait3A_160 : memref<8x128xi32, #tpu.memory_space<vmem>>)
          tpu.yield
        }) : () -> ()
      } else {
      }
      %dma_wait3A = arith.constant 0 : i32
      %dma_wait3A_107 = tpu.memref_slice %arg6[%rem3A_85, %mul3A_87, %dma_wait3A] : memref<2x8x128xi32, #tpu.memory_space<vmem>> -> memref<1x1x128xi32, #tpu.memory_space<vmem>>
      %dma_wait3A_108 = tpu.memref_squeeze %dma_wait3A_107 : memref<1x1x128xi32, #tpu.memory_space<vmem>> -> memref<128xi32, #tpu.memory_space<vmem>>
      %dma_wait3A_109 = arith.constant 0 : i32
      %dma_wait3A_110 = arith.constant 0 : i32
      %dma_wait3A_111 = tpu.memref_slice %arg2[%dma_wait3A_109, %dma_wait3A_110] : memref<10240x128xf32, #tpu.memory_space<hbm>> -> memref<10240x128xf32, #tpu.memory_space<hbm>>
      tpu.wait_indirect_dma semaphore(%arg11 : memref<!tpu.dma_semaphore, #tpu.memory_space<semaphore_mem>>) src(%dma_wait3A_111 : memref<10240x128xf32, #tpu.memory_space<hbm>>) dst(%arg8 : memref<128x128xf32, #tpu.memory_space<vmem>>)
      "tpu.region"() ({
        %run_scoped3A_123 = tpu.sem_alloc : memref<!tpu.dma_semaphore, #tpu.memory_space<semaphore_mem>>
        %dma_start3A_124 = arith.constant 0 : i32
        %dma_start3A_125 = tpu.memref_slice %arg7[%rem3A_85, %mul3A_87, %dma_start3A_124] : memref<2x8x128xi32, #tpu.memory_space<vmem>> -> memref<1x1x128xi32, #tpu.memory_space<vmem>>
        %dma_start3A_126 = tpu.memref_squeeze %dma_start3A_125 : memref<1x1x128xi32, #tpu.memory_space<vmem>> -> memref<128xi32, #tpu.memory_space<vmem>>
        %dma_start3A_127 = arith.constant 0 : i32
        %dma_start3A_128 = arith.constant 0 : i32
        %dma_start3A_129 = tpu.memref_slice %arg10[%dma_start3A_127, %dma_start3A_128] : memref<10240x128xf32, #tpu.memory_space<vmem_shared>> -> memref<10240x128xf32, #tpu.memory_space<vmem_shared>>
        tpu.enqueue_indirect_dma source(%arg8 : memref<128x128xf32, #tpu.memory_space<vmem>>) target(%dma_start3A_129 : memref<10240x128xf32, #tpu.memory_space<vmem_shared>>) offsets(%dma_start3A_126 : memref<128xi32, #tpu.memory_space<vmem>>) semaphore(%run_scoped3A_123 : memref<!tpu.dma_semaphore, #tpu.memory_space<semaphore_mem>>) {add = true}
        %dma_wait3A_130 = arith.constant 0 : i32
        %dma_wait3A_131 = tpu.memref_slice %arg7[%rem3A_85, %mul3A_87, %dma_wait3A_130] : memref<2x8x128xi32, #tpu.memory_space<vmem>> -> memref<1x1x128xi32, #tpu.memory_space<vmem>>
        %dma_wait3A_132 = tpu.memref_squeeze %dma_wait3A_131 : memref<1x1x128xi32, #tpu.memory_space<vmem>> -> memref<128xi32, #tpu.memory_space<vmem>>
        %dma_wait3A_133 = arith.constant 0 : i32
        %dma_wait3A_134 = arith.constant 0 : i32
        %dma_wait3A_135 = tpu.memref_slice %arg10[%dma_wait3A_133, %dma_wait3A_134] : memref<10240x128xf32, #tpu.memory_space<vmem_shared>> -> memref<10240x128xf32, #tpu.memory_space<vmem_shared>>
        tpu.wait_indirect_dma semaphore(%run_scoped3A_123 : memref<!tpu.dma_semaphore, #tpu.memory_space<semaphore_mem>>) src(%arg8 : memref<128x128xf32, #tpu.memory_space<vmem>>) dst(%dma_wait3A_135 : memref<10240x128xf32, #tpu.memory_space<vmem_shared>>)
        tpu.yield
      }) : () -> ()
      %add3A_112 = arith.constant 1 : i32
      %add3A_113 = arith.addi %mul3A_87, %add3A_112 : i32
      %dma_wait3A_114 = arith.constant 0 : i32
      %dma_wait3A_115 = tpu.memref_slice %arg6[%rem3A_85, %add3A_113, %dma_wait3A_114] : memref<2x8x128xi32, #tpu.memory_space<vmem>> -> memref<1x1x128xi32, #tpu.memory_space<vmem>>
      %dma_wait3A_116 = tpu.memref_squeeze %dma_wait3A_115 : memref<1x1x128xi32, #tpu.memory_space<vmem>> -> memref<128xi32, #tpu.memory_space<vmem>>
      %dma_wait3A_117 = arith.constant 0 : i32
      %dma_wait3A_118 = arith.constant 0 : i32
      %dma_wait3A_119 = tpu.memref_slice %arg2[%dma_wait3A_117, %dma_wait3A_118] : memref<10240x128xf32, #tpu.memory_space<hbm>> -> memref<10240x128xf32, #tpu.memory_space<hbm>>
      tpu.wait_indirect_dma semaphore(%arg12 : memref<!tpu.dma_semaphore, #tpu.memory_space<semaphore_mem>>) src(%dma_wait3A_119 : memref<10240x128xf32, #tpu.memory_space<hbm>>) dst(%arg9 : memref<128x128xf32, #tpu.memory_space<vmem>>)
      %add3A_120 = arith.constant 1 : i32
      %add3A_121 = arith.addi %mul3A_87, %add3A_120 : i32
      "tpu.region"() ({
        %run_scoped3A_123 = tpu.sem_alloc : memref<!tpu.dma_semaphore, #tpu.memory_space<semaphore_mem>>
        %dma_start3A_124 = arith.constant 0 : i32
        %dma_start3A_125 = tpu.memref_slice %arg7[%rem3A_85, %add3A_121, %dma_start3A_124] : memref<2x8x128xi32, #tpu.memory_space<vmem>> -> memref<1x1x128xi32, #tpu.memory_space<vmem>>
        %dma_start3A_126 = tpu.memref_squeeze %dma_start3A_125 : memref<1x1x128xi32, #tpu.memory_space<vmem>> -> memref<128xi32, #tpu.memory_space<vmem>>
        %dma_start3A_127 = arith.constant 0 : i32
        %dma_start3A_128 = arith.constant 0 : i32
        %dma_start3A_129 = tpu.memref_slice %arg10[%dma_start3A_127, %dma_start3A_128] : memref<10240x128xf32, #tpu.memory_space<vmem_shared>> -> memref<10240x128xf32, #tpu.memory_space<vmem_shared>>
        tpu.enqueue_indirect_dma source(%arg9 : memref<128x128xf32, #tpu.memory_space<vmem>>) target(%dma_start3A_129 : memref<10240x128xf32, #tpu.memory_space<vmem_shared>>) offsets(%dma_start3A_126 : memref<128xi32, #tpu.memory_space<vmem>>) semaphore(%run_scoped3A_123 : memref<!tpu.dma_semaphore, #tpu.memory_space<semaphore_mem>>) {add = true}
        %dma_wait3A_130 = arith.constant 0 : i32
        %dma_wait3A_131 = tpu.memref_slice %arg7[%rem3A_85, %add3A_121, %dma_wait3A_130] : memref<2x8x128xi32, #tpu.memory_space<vmem>> -> memref<1x1x128xi32, #tpu.memory_space<vmem>>
        %dma_wait3A_132 = tpu.memref_squeeze %dma_wait3A_131 : memref<1x1x128xi32, #tpu.memory_space<vmem>> -> memref<128xi32, #tpu.memory_space<vmem>>
        %dma_wait3A_133 = arith.constant 0 : i32
        %dma_wait3A_134 = arith.constant 0 : i32
        %dma_wait3A_135 = tpu.memref_slice %arg10[%dma_wait3A_133, %dma_wait3A_134] : memref<10240x128xf32, #tpu.memory_space<vmem_shared>> -> memref<10240x128xf32, #tpu.memory_space<vmem_shared>>
        tpu.wait_indirect_dma semaphore(%run_scoped3A_123 : memref<!tpu.dma_semaphore, #tpu.memory_space<semaphore_mem>>) src(%arg9 : memref<128x128xf32, #tpu.memory_space<vmem>>) dst(%dma_wait3A_135 : memref<10240x128xf32, #tpu.memory_space<vmem_shared>>)
        tpu.yield
      }) : () -> ()
      %scan3A_122 = arith.constant 0 : i32
      scf.yield %scan3A_122 : i32
    }
    %scan3A_27 = arith.constant 40 : i32
    %barrier3A_28 = arith.constant 0 : index
    tpu.barrier barrier_id(%barrier3A_28)
    %add3A_29 = arith.constant 0 : i32
    %add3A_30 = arith.addi %mul3A_9, %add3A_29 : i32
    "tpu.region"() ({
      %run_scoped3A_64 = tpu.sem_alloc : memref<!tpu.dma_semaphore, #tpu.memory_space<semaphore_mem>>
      %dma_start3A = arith.constant 0 : i32
      %dma_start3A_65 = tpu.memref_slice %arg10[%add3A_30, %dma_start3A] : memref<10240x128xf32, #tpu.memory_space<vmem_shared>> -> memref<128x128xf32, #tpu.memory_space<vmem_shared>>
      %dma_start3A_66 = arith.constant 0 : i32
      %dma_start3A_67 = tpu.memref_slice %arg10[%add3A_30, %dma_start3A_66] : memref<10240x128xf32, #tpu.memory_space<vmem_shared>> -> memref<128x128xf32, #tpu.memory_space<vmem_shared>>
      tpu.enqueue_dma source(%dma_start3A_67 : memref<128x128xf32, #tpu.memory_space<vmem_shared>>) target(%arg8 : memref<128x128xf32, #tpu.memory_space<vmem>>) target_semaphore(%run_scoped3A_64 : memref<!tpu.dma_semaphore, #tpu.memory_space<semaphore_mem>>)
      %dma_wait3A = arith.constant 0 : i32
      %dma_wait3A_68 = tpu.memref_slice %arg10[%add3A_30, %dma_wait3A] : memref<10240x128xf32, #tpu.memory_space<vmem_shared>> -> memref<128x128xf32, #tpu.memory_space<vmem_shared>>
      %dma_wait3A_69 = arith.constant 0 : i32
      %dma_wait3A_70 = tpu.memref_slice %arg10[%add3A_30, %dma_wait3A_69] : memref<10240x128xf32, #tpu.memory_space<vmem_shared>> -> memref<128x128xf32, #tpu.memory_space<vmem_shared>>
      tpu.wait_dma2 semaphore(%run_scoped3A_64 : memref<!tpu.dma_semaphore, #tpu.memory_space<semaphore_mem>>) src(%dma_wait3A_70 : memref<128x128xf32, #tpu.memory_space<vmem_shared>>) dst(%arg8 : memref<128x128xf32, #tpu.memory_space<vmem>>)
      tpu.yield
    }) : () -> ()
    %mul3A_31 = arith.constant 10240 : i32
    %mul3A_32 = arith.muli %arg0, %mul3A_31 : i32
    %add3A_33 = arith.addi %mul3A_32, %mul3A_9 : i32
    %add3A_34 = arith.constant 0 : i32
    %add3A_35 = arith.addi %add3A_33, %add3A_34 : i32
    "tpu.region"() ({
      %run_scoped3A_64 = tpu.sem_alloc : memref<!tpu.dma_semaphore, #tpu.memory_space<semaphore_mem>>
      %dma_start3A = arith.constant 0 : i32
      %dma_start3A_65 = tpu.memref_slice %arg5[%add3A_35, %dma_start3A] : memref<20480x128xf32, #tpu.memory_space<hbm>> -> memref<128x128xf32, #tpu.memory_space<hbm>>
      %dma_start3A_66 = arith.constant 0 : i32
      %dma_start3A_67 = tpu.memref_slice %arg5[%add3A_35, %dma_start3A_66] : memref<20480x128xf32, #tpu.memory_space<hbm>> -> memref<128x128xf32, #tpu.memory_space<hbm>>
      tpu.enqueue_dma source(%arg8 : memref<128x128xf32, #tpu.memory_space<vmem>>) target(%dma_start3A_67 : memref<128x128xf32, #tpu.memory_space<hbm>>) target_semaphore(%run_scoped3A_64 : memref<!tpu.dma_semaphore, #tpu.memory_space<semaphore_mem>>)
      %dma_wait3A = arith.constant 0 : i32
      %dma_wait3A_68 = tpu.memref_slice %arg5[%add3A_35, %dma_wait3A] : memref<20480x128xf32, #tpu.memory_space<hbm>> -> memref<128x128xf32, #tpu.memory_space<hbm>>
      %dma_wait3A_69 = arith.constant 0 : i32
      %dma_wait3A_70 = tpu.memref_slice %arg5[%add3A_35, %dma_wait3A_69] : memref<20480x128xf32, #tpu.memory_space<hbm>> -> memref<128x128xf32, #tpu.memory_space<hbm>>
      tpu.wait_dma2 semaphore(%run_scoped3A_64 : memref<!tpu.dma_semaphore, #tpu.memory_space<semaphore_mem>>) src(%arg8 : memref<128x128xf32, #tpu.memory_space<vmem>>) dst(%dma_wait3A_70 : memref<128x128xf32, #tpu.memory_space<hbm>>)
      tpu.yield
    }) : () -> ()
    %add3A_36 = arith.constant 128 : i32
    %add3A_37 = arith.addi %mul3A_9, %add3A_36 : i32
    "tpu.region"() ({
      %run_scoped3A_64 = tpu.sem_alloc : memref<!tpu.dma_semaphore, #tpu.memory_space<semaphore_mem>>
      %dma_start3A = arith.constant 0 : i32
      %dma_start3A_65 = tpu.memref_slice %arg10[%add3A_37, %dma_start3A] : memref<10240x128xf32, #tpu.memory_space<vmem_shared>> -> memref<128x128xf32, #tpu.memory_space<vmem_shared>>
      %dma_start3A_66 = arith.constant 0 : i32
      %dma_start3A_67 = tpu.memref_slice %arg10[%add3A_37, %dma_start3A_66] : memref<10240x128xf32, #tpu.memory_space<vmem_shared>> -> memref<128x128xf32, #tpu.memory_space<vmem_shared>>
      tpu.enqueue_dma source(%dma_start3A_67 : memref<128x128xf32, #tpu.memory_space<vmem_shared>>) target(%arg8 : memref<128x128xf32, #tpu.memory_space<vmem>>) target_semaphore(%run_scoped3A_64 : memref<!tpu.dma_semaphore, #tpu.memory_space<semaphore_mem>>)
      %dma_wait3A = arith.constant 0 : i32
      %dma_wait3A_68 = tpu.memref_slice %arg10[%add3A_37, %dma_wait3A] : memref<10240x128xf32, #tpu.memory_space<vmem_shared>> -> memref<128x128xf32, #tpu.memory_space<vmem_shared>>
      %dma_wait3A_69 = arith.constant 0 : i32
      %dma_wait3A_70 = tpu.memref_slice %arg10[%add3A_37, %dma_wait3A_69] : memref<10240x128xf32, #tpu.memory_space<vmem_shared>> -> memref<128x128xf32, #tpu.memory_space<vmem_shared>>
      tpu.wait_dma2 semaphore(%run_scoped3A_64 : memref<!tpu.dma_semaphore, #tpu.memory_space<semaphore_mem>>) src(%dma_wait3A_70 : memref<128x128xf32, #tpu.memory_space<vmem_shared>>) dst(%arg8 : memref<128x128xf32, #tpu.memory_space<vmem>>)
      tpu.yield
    }) : () -> ()
    %mul3A_38 = arith.constant 10240 : i32
    %mul3A_39 = arith.muli %arg0, %mul3A_38 : i32
    %add3A_40 = arith.addi %mul3A_39, %mul3A_9 : i32
    %add3A_41 = arith.constant 128 : i32
    %add3A_42 = arith.addi %add3A_40, %add3A_41 : i32
    "tpu.region"() ({
      %run_scoped3A_64 = tpu.sem_alloc : memref<!tpu.dma_semaphore, #tpu.memory_space<semaphore_mem>>
      %dma_start3A = arith.constant 0 : i32
      %dma_start3A_65 = tpu.memref_slice %arg5[%add3A_42, %dma_start3A] : memref<20480x128xf32, #tpu.memory_space<hbm>> -> memref<128x128xf32, #tpu.memory_space<hbm>>
      %dma_start3A_66 = arith.constant 0 : i32
      %dma_start3A_67 = tpu.memref_slice %arg5[%add3A_42, %dma_start3A_66] : memref<20480x128xf32, #tpu.memory_space<hbm>> -> memref<128x128xf32, #tpu.memory_space<hbm>>
      tpu.enqueue_dma source(%arg8 : memref<128x128xf32, #tpu.memory_space<vmem>>) target(%dma_start3A_67 : memref<128x128xf32, #tpu.memory_space<hbm>>) target_semaphore(%run_scoped3A_64 : memref<!tpu.dma_semaphore, #tpu.memory_space<semaphore_mem>>)
      %dma_wait3A = arith.constant 0 : i32
      %dma_wait3A_68 = tpu.memref_slice %arg5[%add3A_42, %dma_wait3A] : memref<20480x128xf32, #tpu.memory_space<hbm>> -> memref<128x128xf32, #tpu.memory_space<hbm>>
      %dma_wait3A_69 = arith.constant 0 : i32
      %dma_wait3A_70 = tpu.memref_slice %arg5[%add3A_42, %dma_wait3A_69] : memref<20480x128xf32, #tpu.memory_space<hbm>> -> memref<128x128xf32, #tpu.memory_space<hbm>>
      tpu.wait_dma2 semaphore(%run_scoped3A_64 : memref<!tpu.dma_semaphore, #tpu.memory_space<semaphore_mem>>) src(%arg8 : memref<128x128xf32, #tpu.memory_space<vmem>>) dst(%dma_wait3A_70 : memref<128x128xf32, #tpu.memory_space<hbm>>)
      tpu.yield
    }) : () -> ()
    %add3A_43 = arith.constant 256 : i32
    %add3A_44 = arith.addi %mul3A_9, %add3A_43 : i32
    "tpu.region"() ({
      %run_scoped3A_64 = tpu.sem_alloc : memref<!tpu.dma_semaphore, #tpu.memory_space<semaphore_mem>>
      %dma_start3A = arith.constant 0 : i32
      %dma_start3A_65 = tpu.memref_slice %arg10[%add3A_44, %dma_start3A] : memref<10240x128xf32, #tpu.memory_space<vmem_shared>> -> memref<128x128xf32, #tpu.memory_space<vmem_shared>>
      %dma_start3A_66 = arith.constant 0 : i32
      %dma_start3A_67 = tpu.memref_slice %arg10[%add3A_44, %dma_start3A_66] : memref<10240x128xf32, #tpu.memory_space<vmem_shared>> -> memref<128x128xf32, #tpu.memory_space<vmem_shared>>
      tpu.enqueue_dma source(%dma_start3A_67 : memref<128x128xf32, #tpu.memory_space<vmem_shared>>) target(%arg8 : memref<128x128xf32, #tpu.memory_space<vmem>>) target_semaphore(%run_scoped3A_64 : memref<!tpu.dma_semaphore, #tpu.memory_space<semaphore_mem>>)
      %dma_wait3A = arith.constant 0 : i32
      %dma_wait3A_68 = tpu.memref_slice %arg10[%add3A_44, %dma_wait3A] : memref<10240x128xf32, #tpu.memory_space<vmem_shared>> -> memref<128x128xf32, #tpu.memory_space<vmem_shared>>
      %dma_wait3A_69 = arith.constant 0 : i32
      %dma_wait3A_70 = tpu.memref_slice %arg10[%add3A_44, %dma_wait3A_69] : memref<10240x128xf32, #tpu.memory_space<vmem_shared>> -> memref<128x128xf32, #tpu.memory_space<vmem_shared>>
      tpu.wait_dma2 semaphore(%run_scoped3A_64 : memref<!tpu.dma_semaphore, #tpu.memory_space<semaphore_mem>>) src(%dma_wait3A_70 : memref<128x128xf32, #tpu.memory_space<vmem_shared>>) dst(%arg8 : memref<128x128xf32, #tpu.memory_space<vmem>>)
      tpu.yield
    }) : () -> ()
    %mul3A_45 = arith.constant 10240 : i32
    %mul3A_46 = arith.muli %arg0, %mul3A_45 : i32
    %add3A_47 = arith.addi %mul3A_46, %mul3A_9 : i32
    %add3A_48 = arith.constant 256 : i32
    %add3A_49 = arith.addi %add3A_47, %add3A_48 : i32
    "tpu.region"() ({
      %run_scoped3A_64 = tpu.sem_alloc : memref<!tpu.dma_semaphore, #tpu.memory_space<semaphore_mem>>
      %dma_start3A = arith.constant 0 : i32
      %dma_start3A_65 = tpu.memref_slice %arg5[%add3A_49, %dma_start3A] : memref<20480x128xf32, #tpu.memory_space<hbm>> -> memref<128x128xf32, #tpu.memory_space<hbm>>
      %dma_start3A_66 = arith.constant 0 : i32
      %dma_start3A_67 = tpu.memref_slice %arg5[%add3A_49, %dma_start3A_66] : memref<20480x128xf32, #tpu.memory_space<hbm>> -> memref<128x128xf32, #tpu.memory_space<hbm>>
      tpu.enqueue_dma source(%arg8 : memref<128x128xf32, #tpu.memory_space<vmem>>) target(%dma_start3A_67 : memref<128x128xf32, #tpu.memory_space<hbm>>) target_semaphore(%run_scoped3A_64 : memref<!tpu.dma_semaphore, #tpu.memory_space<semaphore_mem>>)
      %dma_wait3A = arith.constant 0 : i32
      %dma_wait3A_68 = tpu.memref_slice %arg5[%add3A_49, %dma_wait3A] : memref<20480x128xf32, #tpu.memory_space<hbm>> -> memref<128x128xf32, #tpu.memory_space<hbm>>
      %dma_wait3A_69 = arith.constant 0 : i32
      %dma_wait3A_70 = tpu.memref_slice %arg5[%add3A_49, %dma_wait3A_69] : memref<20480x128xf32, #tpu.memory_space<hbm>> -> memref<128x128xf32, #tpu.memory_space<hbm>>
      tpu.wait_dma2 semaphore(%run_scoped3A_64 : memref<!tpu.dma_semaphore, #tpu.memory_space<semaphore_mem>>) src(%arg8 : memref<128x128xf32, #tpu.memory_space<vmem>>) dst(%dma_wait3A_70 : memref<128x128xf32, #tpu.memory_space<hbm>>)
      tpu.yield
    }) : () -> ()
    %add3A_50 = arith.constant 384 : i32
    %add3A_51 = arith.addi %mul3A_9, %add3A_50 : i32
    "tpu.region"() ({
      %run_scoped3A_64 = tpu.sem_alloc : memref<!tpu.dma_semaphore, #tpu.memory_space<semaphore_mem>>
      %dma_start3A = arith.constant 0 : i32
      %dma_start3A_65 = tpu.memref_slice %arg10[%add3A_51, %dma_start3A] : memref<10240x128xf32, #tpu.memory_space<vmem_shared>> -> memref<128x128xf32, #tpu.memory_space<vmem_shared>>
      %dma_start3A_66 = arith.constant 0 : i32
      %dma_start3A_67 = tpu.memref_slice %arg10[%add3A_51, %dma_start3A_66] : memref<10240x128xf32, #tpu.memory_space<vmem_shared>> -> memref<128x128xf32, #tpu.memory_space<vmem_shared>>
      tpu.enqueue_dma source(%dma_start3A_67 : memref<128x128xf32, #tpu.memory_space<vmem_shared>>) target(%arg8 : memref<128x128xf32, #tpu.memory_space<vmem>>) target_semaphore(%run_scoped3A_64 : memref<!tpu.dma_semaphore, #tpu.memory_space<semaphore_mem>>)
      %dma_wait3A = arith.constant 0 : i32
      %dma_wait3A_68 = tpu.memref_slice %arg10[%add3A_51, %dma_wait3A] : memref<10240x128xf32, #tpu.memory_space<vmem_shared>> -> memref<128x128xf32, #tpu.memory_space<vmem_shared>>
      %dma_wait3A_69 = arith.constant 0 : i32
      %dma_wait3A_70 = tpu.memref_slice %arg10[%add3A_51, %dma_wait3A_69] : memref<10240x128xf32, #tpu.memory_space<vmem_shared>> -> memref<128x128xf32, #tpu.memory_space<vmem_shared>>
      tpu.wait_dma2 semaphore(%run_scoped3A_64 : memref<!tpu.dma_semaphore, #tpu.memory_space<semaphore_mem>>) src(%dma_wait3A_70 : memref<128x128xf32, #tpu.memory_space<vmem_shared>>) dst(%arg8 : memref<128x128xf32, #tpu.memory_space<vmem>>)
      tpu.yield
    }) : () -> ()
    %mul3A_52 = arith.constant 10240 : i32
    %mul3A_53 = arith.muli %arg0, %mul3A_52 : i32
    %add3A_54 = arith.addi %mul3A_53, %mul3A_9 : i32
    %add3A_55 = arith.constant 384 : i32
    %add3A_56 = arith.addi %add3A_54, %add3A_55 : i32
    "tpu.region"() ({
      %run_scoped3A_64 = tpu.sem_alloc : memref<!tpu.dma_semaphore, #tpu.memory_space<semaphore_mem>>
      %dma_start3A = arith.constant 0 : i32
      %dma_start3A_65 = tpu.memref_slice %arg5[%add3A_56, %dma_start3A] : memref<20480x128xf32, #tpu.memory_space<hbm>> -> memref<128x128xf32, #tpu.memory_space<hbm>>
      %dma_start3A_66 = arith.constant 0 : i32
      %dma_start3A_67 = tpu.memref_slice %arg5[%add3A_56, %dma_start3A_66] : memref<20480x128xf32, #tpu.memory_space<hbm>> -> memref<128x128xf32, #tpu.memory_space<hbm>>
      tpu.enqueue_dma source(%arg8 : memref<128x128xf32, #tpu.memory_space<vmem>>) target(%dma_start3A_67 : memref<128x128xf32, #tpu.memory_space<hbm>>) target_semaphore(%run_scoped3A_64 : memref<!tpu.dma_semaphore, #tpu.memory_space<semaphore_mem>>)
      %dma_wait3A = arith.constant 0 : i32
      %dma_wait3A_68 = tpu.memref_slice %arg5[%add3A_56, %dma_wait3A] : memref<20480x128xf32, #tpu.memory_space<hbm>> -> memref<128x128xf32, #tpu.memory_space<hbm>>
      %dma_wait3A_69 = arith.constant 0 : i32
      %dma_wait3A_70 = tpu.memref_slice %arg5[%add3A_56, %dma_wait3A_69] : memref<20480x128xf32, #tpu.memory_space<hbm>> -> memref<128x128xf32, #tpu.memory_space<hbm>>
      tpu.wait_dma2 semaphore(%run_scoped3A_64 : memref<!tpu.dma_semaphore, #tpu.memory_space<semaphore_mem>>) src(%arg8 : memref<128x128xf32, #tpu.memory_space<vmem>>) dst(%dma_wait3A_70 : memref<128x128xf32, #tpu.memory_space<hbm>>)
      tpu.yield
    }) : () -> ()
    %add3A_57 = arith.constant 512 : i32
    %add3A_58 = arith.addi %mul3A_9, %add3A_57 : i32
    "tpu.region"() ({
      %run_scoped3A_64 = tpu.sem_alloc : memref<!tpu.dma_semaphore, #tpu.memory_space<semaphore_mem>>
      %dma_start3A = arith.constant 0 : i32
      %dma_start3A_65 = tpu.memref_slice %arg10[%add3A_58, %dma_start3A] : memref<10240x128xf32, #tpu.memory_space<vmem_shared>> -> memref<128x128xf32, #tpu.memory_space<vmem_shared>>
      %dma_start3A_66 = arith.constant 0 : i32
      %dma_start3A_67 = tpu.memref_slice %arg10[%add3A_58, %dma_start3A_66] : memref<10240x128xf32, #tpu.memory_space<vmem_shared>> -> memref<128x128xf32, #tpu.memory_space<vmem_shared>>
      tpu.enqueue_dma source(%dma_start3A_67 : memref<128x128xf32, #tpu.memory_space<vmem_shared>>) target(%arg8 : memref<128x128xf32, #tpu.memory_space<vmem>>) target_semaphore(%run_scoped3A_64 : memref<!tpu.dma_semaphore, #tpu.memory_space<semaphore_mem>>)
      %dma_wait3A = arith.constant 0 : i32
      %dma_wait3A_68 = tpu.memref_slice %arg10[%add3A_58, %dma_wait3A] : memref<10240x128xf32, #tpu.memory_space<vmem_shared>> -> memref<128x128xf32, #tpu.memory_space<vmem_shared>>
      %dma_wait3A_69 = arith.constant 0 : i32
      %dma_wait3A_70 = tpu.memref_slice %arg10[%add3A_58, %dma_wait3A_69] : memref<10240x128xf32, #tpu.memory_space<vmem_shared>> -> memref<128x128xf32, #tpu.memory_space<vmem_shared>>
      tpu.wait_dma2 semaphore(%run_scoped3A_64 : memref<!tpu.dma_semaphore, #tpu.memory_space<semaphore_mem>>) src(%dma_wait3A_70 : memref<128x128xf32, #tpu.memory_space<vmem_shared>>) dst(%arg8 : memref<128x128xf32, #tpu.memory_space<vmem>>)
      tpu.yield
    }) : () -> ()
    %mul3A_59 = arith.constant 10240 : i32
    %mul3A_60 = arith.muli %arg0, %mul3A_59 : i32
    %add3A_61 = arith.addi %mul3A_60, %mul3A_9 : i32
    %add3A_62 = arith.constant 512 : i32
    %add3A_63 = arith.addi %add3A_61, %add3A_62 : i32
    "tpu.region"() ({
      %run_scoped3A_64 = tpu.sem_alloc : memref<!tpu.dma_semaphore, #tpu.memory_space<semaphore_mem>>
      %dma_start3A = arith.constant 0 : i32
      %dma_start3A_65 = tpu.memref_slice %arg5[%add3A_63, %dma_start3A] : memref<20480x128xf32, #tpu.memory_space<hbm>> -> memref<128x128xf32, #tpu.memory_space<hbm>>
      %dma_start3A_66 = arith.constant 0 : i32
      %dma_start3A_67 = tpu.memref_slice %arg5[%add3A_63, %dma_start3A_66] : memref<20480x128xf32, #tpu.memory_space<hbm>> -> memref<128x128xf32, #tpu.memory_space<hbm>>
      tpu.enqueue_dma source(%arg8 : memref<128x128xf32, #tpu.memory_space<vmem>>) target(%dma_start3A_67 : memref<128x128xf32, #tpu.memory_space<hbm>>) target_semaphore(%run_scoped3A_64 : memref<!tpu.dma_semaphore, #tpu.memory_space<semaphore_mem>>)
      %dma_wait3A = arith.constant 0 : i32
      %dma_wait3A_68 = tpu.memref_slice %arg5[%add3A_63, %dma_wait3A] : memref<20480x128xf32, #tpu.memory_space<hbm>> -> memref<128x128xf32, #tpu.memory_space<hbm>>
      %dma_wait3A_69 = arith.constant 0 : i32
      %dma_wait3A_70 = tpu.memref_slice %arg5[%add3A_63, %dma_wait3A_69] : memref<20480x128xf32, #tpu.memory_space<hbm>> -> memref<128x128xf32, #tpu.memory_space<hbm>>
      tpu.wait_dma2 semaphore(%run_scoped3A_64 : memref<!tpu.dma_semaphore, #tpu.memory_space<semaphore_mem>>) src(%arg8 : memref<128x128xf32, #tpu.memory_space<vmem>>) dst(%dma_wait3A_70 : memref<128x128xf32, #tpu.memory_space<hbm>>)
      tpu.yield
    }) : () -> ()
    return
  }
}

#map = affine_map<(d0, d1) -> (0, 0, 0)>
#map1 = affine_map<(d0, d1) -> (0, 0)>
#map2 = affine_map<(d0, d1) -> (0)>
module attributes {stable_mosaic.version = 14 : i64} {
  func.func @sc_prep(%arg0: i32, %arg1: i32, %arg2: memref<32x80x128xi32, #tpu.memory_space<hbm>>, %arg3: memref<80x128xi32, #tpu.memory_space<hbm>>, %arg4: memref<128x128xf32, #tpu.memory_space<hbm>>, %arg5: memref<20480xf32, #tpu.memory_space<hbm>>, %arg6: memref<10240x128xf32, #tpu.memory_space<hbm>>, %arg7: memref<80x128xi32, #tpu.memory_space<vmem>>, %arg8: memref<128xi32, #tpu.memory_space<vmem>>, %arg9: memref<128x128xf32, #tpu.memory_space<vmem>>, %arg10: memref<128xf32, #tpu.memory_space<vmem>>, %arg11: memref<640xf32, #tpu.memory_space<vmem>>, %arg12: memref<10240xf32, #tpu.memory_space<vmem_shared>>, %arg13: memref<!tpu.dma_semaphore, #tpu.memory_space<semaphore_mem>>) attributes {dimension_semantics = [#tpu.dimension_semantics<core_parallel>, #tpu.dimension_semantics<subcore_parallel>], iteration_bounds = array<i64: 2, 16>, scalar_prefetch = 0 : i64, scratch_operands = 7 : i64, tpu.core_type = #tpu.core_type<sc_vector_subcore>, window_params = [{transform_indices = #map}, {transform_indices = #map1}, {transform_indices = #map1}, {transform_indices = #map2}, {transform_indices = #map1}]} {
    %mul3A = arith.constant 16 : i32
    %mul3A_0 = arith.muli %arg0, %mul3A : i32
    %add3A = arith.addi %mul3A_0, %arg1 : i32
    "tpu.region"() ({
      %run_scoped3A = tpu.sem_alloc : memref<!tpu.dma_semaphore, #tpu.memory_space<semaphore_mem>>
      %dma_start3A_84 = arith.constant 0 : i32
      %dma_start3A_85 = tpu.memref_slice %arg3[%add3A, %dma_start3A_84] : memref<80x128xi32, #tpu.memory_space<hbm>> -> memref<1x128xi32, #tpu.memory_space<hbm>>
      %dma_start3A_86 = tpu.memref_squeeze %dma_start3A_85 : memref<1x128xi32, #tpu.memory_space<hbm>> -> memref<128xi32, #tpu.memory_space<hbm>>
      %dma_start3A_87 = arith.constant 0 : i32
      %dma_start3A_88 = tpu.memref_slice %arg3[%add3A, %dma_start3A_87] : memref<80x128xi32, #tpu.memory_space<hbm>> -> memref<1x128xi32, #tpu.memory_space<hbm>>
      %dma_start3A_89 = tpu.memref_squeeze %dma_start3A_88 : memref<1x128xi32, #tpu.memory_space<hbm>> -> memref<128xi32, #tpu.memory_space<hbm>>
      tpu.enqueue_dma source(%dma_start3A_89 : memref<128xi32, #tpu.memory_space<hbm>>) target(%arg8 : memref<128xi32, #tpu.memory_space<vmem>>) target_semaphore(%run_scoped3A : memref<!tpu.dma_semaphore, #tpu.memory_space<semaphore_mem>>)
      %dma_wait3A_90 = arith.constant 0 : i32
      %dma_wait3A_91 = tpu.memref_slice %arg3[%add3A, %dma_wait3A_90] : memref<80x128xi32, #tpu.memory_space<hbm>> -> memref<1x128xi32, #tpu.memory_space<hbm>>
      %dma_wait3A_92 = tpu.memref_squeeze %dma_wait3A_91 : memref<1x128xi32, #tpu.memory_space<hbm>> -> memref<128xi32, #tpu.memory_space<hbm>>
      %dma_wait3A_93 = arith.constant 0 : i32
      %dma_wait3A_94 = tpu.memref_slice %arg3[%add3A, %dma_wait3A_93] : memref<80x128xi32, #tpu.memory_space<hbm>> -> memref<1x128xi32, #tpu.memory_space<hbm>>
      %dma_wait3A_95 = tpu.memref_squeeze %dma_wait3A_94 : memref<1x128xi32, #tpu.memory_space<hbm>> -> memref<128xi32, #tpu.memory_space<hbm>>
      tpu.wait_dma2 semaphore(%run_scoped3A : memref<!tpu.dma_semaphore, #tpu.memory_space<semaphore_mem>>) src(%dma_wait3A_95 : memref<128xi32, #tpu.memory_space<hbm>>) dst(%arg8 : memref<128xi32, #tpu.memory_space<vmem>>)
      tpu.yield
    }) : () -> ()
    %dma_start3A = arith.constant 0 : i32
    %dma_start3A_1 = arith.constant 0 : i32
    %dma_start3A_2 = tpu.memref_slice %arg4[%dma_start3A, %dma_start3A_1] : memref<128x128xf32, #tpu.memory_space<hbm>> -> memref<128x128xf32, #tpu.memory_space<hbm>>
    tpu.enqueue_indirect_dma source(%dma_start3A_2 : memref<128x128xf32, #tpu.memory_space<hbm>>) target(%arg9 : memref<128x128xf32, #tpu.memory_space<vmem>>) offsets(%arg8 : memref<128xi32, #tpu.memory_space<vmem>>) semaphore(%arg13 : memref<!tpu.dma_semaphore, #tpu.memory_space<semaphore_mem>>)
    %dma_wait3A = arith.constant 0 : i32
    %dma_wait3A_3 = arith.constant 0 : i32
    %dma_wait3A_4 = tpu.memref_slice %arg4[%dma_wait3A, %dma_wait3A_3] : memref<128x128xf32, #tpu.memory_space<hbm>> -> memref<128x128xf32, #tpu.memory_space<hbm>>
    tpu.wait_indirect_dma semaphore(%arg13 : memref<!tpu.dma_semaphore, #tpu.memory_space<semaphore_mem>>) src(%dma_wait3A_4 : memref<128x128xf32, #tpu.memory_space<hbm>>) dst(%arg9 : memref<128x128xf32, #tpu.memory_space<vmem>>)
    %mul3A_5 = arith.constant 128 : i32
    %mul3A_6 = arith.muli %add3A, %mul3A_5 : i32
    "tpu.region"() ({
      %run_scoped3A = tpu.sem_alloc : memref<!tpu.dma_semaphore, #tpu.memory_space<semaphore_mem>>
      %dma_start3A_84 = arith.constant 0 : i32
      %dma_start3A_85 = tpu.memref_slice %arg6[%mul3A_6, %dma_start3A_84] : memref<10240x128xf32, #tpu.memory_space<hbm>> -> memref<128x128xf32, #tpu.memory_space<hbm>>
      %dma_start3A_86 = arith.constant 0 : i32
      %dma_start3A_87 = tpu.memref_slice %arg6[%mul3A_6, %dma_start3A_86] : memref<10240x128xf32, #tpu.memory_space<hbm>> -> memref<128x128xf32, #tpu.memory_space<hbm>>
      tpu.enqueue_dma source(%arg9 : memref<128x128xf32, #tpu.memory_space<vmem>>) target(%dma_start3A_87 : memref<128x128xf32, #tpu.memory_space<hbm>>) target_semaphore(%run_scoped3A : memref<!tpu.dma_semaphore, #tpu.memory_space<semaphore_mem>>)
      %dma_wait3A_88 = arith.constant 0 : i32
      %dma_wait3A_89 = tpu.memref_slice %arg6[%mul3A_6, %dma_wait3A_88] : memref<10240x128xf32, #tpu.memory_space<hbm>> -> memref<128x128xf32, #tpu.memory_space<hbm>>
      %dma_wait3A_90 = arith.constant 0 : i32
      %dma_wait3A_91 = tpu.memref_slice %arg6[%mul3A_6, %dma_wait3A_90] : memref<10240x128xf32, #tpu.memory_space<hbm>> -> memref<128x128xf32, #tpu.memory_space<hbm>>
      tpu.wait_dma2 semaphore(%run_scoped3A : memref<!tpu.dma_semaphore, #tpu.memory_space<semaphore_mem>>) src(%arg9 : memref<128x128xf32, #tpu.memory_space<vmem>>) dst(%dma_wait3A_91 : memref<128x128xf32, #tpu.memory_space<hbm>>)
      tpu.yield
    }) : () -> ()
    %add3A_7 = arith.constant 32 : i32
    %add3A_8 = arith.addi %add3A, %add3A_7 : i32
    "tpu.region"() ({
      %run_scoped3A = tpu.sem_alloc : memref<!tpu.dma_semaphore, #tpu.memory_space<semaphore_mem>>
      %dma_start3A_84 = arith.constant 0 : i32
      %dma_start3A_85 = tpu.memref_slice %arg3[%add3A_8, %dma_start3A_84] : memref<80x128xi32, #tpu.memory_space<hbm>> -> memref<1x128xi32, #tpu.memory_space<hbm>>
      %dma_start3A_86 = tpu.memref_squeeze %dma_start3A_85 : memref<1x128xi32, #tpu.memory_space<hbm>> -> memref<128xi32, #tpu.memory_space<hbm>>
      %dma_start3A_87 = arith.constant 0 : i32
      %dma_start3A_88 = tpu.memref_slice %arg3[%add3A_8, %dma_start3A_87] : memref<80x128xi32, #tpu.memory_space<hbm>> -> memref<1x128xi32, #tpu.memory_space<hbm>>
      %dma_start3A_89 = tpu.memref_squeeze %dma_start3A_88 : memref<1x128xi32, #tpu.memory_space<hbm>> -> memref<128xi32, #tpu.memory_space<hbm>>
      tpu.enqueue_dma source(%dma_start3A_89 : memref<128xi32, #tpu.memory_space<hbm>>) target(%arg8 : memref<128xi32, #tpu.memory_space<vmem>>) target_semaphore(%run_scoped3A : memref<!tpu.dma_semaphore, #tpu.memory_space<semaphore_mem>>)
      %dma_wait3A_90 = arith.constant 0 : i32
      %dma_wait3A_91 = tpu.memref_slice %arg3[%add3A_8, %dma_wait3A_90] : memref<80x128xi32, #tpu.memory_space<hbm>> -> memref<1x128xi32, #tpu.memory_space<hbm>>
      %dma_wait3A_92 = tpu.memref_squeeze %dma_wait3A_91 : memref<1x128xi32, #tpu.memory_space<hbm>> -> memref<128xi32, #tpu.memory_space<hbm>>
      %dma_wait3A_93 = arith.constant 0 : i32
      %dma_wait3A_94 = tpu.memref_slice %arg3[%add3A_8, %dma_wait3A_93] : memref<80x128xi32, #tpu.memory_space<hbm>> -> memref<1x128xi32, #tpu.memory_space<hbm>>
      %dma_wait3A_95 = tpu.memref_squeeze %dma_wait3A_94 : memref<1x128xi32, #tpu.memory_space<hbm>> -> memref<128xi32, #tpu.memory_space<hbm>>
      tpu.wait_dma2 semaphore(%run_scoped3A : memref<!tpu.dma_semaphore, #tpu.memory_space<semaphore_mem>>) src(%dma_wait3A_95 : memref<128xi32, #tpu.memory_space<hbm>>) dst(%arg8 : memref<128xi32, #tpu.memory_space<vmem>>)
      tpu.yield
    }) : () -> ()
    %dma_start3A_9 = arith.constant 0 : i32
    %dma_start3A_10 = arith.constant 0 : i32
    %dma_start3A_11 = tpu.memref_slice %arg4[%dma_start3A_9, %dma_start3A_10] : memref<128x128xf32, #tpu.memory_space<hbm>> -> memref<128x128xf32, #tpu.memory_space<hbm>>
    tpu.enqueue_indirect_dma source(%dma_start3A_11 : memref<128x128xf32, #tpu.memory_space<hbm>>) target(%arg9 : memref<128x128xf32, #tpu.memory_space<vmem>>) offsets(%arg8 : memref<128xi32, #tpu.memory_space<vmem>>) semaphore(%arg13 : memref<!tpu.dma_semaphore, #tpu.memory_space<semaphore_mem>>)
    %dma_wait3A_12 = arith.constant 0 : i32
    %dma_wait3A_13 = arith.constant 0 : i32
    %dma_wait3A_14 = tpu.memref_slice %arg4[%dma_wait3A_12, %dma_wait3A_13] : memref<128x128xf32, #tpu.memory_space<hbm>> -> memref<128x128xf32, #tpu.memory_space<hbm>>
    tpu.wait_indirect_dma semaphore(%arg13 : memref<!tpu.dma_semaphore, #tpu.memory_space<semaphore_mem>>) src(%dma_wait3A_14 : memref<128x128xf32, #tpu.memory_space<hbm>>) dst(%arg9 : memref<128x128xf32, #tpu.memory_space<vmem>>)
    %mul3A_15 = arith.constant 128 : i32
    %mul3A_16 = arith.muli %add3A_8, %mul3A_15 : i32
    "tpu.region"() ({
      %run_scoped3A = tpu.sem_alloc : memref<!tpu.dma_semaphore, #tpu.memory_space<semaphore_mem>>
      %dma_start3A_84 = arith.constant 0 : i32
      %dma_start3A_85 = tpu.memref_slice %arg6[%mul3A_16, %dma_start3A_84] : memref<10240x128xf32, #tpu.memory_space<hbm>> -> memref<128x128xf32, #tpu.memory_space<hbm>>
      %dma_start3A_86 = arith.constant 0 : i32
      %dma_start3A_87 = tpu.memref_slice %arg6[%mul3A_16, %dma_start3A_86] : memref<10240x128xf32, #tpu.memory_space<hbm>> -> memref<128x128xf32, #tpu.memory_space<hbm>>
      tpu.enqueue_dma source(%arg9 : memref<128x128xf32, #tpu.memory_space<vmem>>) target(%dma_start3A_87 : memref<128x128xf32, #tpu.memory_space<hbm>>) target_semaphore(%run_scoped3A : memref<!tpu.dma_semaphore, #tpu.memory_space<semaphore_mem>>)
      %dma_wait3A_88 = arith.constant 0 : i32
      %dma_wait3A_89 = tpu.memref_slice %arg6[%mul3A_16, %dma_wait3A_88] : memref<10240x128xf32, #tpu.memory_space<hbm>> -> memref<128x128xf32, #tpu.memory_space<hbm>>
      %dma_wait3A_90 = arith.constant 0 : i32
      %dma_wait3A_91 = tpu.memref_slice %arg6[%mul3A_16, %dma_wait3A_90] : memref<10240x128xf32, #tpu.memory_space<hbm>> -> memref<128x128xf32, #tpu.memory_space<hbm>>
      tpu.wait_dma2 semaphore(%run_scoped3A : memref<!tpu.dma_semaphore, #tpu.memory_space<semaphore_mem>>) src(%arg9 : memref<128x128xf32, #tpu.memory_space<vmem>>) dst(%dma_wait3A_91 : memref<128x128xf32, #tpu.memory_space<hbm>>)
      tpu.yield
    }) : () -> ()
    %lt3A = arith.constant 16 : i32
    %lt3A_17 = arith.cmpi slt, %add3A, %lt3A : i32
    %convert_element_type3A = arith.extui %lt3A_17 : i1 to i32
    %cond3A = arith.constant 0 : i32
    %cond3A_18 = arith.cmpi ne, %convert_element_type3A, %cond3A : i32
    scf.if %cond3A_18 {
      %add3A_84 = arith.constant 64 : i32
      %add3A_85 = arith.addi %add3A, %add3A_84 : i32
      "tpu.region"() ({
        %run_scoped3A = tpu.sem_alloc : memref<!tpu.dma_semaphore, #tpu.memory_space<semaphore_mem>>
        %dma_start3A_94 = arith.constant 0 : i32
        %dma_start3A_95 = tpu.memref_slice %arg3[%add3A_85, %dma_start3A_94] : memref<80x128xi32, #tpu.memory_space<hbm>> -> memref<1x128xi32, #tpu.memory_space<hbm>>
        %dma_start3A_96 = tpu.memref_squeeze %dma_start3A_95 : memref<1x128xi32, #tpu.memory_space<hbm>> -> memref<128xi32, #tpu.memory_space<hbm>>
        %dma_start3A_97 = arith.constant 0 : i32
        %dma_start3A_98 = tpu.memref_slice %arg3[%add3A_85, %dma_start3A_97] : memref<80x128xi32, #tpu.memory_space<hbm>> -> memref<1x128xi32, #tpu.memory_space<hbm>>
        %dma_start3A_99 = tpu.memref_squeeze %dma_start3A_98 : memref<1x128xi32, #tpu.memory_space<hbm>> -> memref<128xi32, #tpu.memory_space<hbm>>
        tpu.enqueue_dma source(%dma_start3A_99 : memref<128xi32, #tpu.memory_space<hbm>>) target(%arg8 : memref<128xi32, #tpu.memory_space<vmem>>) target_semaphore(%run_scoped3A : memref<!tpu.dma_semaphore, #tpu.memory_space<semaphore_mem>>)
        %dma_wait3A_100 = arith.constant 0 : i32
        %dma_wait3A_101 = tpu.memref_slice %arg3[%add3A_85, %dma_wait3A_100] : memref<80x128xi32, #tpu.memory_space<hbm>> -> memref<1x128xi32, #tpu.memory_space<hbm>>
        %dma_wait3A_102 = tpu.memref_squeeze %dma_wait3A_101 : memref<1x128xi32, #tpu.memory_space<hbm>> -> memref<128xi32, #tpu.memory_space<hbm>>
        %dma_wait3A_103 = arith.constant 0 : i32
        %dma_wait3A_104 = tpu.memref_slice %arg3[%add3A_85, %dma_wait3A_103] : memref<80x128xi32, #tpu.memory_space<hbm>> -> memref<1x128xi32, #tpu.memory_space<hbm>>
        %dma_wait3A_105 = tpu.memref_squeeze %dma_wait3A_104 : memref<1x128xi32, #tpu.memory_space<hbm>> -> memref<128xi32, #tpu.memory_space<hbm>>
        tpu.wait_dma2 semaphore(%run_scoped3A : memref<!tpu.dma_semaphore, #tpu.memory_space<semaphore_mem>>) src(%dma_wait3A_105 : memref<128xi32, #tpu.memory_space<hbm>>) dst(%arg8 : memref<128xi32, #tpu.memory_space<vmem>>)
        tpu.yield
      }) : () -> ()
      %dma_start3A_86 = arith.constant 0 : i32
      %dma_start3A_87 = arith.constant 0 : i32
      %dma_start3A_88 = tpu.memref_slice %arg4[%dma_start3A_86, %dma_start3A_87] : memref<128x128xf32, #tpu.memory_space<hbm>> -> memref<128x128xf32, #tpu.memory_space<hbm>>
      tpu.enqueue_indirect_dma source(%dma_start3A_88 : memref<128x128xf32, #tpu.memory_space<hbm>>) target(%arg9 : memref<128x128xf32, #tpu.memory_space<vmem>>) offsets(%arg8 : memref<128xi32, #tpu.memory_space<vmem>>) semaphore(%arg13 : memref<!tpu.dma_semaphore, #tpu.memory_space<semaphore_mem>>)
      %dma_wait3A_89 = arith.constant 0 : i32
      %dma_wait3A_90 = arith.constant 0 : i32
      %dma_wait3A_91 = tpu.memref_slice %arg4[%dma_wait3A_89, %dma_wait3A_90] : memref<128x128xf32, #tpu.memory_space<hbm>> -> memref<128x128xf32, #tpu.memory_space<hbm>>
      tpu.wait_indirect_dma semaphore(%arg13 : memref<!tpu.dma_semaphore, #tpu.memory_space<semaphore_mem>>) src(%dma_wait3A_91 : memref<128x128xf32, #tpu.memory_space<hbm>>) dst(%arg9 : memref<128x128xf32, #tpu.memory_space<vmem>>)
      %mul3A_92 = arith.constant 128 : i32
      %mul3A_93 = arith.muli %add3A_85, %mul3A_92 : i32
      "tpu.region"() ({
        %run_scoped3A = tpu.sem_alloc : memref<!tpu.dma_semaphore, #tpu.memory_space<semaphore_mem>>
        %dma_start3A_94 = arith.constant 0 : i32
        %dma_start3A_95 = tpu.memref_slice %arg6[%mul3A_93, %dma_start3A_94] : memref<10240x128xf32, #tpu.memory_space<hbm>> -> memref<128x128xf32, #tpu.memory_space<hbm>>
        %dma_start3A_96 = arith.constant 0 : i32
        %dma_start3A_97 = tpu.memref_slice %arg6[%mul3A_93, %dma_start3A_96] : memref<10240x128xf32, #tpu.memory_space<hbm>> -> memref<128x128xf32, #tpu.memory_space<hbm>>
        tpu.enqueue_dma source(%arg9 : memref<128x128xf32, #tpu.memory_space<vmem>>) target(%dma_start3A_97 : memref<128x128xf32, #tpu.memory_space<hbm>>) target_semaphore(%run_scoped3A : memref<!tpu.dma_semaphore, #tpu.memory_space<semaphore_mem>>)
        %dma_wait3A_98 = arith.constant 0 : i32
        %dma_wait3A_99 = tpu.memref_slice %arg6[%mul3A_93, %dma_wait3A_98] : memref<10240x128xf32, #tpu.memory_space<hbm>> -> memref<128x128xf32, #tpu.memory_space<hbm>>
        %dma_wait3A_100 = arith.constant 0 : i32
        %dma_wait3A_101 = tpu.memref_slice %arg6[%mul3A_93, %dma_wait3A_100] : memref<10240x128xf32, #tpu.memory_space<hbm>> -> memref<128x128xf32, #tpu.memory_space<hbm>>
        tpu.wait_dma2 semaphore(%run_scoped3A : memref<!tpu.dma_semaphore, #tpu.memory_space<semaphore_mem>>) src(%arg9 : memref<128x128xf32, #tpu.memory_space<vmem>>) dst(%dma_wait3A_101 : memref<128x128xf32, #tpu.memory_space<hbm>>)
        tpu.yield
      }) : () -> ()
    } else {
    }
    %scan3A = arith.constant 0 : i32
    %scan3A_19 = arith.constant 0 : i32
    %scan3A_20 = arith.constant 40 : i32
    %scan3A_21 = arith.addi %scan3A_19, %scan3A_20 : i32
    %scan3A_22 = arith.constant 1 : i32
    %scan3A_23 = scf.for %scan3A_84 = %scan3A_19 to %scan3A_21 step %scan3A_22 iter_args(%scan3A_85 = %scan3A) -> (i32)  : i32 {
      %broadcast_in_dim3A_86 = arith.constant 0.000000e+00 : f32
      %broadcast_in_dim3A_87 = vector.broadcast %broadcast_in_dim3A_86 : f32 to vector<16xf32>
      %mul3A_88 = arith.constant 16 : i32
      %mul3A_89 = arith.muli %scan3A_84, %mul3A_88 : i32
      %swap3A_90 = arith.index_cast %mul3A_89 : i32 to index
      %swap3A_91 = tpu.vector_load %arg11[%swap3A_90] {strides = array<i32>} : memref<640xf32, #tpu.memory_space<vmem>>, vector<16xf32>,
      %swap3A_92 = vector.shape_cast %swap3A_91 : vector<16xf32> to vector<16xf32>
      %swap3A_93 = vector.shape_cast %broadcast_in_dim3A_87 : vector<16xf32> to vector<16xf32>
      tpu.vector_store %arg11[%swap3A_90], %swap3A_93 {strides = array<i32>} : memref<640xf32, #tpu.memory_space<vmem>>, vector<16xf32>,
      %scan3A_94 = arith.constant 0 : i32
      scf.yield %scan3A_94 : i32
    }
    %scan3A_24 = arith.constant 40 : i32
    %broadcast_in_dim3A = arith.constant 1.000000e+00 : f32
    %broadcast_in_dim3A_25 = vector.broadcast %broadcast_in_dim3A : f32 to vector<16xf32>
    %swap3A = arith.constant 0 : index
    %swap3A_26 = tpu.vector_load %arg10[%swap3A] {strides = array<i32>} : memref<128xf32, #tpu.memory_space<vmem>>, vector<16xf32>,
    %swap3A_27 = vector.shape_cast %swap3A_26 : vector<16xf32> to vector<16xf32>
    %swap3A_28 = vector.shape_cast %broadcast_in_dim3A_25 : vector<16xf32> to vector<16xf32>
    tpu.vector_store %arg10[%swap3A], %swap3A_28 {strides = array<i32>} : memref<128xf32, #tpu.memory_space<vmem>>, vector<16xf32>,
    %broadcast_in_dim3A_29 = arith.constant 1.000000e+00 : f32
    %broadcast_in_dim3A_30 = vector.broadcast %broadcast_in_dim3A_29 : f32 to vector<16xf32>
    %swap3A_31 = arith.constant 16 : index
    %swap3A_32 = tpu.vector_load %arg10[%swap3A_31] {strides = array<i32>} : memref<128xf32, #tpu.memory_space<vmem>>, vector<16xf32>,
    %swap3A_33 = vector.shape_cast %swap3A_32 : vector<16xf32> to vector<16xf32>
    %swap3A_34 = vector.shape_cast %broadcast_in_dim3A_30 : vector<16xf32> to vector<16xf32>
    tpu.vector_store %arg10[%swap3A_31], %swap3A_34 {strides = array<i32>} : memref<128xf32, #tpu.memory_space<vmem>>, vector<16xf32>,
    %broadcast_in_dim3A_35 = arith.constant 1.000000e+00 : f32
    %broadcast_in_dim3A_36 = vector.broadcast %broadcast_in_dim3A_35 : f32 to vector<16xf32>
    %swap3A_37 = arith.constant 32 : index
    %swap3A_38 = tpu.vector_load %arg10[%swap3A_37] {strides = array<i32>} : memref<128xf32, #tpu.memory_space<vmem>>, vector<16xf32>,
    %swap3A_39 = vector.shape_cast %swap3A_38 : vector<16xf32> to vector<16xf32>
    %swap3A_40 = vector.shape_cast %broadcast_in_dim3A_36 : vector<16xf32> to vector<16xf32>
    tpu.vector_store %arg10[%swap3A_37], %swap3A_40 {strides = array<i32>} : memref<128xf32, #tpu.memory_space<vmem>>, vector<16xf32>,
    %broadcast_in_dim3A_41 = arith.constant 1.000000e+00 : f32
    %broadcast_in_dim3A_42 = vector.broadcast %broadcast_in_dim3A_41 : f32 to vector<16xf32>
    %swap3A_43 = arith.constant 48 : index
    %swap3A_44 = tpu.vector_load %arg10[%swap3A_43] {strides = array<i32>} : memref<128xf32, #tpu.memory_space<vmem>>, vector<16xf32>,
    %swap3A_45 = vector.shape_cast %swap3A_44 : vector<16xf32> to vector<16xf32>
    %swap3A_46 = vector.shape_cast %broadcast_in_dim3A_42 : vector<16xf32> to vector<16xf32>
    tpu.vector_store %arg10[%swap3A_43], %swap3A_46 {strides = array<i32>} : memref<128xf32, #tpu.memory_space<vmem>>, vector<16xf32>,
    %broadcast_in_dim3A_47 = arith.constant 1.000000e+00 : f32
    %broadcast_in_dim3A_48 = vector.broadcast %broadcast_in_dim3A_47 : f32 to vector<16xf32>
    %swap3A_49 = arith.constant 64 : index
    %swap3A_50 = tpu.vector_load %arg10[%swap3A_49] {strides = array<i32>} : memref<128xf32, #tpu.memory_space<vmem>>, vector<16xf32>,
    %swap3A_51 = vector.shape_cast %swap3A_50 : vector<16xf32> to vector<16xf32>
    %swap3A_52 = vector.shape_cast %broadcast_in_dim3A_48 : vector<16xf32> to vector<16xf32>
    tpu.vector_store %arg10[%swap3A_49], %swap3A_52 {strides = array<i32>} : memref<128xf32, #tpu.memory_space<vmem>>, vector<16xf32>,
    %broadcast_in_dim3A_53 = arith.constant 1.000000e+00 : f32
    %broadcast_in_dim3A_54 = vector.broadcast %broadcast_in_dim3A_53 : f32 to vector<16xf32>
    %swap3A_55 = arith.constant 80 : index
    %swap3A_56 = tpu.vector_load %arg10[%swap3A_55] {strides = array<i32>} : memref<128xf32, #tpu.memory_space<vmem>>, vector<16xf32>,
    %swap3A_57 = vector.shape_cast %swap3A_56 : vector<16xf32> to vector<16xf32>
    %swap3A_58 = vector.shape_cast %broadcast_in_dim3A_54 : vector<16xf32> to vector<16xf32>
    tpu.vector_store %arg10[%swap3A_55], %swap3A_58 {strides = array<i32>} : memref<128xf32, #tpu.memory_space<vmem>>, vector<16xf32>,
    %broadcast_in_dim3A_59 = arith.constant 1.000000e+00 : f32
    %broadcast_in_dim3A_60 = vector.broadcast %broadcast_in_dim3A_59 : f32 to vector<16xf32>
    %swap3A_61 = arith.constant 96 : index
    %swap3A_62 = tpu.vector_load %arg10[%swap3A_61] {strides = array<i32>} : memref<128xf32, #tpu.memory_space<vmem>>, vector<16xf32>,
    %swap3A_63 = vector.shape_cast %swap3A_62 : vector<16xf32> to vector<16xf32>
    %swap3A_64 = vector.shape_cast %broadcast_in_dim3A_60 : vector<16xf32> to vector<16xf32>
    tpu.vector_store %arg10[%swap3A_61], %swap3A_64 {strides = array<i32>} : memref<128xf32, #tpu.memory_space<vmem>>, vector<16xf32>,
    %broadcast_in_dim3A_65 = arith.constant 1.000000e+00 : f32
    %broadcast_in_dim3A_66 = vector.broadcast %broadcast_in_dim3A_65 : f32 to vector<16xf32>
    %swap3A_67 = arith.constant 112 : index
    %swap3A_68 = tpu.vector_load %arg10[%swap3A_67] {strides = array<i32>} : memref<128xf32, #tpu.memory_space<vmem>>, vector<16xf32>,
    %swap3A_69 = vector.shape_cast %swap3A_68 : vector<16xf32> to vector<16xf32>
    %swap3A_70 = vector.shape_cast %broadcast_in_dim3A_66 : vector<16xf32> to vector<16xf32>
    tpu.vector_store %arg10[%swap3A_67], %swap3A_70 {strides = array<i32>} : memref<128xf32, #tpu.memory_space<vmem>>, vector<16xf32>,
    "tpu.region"() ({
      %run_scoped3A = tpu.sem_alloc : memref<!tpu.dma_semaphore, #tpu.memory_space<semaphore_mem>>
      %dma_start3A_84 = arith.constant 0 : i32
      %dma_start3A_85 = arith.constant 0 : i32
      %dma_start3A_86 = tpu.memref_slice %arg2[%add3A, %dma_start3A_84, %dma_start3A_85] : memref<32x80x128xi32, #tpu.memory_space<hbm>> -> memref<1x80x128xi32, #tpu.memory_space<hbm>>
      %dma_start3A_87 = tpu.memref_squeeze %dma_start3A_86 : memref<1x80x128xi32, #tpu.memory_space<hbm>> -> memref<80x128xi32, #tpu.memory_space<hbm>>
      %dma_start3A_88 = arith.constant 0 : i32
      %dma_start3A_89 = arith.constant 0 : i32
      %dma_start3A_90 = tpu.memref_slice %arg2[%add3A, %dma_start3A_88, %dma_start3A_89] : memref<32x80x128xi32, #tpu.memory_space<hbm>> -> memref<1x80x128xi32, #tpu.memory_space<hbm>>
      %dma_start3A_91 = tpu.memref_squeeze %dma_start3A_90 : memref<1x80x128xi32, #tpu.memory_space<hbm>> -> memref<80x128xi32, #tpu.memory_space<hbm>>
      tpu.enqueue_dma source(%dma_start3A_91 : memref<80x128xi32, #tpu.memory_space<hbm>>) target(%arg7 : memref<80x128xi32, #tpu.memory_space<vmem>>) target_semaphore(%run_scoped3A : memref<!tpu.dma_semaphore, #tpu.memory_space<semaphore_mem>>)
      %dma_wait3A_92 = arith.constant 0 : i32
      %dma_wait3A_93 = arith.constant 0 : i32
      %dma_wait3A_94 = tpu.memref_slice %arg2[%add3A, %dma_wait3A_92, %dma_wait3A_93] : memref<32x80x128xi32, #tpu.memory_space<hbm>> -> memref<1x80x128xi32, #tpu.memory_space<hbm>>
      %dma_wait3A_95 = tpu.memref_squeeze %dma_wait3A_94 : memref<1x80x128xi32, #tpu.memory_space<hbm>> -> memref<80x128xi32, #tpu.memory_space<hbm>>
      %dma_wait3A_96 = arith.constant 0 : i32
      %dma_wait3A_97 = arith.constant 0 : i32
      %dma_wait3A_98 = tpu.memref_slice %arg2[%add3A, %dma_wait3A_96, %dma_wait3A_97] : memref<32x80x128xi32, #tpu.memory_space<hbm>> -> memref<1x80x128xi32, #tpu.memory_space<hbm>>
      %dma_wait3A_99 = tpu.memref_squeeze %dma_wait3A_98 : memref<1x80x128xi32, #tpu.memory_space<hbm>> -> memref<80x128xi32, #tpu.memory_space<hbm>>
      tpu.wait_dma2 semaphore(%run_scoped3A : memref<!tpu.dma_semaphore, #tpu.memory_space<semaphore_mem>>) src(%dma_wait3A_99 : memref<80x128xi32, #tpu.memory_space<hbm>>) dst(%arg7 : memref<80x128xi32, #tpu.memory_space<vmem>>)
      tpu.yield
    }) : () -> ()
    %mul3A_71 = arith.constant 640 : i32
    %mul3A_72 = arith.muli %arg1, %mul3A_71 : i32
    "tpu.region"() ({
      %run_scoped3A = tpu.sem_alloc : memref<!tpu.dma_semaphore, #tpu.memory_space<semaphore_mem>>
      %dma_start3A_84 = tpu.memref_slice %arg12[%mul3A_72] : memref<10240xf32, #tpu.memory_space<vmem_shared>> -> memref<640xf32, #tpu.memory_space<vmem_shared>>
      %dma_start3A_85 = tpu.memref_slice %arg12[%mul3A_72] : memref<10240xf32, #tpu.memory_space<vmem_shared>> -> memref<640xf32, #tpu.memory_space<vmem_shared>>
      tpu.enqueue_dma source(%arg11 : memref<640xf32, #tpu.memory_space<vmem>>) target(%dma_start3A_85 : memref<640xf32, #tpu.memory_space<vmem_shared>>) target_semaphore(%run_scoped3A : memref<!tpu.dma_semaphore, #tpu.memory_space<semaphore_mem>>)
      %dma_wait3A_86 = tpu.memref_slice %arg12[%mul3A_72] : memref<10240xf32, #tpu.memory_space<vmem_shared>> -> memref<640xf32, #tpu.memory_space<vmem_shared>>
      %dma_wait3A_87 = tpu.memref_slice %arg12[%mul3A_72] : memref<10240xf32, #tpu.memory_space<vmem_shared>> -> memref<640xf32, #tpu.memory_space<vmem_shared>>
      tpu.wait_dma2 semaphore(%run_scoped3A : memref<!tpu.dma_semaphore, #tpu.memory_space<semaphore_mem>>) src(%arg11 : memref<640xf32, #tpu.memory_space<vmem>>) dst(%dma_wait3A_87 : memref<640xf32, #tpu.memory_space<vmem_shared>>)
      tpu.yield
    }) : () -> ()
    %barrier3A = arith.constant 0 : index
    tpu.barrier barrier_id(%barrier3A)
    %scan3A_73 = arith.constant 0 : i32
    %scan3A_74 = arith.constant 0 : i32
    %scan3A_75 = arith.constant 80 : i32
    %scan3A_76 = arith.addi %scan3A_74, %scan3A_75 : i32
    %scan3A_77 = arith.constant 1 : i32
    %scan3A_78 = scf.for %scan3A_84 = %scan3A_74 to %scan3A_76 step %scan3A_77 iter_args(%scan3A_85 = %scan3A_73) -> (i32)  : i32 {
      "tpu.region"() ({
        %run_scoped3A = tpu.sem_alloc : memref<!tpu.dma_semaphore, #tpu.memory_space<semaphore_mem>>
        %dma_start3A_87 = arith.constant 0 : i32
        %dma_start3A_88 = tpu.memref_slice %arg7[%scan3A_84, %dma_start3A_87] : memref<80x128xi32, #tpu.memory_space<vmem>> -> memref<1x128xi32, #tpu.memory_space<vmem>>
        %dma_start3A_89 = tpu.memref_squeeze %dma_start3A_88 : memref<1x128xi32, #tpu.memory_space<vmem>> -> memref<128xi32, #tpu.memory_space<vmem>>
        %dma_start3A_90 = arith.constant 0 : i32
        %dma_start3A_91 = tpu.memref_slice %arg12[%dma_start3A_90] : memref<10240xf32, #tpu.memory_space<vmem_shared>> -> memref<10240xf32, #tpu.memory_space<vmem_shared>>
        tpu.enqueue_indirect_dma source(%arg10 : memref<128xf32, #tpu.memory_space<vmem>>) target(%dma_start3A_91 : memref<10240xf32, #tpu.memory_space<vmem_shared>>) offsets(%dma_start3A_89 : memref<128xi32, #tpu.memory_space<vmem>>) semaphore(%run_scoped3A : memref<!tpu.dma_semaphore, #tpu.memory_space<semaphore_mem>>) {add = true}
        %dma_wait3A_92 = arith.constant 0 : i32
        %dma_wait3A_93 = tpu.memref_slice %arg7[%scan3A_84, %dma_wait3A_92] : memref<80x128xi32, #tpu.memory_space<vmem>> -> memref<1x128xi32, #tpu.memory_space<vmem>>
        %dma_wait3A_94 = tpu.memref_squeeze %dma_wait3A_93 : memref<1x128xi32, #tpu.memory_space<vmem>> -> memref<128xi32, #tpu.memory_space<vmem>>
        %dma_wait3A_95 = arith.constant 0 : i32
        %dma_wait3A_96 = tpu.memref_slice %arg12[%dma_wait3A_95] : memref<10240xf32, #tpu.memory_space<vmem_shared>> -> memref<10240xf32, #tpu.memory_space<vmem_shared>>
        tpu.wait_indirect_dma semaphore(%run_scoped3A : memref<!tpu.dma_semaphore, #tpu.memory_space<semaphore_mem>>) src(%arg10 : memref<128xf32, #tpu.memory_space<vmem>>) dst(%dma_wait3A_96 : memref<10240xf32, #tpu.memory_space<vmem_shared>>)
        tpu.yield
      }) : () -> ()
      %scan3A_86 = arith.constant 0 : i32
      scf.yield %scan3A_86 : i32
    }
    %scan3A_79 = arith.constant 80 : i32
    %barrier3A_80 = arith.constant 0 : index
    tpu.barrier barrier_id(%barrier3A_80)
    "tpu.region"() ({
      %run_scoped3A = tpu.sem_alloc : memref<!tpu.dma_semaphore, #tpu.memory_space<semaphore_mem>>
      %dma_start3A_84 = tpu.memref_slice %arg12[%mul3A_72] : memref<10240xf32, #tpu.memory_space<vmem_shared>> -> memref<640xf32, #tpu.memory_space<vmem_shared>>
      %dma_start3A_85 = tpu.memref_slice %arg12[%mul3A_72] : memref<10240xf32, #tpu.memory_space<vmem_shared>> -> memref<640xf32, #tpu.memory_space<vmem_shared>>
      tpu.enqueue_dma source(%dma_start3A_85 : memref<640xf32, #tpu.memory_space<vmem_shared>>) target(%arg11 : memref<640xf32, #tpu.memory_space<vmem>>) target_semaphore(%run_scoped3A : memref<!tpu.dma_semaphore, #tpu.memory_space<semaphore_mem>>)
      %dma_wait3A_86 = tpu.memref_slice %arg12[%mul3A_72] : memref<10240xf32, #tpu.memory_space<vmem_shared>> -> memref<640xf32, #tpu.memory_space<vmem_shared>>
      %dma_wait3A_87 = tpu.memref_slice %arg12[%mul3A_72] : memref<10240xf32, #tpu.memory_space<vmem_shared>> -> memref<640xf32, #tpu.memory_space<vmem_shared>>
      tpu.wait_dma2 semaphore(%run_scoped3A : memref<!tpu.dma_semaphore, #tpu.memory_space<semaphore_mem>>) src(%dma_wait3A_87 : memref<640xf32, #tpu.memory_space<vmem_shared>>) dst(%arg11 : memref<640xf32, #tpu.memory_space<vmem>>)
      tpu.yield
    }) : () -> ()
    %mul3A_81 = arith.constant 10240 : i32
    %mul3A_82 = arith.muli %arg0, %mul3A_81 : i32
    %add3A_83 = arith.addi %mul3A_82, %mul3A_72 : i32
    "tpu.region"() ({
      %run_scoped3A = tpu.sem_alloc : memref<!tpu.dma_semaphore, #tpu.memory_space<semaphore_mem>>
      %dma_start3A_84 = tpu.memref_slice %arg5[%add3A_83] : memref<20480xf32, #tpu.memory_space<hbm>> -> memref<640xf32, #tpu.memory_space<hbm>>
      %dma_start3A_85 = tpu.memref_slice %arg5[%add3A_83] : memref<20480xf32, #tpu.memory_space<hbm>> -> memref<640xf32, #tpu.memory_space<hbm>>
      tpu.enqueue_dma source(%arg11 : memref<640xf32, #tpu.memory_space<vmem>>) target(%dma_start3A_85 : memref<640xf32, #tpu.memory_space<hbm>>) target_semaphore(%run_scoped3A : memref<!tpu.dma_semaphore, #tpu.memory_space<semaphore_mem>>)
      %dma_wait3A_86 = tpu.memref_slice %arg5[%add3A_83] : memref<20480xf32, #tpu.memory_space<hbm>> -> memref<640xf32, #tpu.memory_space<hbm>>
      %dma_wait3A_87 = tpu.memref_slice %arg5[%add3A_83] : memref<20480xf32, #tpu.memory_space<hbm>> -> memref<640xf32, #tpu.memory_space<hbm>>
      tpu.wait_dma2 semaphore(%run_scoped3A : memref<!tpu.dma_semaphore, #tpu.memory_space<semaphore_mem>>) src(%arg11 : memref<640xf32, #tpu.memory_space<vmem>>) dst(%dma_wait3A_87 : memref<640xf32, #tpu.memory_space<hbm>>)
      tpu.yield
    }) : () -> ()
    return
  }
}

#map = affine_map<(d0, d1) -> (0, 0)>
#map1 = affine_map<(d0, d1) -> (0, 0, 0)>
module attributes {stable_mosaic.version = 14 : i64} {
  func.func @sc_hop(%arg0: i32, %arg1: i32, %arg2: memref<10240x128xf32, #tpu.memory_space<hbm>>, %arg3: memref<32x80x128xi32, #tpu.memory_space<hbm>>, %arg4: memref<32x80x128xi32, #tpu.memory_space<hbm>>, %arg5: memref<20480x128xf32, #tpu.memory_space<hbm>>, %arg6: memref<2x8x128xi32, #tpu.memory_space<vmem>>, %arg7: memref<2x8x128xi32, #tpu.memory_space<vmem>>, %arg8: memref<128x128xf32, #tpu.memory_space<vmem>>, %arg9: memref<128x128xf32, #tpu.memory_space<vmem>>, %arg10: memref<10240x128xf32, #tpu.memory_space<vmem_shared>>, %arg11: memref<!tpu.dma_semaphore, #tpu.memory_space<semaphore_mem>>, %arg12: memref<!tpu.dma_semaphore, #tpu.memory_space<semaphore_mem>>) attributes {dimension_semantics = [#tpu.dimension_semantics<core_parallel>, #tpu.dimension_semantics<subcore_parallel>], iteration_bounds = array<i64: 2, 16>, scalar_prefetch = 0 : i64, scratch_operands = 7 : i64, tpu.core_type = #tpu.core_type<sc_vector_subcore>, window_params = [{transform_indices = #map}, {transform_indices = #map1}, {transform_indices = #map1}, {transform_indices = #map}]} {
    %mul3A = arith.constant 16 : i32
    %mul3A_0 = arith.muli %arg0, %mul3A : i32
    %add3A = arith.addi %mul3A_0, %arg1 : i32
    %broadcast_in_dim3A = arith.constant 0.000000e+00 : f32
    %broadcast_in_dim3A_1 = vector.broadcast %broadcast_in_dim3A : f32 to vector<16xf32>
    %scan3A = arith.constant 0 : i32
    %scan3A_2 = arith.constant 0 : i32
    %scan3A_3 = arith.constant 128 : i32
    %scan3A_4 = arith.addi %scan3A_2, %scan3A_3 : i32
    %scan3A_5 = arith.constant 1 : i32
    %scan3A_6 = scf.for %scan3A_64 = %scan3A_2 to %scan3A_4 step %scan3A_5 iter_args(%scan3A_65 = %scan3A) -> (i32)  : i32 {
      %swap3A = arith.index_cast %scan3A_64 : i32 to index
      %swap3A_66 = arith.constant 0 : index
      %swap3A_67 = tpu.vector_load %arg8[%swap3A, %swap3A_66] {strides = array<i32>} : memref<128x128xf32, #tpu.memory_space<vmem>>, vector<1x16xf32>,
      %swap3A_68 = vector.shape_cast %swap3A_67 : vector<1x16xf32> to vector<16xf32>
      %swap3A_69 = vector.shape_cast %broadcast_in_dim3A_1 : vector<16xf32> to vector<1x16xf32>
      tpu.vector_store %arg8[%swap3A, %swap3A_66], %swap3A_69 {strides = array<i32>} : memref<128x128xf32, #tpu.memory_space<vmem>>, vector<1x16xf32>,
      %swap3A_70 = arith.index_cast %scan3A_64 : i32 to index
      %swap3A_71 = arith.constant 16 : index
      %swap3A_72 = tpu.vector_load %arg8[%swap3A_70, %swap3A_71] {strides = array<i32>} : memref<128x128xf32, #tpu.memory_space<vmem>>, vector<1x16xf32>,
      %swap3A_73 = vector.shape_cast %swap3A_72 : vector<1x16xf32> to vector<16xf32>
      %swap3A_74 = vector.shape_cast %broadcast_in_dim3A_1 : vector<16xf32> to vector<1x16xf32>
      tpu.vector_store %arg8[%swap3A_70, %swap3A_71], %swap3A_74 {strides = array<i32>} : memref<128x128xf32, #tpu.memory_space<vmem>>, vector<1x16xf32>,
      %swap3A_75 = arith.index_cast %scan3A_64 : i32 to index
      %swap3A_76 = arith.constant 32 : index
      %swap3A_77 = tpu.vector_load %arg8[%swap3A_75, %swap3A_76] {strides = array<i32>} : memref<128x128xf32, #tpu.memory_space<vmem>>, vector<1x16xf32>,
      %swap3A_78 = vector.shape_cast %swap3A_77 : vector<1x16xf32> to vector<16xf32>
      %swap3A_79 = vector.shape_cast %broadcast_in_dim3A_1 : vector<16xf32> to vector<1x16xf32>
      tpu.vector_store %arg8[%swap3A_75, %swap3A_76], %swap3A_79 {strides = array<i32>} : memref<128x128xf32, #tpu.memory_space<vmem>>, vector<1x16xf32>,
      %swap3A_80 = arith.index_cast %scan3A_64 : i32 to index
      %swap3A_81 = arith.constant 48 : index
      %swap3A_82 = tpu.vector_load %arg8[%swap3A_80, %swap3A_81] {strides = array<i32>} : memref<128x128xf32, #tpu.memory_space<vmem>>, vector<1x16xf32>,
      %swap3A_83 = vector.shape_cast %swap3A_82 : vector<1x16xf32> to vector<16xf32>
      %swap3A_84 = vector.shape_cast %broadcast_in_dim3A_1 : vector<16xf32> to vector<1x16xf32>
      tpu.vector_store %arg8[%swap3A_80, %swap3A_81], %swap3A_84 {strides = array<i32>} : memref<128x128xf32, #tpu.memory_space<vmem>>, vector<1x16xf32>,
      %swap3A_85 = arith.index_cast %scan3A_64 : i32 to index
      %swap3A_86 = arith.constant 64 : index
      %swap3A_87 = tpu.vector_load %arg8[%swap3A_85, %swap3A_86] {strides = array<i32>} : memref<128x128xf32, #tpu.memory_space<vmem>>, vector<1x16xf32>,
      %swap3A_88 = vector.shape_cast %swap3A_87 : vector<1x16xf32> to vector<16xf32>
      %swap3A_89 = vector.shape_cast %broadcast_in_dim3A_1 : vector<16xf32> to vector<1x16xf32>
      tpu.vector_store %arg8[%swap3A_85, %swap3A_86], %swap3A_89 {strides = array<i32>} : memref<128x128xf32, #tpu.memory_space<vmem>>, vector<1x16xf32>,
      %swap3A_90 = arith.index_cast %scan3A_64 : i32 to index
      %swap3A_91 = arith.constant 80 : index
      %swap3A_92 = tpu.vector_load %arg8[%swap3A_90, %swap3A_91] {strides = array<i32>} : memref<128x128xf32, #tpu.memory_space<vmem>>, vector<1x16xf32>,
      %swap3A_93 = vector.shape_cast %swap3A_92 : vector<1x16xf32> to vector<16xf32>
      %swap3A_94 = vector.shape_cast %broadcast_in_dim3A_1 : vector<16xf32> to vector<1x16xf32>
      tpu.vector_store %arg8[%swap3A_90, %swap3A_91], %swap3A_94 {strides = array<i32>} : memref<128x128xf32, #tpu.memory_space<vmem>>, vector<1x16xf32>,
      %swap3A_95 = arith.index_cast %scan3A_64 : i32 to index
      %swap3A_96 = arith.constant 96 : index
      %swap3A_97 = tpu.vector_load %arg8[%swap3A_95, %swap3A_96] {strides = array<i32>} : memref<128x128xf32, #tpu.memory_space<vmem>>, vector<1x16xf32>,
      %swap3A_98 = vector.shape_cast %swap3A_97 : vector<1x16xf32> to vector<16xf32>
      %swap3A_99 = vector.shape_cast %broadcast_in_dim3A_1 : vector<16xf32> to vector<1x16xf32>
      tpu.vector_store %arg8[%swap3A_95, %swap3A_96], %swap3A_99 {strides = array<i32>} : memref<128x128xf32, #tpu.memory_space<vmem>>, vector<1x16xf32>,
      %swap3A_100 = arith.index_cast %scan3A_64 : i32 to index
      %swap3A_101 = arith.constant 112 : index
      %swap3A_102 = tpu.vector_load %arg8[%swap3A_100, %swap3A_101] {strides = array<i32>} : memref<128x128xf32, #tpu.memory_space<vmem>>, vector<1x16xf32>,
      %swap3A_103 = vector.shape_cast %swap3A_102 : vector<1x16xf32> to vector<16xf32>
      %swap3A_104 = vector.shape_cast %broadcast_in_dim3A_1 : vector<16xf32> to vector<1x16xf32>
      tpu.vector_store %arg8[%swap3A_100, %swap3A_101], %swap3A_104 {strides = array<i32>} : memref<128x128xf32, #tpu.memory_space<vmem>>, vector<1x16xf32>,
      %scan3A_105 = arith.constant 0 : i32
      scf.yield %scan3A_105 : i32
    }
    %scan3A_7 = arith.constant 128 : i32
    %mul3A_8 = arith.constant 640 : i32
    %mul3A_9 = arith.muli %arg1, %mul3A_8 : i32
    %add3A_10 = arith.constant 0 : i32
    %add3A_11 = arith.addi %mul3A_9, %add3A_10 : i32
    "tpu.region"() ({
      %run_scoped3A_64 = tpu.sem_alloc : memref<!tpu.dma_semaphore, #tpu.memory_space<semaphore_mem>>
      %dma_start3A = arith.constant 0 : i32
      %dma_start3A_65 = tpu.memref_slice %arg10[%add3A_11, %dma_start3A] : memref<10240x128xf32, #tpu.memory_space<vmem_shared>> -> memref<128x128xf32, #tpu.memory_space<vmem_shared>>
      %dma_start3A_66 = arith.constant 0 : i32
      %dma_start3A_67 = tpu.memref_slice %arg10[%add3A_11, %dma_start3A_66] : memref<10240x128xf32, #tpu.memory_space<vmem_shared>> -> memref<128x128xf32, #tpu.memory_space<vmem_shared>>
      tpu.enqueue_dma source(%arg8 : memref<128x128xf32, #tpu.memory_space<vmem>>) target(%dma_start3A_67 : memref<128x128xf32, #tpu.memory_space<vmem_shared>>) target_semaphore(%run_scoped3A_64 : memref<!tpu.dma_semaphore, #tpu.memory_space<semaphore_mem>>)
      %dma_wait3A = arith.constant 0 : i32
      %dma_wait3A_68 = tpu.memref_slice %arg10[%add3A_11, %dma_wait3A] : memref<10240x128xf32, #tpu.memory_space<vmem_shared>> -> memref<128x128xf32, #tpu.memory_space<vmem_shared>>
      %dma_wait3A_69 = arith.constant 0 : i32
      %dma_wait3A_70 = tpu.memref_slice %arg10[%add3A_11, %dma_wait3A_69] : memref<10240x128xf32, #tpu.memory_space<vmem_shared>> -> memref<128x128xf32, #tpu.memory_space<vmem_shared>>
      tpu.wait_dma2 semaphore(%run_scoped3A_64 : memref<!tpu.dma_semaphore, #tpu.memory_space<semaphore_mem>>) src(%arg8 : memref<128x128xf32, #tpu.memory_space<vmem>>) dst(%dma_wait3A_70 : memref<128x128xf32, #tpu.memory_space<vmem_shared>>)
      tpu.yield
    }) : () -> ()
    %add3A_12 = arith.constant 128 : i32
    %add3A_13 = arith.addi %mul3A_9, %add3A_12 : i32
    "tpu.region"() ({
      %run_scoped3A_64 = tpu.sem_alloc : memref<!tpu.dma_semaphore, #tpu.memory_space<semaphore_mem>>
      %dma_start3A = arith.constant 0 : i32
      %dma_start3A_65 = tpu.memref_slice %arg10[%add3A_13, %dma_start3A] : memref<10240x128xf32, #tpu.memory_space<vmem_shared>> -> memref<128x128xf32, #tpu.memory_space<vmem_shared>>
      %dma_start3A_66 = arith.constant 0 : i32
      %dma_start3A_67 = tpu.memref_slice %arg10[%add3A_13, %dma_start3A_66] : memref<10240x128xf32, #tpu.memory_space<vmem_shared>> -> memref<128x128xf32, #tpu.memory_space<vmem_shared>>
      tpu.enqueue_dma source(%arg8 : memref<128x128xf32, #tpu.memory_space<vmem>>) target(%dma_start3A_67 : memref<128x128xf32, #tpu.memory_space<vmem_shared>>) target_semaphore(%run_scoped3A_64 : memref<!tpu.dma_semaphore, #tpu.memory_space<semaphore_mem>>)
      %dma_wait3A = arith.constant 0 : i32
      %dma_wait3A_68 = tpu.memref_slice %arg10[%add3A_13, %dma_wait3A] : memref<10240x128xf32, #tpu.memory_space<vmem_shared>> -> memref<128x128xf32, #tpu.memory_space<vmem_shared>>
      %dma_wait3A_69 = arith.constant 0 : i32
      %dma_wait3A_70 = tpu.memref_slice %arg10[%add3A_13, %dma_wait3A_69] : memref<10240x128xf32, #tpu.memory_space<vmem_shared>> -> memref<128x128xf32, #tpu.memory_space<vmem_shared>>
      tpu.wait_dma2 semaphore(%run_scoped3A_64 : memref<!tpu.dma_semaphore, #tpu.memory_space<semaphore_mem>>) src(%arg8 : memref<128x128xf32, #tpu.memory_space<vmem>>) dst(%dma_wait3A_70 : memref<128x128xf32, #tpu.memory_space<vmem_shared>>)
      tpu.yield
    }) : () -> ()
    %add3A_14 = arith.constant 256 : i32
    %add3A_15 = arith.addi %mul3A_9, %add3A_14 : i32
    "tpu.region"() ({
      %run_scoped3A_64 = tpu.sem_alloc : memref<!tpu.dma_semaphore, #tpu.memory_space<semaphore_mem>>
      %dma_start3A = arith.constant 0 : i32
      %dma_start3A_65 = tpu.memref_slice %arg10[%add3A_15, %dma_start3A] : memref<10240x128xf32, #tpu.memory_space<vmem_shared>> -> memref<128x128xf32, #tpu.memory_space<vmem_shared>>
      %dma_start3A_66 = arith.constant 0 : i32
      %dma_start3A_67 = tpu.memref_slice %arg10[%add3A_15, %dma_start3A_66] : memref<10240x128xf32, #tpu.memory_space<vmem_shared>> -> memref<128x128xf32, #tpu.memory_space<vmem_shared>>
      tpu.enqueue_dma source(%arg8 : memref<128x128xf32, #tpu.memory_space<vmem>>) target(%dma_start3A_67 : memref<128x128xf32, #tpu.memory_space<vmem_shared>>) target_semaphore(%run_scoped3A_64 : memref<!tpu.dma_semaphore, #tpu.memory_space<semaphore_mem>>)
      %dma_wait3A = arith.constant 0 : i32
      %dma_wait3A_68 = tpu.memref_slice %arg10[%add3A_15, %dma_wait3A] : memref<10240x128xf32, #tpu.memory_space<vmem_shared>> -> memref<128x128xf32, #tpu.memory_space<vmem_shared>>
      %dma_wait3A_69 = arith.constant 0 : i32
      %dma_wait3A_70 = tpu.memref_slice %arg10[%add3A_15, %dma_wait3A_69] : memref<10240x128xf32, #tpu.memory_space<vmem_shared>> -> memref<128x128xf32, #tpu.memory_space<vmem_shared>>
      tpu.wait_dma2 semaphore(%run_scoped3A_64 : memref<!tpu.dma_semaphore, #tpu.memory_space<semaphore_mem>>) src(%arg8 : memref<128x128xf32, #tpu.memory_space<vmem>>) dst(%dma_wait3A_70 : memref<128x128xf32, #tpu.memory_space<vmem_shared>>)
      tpu.yield
    }) : () -> ()
    %add3A_16 = arith.constant 384 : i32
    %add3A_17 = arith.addi %mul3A_9, %add3A_16 : i32
    "tpu.region"() ({
      %run_scoped3A_64 = tpu.sem_alloc : memref<!tpu.dma_semaphore, #tpu.memory_space<semaphore_mem>>
      %dma_start3A = arith.constant 0 : i32
      %dma_start3A_65 = tpu.memref_slice %arg10[%add3A_17, %dma_start3A] : memref<10240x128xf32, #tpu.memory_space<vmem_shared>> -> memref<128x128xf32, #tpu.memory_space<vmem_shared>>
      %dma_start3A_66 = arith.constant 0 : i32
      %dma_start3A_67 = tpu.memref_slice %arg10[%add3A_17, %dma_start3A_66] : memref<10240x128xf32, #tpu.memory_space<vmem_shared>> -> memref<128x128xf32, #tpu.memory_space<vmem_shared>>
      tpu.enqueue_dma source(%arg8 : memref<128x128xf32, #tpu.memory_space<vmem>>) target(%dma_start3A_67 : memref<128x128xf32, #tpu.memory_space<vmem_shared>>) target_semaphore(%run_scoped3A_64 : memref<!tpu.dma_semaphore, #tpu.memory_space<semaphore_mem>>)
      %dma_wait3A = arith.constant 0 : i32
      %dma_wait3A_68 = tpu.memref_slice %arg10[%add3A_17, %dma_wait3A] : memref<10240x128xf32, #tpu.memory_space<vmem_shared>> -> memref<128x128xf32, #tpu.memory_space<vmem_shared>>
      %dma_wait3A_69 = arith.constant 0 : i32
      %dma_wait3A_70 = tpu.memref_slice %arg10[%add3A_17, %dma_wait3A_69] : memref<10240x128xf32, #tpu.memory_space<vmem_shared>> -> memref<128x128xf32, #tpu.memory_space<vmem_shared>>
      tpu.wait_dma2 semaphore(%run_scoped3A_64 : memref<!tpu.dma_semaphore, #tpu.memory_space<semaphore_mem>>) src(%arg8 : memref<128x128xf32, #tpu.memory_space<vmem>>) dst(%dma_wait3A_70 : memref<128x128xf32, #tpu.memory_space<vmem_shared>>)
      tpu.yield
    }) : () -> ()
    %add3A_18 = arith.constant 512 : i32
    %add3A_19 = arith.addi %mul3A_9, %add3A_18 : i32
    "tpu.region"() ({
      %run_scoped3A_64 = tpu.sem_alloc : memref<!tpu.dma_semaphore, #tpu.memory_space<semaphore_mem>>
      %dma_start3A = arith.constant 0 : i32
      %dma_start3A_65 = tpu.memref_slice %arg10[%add3A_19, %dma_start3A] : memref<10240x128xf32, #tpu.memory_space<vmem_shared>> -> memref<128x128xf32, #tpu.memory_space<vmem_shared>>
      %dma_start3A_66 = arith.constant 0 : i32
      %dma_start3A_67 = tpu.memref_slice %arg10[%add3A_19, %dma_start3A_66] : memref<10240x128xf32, #tpu.memory_space<vmem_shared>> -> memref<128x128xf32, #tpu.memory_space<vmem_shared>>
      tpu.enqueue_dma source(%arg8 : memref<128x128xf32, #tpu.memory_space<vmem>>) target(%dma_start3A_67 : memref<128x128xf32, #tpu.memory_space<vmem_shared>>) target_semaphore(%run_scoped3A_64 : memref<!tpu.dma_semaphore, #tpu.memory_space<semaphore_mem>>)
      %dma_wait3A = arith.constant 0 : i32
      %dma_wait3A_68 = tpu.memref_slice %arg10[%add3A_19, %dma_wait3A] : memref<10240x128xf32, #tpu.memory_space<vmem_shared>> -> memref<128x128xf32, #tpu.memory_space<vmem_shared>>
      %dma_wait3A_69 = arith.constant 0 : i32
      %dma_wait3A_70 = tpu.memref_slice %arg10[%add3A_19, %dma_wait3A_69] : memref<10240x128xf32, #tpu.memory_space<vmem_shared>> -> memref<128x128xf32, #tpu.memory_space<vmem_shared>>
      tpu.wait_dma2 semaphore(%run_scoped3A_64 : memref<!tpu.dma_semaphore, #tpu.memory_space<semaphore_mem>>) src(%arg8 : memref<128x128xf32, #tpu.memory_space<vmem>>) dst(%dma_wait3A_70 : memref<128x128xf32, #tpu.memory_space<vmem_shared>>)
      tpu.yield
    }) : () -> ()
    %run_scoped3A = arith.constant 0 : i32
    "tpu.region"() ({
      %run_scoped3A_64 = tpu.sem_alloc : memref<!tpu.dma_semaphore, #tpu.memory_space<semaphore_mem>>
      %dma_start3A = arith.constant 0 : i32
      %dma_start3A_65 = arith.constant 0 : i32
      %dma_start3A_66 = tpu.memref_slice %arg6[%run_scoped3A, %dma_start3A, %dma_start3A_65] : memref<2x8x128xi32, #tpu.memory_space<vmem>> -> memref<1x8x128xi32, #tpu.memory_space<vmem>>
      %dma_start3A_67 = tpu.memref_squeeze %dma_start3A_66 : memref<1x8x128xi32, #tpu.memory_space<vmem>> -> memref<8x128xi32, #tpu.memory_space<vmem>>
      %dma_start3A_68 = arith.constant 0 : i32
      %dma_start3A_69 = arith.constant 0 : i32
      %dma_start3A_70 = tpu.memref_slice %arg3[%add3A, %dma_start3A_68, %dma_start3A_69] : memref<32x80x128xi32, #tpu.memory_space<hbm>> -> memref<1x8x128xi32, #tpu.memory_space<hbm>>
      %dma_start3A_71 = tpu.memref_squeeze %dma_start3A_70 : memref<1x8x128xi32, #tpu.memory_space<hbm>> -> memref<8x128xi32, #tpu.memory_space<hbm>>
      %dma_start3A_72 = arith.constant 0 : i32
      %dma_start3A_73 = arith.constant 0 : i32
      %dma_start3A_74 = tpu.memref_slice %arg6[%run_scoped3A, %dma_start3A_72, %dma_start3A_73] : memref<2x8x128xi32, #tpu.memory_space<vmem>> -> memref<1x8x128xi32, #tpu.memory_space<vmem>>
      %dma_start3A_75 = tpu.memref_squeeze %dma_start3A_74 : memref<1x8x128xi32, #tpu.memory_space<vmem>> -> memref<8x128xi32, #tpu.memory_space<vmem>>
      %dma_start3A_76 = arith.constant 0 : i32
      %dma_start3A_77 = arith.constant 0 : i32
      %dma_start3A_78 = tpu.memref_slice %arg3[%add3A, %dma_start3A_76, %dma_start3A_77] : memref<32x80x128xi32, #tpu.memory_space<hbm>> -> memref<1x8x128xi32, #tpu.memory_space<hbm>>
      %dma_start3A_79 = tpu.memref_squeeze %dma_start3A_78 : memref<1x8x128xi32, #tpu.memory_space<hbm>> -> memref<8x128xi32, #tpu.memory_space<hbm>>
      tpu.enqueue_dma source(%dma_start3A_79 : memref<8x128xi32, #tpu.memory_space<hbm>>) target(%dma_start3A_75 : memref<8x128xi32, #tpu.memory_space<vmem>>) target_semaphore(%run_scoped3A_64 : memref<!tpu.dma_semaphore, #tpu.memory_space<semaphore_mem>>)
      %dma_wait3A = arith.constant 0 : i32
      %dma_wait3A_80 = arith.constant 0 : i32
      %dma_wait3A_81 = tpu.memref_slice %arg6[%run_scoped3A, %dma_wait3A, %dma_wait3A_80] : memref<2x8x128xi32, #tpu.memory_space<vmem>> -> memref<1x8x128xi32, #tpu.memory_space<vmem>>
      %dma_wait3A_82 = tpu.memref_squeeze %dma_wait3A_81 : memref<1x8x128xi32, #tpu.memory_space<vmem>> -> memref<8x128xi32, #tpu.memory_space<vmem>>
      %dma_wait3A_83 = arith.constant 0 : i32
      %dma_wait3A_84 = arith.constant 0 : i32
      %dma_wait3A_85 = tpu.memref_slice %arg3[%add3A, %dma_wait3A_83, %dma_wait3A_84] : memref<32x80x128xi32, #tpu.memory_space<hbm>> -> memref<1x8x128xi32, #tpu.memory_space<hbm>>
      %dma_wait3A_86 = tpu.memref_squeeze %dma_wait3A_85 : memref<1x8x128xi32, #tpu.memory_space<hbm>> -> memref<8x128xi32, #tpu.memory_space<hbm>>
      %dma_wait3A_87 = arith.constant 0 : i32
      %dma_wait3A_88 = arith.constant 0 : i32
      %dma_wait3A_89 = tpu.memref_slice %arg6[%run_scoped3A, %dma_wait3A_87, %dma_wait3A_88] : memref<2x8x128xi32, #tpu.memory_space<vmem>> -> memref<1x8x128xi32, #tpu.memory_space<vmem>>
      %dma_wait3A_90 = tpu.memref_squeeze %dma_wait3A_89 : memref<1x8x128xi32, #tpu.memory_space<vmem>> -> memref<8x128xi32, #tpu.memory_space<vmem>>
      %dma_wait3A_91 = arith.constant 0 : i32
      %dma_wait3A_92 = arith.constant 0 : i32
      %dma_wait3A_93 = tpu.memref_slice %arg3[%add3A, %dma_wait3A_91, %dma_wait3A_92] : memref<32x80x128xi32, #tpu.memory_space<hbm>> -> memref<1x8x128xi32, #tpu.memory_space<hbm>>
      %dma_wait3A_94 = tpu.memref_squeeze %dma_wait3A_93 : memref<1x8x128xi32, #tpu.memory_space<hbm>> -> memref<8x128xi32, #tpu.memory_space<hbm>>
      tpu.wait_dma2 semaphore(%run_scoped3A_64 : memref<!tpu.dma_semaphore, #tpu.memory_space<semaphore_mem>>) src(%dma_wait3A_94 : memref<8x128xi32, #tpu.memory_space<hbm>>) dst(%dma_wait3A_90 : memref<8x128xi32, #tpu.memory_space<vmem>>)
      tpu.yield
    }) : () -> ()
    %run_scoped3A_20 = arith.constant 0 : i32
    "tpu.region"() ({
      %run_scoped3A_64 = tpu.sem_alloc : memref<!tpu.dma_semaphore, #tpu.memory_space<semaphore_mem>>
      %dma_start3A = arith.constant 0 : i32
      %dma_start3A_65 = arith.constant 0 : i32
      %dma_start3A_66 = tpu.memref_slice %arg7[%run_scoped3A_20, %dma_start3A, %dma_start3A_65] : memref<2x8x128xi32, #tpu.memory_space<vmem>> -> memref<1x8x128xi32, #tpu.memory_space<vmem>>
      %dma_start3A_67 = tpu.memref_squeeze %dma_start3A_66 : memref<1x8x128xi32, #tpu.memory_space<vmem>> -> memref<8x128xi32, #tpu.memory_space<vmem>>
      %dma_start3A_68 = arith.constant 0 : i32
      %dma_start3A_69 = arith.constant 0 : i32
      %dma_start3A_70 = tpu.memref_slice %arg4[%add3A, %dma_start3A_68, %dma_start3A_69] : memref<32x80x128xi32, #tpu.memory_space<hbm>> -> memref<1x8x128xi32, #tpu.memory_space<hbm>>
      %dma_start3A_71 = tpu.memref_squeeze %dma_start3A_70 : memref<1x8x128xi32, #tpu.memory_space<hbm>> -> memref<8x128xi32, #tpu.memory_space<hbm>>
      %dma_start3A_72 = arith.constant 0 : i32
      %dma_start3A_73 = arith.constant 0 : i32
      %dma_start3A_74 = tpu.memref_slice %arg7[%run_scoped3A_20, %dma_start3A_72, %dma_start3A_73] : memref<2x8x128xi32, #tpu.memory_space<vmem>> -> memref<1x8x128xi32, #tpu.memory_space<vmem>>
      %dma_start3A_75 = tpu.memref_squeeze %dma_start3A_74 : memref<1x8x128xi32, #tpu.memory_space<vmem>> -> memref<8x128xi32, #tpu.memory_space<vmem>>
      %dma_start3A_76 = arith.constant 0 : i32
      %dma_start3A_77 = arith.constant 0 : i32
      %dma_start3A_78 = tpu.memref_slice %arg4[%add3A, %dma_start3A_76, %dma_start3A_77] : memref<32x80x128xi32, #tpu.memory_space<hbm>> -> memref<1x8x128xi32, #tpu.memory_space<hbm>>
      %dma_start3A_79 = tpu.memref_squeeze %dma_start3A_78 : memref<1x8x128xi32, #tpu.memory_space<hbm>> -> memref<8x128xi32, #tpu.memory_space<hbm>>
      tpu.enqueue_dma source(%dma_start3A_79 : memref<8x128xi32, #tpu.memory_space<hbm>>) target(%dma_start3A_75 : memref<8x128xi32, #tpu.memory_space<vmem>>) target_semaphore(%run_scoped3A_64 : memref<!tpu.dma_semaphore, #tpu.memory_space<semaphore_mem>>)
      %dma_wait3A = arith.constant 0 : i32
      %dma_wait3A_80 = arith.constant 0 : i32
      %dma_wait3A_81 = tpu.memref_slice %arg7[%run_scoped3A_20, %dma_wait3A, %dma_wait3A_80] : memref<2x8x128xi32, #tpu.memory_space<vmem>> -> memref<1x8x128xi32, #tpu.memory_space<vmem>>
      %dma_wait3A_82 = tpu.memref_squeeze %dma_wait3A_81 : memref<1x8x128xi32, #tpu.memory_space<vmem>> -> memref<8x128xi32, #tpu.memory_space<vmem>>
      %dma_wait3A_83 = arith.constant 0 : i32
      %dma_wait3A_84 = arith.constant 0 : i32
      %dma_wait3A_85 = tpu.memref_slice %arg4[%add3A, %dma_wait3A_83, %dma_wait3A_84] : memref<32x80x128xi32, #tpu.memory_space<hbm>> -> memref<1x8x128xi32, #tpu.memory_space<hbm>>
      %dma_wait3A_86 = tpu.memref_squeeze %dma_wait3A_85 : memref<1x8x128xi32, #tpu.memory_space<hbm>> -> memref<8x128xi32, #tpu.memory_space<hbm>>
      %dma_wait3A_87 = arith.constant 0 : i32
      %dma_wait3A_88 = arith.constant 0 : i32
      %dma_wait3A_89 = tpu.memref_slice %arg7[%run_scoped3A_20, %dma_wait3A_87, %dma_wait3A_88] : memref<2x8x128xi32, #tpu.memory_space<vmem>> -> memref<1x8x128xi32, #tpu.memory_space<vmem>>
      %dma_wait3A_90 = tpu.memref_squeeze %dma_wait3A_89 : memref<1x8x128xi32, #tpu.memory_space<vmem>> -> memref<8x128xi32, #tpu.memory_space<vmem>>
      %dma_wait3A_91 = arith.constant 0 : i32
      %dma_wait3A_92 = arith.constant 0 : i32
      %dma_wait3A_93 = tpu.memref_slice %arg4[%add3A, %dma_wait3A_91, %dma_wait3A_92] : memref<32x80x128xi32, #tpu.memory_space<hbm>> -> memref<1x8x128xi32, #tpu.memory_space<hbm>>
      %dma_wait3A_94 = tpu.memref_squeeze %dma_wait3A_93 : memref<1x8x128xi32, #tpu.memory_space<hbm>> -> memref<8x128xi32, #tpu.memory_space<hbm>>
      tpu.wait_dma2 semaphore(%run_scoped3A_64 : memref<!tpu.dma_semaphore, #tpu.memory_space<semaphore_mem>>) src(%dma_wait3A_94 : memref<8x128xi32, #tpu.memory_space<hbm>>) dst(%dma_wait3A_90 : memref<8x128xi32, #tpu.memory_space<vmem>>)
      tpu.yield
    }) : () -> ()
    %barrier3A = arith.constant 0 : index
    tpu.barrier barrier_id(%barrier3A)
    %scan3A_21 = arith.constant 0 : i32
    %scan3A_22 = arith.constant 0 : i32
    %scan3A_23 = arith.constant 40 : i32
    %scan3A_24 = arith.addi %scan3A_22, %scan3A_23 : i32
    %scan3A_25 = arith.constant 1 : i32
    %scan3A_26 = scf.for %scan3A_64 = %scan3A_22 to %scan3A_24 step %scan3A_25 iter_args(%scan3A_65 = %scan3A_21) -> (i32)  : i32 {
      %jit3A = arith.constant 4 : i32
      %div3A = arith.divsi %scan3A_64, %jit3A : i32
      %sign3A = arith.constant 0 : i32
      %sign3A_66 = arith.cmpi sgt, %scan3A_64, %sign3A : i32
      %sign3A_67 = arith.extui %sign3A_66 : i1 to i32
      %sign3A_68 = arith.constant 0 : i32
      %sign3A_69 = arith.cmpi slt, %scan3A_64, %sign3A_68 : i32
      %sign3A_70 = arith.extui %sign3A_69 : i1 to i32
      %sign3A_71 = arith.subi %sign3A_67, %sign3A_70 : i32
      %sign3A_72 = arith.constant 0 : i32
      %sign3A_73 = arith.cmpi sgt, %jit3A, %sign3A_72 : i32
      %sign3A_74 = arith.extui %sign3A_73 : i1 to i32
      %sign3A_75 = arith.constant 0 : i32
      %sign3A_76 = arith.cmpi slt, %jit3A, %sign3A_75 : i32
      %sign3A_77 = arith.extui %sign3A_76 : i1 to i32
      %sign3A_78 = arith.subi %sign3A_74, %sign3A_77 : i32
      %ne3A = arith.cmpi ne, %sign3A_71, %sign3A_78 : i32
      %rem3A = arith.remsi %scan3A_64, %jit3A : i32
      %ne3A_79 = arith.constant 0 : i32
      %ne3A_80 = arith.cmpi ne, %rem3A, %ne3A_79 : i32
      %and3A = arith.andi %ne3A, %ne3A_80 : i1
      %sub3A = arith.constant 1 : i32
      %sub3A_81 = arith.subi %div3A, %sub3A : i32
      %select_n3A = arith.select %and3A, %sub3A_81, %div3A : i32
      %rem3A_82 = arith.constant 4 : i32
      %rem3A_83 = arith.remsi %scan3A_64, %rem3A_82 : i32
      %rem3A_84 = arith.constant 2 : i32
      %rem3A_85 = arith.remsi %select_n3A, %rem3A_84 : i32
      %mul3A_86 = arith.constant 2 : i32
      %mul3A_87 = arith.muli %mul3A_86, %rem3A_83 : i32
      %dma_start3A = arith.constant 0 : i32
      %dma_start3A_88 = tpu.memref_slice %arg6[%rem3A_85, %mul3A_87, %dma_start3A] : memref<2x8x128xi32, #tpu.memory_space<vmem>> -> memref<1x1x128xi32, #tpu.memory_space<vmem>>
      %dma_start3A_89 = tpu.memref_squeeze %dma_start3A_88 : memref<1x1x128xi32, #tpu.memory_space<vmem>> -> memref<128xi32, #tpu.memory_space<vmem>>
      %dma_start3A_90 = arith.constant 0 : i32
      %dma_start3A_91 = arith.constant 0 : i32
      %dma_start3A_92 = tpu.memref_slice %arg2[%dma_start3A_90, %dma_start3A_91] : memref<10240x128xf32, #tpu.memory_space<hbm>> -> memref<10240x128xf32, #tpu.memory_space<hbm>>
      tpu.enqueue_indirect_dma source(%dma_start3A_92 : memref<10240x128xf32, #tpu.memory_space<hbm>>) target(%arg8 : memref<128x128xf32, #tpu.memory_space<vmem>>) offsets(%dma_start3A_89 : memref<128xi32, #tpu.memory_space<vmem>>) semaphore(%arg11 : memref<!tpu.dma_semaphore, #tpu.memory_space<semaphore_mem>>)
      %add3A_93 = arith.constant 1 : i32
      %add3A_94 = arith.addi %mul3A_87, %add3A_93 : i32
      %dma_start3A_95 = arith.constant 0 : i32
      %dma_start3A_96 = tpu.memref_slice %arg6[%rem3A_85, %add3A_94, %dma_start3A_95] : memref<2x8x128xi32, #tpu.memory_space<vmem>> -> memref<1x1x128xi32, #tpu.memory_space<vmem>>
      %dma_start3A_97 = tpu.memref_squeeze %dma_start3A_96 : memref<1x1x128xi32, #tpu.memory_space<vmem>> -> memref<128xi32, #tpu.memory_space<vmem>>
      %dma_start3A_98 = arith.constant 0 : i32
      %dma_start3A_99 = arith.constant 0 : i32
      %dma_start3A_100 = tpu.memref_slice %arg2[%dma_start3A_98, %dma_start3A_99] : memref<10240x128xf32, #tpu.memory_space<hbm>> -> memref<10240x128xf32, #tpu.memory_space<hbm>>
      tpu.enqueue_indirect_dma source(%dma_start3A_100 : memref<10240x128xf32, #tpu.memory_space<hbm>>) target(%arg9 : memref<128x128xf32, #tpu.memory_space<vmem>>) offsets(%dma_start3A_97 : memref<128xi32, #tpu.memory_space<vmem>>) semaphore(%arg12 : memref<!tpu.dma_semaphore, #tpu.memory_space<semaphore_mem>>)
      %eq3A = arith.constant 0 : i32
      %eq3A_101 = arith.cmpi eq, %rem3A_83, %eq3A : i32
      %add3A_102 = arith.constant 1 : i32
      %add3A_103 = arith.addi %select_n3A, %add3A_102 : i32
      %lt3A = arith.constant 10 : i32
      %lt3A_104 = arith.cmpi slt, %add3A_103, %lt3A : i32
      %and3A_105 = arith.andi %eq3A_101, %lt3A_104 : i1
      %convert_element_type3A = arith.extui %and3A_105 : i1 to i32
      %cond3A = arith.constant 0 : i32
      %cond3A_106 = arith.cmpi ne, %convert_element_type3A, %cond3A : i32
      scf.if %cond3A_106 {
        %add3A_123 = arith.constant 1 : i32
        %add3A_124 = arith.addi %select_n3A, %add3A_123 : i32
        %rem3A_125 = arith.constant 2 : i32
        %rem3A_126 = arith.remsi %add3A_124, %rem3A_125 : i32
        %add3A_127 = arith.constant 1 : i32
        %add3A_128 = arith.addi %select_n3A, %add3A_127 : i32
        %mul3A_129 = arith.constant 8 : i32
        %mul3A_130 = arith.muli %add3A_128, %mul3A_129 : i32
        "tpu.region"() ({
          %run_scoped3A_135 = tpu.sem_alloc : memref<!tpu.dma_semaphore, #tpu.memory_space<semaphore_mem>>
          %dma_start3A_136 = arith.constant 0 : i32
          %dma_start3A_137 = arith.constant 0 : i32
          %dma_start3A_138 = tpu.memref_slice %arg6[%rem3A_126, %dma_start3A_136, %dma_start3A_137] : memref<2x8x128xi32, #tpu.memory_space<vmem>> -> memref<1x8x128xi32, #tpu.memory_space<vmem>>
          %dma_start3A_139 = tpu.memref_squeeze %dma_start3A_138 : memref<1x8x128xi32, #tpu.memory_space<vmem>> -> memref<8x128xi32, #tpu.memory_space<vmem>>
          %dma_start3A_140 = arith.constant 0 : i32
          %dma_start3A_141 = tpu.memref_slice %arg3[%add3A, %mul3A_130, %dma_start3A_140] : memref<32x80x128xi32, #tpu.memory_space<hbm>> -> memref<1x8x128xi32, #tpu.memory_space<hbm>>
          %dma_start3A_142 = tpu.memref_squeeze %dma_start3A_141 : memref<1x8x128xi32, #tpu.memory_space<hbm>> -> memref<8x128xi32, #tpu.memory_space<hbm>>
          %dma_start3A_143 = arith.constant 0 : i32
          %dma_start3A_144 = arith.constant 0 : i32
          %dma_start3A_145 = tpu.memref_slice %arg6[%rem3A_126, %dma_start3A_143, %dma_start3A_144] : memref<2x8x128xi32, #tpu.memory_space<vmem>> -> memref<1x8x128xi32, #tpu.memory_space<vmem>>
          %dma_start3A_146 = tpu.memref_squeeze %dma_start3A_145 : memref<1x8x128xi32, #tpu.memory_space<vmem>> -> memref<8x128xi32, #tpu.memory_space<vmem>>
          %dma_start3A_147 = arith.constant 0 : i32
          %dma_start3A_148 = tpu.memref_slice %arg3[%add3A, %mul3A_130, %dma_start3A_147] : memref<32x80x128xi32, #tpu.memory_space<hbm>> -> memref<1x8x128xi32, #tpu.memory_space<hbm>>
          %dma_start3A_149 = tpu.memref_squeeze %dma_start3A_148 : memref<1x8x128xi32, #tpu.memory_space<hbm>> -> memref<8x128xi32, #tpu.memory_space<hbm>>
          tpu.enqueue_dma source(%dma_start3A_149 : memref<8x128xi32, #tpu.memory_space<hbm>>) target(%dma_start3A_146 : memref<8x128xi32, #tpu.memory_space<vmem>>) target_semaphore(%run_scoped3A_135 : memref<!tpu.dma_semaphore, #tpu.memory_space<semaphore_mem>>)
          %dma_wait3A_150 = arith.constant 0 : i32
          %dma_wait3A_151 = arith.constant 0 : i32
          %dma_wait3A_152 = tpu.memref_slice %arg6[%rem3A_126, %dma_wait3A_150, %dma_wait3A_151] : memref<2x8x128xi32, #tpu.memory_space<vmem>> -> memref<1x8x128xi32, #tpu.memory_space<vmem>>
          %dma_wait3A_153 = tpu.memref_squeeze %dma_wait3A_152 : memref<1x8x128xi32, #tpu.memory_space<vmem>> -> memref<8x128xi32, #tpu.memory_space<vmem>>
          %dma_wait3A_154 = arith.constant 0 : i32
          %dma_wait3A_155 = tpu.memref_slice %arg3[%add3A, %mul3A_130, %dma_wait3A_154] : memref<32x80x128xi32, #tpu.memory_space<hbm>> -> memref<1x8x128xi32, #tpu.memory_space<hbm>>
          %dma_wait3A_156 = tpu.memref_squeeze %dma_wait3A_155 : memref<1x8x128xi32, #tpu.memory_space<hbm>> -> memref<8x128xi32, #tpu.memory_space<hbm>>
          %dma_wait3A_157 = arith.constant 0 : i32
          %dma_wait3A_158 = arith.constant 0 : i32
          %dma_wait3A_159 = tpu.memref_slice %arg6[%rem3A_126, %dma_wait3A_157, %dma_wait3A_158] : memref<2x8x128xi32, #tpu.memory_space<vmem>> -> memref<1x8x128xi32, #tpu.memory_space<vmem>>
          %dma_wait3A_160 = tpu.memref_squeeze %dma_wait3A_159 : memref<1x8x128xi32, #tpu.memory_space<vmem>> -> memref<8x128xi32, #tpu.memory_space<vmem>>
          %dma_wait3A_161 = arith.constant 0 : i32
          %dma_wait3A_162 = tpu.memref_slice %arg3[%add3A, %mul3A_130, %dma_wait3A_161] : memref<32x80x128xi32, #tpu.memory_space<hbm>> -> memref<1x8x128xi32, #tpu.memory_space<hbm>>
          %dma_wait3A_163 = tpu.memref_squeeze %dma_wait3A_162 : memref<1x8x128xi32, #tpu.memory_space<hbm>> -> memref<8x128xi32, #tpu.memory_space<hbm>>
          tpu.wait_dma2 semaphore(%run_scoped3A_135 : memref<!tpu.dma_semaphore, #tpu.memory_space<semaphore_mem>>) src(%dma_wait3A_163 : memref<8x128xi32, #tpu.memory_space<hbm>>) dst(%dma_wait3A_160 : memref<8x128xi32, #tpu.memory_space<vmem>>)
          tpu.yield
        }) : () -> ()
        %add3A_131 = arith.constant 1 : i32
        %add3A_132 = arith.addi %select_n3A, %add3A_131 : i32
        %mul3A_133 = arith.constant 8 : i32
        %mul3A_134 = arith.muli %add3A_132, %mul3A_133 : i32
        "tpu.region"() ({
          %run_scoped3A_135 = tpu.sem_alloc : memref<!tpu.dma_semaphore, #tpu.memory_space<semaphore_mem>>
          %dma_start3A_136 = arith.constant 0 : i32
          %dma_start3A_137 = arith.constant 0 : i32
          %dma_start3A_138 = tpu.memref_slice %arg7[%rem3A_126, %dma_start3A_136, %dma_start3A_137] : memref<2x8x128xi32, #tpu.memory_space<vmem>> -> memref<1x8x128xi32, #tpu.memory_space<vmem>>
          %dma_start3A_139 = tpu.memref_squeeze %dma_start3A_138 : memref<1x8x128xi32, #tpu.memory_space<vmem>> -> memref<8x128xi32, #tpu.memory_space<vmem>>
          %dma_start3A_140 = arith.constant 0 : i32
          %dma_start3A_141 = tpu.memref_slice %arg4[%add3A, %mul3A_134, %dma_start3A_140] : memref<32x80x128xi32, #tpu.memory_space<hbm>> -> memref<1x8x128xi32, #tpu.memory_space<hbm>>
          %dma_start3A_142 = tpu.memref_squeeze %dma_start3A_141 : memref<1x8x128xi32, #tpu.memory_space<hbm>> -> memref<8x128xi32, #tpu.memory_space<hbm>>
          %dma_start3A_143 = arith.constant 0 : i32
          %dma_start3A_144 = arith.constant 0 : i32
          %dma_start3A_145 = tpu.memref_slice %arg7[%rem3A_126, %dma_start3A_143, %dma_start3A_144] : memref<2x8x128xi32, #tpu.memory_space<vmem>> -> memref<1x8x128xi32, #tpu.memory_space<vmem>>
          %dma_start3A_146 = tpu.memref_squeeze %dma_start3A_145 : memref<1x8x128xi32, #tpu.memory_space<vmem>> -> memref<8x128xi32, #tpu.memory_space<vmem>>
          %dma_start3A_147 = arith.constant 0 : i32
          %dma_start3A_148 = tpu.memref_slice %arg4[%add3A, %mul3A_134, %dma_start3A_147] : memref<32x80x128xi32, #tpu.memory_space<hbm>> -> memref<1x8x128xi32, #tpu.memory_space<hbm>>
          %dma_start3A_149 = tpu.memref_squeeze %dma_start3A_148 : memref<1x8x128xi32, #tpu.memory_space<hbm>> -> memref<8x128xi32, #tpu.memory_space<hbm>>
          tpu.enqueue_dma source(%dma_start3A_149 : memref<8x128xi32, #tpu.memory_space<hbm>>) target(%dma_start3A_146 : memref<8x128xi32, #tpu.memory_space<vmem>>) target_semaphore(%run_scoped3A_135 : memref<!tpu.dma_semaphore, #tpu.memory_space<semaphore_mem>>)
          %dma_wait3A_150 = arith.constant 0 : i32
          %dma_wait3A_151 = arith.constant 0 : i32
          %dma_wait3A_152 = tpu.memref_slice %arg7[%rem3A_126, %dma_wait3A_150, %dma_wait3A_151] : memref<2x8x128xi32, #tpu.memory_space<vmem>> -> memref<1x8x128xi32, #tpu.memory_space<vmem>>
          %dma_wait3A_153 = tpu.memref_squeeze %dma_wait3A_152 : memref<1x8x128xi32, #tpu.memory_space<vmem>> -> memref<8x128xi32, #tpu.memory_space<vmem>>
          %dma_wait3A_154 = arith.constant 0 : i32
          %dma_wait3A_155 = tpu.memref_slice %arg4[%add3A, %mul3A_134, %dma_wait3A_154] : memref<32x80x128xi32, #tpu.memory_space<hbm>> -> memref<1x8x128xi32, #tpu.memory_space<hbm>>
          %dma_wait3A_156 = tpu.memref_squeeze %dma_wait3A_155 : memref<1x8x128xi32, #tpu.memory_space<hbm>> -> memref<8x128xi32, #tpu.memory_space<hbm>>
          %dma_wait3A_157 = arith.constant 0 : i32
          %dma_wait3A_158 = arith.constant 0 : i32
          %dma_wait3A_159 = tpu.memref_slice %arg7[%rem3A_126, %dma_wait3A_157, %dma_wait3A_158] : memref<2x8x128xi32, #tpu.memory_space<vmem>> -> memref<1x8x128xi32, #tpu.memory_space<vmem>>
          %dma_wait3A_160 = tpu.memref_squeeze %dma_wait3A_159 : memref<1x8x128xi32, #tpu.memory_space<vmem>> -> memref<8x128xi32, #tpu.memory_space<vmem>>
          %dma_wait3A_161 = arith.constant 0 : i32
          %dma_wait3A_162 = tpu.memref_slice %arg4[%add3A, %mul3A_134, %dma_wait3A_161] : memref<32x80x128xi32, #tpu.memory_space<hbm>> -> memref<1x8x128xi32, #tpu.memory_space<hbm>>
          %dma_wait3A_163 = tpu.memref_squeeze %dma_wait3A_162 : memref<1x8x128xi32, #tpu.memory_space<hbm>> -> memref<8x128xi32, #tpu.memory_space<hbm>>
          tpu.wait_dma2 semaphore(%run_scoped3A_135 : memref<!tpu.dma_semaphore, #tpu.memory_space<semaphore_mem>>) src(%dma_wait3A_163 : memref<8x128xi32, #tpu.memory_space<hbm>>) dst(%dma_wait3A_160 : memref<8x128xi32, #tpu.memory_space<vmem>>)
          tpu.yield
        }) : () -> ()
      } else {
      }
      %dma_wait3A = arith.constant 0 : i32
      %dma_wait3A_107 = tpu.memref_slice %arg6[%rem3A_85, %mul3A_87, %dma_wait3A] : memref<2x8x128xi32, #tpu.memory_space<vmem>> -> memref<1x1x128xi32, #tpu.memory_space<vmem>>
      %dma_wait3A_108 = tpu.memref_squeeze %dma_wait3A_107 : memref<1x1x128xi32, #tpu.memory_space<vmem>> -> memref<128xi32, #tpu.memory_space<vmem>>
      %dma_wait3A_109 = arith.constant 0 : i32
      %dma_wait3A_110 = arith.constant 0 : i32
      %dma_wait3A_111 = tpu.memref_slice %arg2[%dma_wait3A_109, %dma_wait3A_110] : memref<10240x128xf32, #tpu.memory_space<hbm>> -> memref<10240x128xf32, #tpu.memory_space<hbm>>
      tpu.wait_indirect_dma semaphore(%arg11 : memref<!tpu.dma_semaphore, #tpu.memory_space<semaphore_mem>>) src(%dma_wait3A_111 : memref<10240x128xf32, #tpu.memory_space<hbm>>) dst(%arg8 : memref<128x128xf32, #tpu.memory_space<vmem>>)
      "tpu.region"() ({
        %run_scoped3A_123 = tpu.sem_alloc : memref<!tpu.dma_semaphore, #tpu.memory_space<semaphore_mem>>
        %dma_start3A_124 = arith.constant 0 : i32
        %dma_start3A_125 = tpu.memref_slice %arg7[%rem3A_85, %mul3A_87, %dma_start3A_124] : memref<2x8x128xi32, #tpu.memory_space<vmem>> -> memref<1x1x128xi32, #tpu.memory_space<vmem>>
        %dma_start3A_126 = tpu.memref_squeeze %dma_start3A_125 : memref<1x1x128xi32, #tpu.memory_space<vmem>> -> memref<128xi32, #tpu.memory_space<vmem>>
        %dma_start3A_127 = arith.constant 0 : i32
        %dma_start3A_128 = arith.constant 0 : i32
        %dma_start3A_129 = tpu.memref_slice %arg10[%dma_start3A_127, %dma_start3A_128] : memref<10240x128xf32, #tpu.memory_space<vmem_shared>> -> memref<10240x128xf32, #tpu.memory_space<vmem_shared>>
        tpu.enqueue_indirect_dma source(%arg8 : memref<128x128xf32, #tpu.memory_space<vmem>>) target(%dma_start3A_129 : memref<10240x128xf32, #tpu.memory_space<vmem_shared>>) offsets(%dma_start3A_126 : memref<128xi32, #tpu.memory_space<vmem>>) semaphore(%run_scoped3A_123 : memref<!tpu.dma_semaphore, #tpu.memory_space<semaphore_mem>>) {add = true}
        %dma_wait3A_130 = arith.constant 0 : i32
        %dma_wait3A_131 = tpu.memref_slice %arg7[%rem3A_85, %mul3A_87, %dma_wait3A_130] : memref<2x8x128xi32, #tpu.memory_space<vmem>> -> memref<1x1x128xi32, #tpu.memory_space<vmem>>
        %dma_wait3A_132 = tpu.memref_squeeze %dma_wait3A_131 : memref<1x1x128xi32, #tpu.memory_space<vmem>> -> memref<128xi32, #tpu.memory_space<vmem>>
        %dma_wait3A_133 = arith.constant 0 : i32
        %dma_wait3A_134 = arith.constant 0 : i32
        %dma_wait3A_135 = tpu.memref_slice %arg10[%dma_wait3A_133, %dma_wait3A_134] : memref<10240x128xf32, #tpu.memory_space<vmem_shared>> -> memref<10240x128xf32, #tpu.memory_space<vmem_shared>>
        tpu.wait_indirect_dma semaphore(%run_scoped3A_123 : memref<!tpu.dma_semaphore, #tpu.memory_space<semaphore_mem>>) src(%arg8 : memref<128x128xf32, #tpu.memory_space<vmem>>) dst(%dma_wait3A_135 : memref<10240x128xf32, #tpu.memory_space<vmem_shared>>)
        tpu.yield
      }) : () -> ()
      %add3A_112 = arith.constant 1 : i32
      %add3A_113 = arith.addi %mul3A_87, %add3A_112 : i32
      %dma_wait3A_114 = arith.constant 0 : i32
      %dma_wait3A_115 = tpu.memref_slice %arg6[%rem3A_85, %add3A_113, %dma_wait3A_114] : memref<2x8x128xi32, #tpu.memory_space<vmem>> -> memref<1x1x128xi32, #tpu.memory_space<vmem>>
      %dma_wait3A_116 = tpu.memref_squeeze %dma_wait3A_115 : memref<1x1x128xi32, #tpu.memory_space<vmem>> -> memref<128xi32, #tpu.memory_space<vmem>>
      %dma_wait3A_117 = arith.constant 0 : i32
      %dma_wait3A_118 = arith.constant 0 : i32
      %dma_wait3A_119 = tpu.memref_slice %arg2[%dma_wait3A_117, %dma_wait3A_118] : memref<10240x128xf32, #tpu.memory_space<hbm>> -> memref<10240x128xf32, #tpu.memory_space<hbm>>
      tpu.wait_indirect_dma semaphore(%arg12 : memref<!tpu.dma_semaphore, #tpu.memory_space<semaphore_mem>>) src(%dma_wait3A_119 : memref<10240x128xf32, #tpu.memory_space<hbm>>) dst(%arg9 : memref<128x128xf32, #tpu.memory_space<vmem>>)
      %add3A_120 = arith.constant 1 : i32
      %add3A_121 = arith.addi %mul3A_87, %add3A_120 : i32
      "tpu.region"() ({
        %run_scoped3A_123 = tpu.sem_alloc : memref<!tpu.dma_semaphore, #tpu.memory_space<semaphore_mem>>
        %dma_start3A_124 = arith.constant 0 : i32
        %dma_start3A_125 = tpu.memref_slice %arg7[%rem3A_85, %add3A_121, %dma_start3A_124] : memref<2x8x128xi32, #tpu.memory_space<vmem>> -> memref<1x1x128xi32, #tpu.memory_space<vmem>>
        %dma_start3A_126 = tpu.memref_squeeze %dma_start3A_125 : memref<1x1x128xi32, #tpu.memory_space<vmem>> -> memref<128xi32, #tpu.memory_space<vmem>>
        %dma_start3A_127 = arith.constant 0 : i32
        %dma_start3A_128 = arith.constant 0 : i32
        %dma_start3A_129 = tpu.memref_slice %arg10[%dma_start3A_127, %dma_start3A_128] : memref<10240x128xf32, #tpu.memory_space<vmem_shared>> -> memref<10240x128xf32, #tpu.memory_space<vmem_shared>>
        tpu.enqueue_indirect_dma source(%arg9 : memref<128x128xf32, #tpu.memory_space<vmem>>) target(%dma_start3A_129 : memref<10240x128xf32, #tpu.memory_space<vmem_shared>>) offsets(%dma_start3A_126 : memref<128xi32, #tpu.memory_space<vmem>>) semaphore(%run_scoped3A_123 : memref<!tpu.dma_semaphore, #tpu.memory_space<semaphore_mem>>) {add = true}
        %dma_wait3A_130 = arith.constant 0 : i32
        %dma_wait3A_131 = tpu.memref_slice %arg7[%rem3A_85, %add3A_121, %dma_wait3A_130] : memref<2x8x128xi32, #tpu.memory_space<vmem>> -> memref<1x1x128xi32, #tpu.memory_space<vmem>>
        %dma_wait3A_132 = tpu.memref_squeeze %dma_wait3A_131 : memref<1x1x128xi32, #tpu.memory_space<vmem>> -> memref<128xi32, #tpu.memory_space<vmem>>
        %dma_wait3A_133 = arith.constant 0 : i32
        %dma_wait3A_134 = arith.constant 0 : i32
        %dma_wait3A_135 = tpu.memref_slice %arg10[%dma_wait3A_133, %dma_wait3A_134] : memref<10240x128xf32, #tpu.memory_space<vmem_shared>> -> memref<10240x128xf32, #tpu.memory_space<vmem_shared>>
        tpu.wait_indirect_dma semaphore(%run_scoped3A_123 : memref<!tpu.dma_semaphore, #tpu.memory_space<semaphore_mem>>) src(%arg9 : memref<128x128xf32, #tpu.memory_space<vmem>>) dst(%dma_wait3A_135 : memref<10240x128xf32, #tpu.memory_space<vmem_shared>>)
        tpu.yield
      }) : () -> ()
      %scan3A_122 = arith.constant 0 : i32
      scf.yield %scan3A_122 : i32
    }
    %scan3A_27 = arith.constant 40 : i32
    %barrier3A_28 = arith.constant 0 : index
    tpu.barrier barrier_id(%barrier3A_28)
    %add3A_29 = arith.constant 0 : i32
    %add3A_30 = arith.addi %mul3A_9, %add3A_29 : i32
    "tpu.region"() ({
      %run_scoped3A_64 = tpu.sem_alloc : memref<!tpu.dma_semaphore, #tpu.memory_space<semaphore_mem>>
      %dma_start3A = arith.constant 0 : i32
      %dma_start3A_65 = tpu.memref_slice %arg10[%add3A_30, %dma_start3A] : memref<10240x128xf32, #tpu.memory_space<vmem_shared>> -> memref<128x128xf32, #tpu.memory_space<vmem_shared>>
      %dma_start3A_66 = arith.constant 0 : i32
      %dma_start3A_67 = tpu.memref_slice %arg10[%add3A_30, %dma_start3A_66] : memref<10240x128xf32, #tpu.memory_space<vmem_shared>> -> memref<128x128xf32, #tpu.memory_space<vmem_shared>>
      tpu.enqueue_dma source(%dma_start3A_67 : memref<128x128xf32, #tpu.memory_space<vmem_shared>>) target(%arg8 : memref<128x128xf32, #tpu.memory_space<vmem>>) target_semaphore(%run_scoped3A_64 : memref<!tpu.dma_semaphore, #tpu.memory_space<semaphore_mem>>)
      %dma_wait3A = arith.constant 0 : i32
      %dma_wait3A_68 = tpu.memref_slice %arg10[%add3A_30, %dma_wait3A] : memref<10240x128xf32, #tpu.memory_space<vmem_shared>> -> memref<128x128xf32, #tpu.memory_space<vmem_shared>>
      %dma_wait3A_69 = arith.constant 0 : i32
      %dma_wait3A_70 = tpu.memref_slice %arg10[%add3A_30, %dma_wait3A_69] : memref<10240x128xf32, #tpu.memory_space<vmem_shared>> -> memref<128x128xf32, #tpu.memory_space<vmem_shared>>
      tpu.wait_dma2 semaphore(%run_scoped3A_64 : memref<!tpu.dma_semaphore, #tpu.memory_space<semaphore_mem>>) src(%dma_wait3A_70 : memref<128x128xf32, #tpu.memory_space<vmem_shared>>) dst(%arg8 : memref<128x128xf32, #tpu.memory_space<vmem>>)
      tpu.yield
    }) : () -> ()
    %mul3A_31 = arith.constant 10240 : i32
    %mul3A_32 = arith.muli %arg0, %mul3A_31 : i32
    %add3A_33 = arith.addi %mul3A_32, %mul3A_9 : i32
    %add3A_34 = arith.constant 0 : i32
    %add3A_35 = arith.addi %add3A_33, %add3A_34 : i32
    "tpu.region"() ({
      %run_scoped3A_64 = tpu.sem_alloc : memref<!tpu.dma_semaphore, #tpu.memory_space<semaphore_mem>>
      %dma_start3A = arith.constant 0 : i32
      %dma_start3A_65 = tpu.memref_slice %arg5[%add3A_35, %dma_start3A] : memref<20480x128xf32, #tpu.memory_space<hbm>> -> memref<128x128xf32, #tpu.memory_space<hbm>>
      %dma_start3A_66 = arith.constant 0 : i32
      %dma_start3A_67 = tpu.memref_slice %arg5[%add3A_35, %dma_start3A_66] : memref<20480x128xf32, #tpu.memory_space<hbm>> -> memref<128x128xf32, #tpu.memory_space<hbm>>
      tpu.enqueue_dma source(%arg8 : memref<128x128xf32, #tpu.memory_space<vmem>>) target(%dma_start3A_67 : memref<128x128xf32, #tpu.memory_space<hbm>>) target_semaphore(%run_scoped3A_64 : memref<!tpu.dma_semaphore, #tpu.memory_space<semaphore_mem>>)
      %dma_wait3A = arith.constant 0 : i32
      %dma_wait3A_68 = tpu.memref_slice %arg5[%add3A_35, %dma_wait3A] : memref<20480x128xf32, #tpu.memory_space<hbm>> -> memref<128x128xf32, #tpu.memory_space<hbm>>
      %dma_wait3A_69 = arith.constant 0 : i32
      %dma_wait3A_70 = tpu.memref_slice %arg5[%add3A_35, %dma_wait3A_69] : memref<20480x128xf32, #tpu.memory_space<hbm>> -> memref<128x128xf32, #tpu.memory_space<hbm>>
      tpu.wait_dma2 semaphore(%run_scoped3A_64 : memref<!tpu.dma_semaphore, #tpu.memory_space<semaphore_mem>>) src(%arg8 : memref<128x128xf32, #tpu.memory_space<vmem>>) dst(%dma_wait3A_70 : memref<128x128xf32, #tpu.memory_space<hbm>>)
      tpu.yield
    }) : () -> ()
    %add3A_36 = arith.constant 128 : i32
    %add3A_37 = arith.addi %mul3A_9, %add3A_36 : i32
    "tpu.region"() ({
      %run_scoped3A_64 = tpu.sem_alloc : memref<!tpu.dma_semaphore, #tpu.memory_space<semaphore_mem>>
      %dma_start3A = arith.constant 0 : i32
      %dma_start3A_65 = tpu.memref_slice %arg10[%add3A_37, %dma_start3A] : memref<10240x128xf32, #tpu.memory_space<vmem_shared>> -> memref<128x128xf32, #tpu.memory_space<vmem_shared>>
      %dma_start3A_66 = arith.constant 0 : i32
      %dma_start3A_67 = tpu.memref_slice %arg10[%add3A_37, %dma_start3A_66] : memref<10240x128xf32, #tpu.memory_space<vmem_shared>> -> memref<128x128xf32, #tpu.memory_space<vmem_shared>>
      tpu.enqueue_dma source(%dma_start3A_67 : memref<128x128xf32, #tpu.memory_space<vmem_shared>>) target(%arg8 : memref<128x128xf32, #tpu.memory_space<vmem>>) target_semaphore(%run_scoped3A_64 : memref<!tpu.dma_semaphore, #tpu.memory_space<semaphore_mem>>)
      %dma_wait3A = arith.constant 0 : i32
      %dma_wait3A_68 = tpu.memref_slice %arg10[%add3A_37, %dma_wait3A] : memref<10240x128xf32, #tpu.memory_space<vmem_shared>> -> memref<128x128xf32, #tpu.memory_space<vmem_shared>>
      %dma_wait3A_69 = arith.constant 0 : i32
      %dma_wait3A_70 = tpu.memref_slice %arg10[%add3A_37, %dma_wait3A_69] : memref<10240x128xf32, #tpu.memory_space<vmem_shared>> -> memref<128x128xf32, #tpu.memory_space<vmem_shared>>
      tpu.wait_dma2 semaphore(%run_scoped3A_64 : memref<!tpu.dma_semaphore, #tpu.memory_space<semaphore_mem>>) src(%dma_wait3A_70 : memref<128x128xf32, #tpu.memory_space<vmem_shared>>) dst(%arg8 : memref<128x128xf32, #tpu.memory_space<vmem>>)
      tpu.yield
    }) : () -> ()
    %mul3A_38 = arith.constant 10240 : i32
    %mul3A_39 = arith.muli %arg0, %mul3A_38 : i32
    %add3A_40 = arith.addi %mul3A_39, %mul3A_9 : i32
    %add3A_41 = arith.constant 128 : i32
    %add3A_42 = arith.addi %add3A_40, %add3A_41 : i32
    "tpu.region"() ({
      %run_scoped3A_64 = tpu.sem_alloc : memref<!tpu.dma_semaphore, #tpu.memory_space<semaphore_mem>>
      %dma_start3A = arith.constant 0 : i32
      %dma_start3A_65 = tpu.memref_slice %arg5[%add3A_42, %dma_start3A] : memref<20480x128xf32, #tpu.memory_space<hbm>> -> memref<128x128xf32, #tpu.memory_space<hbm>>
      %dma_start3A_66 = arith.constant 0 : i32
      %dma_start3A_67 = tpu.memref_slice %arg5[%add3A_42, %dma_start3A_66] : memref<20480x128xf32, #tpu.memory_space<hbm>> -> memref<128x128xf32, #tpu.memory_space<hbm>>
      tpu.enqueue_dma source(%arg8 : memref<128x128xf32, #tpu.memory_space<vmem>>) target(%dma_start3A_67 : memref<128x128xf32, #tpu.memory_space<hbm>>) target_semaphore(%run_scoped3A_64 : memref<!tpu.dma_semaphore, #tpu.memory_space<semaphore_mem>>)
      %dma_wait3A = arith.constant 0 : i32
      %dma_wait3A_68 = tpu.memref_slice %arg5[%add3A_42, %dma_wait3A] : memref<20480x128xf32, #tpu.memory_space<hbm>> -> memref<128x128xf32, #tpu.memory_space<hbm>>
      %dma_wait3A_69 = arith.constant 0 : i32
      %dma_wait3A_70 = tpu.memref_slice %arg5[%add3A_42, %dma_wait3A_69] : memref<20480x128xf32, #tpu.memory_space<hbm>> -> memref<128x128xf32, #tpu.memory_space<hbm>>
      tpu.wait_dma2 semaphore(%run_scoped3A_64 : memref<!tpu.dma_semaphore, #tpu.memory_space<semaphore_mem>>) src(%arg8 : memref<128x128xf32, #tpu.memory_space<vmem>>) dst(%dma_wait3A_70 : memref<128x128xf32, #tpu.memory_space<hbm>>)
      tpu.yield
    }) : () -> ()
    %add3A_43 = arith.constant 256 : i32
    %add3A_44 = arith.addi %mul3A_9, %add3A_43 : i32
    "tpu.region"() ({
      %run_scoped3A_64 = tpu.sem_alloc : memref<!tpu.dma_semaphore, #tpu.memory_space<semaphore_mem>>
      %dma_start3A = arith.constant 0 : i32
      %dma_start3A_65 = tpu.memref_slice %arg10[%add3A_44, %dma_start3A] : memref<10240x128xf32, #tpu.memory_space<vmem_shared>> -> memref<128x128xf32, #tpu.memory_space<vmem_shared>>
      %dma_start3A_66 = arith.constant 0 : i32
      %dma_start3A_67 = tpu.memref_slice %arg10[%add3A_44, %dma_start3A_66] : memref<10240x128xf32, #tpu.memory_space<vmem_shared>> -> memref<128x128xf32, #tpu.memory_space<vmem_shared>>
      tpu.enqueue_dma source(%dma_start3A_67 : memref<128x128xf32, #tpu.memory_space<vmem_shared>>) target(%arg8 : memref<128x128xf32, #tpu.memory_space<vmem>>) target_semaphore(%run_scoped3A_64 : memref<!tpu.dma_semaphore, #tpu.memory_space<semaphore_mem>>)
      %dma_wait3A = arith.constant 0 : i32
      %dma_wait3A_68 = tpu.memref_slice %arg10[%add3A_44, %dma_wait3A] : memref<10240x128xf32, #tpu.memory_space<vmem_shared>> -> memref<128x128xf32, #tpu.memory_space<vmem_shared>>
      %dma_wait3A_69 = arith.constant 0 : i32
      %dma_wait3A_70 = tpu.memref_slice %arg10[%add3A_44, %dma_wait3A_69] : memref<10240x128xf32, #tpu.memory_space<vmem_shared>> -> memref<128x128xf32, #tpu.memory_space<vmem_shared>>
      tpu.wait_dma2 semaphore(%run_scoped3A_64 : memref<!tpu.dma_semaphore, #tpu.memory_space<semaphore_mem>>) src(%dma_wait3A_70 : memref<128x128xf32, #tpu.memory_space<vmem_shared>>) dst(%arg8 : memref<128x128xf32, #tpu.memory_space<vmem>>)
      tpu.yield
    }) : () -> ()
    %mul3A_45 = arith.constant 10240 : i32
    %mul3A_46 = arith.muli %arg0, %mul3A_45 : i32
    %add3A_47 = arith.addi %mul3A_46, %mul3A_9 : i32
    %add3A_48 = arith.constant 256 : i32
    %add3A_49 = arith.addi %add3A_47, %add3A_48 : i32
    "tpu.region"() ({
      %run_scoped3A_64 = tpu.sem_alloc : memref<!tpu.dma_semaphore, #tpu.memory_space<semaphore_mem>>
      %dma_start3A = arith.constant 0 : i32
      %dma_start3A_65 = tpu.memref_slice %arg5[%add3A_49, %dma_start3A] : memref<20480x128xf32, #tpu.memory_space<hbm>> -> memref<128x128xf32, #tpu.memory_space<hbm>>
      %dma_start3A_66 = arith.constant 0 : i32
      %dma_start3A_67 = tpu.memref_slice %arg5[%add3A_49, %dma_start3A_66] : memref<20480x128xf32, #tpu.memory_space<hbm>> -> memref<128x128xf32, #tpu.memory_space<hbm>>
      tpu.enqueue_dma source(%arg8 : memref<128x128xf32, #tpu.memory_space<vmem>>) target(%dma_start3A_67 : memref<128x128xf32, #tpu.memory_space<hbm>>) target_semaphore(%run_scoped3A_64 : memref<!tpu.dma_semaphore, #tpu.memory_space<semaphore_mem>>)
      %dma_wait3A = arith.constant 0 : i32
      %dma_wait3A_68 = tpu.memref_slice %arg5[%add3A_49, %dma_wait3A] : memref<20480x128xf32, #tpu.memory_space<hbm>> -> memref<128x128xf32, #tpu.memory_space<hbm>>
      %dma_wait3A_69 = arith.constant 0 : i32
      %dma_wait3A_70 = tpu.memref_slice %arg5[%add3A_49, %dma_wait3A_69] : memref<20480x128xf32, #tpu.memory_space<hbm>> -> memref<128x128xf32, #tpu.memory_space<hbm>>
      tpu.wait_dma2 semaphore(%run_scoped3A_64 : memref<!tpu.dma_semaphore, #tpu.memory_space<semaphore_mem>>) src(%arg8 : memref<128x128xf32, #tpu.memory_space<vmem>>) dst(%dma_wait3A_70 : memref<128x128xf32, #tpu.memory_space<hbm>>)
      tpu.yield
    }) : () -> ()
    %add3A_50 = arith.constant 384 : i32
    %add3A_51 = arith.addi %mul3A_9, %add3A_50 : i32
    "tpu.region"() ({
      %run_scoped3A_64 = tpu.sem_alloc : memref<!tpu.dma_semaphore, #tpu.memory_space<semaphore_mem>>
      %dma_start3A = arith.constant 0 : i32
      %dma_start3A_65 = tpu.memref_slice %arg10[%add3A_51, %dma_start3A] : memref<10240x128xf32, #tpu.memory_space<vmem_shared>> -> memref<128x128xf32, #tpu.memory_space<vmem_shared>>
      %dma_start3A_66 = arith.constant 0 : i32
      %dma_start3A_67 = tpu.memref_slice %arg10[%add3A_51, %dma_start3A_66] : memref<10240x128xf32, #tpu.memory_space<vmem_shared>> -> memref<128x128xf32, #tpu.memory_space<vmem_shared>>
      tpu.enqueue_dma source(%dma_start3A_67 : memref<128x128xf32, #tpu.memory_space<vmem_shared>>) target(%arg8 : memref<128x128xf32, #tpu.memory_space<vmem>>) target_semaphore(%run_scoped3A_64 : memref<!tpu.dma_semaphore, #tpu.memory_space<semaphore_mem>>)
      %dma_wait3A = arith.constant 0 : i32
      %dma_wait3A_68 = tpu.memref_slice %arg10[%add3A_51, %dma_wait3A] : memref<10240x128xf32, #tpu.memory_space<vmem_shared>> -> memref<128x128xf32, #tpu.memory_space<vmem_shared>>
      %dma_wait3A_69 = arith.constant 0 : i32
      %dma_wait3A_70 = tpu.memref_slice %arg10[%add3A_51, %dma_wait3A_69] : memref<10240x128xf32, #tpu.memory_space<vmem_shared>> -> memref<128x128xf32, #tpu.memory_space<vmem_shared>>
      tpu.wait_dma2 semaphore(%run_scoped3A_64 : memref<!tpu.dma_semaphore, #tpu.memory_space<semaphore_mem>>) src(%dma_wait3A_70 : memref<128x128xf32, #tpu.memory_space<vmem_shared>>) dst(%arg8 : memref<128x128xf32, #tpu.memory_space<vmem>>)
      tpu.yield
    }) : () -> ()
    %mul3A_52 = arith.constant 10240 : i32
    %mul3A_53 = arith.muli %arg0, %mul3A_52 : i32
    %add3A_54 = arith.addi %mul3A_53, %mul3A_9 : i32
    %add3A_55 = arith.constant 384 : i32
    %add3A_56 = arith.addi %add3A_54, %add3A_55 : i32
    "tpu.region"() ({
      %run_scoped3A_64 = tpu.sem_alloc : memref<!tpu.dma_semaphore, #tpu.memory_space<semaphore_mem>>
      %dma_start3A = arith.constant 0 : i32
      %dma_start3A_65 = tpu.memref_slice %arg5[%add3A_56, %dma_start3A] : memref<20480x128xf32, #tpu.memory_space<hbm>> -> memref<128x128xf32, #tpu.memory_space<hbm>>
      %dma_start3A_66 = arith.constant 0 : i32
      %dma_start3A_67 = tpu.memref_slice %arg5[%add3A_56, %dma_start3A_66] : memref<20480x128xf32, #tpu.memory_space<hbm>> -> memref<128x128xf32, #tpu.memory_space<hbm>>
      tpu.enqueue_dma source(%arg8 : memref<128x128xf32, #tpu.memory_space<vmem>>) target(%dma_start3A_67 : memref<128x128xf32, #tpu.memory_space<hbm>>) target_semaphore(%run_scoped3A_64 : memref<!tpu.dma_semaphore, #tpu.memory_space<semaphore_mem>>)
      %dma_wait3A = arith.constant 0 : i32
      %dma_wait3A_68 = tpu.memref_slice %arg5[%add3A_56, %dma_wait3A] : memref<20480x128xf32, #tpu.memory_space<hbm>> -> memref<128x128xf32, #tpu.memory_space<hbm>>
      %dma_wait3A_69 = arith.constant 0 : i32
      %dma_wait3A_70 = tpu.memref_slice %arg5[%add3A_56, %dma_wait3A_69] : memref<20480x128xf32, #tpu.memory_space<hbm>> -> memref<128x128xf32, #tpu.memory_space<hbm>>
      tpu.wait_dma2 semaphore(%run_scoped3A_64 : memref<!tpu.dma_semaphore, #tpu.memory_space<semaphore_mem>>) src(%arg8 : memref<128x128xf32, #tpu.memory_space<vmem>>) dst(%dma_wait3A_70 : memref<128x128xf32, #tpu.memory_space<hbm>>)
      tpu.yield
    }) : () -> ()
    %add3A_57 = arith.constant 512 : i32
    %add3A_58 = arith.addi %mul3A_9, %add3A_57 : i32
    "tpu.region"() ({
      %run_scoped3A_64 = tpu.sem_alloc : memref<!tpu.dma_semaphore, #tpu.memory_space<semaphore_mem>>
      %dma_start3A = arith.constant 0 : i32
      %dma_start3A_65 = tpu.memref_slice %arg10[%add3A_58, %dma_start3A] : memref<10240x128xf32, #tpu.memory_space<vmem_shared>> -> memref<128x128xf32, #tpu.memory_space<vmem_shared>>
      %dma_start3A_66 = arith.constant 0 : i32
      %dma_start3A_67 = tpu.memref_slice %arg10[%add3A_58, %dma_start3A_66] : memref<10240x128xf32, #tpu.memory_space<vmem_shared>> -> memref<128x128xf32, #tpu.memory_space<vmem_shared>>
      tpu.enqueue_dma source(%dma_start3A_67 : memref<128x128xf32, #tpu.memory_space<vmem_shared>>) target(%arg8 : memref<128x128xf32, #tpu.memory_space<vmem>>) target_semaphore(%run_scoped3A_64 : memref<!tpu.dma_semaphore, #tpu.memory_space<semaphore_mem>>)
      %dma_wait3A = arith.constant 0 : i32
      %dma_wait3A_68 = tpu.memref_slice %arg10[%add3A_58, %dma_wait3A] : memref<10240x128xf32, #tpu.memory_space<vmem_shared>> -> memref<128x128xf32, #tpu.memory_space<vmem_shared>>
      %dma_wait3A_69 = arith.constant 0 : i32
      %dma_wait3A_70 = tpu.memref_slice %arg10[%add3A_58, %dma_wait3A_69] : memref<10240x128xf32, #tpu.memory_space<vmem_shared>> -> memref<128x128xf32, #tpu.memory_space<vmem_shared>>
      tpu.wait_dma2 semaphore(%run_scoped3A_64 : memref<!tpu.dma_semaphore, #tpu.memory_space<semaphore_mem>>) src(%dma_wait3A_70 : memref<128x128xf32, #tpu.memory_space<vmem_shared>>) dst(%arg8 : memref<128x128xf32, #tpu.memory_space<vmem>>)
      tpu.yield
    }) : () -> ()
    %mul3A_59 = arith.constant 10240 : i32
    %mul3A_60 = arith.muli %arg0, %mul3A_59 : i32
    %add3A_61 = arith.addi %mul3A_60, %mul3A_9 : i32
    %add3A_62 = arith.constant 512 : i32
    %add3A_63 = arith.addi %add3A_61, %add3A_62 : i32
    "tpu.region"() ({
      %run_scoped3A_64 = tpu.sem_alloc : memref<!tpu.dma_semaphore, #tpu.memory_space<semaphore_mem>>
      %dma_start3A = arith.constant 0 : i32
      %dma_start3A_65 = tpu.memref_slice %arg5[%add3A_63, %dma_start3A] : memref<20480x128xf32, #tpu.memory_space<hbm>> -> memref<128x128xf32, #tpu.memory_space<hbm>>
      %dma_start3A_66 = arith.constant 0 : i32
      %dma_start3A_67 = tpu.memref_slice %arg5[%add3A_63, %dma_start3A_66] : memref<20480x128xf32, #tpu.memory_space<hbm>> -> memref<128x128xf32, #tpu.memory_space<hbm>>
      tpu.enqueue_dma source(%arg8 : memref<128x128xf32, #tpu.memory_space<vmem>>) target(%dma_start3A_67 : memref<128x128xf32, #tpu.memory_space<hbm>>) target_semaphore(%run_scoped3A_64 : memref<!tpu.dma_semaphore, #tpu.memory_space<semaphore_mem>>)
      %dma_wait3A = arith.constant 0 : i32
      %dma_wait3A_68 = tpu.memref_slice %arg5[%add3A_63, %dma_wait3A] : memref<20480x128xf32, #tpu.memory_space<hbm>> -> memref<128x128xf32, #tpu.memory_space<hbm>>
      %dma_wait3A_69 = arith.constant 0 : i32
      %dma_wait3A_70 = tpu.memref_slice %arg5[%add3A_63, %dma_wait3A_69] : memref<20480x128xf32, #tpu.memory_space<hbm>> -> memref<128x128xf32, #tpu.memory_space<hbm>>
      tpu.wait_dma2 semaphore(%run_scoped3A_64 : memref<!tpu.dma_semaphore, #tpu.memory_space<semaphore_mem>>) src(%arg8 : memref<128x128xf32, #tpu.memory_space<vmem>>) dst(%dma_wait3A_70 : memref<128x128xf32, #tpu.memory_space<hbm>>)
      tpu.yield
    }) : () -> ()
    return
  }
}

#map = affine_map<(d0, d1) -> (0, 0)>
#map1 = affine_map<(d0, d1) -> (0, 0, 0)>
module attributes {stable_mosaic.version = 14 : i64} {
  func.func @sc_hop(%arg0: i32, %arg1: i32, %arg2: memref<10240x128xf32, #tpu.memory_space<hbm>>, %arg3: memref<32x80x128xi32, #tpu.memory_space<hbm>>, %arg4: memref<32x80x128xi32, #tpu.memory_space<hbm>>, %arg5: memref<20480x128xf32, #tpu.memory_space<hbm>>, %arg6: memref<2x8x128xi32, #tpu.memory_space<vmem>>, %arg7: memref<2x8x128xi32, #tpu.memory_space<vmem>>, %arg8: memref<128x128xf32, #tpu.memory_space<vmem>>, %arg9: memref<128x128xf32, #tpu.memory_space<vmem>>, %arg10: memref<10240x128xf32, #tpu.memory_space<vmem_shared>>, %arg11: memref<!tpu.dma_semaphore, #tpu.memory_space<semaphore_mem>>, %arg12: memref<!tpu.dma_semaphore, #tpu.memory_space<semaphore_mem>>) attributes {dimension_semantics = [#tpu.dimension_semantics<core_parallel>, #tpu.dimension_semantics<subcore_parallel>], iteration_bounds = array<i64: 2, 16>, scalar_prefetch = 0 : i64, scratch_operands = 7 : i64, tpu.core_type = #tpu.core_type<sc_vector_subcore>, window_params = [{transform_indices = #map}, {transform_indices = #map1}, {transform_indices = #map1}, {transform_indices = #map}]} {
    %mul3A = arith.constant 16 : i32
    %mul3A_0 = arith.muli %arg0, %mul3A : i32
    %add3A = arith.addi %mul3A_0, %arg1 : i32
    %broadcast_in_dim3A = arith.constant 0.000000e+00 : f32
    %broadcast_in_dim3A_1 = vector.broadcast %broadcast_in_dim3A : f32 to vector<16xf32>
    %scan3A = arith.constant 0 : i32
    %scan3A_2 = arith.constant 0 : i32
    %scan3A_3 = arith.constant 128 : i32
    %scan3A_4 = arith.addi %scan3A_2, %scan3A_3 : i32
    %scan3A_5 = arith.constant 1 : i32
    %scan3A_6 = scf.for %scan3A_64 = %scan3A_2 to %scan3A_4 step %scan3A_5 iter_args(%scan3A_65 = %scan3A) -> (i32)  : i32 {
      %swap3A = arith.index_cast %scan3A_64 : i32 to index
      %swap3A_66 = arith.constant 0 : index
      %swap3A_67 = tpu.vector_load %arg8[%swap3A, %swap3A_66] {strides = array<i32>} : memref<128x128xf32, #tpu.memory_space<vmem>>, vector<1x16xf32>,
      %swap3A_68 = vector.shape_cast %swap3A_67 : vector<1x16xf32> to vector<16xf32>
      %swap3A_69 = vector.shape_cast %broadcast_in_dim3A_1 : vector<16xf32> to vector<1x16xf32>
      tpu.vector_store %arg8[%swap3A, %swap3A_66], %swap3A_69 {strides = array<i32>} : memref<128x128xf32, #tpu.memory_space<vmem>>, vector<1x16xf32>,
      %swap3A_70 = arith.index_cast %scan3A_64 : i32 to index
      %swap3A_71 = arith.constant 16 : index
      %swap3A_72 = tpu.vector_load %arg8[%swap3A_70, %swap3A_71] {strides = array<i32>} : memref<128x128xf32, #tpu.memory_space<vmem>>, vector<1x16xf32>,
      %swap3A_73 = vector.shape_cast %swap3A_72 : vector<1x16xf32> to vector<16xf32>
      %swap3A_74 = vector.shape_cast %broadcast_in_dim3A_1 : vector<16xf32> to vector<1x16xf32>
      tpu.vector_store %arg8[%swap3A_70, %swap3A_71], %swap3A_74 {strides = array<i32>} : memref<128x128xf32, #tpu.memory_space<vmem>>, vector<1x16xf32>,
      %swap3A_75 = arith.index_cast %scan3A_64 : i32 to index
      %swap3A_76 = arith.constant 32 : index
      %swap3A_77 = tpu.vector_load %arg8[%swap3A_75, %swap3A_76] {strides = array<i32>} : memref<128x128xf32, #tpu.memory_space<vmem>>, vector<1x16xf32>,
      %swap3A_78 = vector.shape_cast %swap3A_77 : vector<1x16xf32> to vector<16xf32>
      %swap3A_79 = vector.shape_cast %broadcast_in_dim3A_1 : vector<16xf32> to vector<1x16xf32>
      tpu.vector_store %arg8[%swap3A_75, %swap3A_76], %swap3A_79 {strides = array<i32>} : memref<128x128xf32, #tpu.memory_space<vmem>>, vector<1x16xf32>,
      %swap3A_80 = arith.index_cast %scan3A_64 : i32 to index
      %swap3A_81 = arith.constant 48 : index
      %swap3A_82 = tpu.vector_load %arg8[%swap3A_80, %swap3A_81] {strides = array<i32>} : memref<128x128xf32, #tpu.memory_space<vmem>>, vector<1x16xf32>,
      %swap3A_83 = vector.shape_cast %swap3A_82 : vector<1x16xf32> to vector<16xf32>
      %swap3A_84 = vector.shape_cast %broadcast_in_dim3A_1 : vector<16xf32> to vector<1x16xf32>
      tpu.vector_store %arg8[%swap3A_80, %swap3A_81], %swap3A_84 {strides = array<i32>} : memref<128x128xf32, #tpu.memory_space<vmem>>, vector<1x16xf32>,
      %swap3A_85 = arith.index_cast %scan3A_64 : i32 to index
      %swap3A_86 = arith.constant 64 : index
      %swap3A_87 = tpu.vector_load %arg8[%swap3A_85, %swap3A_86] {strides = array<i32>} : memref<128x128xf32, #tpu.memory_space<vmem>>, vector<1x16xf32>,
      %swap3A_88 = vector.shape_cast %swap3A_87 : vector<1x16xf32> to vector<16xf32>
      %swap3A_89 = vector.shape_cast %broadcast_in_dim3A_1 : vector<16xf32> to vector<1x16xf32>
      tpu.vector_store %arg8[%swap3A_85, %swap3A_86], %swap3A_89 {strides = array<i32>} : memref<128x128xf32, #tpu.memory_space<vmem>>, vector<1x16xf32>,
      %swap3A_90 = arith.index_cast %scan3A_64 : i32 to index
      %swap3A_91 = arith.constant 80 : index
      %swap3A_92 = tpu.vector_load %arg8[%swap3A_90, %swap3A_91] {strides = array<i32>} : memref<128x128xf32, #tpu.memory_space<vmem>>, vector<1x16xf32>,
      %swap3A_93 = vector.shape_cast %swap3A_92 : vector<1x16xf32> to vector<16xf32>
      %swap3A_94 = vector.shape_cast %broadcast_in_dim3A_1 : vector<16xf32> to vector<1x16xf32>
      tpu.vector_store %arg8[%swap3A_90, %swap3A_91], %swap3A_94 {strides = array<i32>} : memref<128x128xf32, #tpu.memory_space<vmem>>, vector<1x16xf32>,
      %swap3A_95 = arith.index_cast %scan3A_64 : i32 to index
      %swap3A_96 = arith.constant 96 : index
      %swap3A_97 = tpu.vector_load %arg8[%swap3A_95, %swap3A_96] {strides = array<i32>} : memref<128x128xf32, #tpu.memory_space<vmem>>, vector<1x16xf32>,
      %swap3A_98 = vector.shape_cast %swap3A_97 : vector<1x16xf32> to vector<16xf32>
      %swap3A_99 = vector.shape_cast %broadcast_in_dim3A_1 : vector<16xf32> to vector<1x16xf32>
      tpu.vector_store %arg8[%swap3A_95, %swap3A_96], %swap3A_99 {strides = array<i32>} : memref<128x128xf32, #tpu.memory_space<vmem>>, vector<1x16xf32>,
      %swap3A_100 = arith.index_cast %scan3A_64 : i32 to index
      %swap3A_101 = arith.constant 112 : index
      %swap3A_102 = tpu.vector_load %arg8[%swap3A_100, %swap3A_101] {strides = array<i32>} : memref<128x128xf32, #tpu.memory_space<vmem>>, vector<1x16xf32>,
      %swap3A_103 = vector.shape_cast %swap3A_102 : vector<1x16xf32> to vector<16xf32>
      %swap3A_104 = vector.shape_cast %broadcast_in_dim3A_1 : vector<16xf32> to vector<1x16xf32>
      tpu.vector_store %arg8[%swap3A_100, %swap3A_101], %swap3A_104 {strides = array<i32>} : memref<128x128xf32, #tpu.memory_space<vmem>>, vector<1x16xf32>,
      %scan3A_105 = arith.constant 0 : i32
      scf.yield %scan3A_105 : i32
    }
    %scan3A_7 = arith.constant 128 : i32
    %mul3A_8 = arith.constant 640 : i32
    %mul3A_9 = arith.muli %arg1, %mul3A_8 : i32
    %add3A_10 = arith.constant 0 : i32
    %add3A_11 = arith.addi %mul3A_9, %add3A_10 : i32
    "tpu.region"() ({
      %run_scoped3A_64 = tpu.sem_alloc : memref<!tpu.dma_semaphore, #tpu.memory_space<semaphore_mem>>
      %dma_start3A = arith.constant 0 : i32
      %dma_start3A_65 = tpu.memref_slice %arg10[%add3A_11, %dma_start3A] : memref<10240x128xf32, #tpu.memory_space<vmem_shared>> -> memref<128x128xf32, #tpu.memory_space<vmem_shared>>
      %dma_start3A_66 = arith.constant 0 : i32
      %dma_start3A_67 = tpu.memref_slice %arg10[%add3A_11, %dma_start3A_66] : memref<10240x128xf32, #tpu.memory_space<vmem_shared>> -> memref<128x128xf32, #tpu.memory_space<vmem_shared>>
      tpu.enqueue_dma source(%arg8 : memref<128x128xf32, #tpu.memory_space<vmem>>) target(%dma_start3A_67 : memref<128x128xf32, #tpu.memory_space<vmem_shared>>) target_semaphore(%run_scoped3A_64 : memref<!tpu.dma_semaphore, #tpu.memory_space<semaphore_mem>>)
      %dma_wait3A = arith.constant 0 : i32
      %dma_wait3A_68 = tpu.memref_slice %arg10[%add3A_11, %dma_wait3A] : memref<10240x128xf32, #tpu.memory_space<vmem_shared>> -> memref<128x128xf32, #tpu.memory_space<vmem_shared>>
      %dma_wait3A_69 = arith.constant 0 : i32
      %dma_wait3A_70 = tpu.memref_slice %arg10[%add3A_11, %dma_wait3A_69] : memref<10240x128xf32, #tpu.memory_space<vmem_shared>> -> memref<128x128xf32, #tpu.memory_space<vmem_shared>>
      tpu.wait_dma2 semaphore(%run_scoped3A_64 : memref<!tpu.dma_semaphore, #tpu.memory_space<semaphore_mem>>) src(%arg8 : memref<128x128xf32, #tpu.memory_space<vmem>>) dst(%dma_wait3A_70 : memref<128x128xf32, #tpu.memory_space<vmem_shared>>)
      tpu.yield
    }) : () -> ()
    %add3A_12 = arith.constant 128 : i32
    %add3A_13 = arith.addi %mul3A_9, %add3A_12 : i32
    "tpu.region"() ({
      %run_scoped3A_64 = tpu.sem_alloc : memref<!tpu.dma_semaphore, #tpu.memory_space<semaphore_mem>>
      %dma_start3A = arith.constant 0 : i32
      %dma_start3A_65 = tpu.memref_slice %arg10[%add3A_13, %dma_start3A] : memref<10240x128xf32, #tpu.memory_space<vmem_shared>> -> memref<128x128xf32, #tpu.memory_space<vmem_shared>>
      %dma_start3A_66 = arith.constant 0 : i32
      %dma_start3A_67 = tpu.memref_slice %arg10[%add3A_13, %dma_start3A_66] : memref<10240x128xf32, #tpu.memory_space<vmem_shared>> -> memref<128x128xf32, #tpu.memory_space<vmem_shared>>
      tpu.enqueue_dma source(%arg8 : memref<128x128xf32, #tpu.memory_space<vmem>>) target(%dma_start3A_67 : memref<128x128xf32, #tpu.memory_space<vmem_shared>>) target_semaphore(%run_scoped3A_64 : memref<!tpu.dma_semaphore, #tpu.memory_space<semaphore_mem>>)
      %dma_wait3A = arith.constant 0 : i32
      %dma_wait3A_68 = tpu.memref_slice %arg10[%add3A_13, %dma_wait3A] : memref<10240x128xf32, #tpu.memory_space<vmem_shared>> -> memref<128x128xf32, #tpu.memory_space<vmem_shared>>
      %dma_wait3A_69 = arith.constant 0 : i32
      %dma_wait3A_70 = tpu.memref_slice %arg10[%add3A_13, %dma_wait3A_69] : memref<10240x128xf32, #tpu.memory_space<vmem_shared>> -> memref<128x128xf32, #tpu.memory_space<vmem_shared>>
      tpu.wait_dma2 semaphore(%run_scoped3A_64 : memref<!tpu.dma_semaphore, #tpu.memory_space<semaphore_mem>>) src(%arg8 : memref<128x128xf32, #tpu.memory_space<vmem>>) dst(%dma_wait3A_70 : memref<128x128xf32, #tpu.memory_space<vmem_shared>>)
      tpu.yield
    }) : () -> ()
    %add3A_14 = arith.constant 256 : i32
    %add3A_15 = arith.addi %mul3A_9, %add3A_14 : i32
    "tpu.region"() ({
      %run_scoped3A_64 = tpu.sem_alloc : memref<!tpu.dma_semaphore, #tpu.memory_space<semaphore_mem>>
      %dma_start3A = arith.constant 0 : i32
      %dma_start3A_65 = tpu.memref_slice %arg10[%add3A_15, %dma_start3A] : memref<10240x128xf32, #tpu.memory_space<vmem_shared>> -> memref<128x128xf32, #tpu.memory_space<vmem_shared>>
      %dma_start3A_66 = arith.constant 0 : i32
      %dma_start3A_67 = tpu.memref_slice %arg10[%add3A_15, %dma_start3A_66] : memref<10240x128xf32, #tpu.memory_space<vmem_shared>> -> memref<128x128xf32, #tpu.memory_space<vmem_shared>>
      tpu.enqueue_dma source(%arg8 : memref<128x128xf32, #tpu.memory_space<vmem>>) target(%dma_start3A_67 : memref<128x128xf32, #tpu.memory_space<vmem_shared>>) target_semaphore(%run_scoped3A_64 : memref<!tpu.dma_semaphore, #tpu.memory_space<semaphore_mem>>)
      %dma_wait3A = arith.constant 0 : i32
      %dma_wait3A_68 = tpu.memref_slice %arg10[%add3A_15, %dma_wait3A] : memref<10240x128xf32, #tpu.memory_space<vmem_shared>> -> memref<128x128xf32, #tpu.memory_space<vmem_shared>>
      %dma_wait3A_69 = arith.constant 0 : i32
      %dma_wait3A_70 = tpu.memref_slice %arg10[%add3A_15, %dma_wait3A_69] : memref<10240x128xf32, #tpu.memory_space<vmem_shared>> -> memref<128x128xf32, #tpu.memory_space<vmem_shared>>
      tpu.wait_dma2 semaphore(%run_scoped3A_64 : memref<!tpu.dma_semaphore, #tpu.memory_space<semaphore_mem>>) src(%arg8 : memref<128x128xf32, #tpu.memory_space<vmem>>) dst(%dma_wait3A_70 : memref<128x128xf32, #tpu.memory_space<vmem_shared>>)
      tpu.yield
    }) : () -> ()
    %add3A_16 = arith.constant 384 : i32
    %add3A_17 = arith.addi %mul3A_9, %add3A_16 : i32
    "tpu.region"() ({
      %run_scoped3A_64 = tpu.sem_alloc : memref<!tpu.dma_semaphore, #tpu.memory_space<semaphore_mem>>
      %dma_start3A = arith.constant 0 : i32
      %dma_start3A_65 = tpu.memref_slice %arg10[%add3A_17, %dma_start3A] : memref<10240x128xf32, #tpu.memory_space<vmem_shared>> -> memref<128x128xf32, #tpu.memory_space<vmem_shared>>
      %dma_start3A_66 = arith.constant 0 : i32
      %dma_start3A_67 = tpu.memref_slice %arg10[%add3A_17, %dma_start3A_66] : memref<10240x128xf32, #tpu.memory_space<vmem_shared>> -> memref<128x128xf32, #tpu.memory_space<vmem_shared>>
      tpu.enqueue_dma source(%arg8 : memref<128x128xf32, #tpu.memory_space<vmem>>) target(%dma_start3A_67 : memref<128x128xf32, #tpu.memory_space<vmem_shared>>) target_semaphore(%run_scoped3A_64 : memref<!tpu.dma_semaphore, #tpu.memory_space<semaphore_mem>>)
      %dma_wait3A = arith.constant 0 : i32
      %dma_wait3A_68 = tpu.memref_slice %arg10[%add3A_17, %dma_wait3A] : memref<10240x128xf32, #tpu.memory_space<vmem_shared>> -> memref<128x128xf32, #tpu.memory_space<vmem_shared>>
      %dma_wait3A_69 = arith.constant 0 : i32
      %dma_wait3A_70 = tpu.memref_slice %arg10[%add3A_17, %dma_wait3A_69] : memref<10240x128xf32, #tpu.memory_space<vmem_shared>> -> memref<128x128xf32, #tpu.memory_space<vmem_shared>>
      tpu.wait_dma2 semaphore(%run_scoped3A_64 : memref<!tpu.dma_semaphore, #tpu.memory_space<semaphore_mem>>) src(%arg8 : memref<128x128xf32, #tpu.memory_space<vmem>>) dst(%dma_wait3A_70 : memref<128x128xf32, #tpu.memory_space<vmem_shared>>)
      tpu.yield
    }) : () -> ()
    %add3A_18 = arith.constant 512 : i32
    %add3A_19 = arith.addi %mul3A_9, %add3A_18 : i32
    "tpu.region"() ({
      %run_scoped3A_64 = tpu.sem_alloc : memref<!tpu.dma_semaphore, #tpu.memory_space<semaphore_mem>>
      %dma_start3A = arith.constant 0 : i32
      %dma_start3A_65 = tpu.memref_slice %arg10[%add3A_19, %dma_start3A] : memref<10240x128xf32, #tpu.memory_space<vmem_shared>> -> memref<128x128xf32, #tpu.memory_space<vmem_shared>>
      %dma_start3A_66 = arith.constant 0 : i32
      %dma_start3A_67 = tpu.memref_slice %arg10[%add3A_19, %dma_start3A_66] : memref<10240x128xf32, #tpu.memory_space<vmem_shared>> -> memref<128x128xf32, #tpu.memory_space<vmem_shared>>
      tpu.enqueue_dma source(%arg8 : memref<128x128xf32, #tpu.memory_space<vmem>>) target(%dma_start3A_67 : memref<128x128xf32, #tpu.memory_space<vmem_shared>>) target_semaphore(%run_scoped3A_64 : memref<!tpu.dma_semaphore, #tpu.memory_space<semaphore_mem>>)
      %dma_wait3A = arith.constant 0 : i32
      %dma_wait3A_68 = tpu.memref_slice %arg10[%add3A_19, %dma_wait3A] : memref<10240x128xf32, #tpu.memory_space<vmem_shared>> -> memref<128x128xf32, #tpu.memory_space<vmem_shared>>
      %dma_wait3A_69 = arith.constant 0 : i32
      %dma_wait3A_70 = tpu.memref_slice %arg10[%add3A_19, %dma_wait3A_69] : memref<10240x128xf32, #tpu.memory_space<vmem_shared>> -> memref<128x128xf32, #tpu.memory_space<vmem_shared>>
      tpu.wait_dma2 semaphore(%run_scoped3A_64 : memref<!tpu.dma_semaphore, #tpu.memory_space<semaphore_mem>>) src(%arg8 : memref<128x128xf32, #tpu.memory_space<vmem>>) dst(%dma_wait3A_70 : memref<128x128xf32, #tpu.memory_space<vmem_shared>>)
      tpu.yield
    }) : () -> ()
    %run_scoped3A = arith.constant 0 : i32
    "tpu.region"() ({
      %run_scoped3A_64 = tpu.sem_alloc : memref<!tpu.dma_semaphore, #tpu.memory_space<semaphore_mem>>
      %dma_start3A = arith.constant 0 : i32
      %dma_start3A_65 = arith.constant 0 : i32
      %dma_start3A_66 = tpu.memref_slice %arg6[%run_scoped3A, %dma_start3A, %dma_start3A_65] : memref<2x8x128xi32, #tpu.memory_space<vmem>> -> memref<1x8x128xi32, #tpu.memory_space<vmem>>
      %dma_start3A_67 = tpu.memref_squeeze %dma_start3A_66 : memref<1x8x128xi32, #tpu.memory_space<vmem>> -> memref<8x128xi32, #tpu.memory_space<vmem>>
      %dma_start3A_68 = arith.constant 0 : i32
      %dma_start3A_69 = arith.constant 0 : i32
      %dma_start3A_70 = tpu.memref_slice %arg3[%add3A, %dma_start3A_68, %dma_start3A_69] : memref<32x80x128xi32, #tpu.memory_space<hbm>> -> memref<1x8x128xi32, #tpu.memory_space<hbm>>
      %dma_start3A_71 = tpu.memref_squeeze %dma_start3A_70 : memref<1x8x128xi32, #tpu.memory_space<hbm>> -> memref<8x128xi32, #tpu.memory_space<hbm>>
      %dma_start3A_72 = arith.constant 0 : i32
      %dma_start3A_73 = arith.constant 0 : i32
      %dma_start3A_74 = tpu.memref_slice %arg6[%run_scoped3A, %dma_start3A_72, %dma_start3A_73] : memref<2x8x128xi32, #tpu.memory_space<vmem>> -> memref<1x8x128xi32, #tpu.memory_space<vmem>>
      %dma_start3A_75 = tpu.memref_squeeze %dma_start3A_74 : memref<1x8x128xi32, #tpu.memory_space<vmem>> -> memref<8x128xi32, #tpu.memory_space<vmem>>
      %dma_start3A_76 = arith.constant 0 : i32
      %dma_start3A_77 = arith.constant 0 : i32
      %dma_start3A_78 = tpu.memref_slice %arg3[%add3A, %dma_start3A_76, %dma_start3A_77] : memref<32x80x128xi32, #tpu.memory_space<hbm>> -> memref<1x8x128xi32, #tpu.memory_space<hbm>>
      %dma_start3A_79 = tpu.memref_squeeze %dma_start3A_78 : memref<1x8x128xi32, #tpu.memory_space<hbm>> -> memref<8x128xi32, #tpu.memory_space<hbm>>
      tpu.enqueue_dma source(%dma_start3A_79 : memref<8x128xi32, #tpu.memory_space<hbm>>) target(%dma_start3A_75 : memref<8x128xi32, #tpu.memory_space<vmem>>) target_semaphore(%run_scoped3A_64 : memref<!tpu.dma_semaphore, #tpu.memory_space<semaphore_mem>>)
      %dma_wait3A = arith.constant 0 : i32
      %dma_wait3A_80 = arith.constant 0 : i32
      %dma_wait3A_81 = tpu.memref_slice %arg6[%run_scoped3A, %dma_wait3A, %dma_wait3A_80] : memref<2x8x128xi32, #tpu.memory_space<vmem>> -> memref<1x8x128xi32, #tpu.memory_space<vmem>>
      %dma_wait3A_82 = tpu.memref_squeeze %dma_wait3A_81 : memref<1x8x128xi32, #tpu.memory_space<vmem>> -> memref<8x128xi32, #tpu.memory_space<vmem>>
      %dma_wait3A_83 = arith.constant 0 : i32
      %dma_wait3A_84 = arith.constant 0 : i32
      %dma_wait3A_85 = tpu.memref_slice %arg3[%add3A, %dma_wait3A_83, %dma_wait3A_84] : memref<32x80x128xi32, #tpu.memory_space<hbm>> -> memref<1x8x128xi32, #tpu.memory_space<hbm>>
      %dma_wait3A_86 = tpu.memref_squeeze %dma_wait3A_85 : memref<1x8x128xi32, #tpu.memory_space<hbm>> -> memref<8x128xi32, #tpu.memory_space<hbm>>
      %dma_wait3A_87 = arith.constant 0 : i32
      %dma_wait3A_88 = arith.constant 0 : i32
      %dma_wait3A_89 = tpu.memref_slice %arg6[%run_scoped3A, %dma_wait3A_87, %dma_wait3A_88] : memref<2x8x128xi32, #tpu.memory_space<vmem>> -> memref<1x8x128xi32, #tpu.memory_space<vmem>>
      %dma_wait3A_90 = tpu.memref_squeeze %dma_wait3A_89 : memref<1x8x128xi32, #tpu.memory_space<vmem>> -> memref<8x128xi32, #tpu.memory_space<vmem>>
      %dma_wait3A_91 = arith.constant 0 : i32
      %dma_wait3A_92 = arith.constant 0 : i32
      %dma_wait3A_93 = tpu.memref_slice %arg3[%add3A, %dma_wait3A_91, %dma_wait3A_92] : memref<32x80x128xi32, #tpu.memory_space<hbm>> -> memref<1x8x128xi32, #tpu.memory_space<hbm>>
      %dma_wait3A_94 = tpu.memref_squeeze %dma_wait3A_93 : memref<1x8x128xi32, #tpu.memory_space<hbm>> -> memref<8x128xi32, #tpu.memory_space<hbm>>
      tpu.wait_dma2 semaphore(%run_scoped3A_64 : memref<!tpu.dma_semaphore, #tpu.memory_space<semaphore_mem>>) src(%dma_wait3A_94 : memref<8x128xi32, #tpu.memory_space<hbm>>) dst(%dma_wait3A_90 : memref<8x128xi32, #tpu.memory_space<vmem>>)
      tpu.yield
    }) : () -> ()
    %run_scoped3A_20 = arith.constant 0 : i32
    "tpu.region"() ({
      %run_scoped3A_64 = tpu.sem_alloc : memref<!tpu.dma_semaphore, #tpu.memory_space<semaphore_mem>>
      %dma_start3A = arith.constant 0 : i32
      %dma_start3A_65 = arith.constant 0 : i32
      %dma_start3A_66 = tpu.memref_slice %arg7[%run_scoped3A_20, %dma_start3A, %dma_start3A_65] : memref<2x8x128xi32, #tpu.memory_space<vmem>> -> memref<1x8x128xi32, #tpu.memory_space<vmem>>
      %dma_start3A_67 = tpu.memref_squeeze %dma_start3A_66 : memref<1x8x128xi32, #tpu.memory_space<vmem>> -> memref<8x128xi32, #tpu.memory_space<vmem>>
      %dma_start3A_68 = arith.constant 0 : i32
      %dma_start3A_69 = arith.constant 0 : i32
      %dma_start3A_70 = tpu.memref_slice %arg4[%add3A, %dma_start3A_68, %dma_start3A_69] : memref<32x80x128xi32, #tpu.memory_space<hbm>> -> memref<1x8x128xi32, #tpu.memory_space<hbm>>
      %dma_start3A_71 = tpu.memref_squeeze %dma_start3A_70 : memref<1x8x128xi32, #tpu.memory_space<hbm>> -> memref<8x128xi32, #tpu.memory_space<hbm>>
      %dma_start3A_72 = arith.constant 0 : i32
      %dma_start3A_73 = arith.constant 0 : i32
      %dma_start3A_74 = tpu.memref_slice %arg7[%run_scoped3A_20, %dma_start3A_72, %dma_start3A_73] : memref<2x8x128xi32, #tpu.memory_space<vmem>> -> memref<1x8x128xi32, #tpu.memory_space<vmem>>
      %dma_start3A_75 = tpu.memref_squeeze %dma_start3A_74 : memref<1x8x128xi32, #tpu.memory_space<vmem>> -> memref<8x128xi32, #tpu.memory_space<vmem>>
      %dma_start3A_76 = arith.constant 0 : i32
      %dma_start3A_77 = arith.constant 0 : i32
      %dma_start3A_78 = tpu.memref_slice %arg4[%add3A, %dma_start3A_76, %dma_start3A_77] : memref<32x80x128xi32, #tpu.memory_space<hbm>> -> memref<1x8x128xi32, #tpu.memory_space<hbm>>
      %dma_start3A_79 = tpu.memref_squeeze %dma_start3A_78 : memref<1x8x128xi32, #tpu.memory_space<hbm>> -> memref<8x128xi32, #tpu.memory_space<hbm>>
      tpu.enqueue_dma source(%dma_start3A_79 : memref<8x128xi32, #tpu.memory_space<hbm>>) target(%dma_start3A_75 : memref<8x128xi32, #tpu.memory_space<vmem>>) target_semaphore(%run_scoped3A_64 : memref<!tpu.dma_semaphore, #tpu.memory_space<semaphore_mem>>)
      %dma_wait3A = arith.constant 0 : i32
      %dma_wait3A_80 = arith.constant 0 : i32
      %dma_wait3A_81 = tpu.memref_slice %arg7[%run_scoped3A_20, %dma_wait3A, %dma_wait3A_80] : memref<2x8x128xi32, #tpu.memory_space<vmem>> -> memref<1x8x128xi32, #tpu.memory_space<vmem>>
      %dma_wait3A_82 = tpu.memref_squeeze %dma_wait3A_81 : memref<1x8x128xi32, #tpu.memory_space<vmem>> -> memref<8x128xi32, #tpu.memory_space<vmem>>
      %dma_wait3A_83 = arith.constant 0 : i32
      %dma_wait3A_84 = arith.constant 0 : i32
      %dma_wait3A_85 = tpu.memref_slice %arg4[%add3A, %dma_wait3A_83, %dma_wait3A_84] : memref<32x80x128xi32, #tpu.memory_space<hbm>> -> memref<1x8x128xi32, #tpu.memory_space<hbm>>
      %dma_wait3A_86 = tpu.memref_squeeze %dma_wait3A_85 : memref<1x8x128xi32, #tpu.memory_space<hbm>> -> memref<8x128xi32, #tpu.memory_space<hbm>>
      %dma_wait3A_87 = arith.constant 0 : i32
      %dma_wait3A_88 = arith.constant 0 : i32
      %dma_wait3A_89 = tpu.memref_slice %arg7[%run_scoped3A_20, %dma_wait3A_87, %dma_wait3A_88] : memref<2x8x128xi32, #tpu.memory_space<vmem>> -> memref<1x8x128xi32, #tpu.memory_space<vmem>>
      %dma_wait3A_90 = tpu.memref_squeeze %dma_wait3A_89 : memref<1x8x128xi32, #tpu.memory_space<vmem>> -> memref<8x128xi32, #tpu.memory_space<vmem>>
      %dma_wait3A_91 = arith.constant 0 : i32
      %dma_wait3A_92 = arith.constant 0 : i32
      %dma_wait3A_93 = tpu.memref_slice %arg4[%add3A, %dma_wait3A_91, %dma_wait3A_92] : memref<32x80x128xi32, #tpu.memory_space<hbm>> -> memref<1x8x128xi32, #tpu.memory_space<hbm>>
      %dma_wait3A_94 = tpu.memref_squeeze %dma_wait3A_93 : memref<1x8x128xi32, #tpu.memory_space<hbm>> -> memref<8x128xi32, #tpu.memory_space<hbm>>
      tpu.wait_dma2 semaphore(%run_scoped3A_64 : memref<!tpu.dma_semaphore, #tpu.memory_space<semaphore_mem>>) src(%dma_wait3A_94 : memref<8x128xi32, #tpu.memory_space<hbm>>) dst(%dma_wait3A_90 : memref<8x128xi32, #tpu.memory_space<vmem>>)
      tpu.yield
    }) : () -> ()
    %barrier3A = arith.constant 0 : index
    tpu.barrier barrier_id(%barrier3A)
    %scan3A_21 = arith.constant 0 : i32
    %scan3A_22 = arith.constant 0 : i32
    %scan3A_23 = arith.constant 40 : i32
    %scan3A_24 = arith.addi %scan3A_22, %scan3A_23 : i32
    %scan3A_25 = arith.constant 1 : i32
    %scan3A_26 = scf.for %scan3A_64 = %scan3A_22 to %scan3A_24 step %scan3A_25 iter_args(%scan3A_65 = %scan3A_21) -> (i32)  : i32 {
      %jit3A = arith.constant 4 : i32
      %div3A = arith.divsi %scan3A_64, %jit3A : i32
      %sign3A = arith.constant 0 : i32
      %sign3A_66 = arith.cmpi sgt, %scan3A_64, %sign3A : i32
      %sign3A_67 = arith.extui %sign3A_66 : i1 to i32
      %sign3A_68 = arith.constant 0 : i32
      %sign3A_69 = arith.cmpi slt, %scan3A_64, %sign3A_68 : i32
      %sign3A_70 = arith.extui %sign3A_69 : i1 to i32
      %sign3A_71 = arith.subi %sign3A_67, %sign3A_70 : i32
      %sign3A_72 = arith.constant 0 : i32
      %sign3A_73 = arith.cmpi sgt, %jit3A, %sign3A_72 : i32
      %sign3A_74 = arith.extui %sign3A_73 : i1 to i32
      %sign3A_75 = arith.constant 0 : i32
      %sign3A_76 = arith.cmpi slt, %jit3A, %sign3A_75 : i32
      %sign3A_77 = arith.extui %sign3A_76 : i1 to i32
      %sign3A_78 = arith.subi %sign3A_74, %sign3A_77 : i32
      %ne3A = arith.cmpi ne, %sign3A_71, %sign3A_78 : i32
      %rem3A = arith.remsi %scan3A_64, %jit3A : i32
      %ne3A_79 = arith.constant 0 : i32
      %ne3A_80 = arith.cmpi ne, %rem3A, %ne3A_79 : i32
      %and3A = arith.andi %ne3A, %ne3A_80 : i1
      %sub3A = arith.constant 1 : i32
      %sub3A_81 = arith.subi %div3A, %sub3A : i32
      %select_n3A = arith.select %and3A, %sub3A_81, %div3A : i32
      %rem3A_82 = arith.constant 4 : i32
      %rem3A_83 = arith.remsi %scan3A_64, %rem3A_82 : i32
      %rem3A_84 = arith.constant 2 : i32
      %rem3A_85 = arith.remsi %select_n3A, %rem3A_84 : i32
      %mul3A_86 = arith.constant 2 : i32
      %mul3A_87 = arith.muli %mul3A_86, %rem3A_83 : i32
      %dma_start3A = arith.constant 0 : i32
      %dma_start3A_88 = tpu.memref_slice %arg6[%rem3A_85, %mul3A_87, %dma_start3A] : memref<2x8x128xi32, #tpu.memory_space<vmem>> -> memref<1x1x128xi32, #tpu.memory_space<vmem>>
      %dma_start3A_89 = tpu.memref_squeeze %dma_start3A_88 : memref<1x1x128xi32, #tpu.memory_space<vmem>> -> memref<128xi32, #tpu.memory_space<vmem>>
      %dma_start3A_90 = arith.constant 0 : i32
      %dma_start3A_91 = arith.constant 0 : i32
      %dma_start3A_92 = tpu.memref_slice %arg2[%dma_start3A_90, %dma_start3A_91] : memref<10240x128xf32, #tpu.memory_space<hbm>> -> memref<10240x128xf32, #tpu.memory_space<hbm>>
      tpu.enqueue_indirect_dma source(%dma_start3A_92 : memref<10240x128xf32, #tpu.memory_space<hbm>>) target(%arg8 : memref<128x128xf32, #tpu.memory_space<vmem>>) offsets(%dma_start3A_89 : memref<128xi32, #tpu.memory_space<vmem>>) semaphore(%arg11 : memref<!tpu.dma_semaphore, #tpu.memory_space<semaphore_mem>>)
      %add3A_93 = arith.constant 1 : i32
      %add3A_94 = arith.addi %mul3A_87, %add3A_93 : i32
      %dma_start3A_95 = arith.constant 0 : i32
      %dma_start3A_96 = tpu.memref_slice %arg6[%rem3A_85, %add3A_94, %dma_start3A_95] : memref<2x8x128xi32, #tpu.memory_space<vmem>> -> memref<1x1x128xi32, #tpu.memory_space<vmem>>
      %dma_start3A_97 = tpu.memref_squeeze %dma_start3A_96 : memref<1x1x128xi32, #tpu.memory_space<vmem>> -> memref<128xi32, #tpu.memory_space<vmem>>
      %dma_start3A_98 = arith.constant 0 : i32
      %dma_start3A_99 = arith.constant 0 : i32
      %dma_start3A_100 = tpu.memref_slice %arg2[%dma_start3A_98, %dma_start3A_99] : memref<10240x128xf32, #tpu.memory_space<hbm>> -> memref<10240x128xf32, #tpu.memory_space<hbm>>
      tpu.enqueue_indirect_dma source(%dma_start3A_100 : memref<10240x128xf32, #tpu.memory_space<hbm>>) target(%arg9 : memref<128x128xf32, #tpu.memory_space<vmem>>) offsets(%dma_start3A_97 : memref<128xi32, #tpu.memory_space<vmem>>) semaphore(%arg12 : memref<!tpu.dma_semaphore, #tpu.memory_space<semaphore_mem>>)
      %eq3A = arith.constant 0 : i32
      %eq3A_101 = arith.cmpi eq, %rem3A_83, %eq3A : i32
      %add3A_102 = arith.constant 1 : i32
      %add3A_103 = arith.addi %select_n3A, %add3A_102 : i32
      %lt3A = arith.constant 10 : i32
      %lt3A_104 = arith.cmpi slt, %add3A_103, %lt3A : i32
      %and3A_105 = arith.andi %eq3A_101, %lt3A_104 : i1
      %convert_element_type3A = arith.extui %and3A_105 : i1 to i32
      %cond3A = arith.constant 0 : i32
      %cond3A_106 = arith.cmpi ne, %convert_element_type3A, %cond3A : i32
      scf.if %cond3A_106 {
        %add3A_123 = arith.constant 1 : i32
        %add3A_124 = arith.addi %select_n3A, %add3A_123 : i32
        %rem3A_125 = arith.constant 2 : i32
        %rem3A_126 = arith.remsi %add3A_124, %rem3A_125 : i32
        %add3A_127 = arith.constant 1 : i32
        %add3A_128 = arith.addi %select_n3A, %add3A_127 : i32
        %mul3A_129 = arith.constant 8 : i32
        %mul3A_130 = arith.muli %add3A_128, %mul3A_129 : i32
        "tpu.region"() ({
          %run_scoped3A_135 = tpu.sem_alloc : memref<!tpu.dma_semaphore, #tpu.memory_space<semaphore_mem>>
          %dma_start3A_136 = arith.constant 0 : i32
          %dma_start3A_137 = arith.constant 0 : i32
          %dma_start3A_138 = tpu.memref_slice %arg6[%rem3A_126, %dma_start3A_136, %dma_start3A_137] : memref<2x8x128xi32, #tpu.memory_space<vmem>> -> memref<1x8x128xi32, #tpu.memory_space<vmem>>
          %dma_start3A_139 = tpu.memref_squeeze %dma_start3A_138 : memref<1x8x128xi32, #tpu.memory_space<vmem>> -> memref<8x128xi32, #tpu.memory_space<vmem>>
          %dma_start3A_140 = arith.constant 0 : i32
          %dma_start3A_141 = tpu.memref_slice %arg3[%add3A, %mul3A_130, %dma_start3A_140] : memref<32x80x128xi32, #tpu.memory_space<hbm>> -> memref<1x8x128xi32, #tpu.memory_space<hbm>>
          %dma_start3A_142 = tpu.memref_squeeze %dma_start3A_141 : memref<1x8x128xi32, #tpu.memory_space<hbm>> -> memref<8x128xi32, #tpu.memory_space<hbm>>
          %dma_start3A_143 = arith.constant 0 : i32
          %dma_start3A_144 = arith.constant 0 : i32
          %dma_start3A_145 = tpu.memref_slice %arg6[%rem3A_126, %dma_start3A_143, %dma_start3A_144] : memref<2x8x128xi32, #tpu.memory_space<vmem>> -> memref<1x8x128xi32, #tpu.memory_space<vmem>>
          %dma_start3A_146 = tpu.memref_squeeze %dma_start3A_145 : memref<1x8x128xi32, #tpu.memory_space<vmem>> -> memref<8x128xi32, #tpu.memory_space<vmem>>
          %dma_start3A_147 = arith.constant 0 : i32
          %dma_start3A_148 = tpu.memref_slice %arg3[%add3A, %mul3A_130, %dma_start3A_147] : memref<32x80x128xi32, #tpu.memory_space<hbm>> -> memref<1x8x128xi32, #tpu.memory_space<hbm>>
          %dma_start3A_149 = tpu.memref_squeeze %dma_start3A_148 : memref<1x8x128xi32, #tpu.memory_space<hbm>> -> memref<8x128xi32, #tpu.memory_space<hbm>>
          tpu.enqueue_dma source(%dma_start3A_149 : memref<8x128xi32, #tpu.memory_space<hbm>>) target(%dma_start3A_146 : memref<8x128xi32, #tpu.memory_space<vmem>>) target_semaphore(%run_scoped3A_135 : memref<!tpu.dma_semaphore, #tpu.memory_space<semaphore_mem>>)
          %dma_wait3A_150 = arith.constant 0 : i32
          %dma_wait3A_151 = arith.constant 0 : i32
          %dma_wait3A_152 = tpu.memref_slice %arg6[%rem3A_126, %dma_wait3A_150, %dma_wait3A_151] : memref<2x8x128xi32, #tpu.memory_space<vmem>> -> memref<1x8x128xi32, #tpu.memory_space<vmem>>
          %dma_wait3A_153 = tpu.memref_squeeze %dma_wait3A_152 : memref<1x8x128xi32, #tpu.memory_space<vmem>> -> memref<8x128xi32, #tpu.memory_space<vmem>>
          %dma_wait3A_154 = arith.constant 0 : i32
          %dma_wait3A_155 = tpu.memref_slice %arg3[%add3A, %mul3A_130, %dma_wait3A_154] : memref<32x80x128xi32, #tpu.memory_space<hbm>> -> memref<1x8x128xi32, #tpu.memory_space<hbm>>
          %dma_wait3A_156 = tpu.memref_squeeze %dma_wait3A_155 : memref<1x8x128xi32, #tpu.memory_space<hbm>> -> memref<8x128xi32, #tpu.memory_space<hbm>>
          %dma_wait3A_157 = arith.constant 0 : i32
          %dma_wait3A_158 = arith.constant 0 : i32
          %dma_wait3A_159 = tpu.memref_slice %arg6[%rem3A_126, %dma_wait3A_157, %dma_wait3A_158] : memref<2x8x128xi32, #tpu.memory_space<vmem>> -> memref<1x8x128xi32, #tpu.memory_space<vmem>>
          %dma_wait3A_160 = tpu.memref_squeeze %dma_wait3A_159 : memref<1x8x128xi32, #tpu.memory_space<vmem>> -> memref<8x128xi32, #tpu.memory_space<vmem>>
          %dma_wait3A_161 = arith.constant 0 : i32
          %dma_wait3A_162 = tpu.memref_slice %arg3[%add3A, %mul3A_130, %dma_wait3A_161] : memref<32x80x128xi32, #tpu.memory_space<hbm>> -> memref<1x8x128xi32, #tpu.memory_space<hbm>>
          %dma_wait3A_163 = tpu.memref_squeeze %dma_wait3A_162 : memref<1x8x128xi32, #tpu.memory_space<hbm>> -> memref<8x128xi32, #tpu.memory_space<hbm>>
          tpu.wait_dma2 semaphore(%run_scoped3A_135 : memref<!tpu.dma_semaphore, #tpu.memory_space<semaphore_mem>>) src(%dma_wait3A_163 : memref<8x128xi32, #tpu.memory_space<hbm>>) dst(%dma_wait3A_160 : memref<8x128xi32, #tpu.memory_space<vmem>>)
          tpu.yield
        }) : () -> ()
        %add3A_131 = arith.constant 1 : i32
        %add3A_132 = arith.addi %select_n3A, %add3A_131 : i32
        %mul3A_133 = arith.constant 8 : i32
        %mul3A_134 = arith.muli %add3A_132, %mul3A_133 : i32
        "tpu.region"() ({
          %run_scoped3A_135 = tpu.sem_alloc : memref<!tpu.dma_semaphore, #tpu.memory_space<semaphore_mem>>
          %dma_start3A_136 = arith.constant 0 : i32
          %dma_start3A_137 = arith.constant 0 : i32
          %dma_start3A_138 = tpu.memref_slice %arg7[%rem3A_126, %dma_start3A_136, %dma_start3A_137] : memref<2x8x128xi32, #tpu.memory_space<vmem>> -> memref<1x8x128xi32, #tpu.memory_space<vmem>>
          %dma_start3A_139 = tpu.memref_squeeze %dma_start3A_138 : memref<1x8x128xi32, #tpu.memory_space<vmem>> -> memref<8x128xi32, #tpu.memory_space<vmem>>
          %dma_start3A_140 = arith.constant 0 : i32
          %dma_start3A_141 = tpu.memref_slice %arg4[%add3A, %mul3A_134, %dma_start3A_140] : memref<32x80x128xi32, #tpu.memory_space<hbm>> -> memref<1x8x128xi32, #tpu.memory_space<hbm>>
          %dma_start3A_142 = tpu.memref_squeeze %dma_start3A_141 : memref<1x8x128xi32, #tpu.memory_space<hbm>> -> memref<8x128xi32, #tpu.memory_space<hbm>>
          %dma_start3A_143 = arith.constant 0 : i32
          %dma_start3A_144 = arith.constant 0 : i32
          %dma_start3A_145 = tpu.memref_slice %arg7[%rem3A_126, %dma_start3A_143, %dma_start3A_144] : memref<2x8x128xi32, #tpu.memory_space<vmem>> -> memref<1x8x128xi32, #tpu.memory_space<vmem>>
          %dma_start3A_146 = tpu.memref_squeeze %dma_start3A_145 : memref<1x8x128xi32, #tpu.memory_space<vmem>> -> memref<8x128xi32, #tpu.memory_space<vmem>>
          %dma_start3A_147 = arith.constant 0 : i32
          %dma_start3A_148 = tpu.memref_slice %arg4[%add3A, %mul3A_134, %dma_start3A_147] : memref<32x80x128xi32, #tpu.memory_space<hbm>> -> memref<1x8x128xi32, #tpu.memory_space<hbm>>
          %dma_start3A_149 = tpu.memref_squeeze %dma_start3A_148 : memref<1x8x128xi32, #tpu.memory_space<hbm>> -> memref<8x128xi32, #tpu.memory_space<hbm>>
          tpu.enqueue_dma source(%dma_start3A_149 : memref<8x128xi32, #tpu.memory_space<hbm>>) target(%dma_start3A_146 : memref<8x128xi32, #tpu.memory_space<vmem>>) target_semaphore(%run_scoped3A_135 : memref<!tpu.dma_semaphore, #tpu.memory_space<semaphore_mem>>)
          %dma_wait3A_150 = arith.constant 0 : i32
          %dma_wait3A_151 = arith.constant 0 : i32
          %dma_wait3A_152 = tpu.memref_slice %arg7[%rem3A_126, %dma_wait3A_150, %dma_wait3A_151] : memref<2x8x128xi32, #tpu.memory_space<vmem>> -> memref<1x8x128xi32, #tpu.memory_space<vmem>>
          %dma_wait3A_153 = tpu.memref_squeeze %dma_wait3A_152 : memref<1x8x128xi32, #tpu.memory_space<vmem>> -> memref<8x128xi32, #tpu.memory_space<vmem>>
          %dma_wait3A_154 = arith.constant 0 : i32
          %dma_wait3A_155 = tpu.memref_slice %arg4[%add3A, %mul3A_134, %dma_wait3A_154] : memref<32x80x128xi32, #tpu.memory_space<hbm>> -> memref<1x8x128xi32, #tpu.memory_space<hbm>>
          %dma_wait3A_156 = tpu.memref_squeeze %dma_wait3A_155 : memref<1x8x128xi32, #tpu.memory_space<hbm>> -> memref<8x128xi32, #tpu.memory_space<hbm>>
          %dma_wait3A_157 = arith.constant 0 : i32
          %dma_wait3A_158 = arith.constant 0 : i32
          %dma_wait3A_159 = tpu.memref_slice %arg7[%rem3A_126, %dma_wait3A_157, %dma_wait3A_158] : memref<2x8x128xi32, #tpu.memory_space<vmem>> -> memref<1x8x128xi32, #tpu.memory_space<vmem>>
          %dma_wait3A_160 = tpu.memref_squeeze %dma_wait3A_159 : memref<1x8x128xi32, #tpu.memory_space<vmem>> -> memref<8x128xi32, #tpu.memory_space<vmem>>
          %dma_wait3A_161 = arith.constant 0 : i32
          %dma_wait3A_162 = tpu.memref_slice %arg4[%add3A, %mul3A_134, %dma_wait3A_161] : memref<32x80x128xi32, #tpu.memory_space<hbm>> -> memref<1x8x128xi32, #tpu.memory_space<hbm>>
          %dma_wait3A_163 = tpu.memref_squeeze %dma_wait3A_162 : memref<1x8x128xi32, #tpu.memory_space<hbm>> -> memref<8x128xi32, #tpu.memory_space<hbm>>
          tpu.wait_dma2 semaphore(%run_scoped3A_135 : memref<!tpu.dma_semaphore, #tpu.memory_space<semaphore_mem>>) src(%dma_wait3A_163 : memref<8x128xi32, #tpu.memory_space<hbm>>) dst(%dma_wait3A_160 : memref<8x128xi32, #tpu.memory_space<vmem>>)
          tpu.yield
        }) : () -> ()
      } else {
      }
      %dma_wait3A = arith.constant 0 : i32
      %dma_wait3A_107 = tpu.memref_slice %arg6[%rem3A_85, %mul3A_87, %dma_wait3A] : memref<2x8x128xi32, #tpu.memory_space<vmem>> -> memref<1x1x128xi32, #tpu.memory_space<vmem>>
      %dma_wait3A_108 = tpu.memref_squeeze %dma_wait3A_107 : memref<1x1x128xi32, #tpu.memory_space<vmem>> -> memref<128xi32, #tpu.memory_space<vmem>>
      %dma_wait3A_109 = arith.constant 0 : i32
      %dma_wait3A_110 = arith.constant 0 : i32
      %dma_wait3A_111 = tpu.memref_slice %arg2[%dma_wait3A_109, %dma_wait3A_110] : memref<10240x128xf32, #tpu.memory_space<hbm>> -> memref<10240x128xf32, #tpu.memory_space<hbm>>
      tpu.wait_indirect_dma semaphore(%arg11 : memref<!tpu.dma_semaphore, #tpu.memory_space<semaphore_mem>>) src(%dma_wait3A_111 : memref<10240x128xf32, #tpu.memory_space<hbm>>) dst(%arg8 : memref<128x128xf32, #tpu.memory_space<vmem>>)
      "tpu.region"() ({
        %run_scoped3A_123 = tpu.sem_alloc : memref<!tpu.dma_semaphore, #tpu.memory_space<semaphore_mem>>
        %dma_start3A_124 = arith.constant 0 : i32
        %dma_start3A_125 = tpu.memref_slice %arg7[%rem3A_85, %mul3A_87, %dma_start3A_124] : memref<2x8x128xi32, #tpu.memory_space<vmem>> -> memref<1x1x128xi32, #tpu.memory_space<vmem>>
        %dma_start3A_126 = tpu.memref_squeeze %dma_start3A_125 : memref<1x1x128xi32, #tpu.memory_space<vmem>> -> memref<128xi32, #tpu.memory_space<vmem>>
        %dma_start3A_127 = arith.constant 0 : i32
        %dma_start3A_128 = arith.constant 0 : i32
        %dma_start3A_129 = tpu.memref_slice %arg10[%dma_start3A_127, %dma_start3A_128] : memref<10240x128xf32, #tpu.memory_space<vmem_shared>> -> memref<10240x128xf32, #tpu.memory_space<vmem_shared>>
        tpu.enqueue_indirect_dma source(%arg8 : memref<128x128xf32, #tpu.memory_space<vmem>>) target(%dma_start3A_129 : memref<10240x128xf32, #tpu.memory_space<vmem_shared>>) offsets(%dma_start3A_126 : memref<128xi32, #tpu.memory_space<vmem>>) semaphore(%run_scoped3A_123 : memref<!tpu.dma_semaphore, #tpu.memory_space<semaphore_mem>>) {add = true}
        %dma_wait3A_130 = arith.constant 0 : i32
        %dma_wait3A_131 = tpu.memref_slice %arg7[%rem3A_85, %mul3A_87, %dma_wait3A_130] : memref<2x8x128xi32, #tpu.memory_space<vmem>> -> memref<1x1x128xi32, #tpu.memory_space<vmem>>
        %dma_wait3A_132 = tpu.memref_squeeze %dma_wait3A_131 : memref<1x1x128xi32, #tpu.memory_space<vmem>> -> memref<128xi32, #tpu.memory_space<vmem>>
        %dma_wait3A_133 = arith.constant 0 : i32
        %dma_wait3A_134 = arith.constant 0 : i32
        %dma_wait3A_135 = tpu.memref_slice %arg10[%dma_wait3A_133, %dma_wait3A_134] : memref<10240x128xf32, #tpu.memory_space<vmem_shared>> -> memref<10240x128xf32, #tpu.memory_space<vmem_shared>>
        tpu.wait_indirect_dma semaphore(%run_scoped3A_123 : memref<!tpu.dma_semaphore, #tpu.memory_space<semaphore_mem>>) src(%arg8 : memref<128x128xf32, #tpu.memory_space<vmem>>) dst(%dma_wait3A_135 : memref<10240x128xf32, #tpu.memory_space<vmem_shared>>)
        tpu.yield
      }) : () -> ()
      %add3A_112 = arith.constant 1 : i32
      %add3A_113 = arith.addi %mul3A_87, %add3A_112 : i32
      %dma_wait3A_114 = arith.constant 0 : i32
      %dma_wait3A_115 = tpu.memref_slice %arg6[%rem3A_85, %add3A_113, %dma_wait3A_114] : memref<2x8x128xi32, #tpu.memory_space<vmem>> -> memref<1x1x128xi32, #tpu.memory_space<vmem>>
      %dma_wait3A_116 = tpu.memref_squeeze %dma_wait3A_115 : memref<1x1x128xi32, #tpu.memory_space<vmem>> -> memref<128xi32, #tpu.memory_space<vmem>>
      %dma_wait3A_117 = arith.constant 0 : i32
      %dma_wait3A_118 = arith.constant 0 : i32
      %dma_wait3A_119 = tpu.memref_slice %arg2[%dma_wait3A_117, %dma_wait3A_118] : memref<10240x128xf32, #tpu.memory_space<hbm>> -> memref<10240x128xf32, #tpu.memory_space<hbm>>
      tpu.wait_indirect_dma semaphore(%arg12 : memref<!tpu.dma_semaphore, #tpu.memory_space<semaphore_mem>>) src(%dma_wait3A_119 : memref<10240x128xf32, #tpu.memory_space<hbm>>) dst(%arg9 : memref<128x128xf32, #tpu.memory_space<vmem>>)
      %add3A_120 = arith.constant 1 : i32
      %add3A_121 = arith.addi %mul3A_87, %add3A_120 : i32
      "tpu.region"() ({
        %run_scoped3A_123 = tpu.sem_alloc : memref<!tpu.dma_semaphore, #tpu.memory_space<semaphore_mem>>
        %dma_start3A_124 = arith.constant 0 : i32
        %dma_start3A_125 = tpu.memref_slice %arg7[%rem3A_85, %add3A_121, %dma_start3A_124] : memref<2x8x128xi32, #tpu.memory_space<vmem>> -> memref<1x1x128xi32, #tpu.memory_space<vmem>>
        %dma_start3A_126 = tpu.memref_squeeze %dma_start3A_125 : memref<1x1x128xi32, #tpu.memory_space<vmem>> -> memref<128xi32, #tpu.memory_space<vmem>>
        %dma_start3A_127 = arith.constant 0 : i32
        %dma_start3A_128 = arith.constant 0 : i32
        %dma_start3A_129 = tpu.memref_slice %arg10[%dma_start3A_127, %dma_start3A_128] : memref<10240x128xf32, #tpu.memory_space<vmem_shared>> -> memref<10240x128xf32, #tpu.memory_space<vmem_shared>>
        tpu.enqueue_indirect_dma source(%arg9 : memref<128x128xf32, #tpu.memory_space<vmem>>) target(%dma_start3A_129 : memref<10240x128xf32, #tpu.memory_space<vmem_shared>>) offsets(%dma_start3A_126 : memref<128xi32, #tpu.memory_space<vmem>>) semaphore(%run_scoped3A_123 : memref<!tpu.dma_semaphore, #tpu.memory_space<semaphore_mem>>) {add = true}
        %dma_wait3A_130 = arith.constant 0 : i32
        %dma_wait3A_131 = tpu.memref_slice %arg7[%rem3A_85, %add3A_121, %dma_wait3A_130] : memref<2x8x128xi32, #tpu.memory_space<vmem>> -> memref<1x1x128xi32, #tpu.memory_space<vmem>>
        %dma_wait3A_132 = tpu.memref_squeeze %dma_wait3A_131 : memref<1x1x128xi32, #tpu.memory_space<vmem>> -> memref<128xi32, #tpu.memory_space<vmem>>
        %dma_wait3A_133 = arith.constant 0 : i32
        %dma_wait3A_134 = arith.constant 0 : i32
        %dma_wait3A_135 = tpu.memref_slice %arg10[%dma_wait3A_133, %dma_wait3A_134] : memref<10240x128xf32, #tpu.memory_space<vmem_shared>> -> memref<10240x128xf32, #tpu.memory_space<vmem_shared>>
        tpu.wait_indirect_dma semaphore(%run_scoped3A_123 : memref<!tpu.dma_semaphore, #tpu.memory_space<semaphore_mem>>) src(%arg9 : memref<128x128xf32, #tpu.memory_space<vmem>>) dst(%dma_wait3A_135 : memref<10240x128xf32, #tpu.memory_space<vmem_shared>>)
        tpu.yield
      }) : () -> ()
      %scan3A_122 = arith.constant 0 : i32
      scf.yield %scan3A_122 : i32
    }
    %scan3A_27 = arith.constant 40 : i32
    %barrier3A_28 = arith.constant 0 : index
    tpu.barrier barrier_id(%barrier3A_28)
    %add3A_29 = arith.constant 0 : i32
    %add3A_30 = arith.addi %mul3A_9, %add3A_29 : i32
    "tpu.region"() ({
      %run_scoped3A_64 = tpu.sem_alloc : memref<!tpu.dma_semaphore, #tpu.memory_space<semaphore_mem>>
      %dma_start3A = arith.constant 0 : i32
      %dma_start3A_65 = tpu.memref_slice %arg10[%add3A_30, %dma_start3A] : memref<10240x128xf32, #tpu.memory_space<vmem_shared>> -> memref<128x128xf32, #tpu.memory_space<vmem_shared>>
      %dma_start3A_66 = arith.constant 0 : i32
      %dma_start3A_67 = tpu.memref_slice %arg10[%add3A_30, %dma_start3A_66] : memref<10240x128xf32, #tpu.memory_space<vmem_shared>> -> memref<128x128xf32, #tpu.memory_space<vmem_shared>>
      tpu.enqueue_dma source(%dma_start3A_67 : memref<128x128xf32, #tpu.memory_space<vmem_shared>>) target(%arg8 : memref<128x128xf32, #tpu.memory_space<vmem>>) target_semaphore(%run_scoped3A_64 : memref<!tpu.dma_semaphore, #tpu.memory_space<semaphore_mem>>)
      %dma_wait3A = arith.constant 0 : i32
      %dma_wait3A_68 = tpu.memref_slice %arg10[%add3A_30, %dma_wait3A] : memref<10240x128xf32, #tpu.memory_space<vmem_shared>> -> memref<128x128xf32, #tpu.memory_space<vmem_shared>>
      %dma_wait3A_69 = arith.constant 0 : i32
      %dma_wait3A_70 = tpu.memref_slice %arg10[%add3A_30, %dma_wait3A_69] : memref<10240x128xf32, #tpu.memory_space<vmem_shared>> -> memref<128x128xf32, #tpu.memory_space<vmem_shared>>
      tpu.wait_dma2 semaphore(%run_scoped3A_64 : memref<!tpu.dma_semaphore, #tpu.memory_space<semaphore_mem>>) src(%dma_wait3A_70 : memref<128x128xf32, #tpu.memory_space<vmem_shared>>) dst(%arg8 : memref<128x128xf32, #tpu.memory_space<vmem>>)
      tpu.yield
    }) : () -> ()
    %mul3A_31 = arith.constant 10240 : i32
    %mul3A_32 = arith.muli %arg0, %mul3A_31 : i32
    %add3A_33 = arith.addi %mul3A_32, %mul3A_9 : i32
    %add3A_34 = arith.constant 0 : i32
    %add3A_35 = arith.addi %add3A_33, %add3A_34 : i32
    "tpu.region"() ({
      %run_scoped3A_64 = tpu.sem_alloc : memref<!tpu.dma_semaphore, #tpu.memory_space<semaphore_mem>>
      %dma_start3A = arith.constant 0 : i32
      %dma_start3A_65 = tpu.memref_slice %arg5[%add3A_35, %dma_start3A] : memref<20480x128xf32, #tpu.memory_space<hbm>> -> memref<128x128xf32, #tpu.memory_space<hbm>>
      %dma_start3A_66 = arith.constant 0 : i32
      %dma_start3A_67 = tpu.memref_slice %arg5[%add3A_35, %dma_start3A_66] : memref<20480x128xf32, #tpu.memory_space<hbm>> -> memref<128x128xf32, #tpu.memory_space<hbm>>
      tpu.enqueue_dma source(%arg8 : memref<128x128xf32, #tpu.memory_space<vmem>>) target(%dma_start3A_67 : memref<128x128xf32, #tpu.memory_space<hbm>>) target_semaphore(%run_scoped3A_64 : memref<!tpu.dma_semaphore, #tpu.memory_space<semaphore_mem>>)
      %dma_wait3A = arith.constant 0 : i32
      %dma_wait3A_68 = tpu.memref_slice %arg5[%add3A_35, %dma_wait3A] : memref<20480x128xf32, #tpu.memory_space<hbm>> -> memref<128x128xf32, #tpu.memory_space<hbm>>
      %dma_wait3A_69 = arith.constant 0 : i32
      %dma_wait3A_70 = tpu.memref_slice %arg5[%add3A_35, %dma_wait3A_69] : memref<20480x128xf32, #tpu.memory_space<hbm>> -> memref<128x128xf32, #tpu.memory_space<hbm>>
      tpu.wait_dma2 semaphore(%run_scoped3A_64 : memref<!tpu.dma_semaphore, #tpu.memory_space<semaphore_mem>>) src(%arg8 : memref<128x128xf32, #tpu.memory_space<vmem>>) dst(%dma_wait3A_70 : memref<128x128xf32, #tpu.memory_space<hbm>>)
      tpu.yield
    }) : () -> ()
    %add3A_36 = arith.constant 128 : i32
    %add3A_37 = arith.addi %mul3A_9, %add3A_36 : i32
    "tpu.region"() ({
      %run_scoped3A_64 = tpu.sem_alloc : memref<!tpu.dma_semaphore, #tpu.memory_space<semaphore_mem>>
      %dma_start3A = arith.constant 0 : i32
      %dma_start3A_65 = tpu.memref_slice %arg10[%add3A_37, %dma_start3A] : memref<10240x128xf32, #tpu.memory_space<vmem_shared>> -> memref<128x128xf32, #tpu.memory_space<vmem_shared>>
      %dma_start3A_66 = arith.constant 0 : i32
      %dma_start3A_67 = tpu.memref_slice %arg10[%add3A_37, %dma_start3A_66] : memref<10240x128xf32, #tpu.memory_space<vmem_shared>> -> memref<128x128xf32, #tpu.memory_space<vmem_shared>>
      tpu.enqueue_dma source(%dma_start3A_67 : memref<128x128xf32, #tpu.memory_space<vmem_shared>>) target(%arg8 : memref<128x128xf32, #tpu.memory_space<vmem>>) target_semaphore(%run_scoped3A_64 : memref<!tpu.dma_semaphore, #tpu.memory_space<semaphore_mem>>)
      %dma_wait3A = arith.constant 0 : i32
      %dma_wait3A_68 = tpu.memref_slice %arg10[%add3A_37, %dma_wait3A] : memref<10240x128xf32, #tpu.memory_space<vmem_shared>> -> memref<128x128xf32, #tpu.memory_space<vmem_shared>>
      %dma_wait3A_69 = arith.constant 0 : i32
      %dma_wait3A_70 = tpu.memref_slice %arg10[%add3A_37, %dma_wait3A_69] : memref<10240x128xf32, #tpu.memory_space<vmem_shared>> -> memref<128x128xf32, #tpu.memory_space<vmem_shared>>
      tpu.wait_dma2 semaphore(%run_scoped3A_64 : memref<!tpu.dma_semaphore, #tpu.memory_space<semaphore_mem>>) src(%dma_wait3A_70 : memref<128x128xf32, #tpu.memory_space<vmem_shared>>) dst(%arg8 : memref<128x128xf32, #tpu.memory_space<vmem>>)
      tpu.yield
    }) : () -> ()
    %mul3A_38 = arith.constant 10240 : i32
    %mul3A_39 = arith.muli %arg0, %mul3A_38 : i32
    %add3A_40 = arith.addi %mul3A_39, %mul3A_9 : i32
    %add3A_41 = arith.constant 128 : i32
    %add3A_42 = arith.addi %add3A_40, %add3A_41 : i32
    "tpu.region"() ({
      %run_scoped3A_64 = tpu.sem_alloc : memref<!tpu.dma_semaphore, #tpu.memory_space<semaphore_mem>>
      %dma_start3A = arith.constant 0 : i32
      %dma_start3A_65 = tpu.memref_slice %arg5[%add3A_42, %dma_start3A] : memref<20480x128xf32, #tpu.memory_space<hbm>> -> memref<128x128xf32, #tpu.memory_space<hbm>>
      %dma_start3A_66 = arith.constant 0 : i32
      %dma_start3A_67 = tpu.memref_slice %arg5[%add3A_42, %dma_start3A_66] : memref<20480x128xf32, #tpu.memory_space<hbm>> -> memref<128x128xf32, #tpu.memory_space<hbm>>
      tpu.enqueue_dma source(%arg8 : memref<128x128xf32, #tpu.memory_space<vmem>>) target(%dma_start3A_67 : memref<128x128xf32, #tpu.memory_space<hbm>>) target_semaphore(%run_scoped3A_64 : memref<!tpu.dma_semaphore, #tpu.memory_space<semaphore_mem>>)
      %dma_wait3A = arith.constant 0 : i32
      %dma_wait3A_68 = tpu.memref_slice %arg5[%add3A_42, %dma_wait3A] : memref<20480x128xf32, #tpu.memory_space<hbm>> -> memref<128x128xf32, #tpu.memory_space<hbm>>
      %dma_wait3A_69 = arith.constant 0 : i32
      %dma_wait3A_70 = tpu.memref_slice %arg5[%add3A_42, %dma_wait3A_69] : memref<20480x128xf32, #tpu.memory_space<hbm>> -> memref<128x128xf32, #tpu.memory_space<hbm>>
      tpu.wait_dma2 semaphore(%run_scoped3A_64 : memref<!tpu.dma_semaphore, #tpu.memory_space<semaphore_mem>>) src(%arg8 : memref<128x128xf32, #tpu.memory_space<vmem>>) dst(%dma_wait3A_70 : memref<128x128xf32, #tpu.memory_space<hbm>>)
      tpu.yield
    }) : () -> ()
    %add3A_43 = arith.constant 256 : i32
    %add3A_44 = arith.addi %mul3A_9, %add3A_43 : i32
    "tpu.region"() ({
      %run_scoped3A_64 = tpu.sem_alloc : memref<!tpu.dma_semaphore, #tpu.memory_space<semaphore_mem>>
      %dma_start3A = arith.constant 0 : i32
      %dma_start3A_65 = tpu.memref_slice %arg10[%add3A_44, %dma_start3A] : memref<10240x128xf32, #tpu.memory_space<vmem_shared>> -> memref<128x128xf32, #tpu.memory_space<vmem_shared>>
      %dma_start3A_66 = arith.constant 0 : i32
      %dma_start3A_67 = tpu.memref_slice %arg10[%add3A_44, %dma_start3A_66] : memref<10240x128xf32, #tpu.memory_space<vmem_shared>> -> memref<128x128xf32, #tpu.memory_space<vmem_shared>>
      tpu.enqueue_dma source(%dma_start3A_67 : memref<128x128xf32, #tpu.memory_space<vmem_shared>>) target(%arg8 : memref<128x128xf32, #tpu.memory_space<vmem>>) target_semaphore(%run_scoped3A_64 : memref<!tpu.dma_semaphore, #tpu.memory_space<semaphore_mem>>)
      %dma_wait3A = arith.constant 0 : i32
      %dma_wait3A_68 = tpu.memref_slice %arg10[%add3A_44, %dma_wait3A] : memref<10240x128xf32, #tpu.memory_space<vmem_shared>> -> memref<128x128xf32, #tpu.memory_space<vmem_shared>>
      %dma_wait3A_69 = arith.constant 0 : i32
      %dma_wait3A_70 = tpu.memref_slice %arg10[%add3A_44, %dma_wait3A_69] : memref<10240x128xf32, #tpu.memory_space<vmem_shared>> -> memref<128x128xf32, #tpu.memory_space<vmem_shared>>
      tpu.wait_dma2 semaphore(%run_scoped3A_64 : memref<!tpu.dma_semaphore, #tpu.memory_space<semaphore_mem>>) src(%dma_wait3A_70 : memref<128x128xf32, #tpu.memory_space<vmem_shared>>) dst(%arg8 : memref<128x128xf32, #tpu.memory_space<vmem>>)
      tpu.yield
    }) : () -> ()
    %mul3A_45 = arith.constant 10240 : i32
    %mul3A_46 = arith.muli %arg0, %mul3A_45 : i32
    %add3A_47 = arith.addi %mul3A_46, %mul3A_9 : i32
    %add3A_48 = arith.constant 256 : i32
    %add3A_49 = arith.addi %add3A_47, %add3A_48 : i32
    "tpu.region"() ({
      %run_scoped3A_64 = tpu.sem_alloc : memref<!tpu.dma_semaphore, #tpu.memory_space<semaphore_mem>>
      %dma_start3A = arith.constant 0 : i32
      %dma_start3A_65 = tpu.memref_slice %arg5[%add3A_49, %dma_start3A] : memref<20480x128xf32, #tpu.memory_space<hbm>> -> memref<128x128xf32, #tpu.memory_space<hbm>>
      %dma_start3A_66 = arith.constant 0 : i32
      %dma_start3A_67 = tpu.memref_slice %arg5[%add3A_49, %dma_start3A_66] : memref<20480x128xf32, #tpu.memory_space<hbm>> -> memref<128x128xf32, #tpu.memory_space<hbm>>
      tpu.enqueue_dma source(%arg8 : memref<128x128xf32, #tpu.memory_space<vmem>>) target(%dma_start3A_67 : memref<128x128xf32, #tpu.memory_space<hbm>>) target_semaphore(%run_scoped3A_64 : memref<!tpu.dma_semaphore, #tpu.memory_space<semaphore_mem>>)
      %dma_wait3A = arith.constant 0 : i32
      %dma_wait3A_68 = tpu.memref_slice %arg5[%add3A_49, %dma_wait3A] : memref<20480x128xf32, #tpu.memory_space<hbm>> -> memref<128x128xf32, #tpu.memory_space<hbm>>
      %dma_wait3A_69 = arith.constant 0 : i32
      %dma_wait3A_70 = tpu.memref_slice %arg5[%add3A_49, %dma_wait3A_69] : memref<20480x128xf32, #tpu.memory_space<hbm>> -> memref<128x128xf32, #tpu.memory_space<hbm>>
      tpu.wait_dma2 semaphore(%run_scoped3A_64 : memref<!tpu.dma_semaphore, #tpu.memory_space<semaphore_mem>>) src(%arg8 : memref<128x128xf32, #tpu.memory_space<vmem>>) dst(%dma_wait3A_70 : memref<128x128xf32, #tpu.memory_space<hbm>>)
      tpu.yield
    }) : () -> ()
    %add3A_50 = arith.constant 384 : i32
    %add3A_51 = arith.addi %mul3A_9, %add3A_50 : i32
    "tpu.region"() ({
      %run_scoped3A_64 = tpu.sem_alloc : memref<!tpu.dma_semaphore, #tpu.memory_space<semaphore_mem>>
      %dma_start3A = arith.constant 0 : i32
      %dma_start3A_65 = tpu.memref_slice %arg10[%add3A_51, %dma_start3A] : memref<10240x128xf32, #tpu.memory_space<vmem_shared>> -> memref<128x128xf32, #tpu.memory_space<vmem_shared>>
      %dma_start3A_66 = arith.constant 0 : i32
      %dma_start3A_67 = tpu.memref_slice %arg10[%add3A_51, %dma_start3A_66] : memref<10240x128xf32, #tpu.memory_space<vmem_shared>> -> memref<128x128xf32, #tpu.memory_space<vmem_shared>>
      tpu.enqueue_dma source(%dma_start3A_67 : memref<128x128xf32, #tpu.memory_space<vmem_shared>>) target(%arg8 : memref<128x128xf32, #tpu.memory_space<vmem>>) target_semaphore(%run_scoped3A_64 : memref<!tpu.dma_semaphore, #tpu.memory_space<semaphore_mem>>)
      %dma_wait3A = arith.constant 0 : i32
      %dma_wait3A_68 = tpu.memref_slice %arg10[%add3A_51, %dma_wait3A] : memref<10240x128xf32, #tpu.memory_space<vmem_shared>> -> memref<128x128xf32, #tpu.memory_space<vmem_shared>>
      %dma_wait3A_69 = arith.constant 0 : i32
      %dma_wait3A_70 = tpu.memref_slice %arg10[%add3A_51, %dma_wait3A_69] : memref<10240x128xf32, #tpu.memory_space<vmem_shared>> -> memref<128x128xf32, #tpu.memory_space<vmem_shared>>
      tpu.wait_dma2 semaphore(%run_scoped3A_64 : memref<!tpu.dma_semaphore, #tpu.memory_space<semaphore_mem>>) src(%dma_wait3A_70 : memref<128x128xf32, #tpu.memory_space<vmem_shared>>) dst(%arg8 : memref<128x128xf32, #tpu.memory_space<vmem>>)
      tpu.yield
    }) : () -> ()
    %mul3A_52 = arith.constant 10240 : i32
    %mul3A_53 = arith.muli %arg0, %mul3A_52 : i32
    %add3A_54 = arith.addi %mul3A_53, %mul3A_9 : i32
    %add3A_55 = arith.constant 384 : i32
    %add3A_56 = arith.addi %add3A_54, %add3A_55 : i32
    "tpu.region"() ({
      %run_scoped3A_64 = tpu.sem_alloc : memref<!tpu.dma_semaphore, #tpu.memory_space<semaphore_mem>>
      %dma_start3A = arith.constant 0 : i32
      %dma_start3A_65 = tpu.memref_slice %arg5[%add3A_56, %dma_start3A] : memref<20480x128xf32, #tpu.memory_space<hbm>> -> memref<128x128xf32, #tpu.memory_space<hbm>>
      %dma_start3A_66 = arith.constant 0 : i32
      %dma_start3A_67 = tpu.memref_slice %arg5[%add3A_56, %dma_start3A_66] : memref<20480x128xf32, #tpu.memory_space<hbm>> -> memref<128x128xf32, #tpu.memory_space<hbm>>
      tpu.enqueue_dma source(%arg8 : memref<128x128xf32, #tpu.memory_space<vmem>>) target(%dma_start3A_67 : memref<128x128xf32, #tpu.memory_space<hbm>>) target_semaphore(%run_scoped3A_64 : memref<!tpu.dma_semaphore, #tpu.memory_space<semaphore_mem>>)
      %dma_wait3A = arith.constant 0 : i32
      %dma_wait3A_68 = tpu.memref_slice %arg5[%add3A_56, %dma_wait3A] : memref<20480x128xf32, #tpu.memory_space<hbm>> -> memref<128x128xf32, #tpu.memory_space<hbm>>
      %dma_wait3A_69 = arith.constant 0 : i32
      %dma_wait3A_70 = tpu.memref_slice %arg5[%add3A_56, %dma_wait3A_69] : memref<20480x128xf32, #tpu.memory_space<hbm>> -> memref<128x128xf32, #tpu.memory_space<hbm>>
      tpu.wait_dma2 semaphore(%run_scoped3A_64 : memref<!tpu.dma_semaphore, #tpu.memory_space<semaphore_mem>>) src(%arg8 : memref<128x128xf32, #tpu.memory_space<vmem>>) dst(%dma_wait3A_70 : memref<128x128xf32, #tpu.memory_space<hbm>>)
      tpu.yield
    }) : () -> ()
    %add3A_57 = arith.constant 512 : i32
    %add3A_58 = arith.addi %mul3A_9, %add3A_57 : i32
    "tpu.region"() ({
      %run_scoped3A_64 = tpu.sem_alloc : memref<!tpu.dma_semaphore, #tpu.memory_space<semaphore_mem>>
      %dma_start3A = arith.constant 0 : i32
      %dma_start3A_65 = tpu.memref_slice %arg10[%add3A_58, %dma_start3A] : memref<10240x128xf32, #tpu.memory_space<vmem_shared>> -> memref<128x128xf32, #tpu.memory_space<vmem_shared>>
      %dma_start3A_66 = arith.constant 0 : i32
      %dma_start3A_67 = tpu.memref_slice %arg10[%add3A_58, %dma_start3A_66] : memref<10240x128xf32, #tpu.memory_space<vmem_shared>> -> memref<128x128xf32, #tpu.memory_space<vmem_shared>>
      tpu.enqueue_dma source(%dma_start3A_67 : memref<128x128xf32, #tpu.memory_space<vmem_shared>>) target(%arg8 : memref<128x128xf32, #tpu.memory_space<vmem>>) target_semaphore(%run_scoped3A_64 : memref<!tpu.dma_semaphore, #tpu.memory_space<semaphore_mem>>)
      %dma_wait3A = arith.constant 0 : i32
      %dma_wait3A_68 = tpu.memref_slice %arg10[%add3A_58, %dma_wait3A] : memref<10240x128xf32, #tpu.memory_space<vmem_shared>> -> memref<128x128xf32, #tpu.memory_space<vmem_shared>>
      %dma_wait3A_69 = arith.constant 0 : i32
      %dma_wait3A_70 = tpu.memref_slice %arg10[%add3A_58, %dma_wait3A_69] : memref<10240x128xf32, #tpu.memory_space<vmem_shared>> -> memref<128x128xf32, #tpu.memory_space<vmem_shared>>
      tpu.wait_dma2 semaphore(%run_scoped3A_64 : memref<!tpu.dma_semaphore, #tpu.memory_space<semaphore_mem>>) src(%dma_wait3A_70 : memref<128x128xf32, #tpu.memory_space<vmem_shared>>) dst(%arg8 : memref<128x128xf32, #tpu.memory_space<vmem>>)
      tpu.yield
    }) : () -> ()
    %mul3A_59 = arith.constant 10240 : i32
    %mul3A_60 = arith.muli %arg0, %mul3A_59 : i32
    %add3A_61 = arith.addi %mul3A_60, %mul3A_9 : i32
    %add3A_62 = arith.constant 512 : i32
    %add3A_63 = arith.addi %add3A_61, %add3A_62 : i32
    "tpu.region"() ({
      %run_scoped3A_64 = tpu.sem_alloc : memref<!tpu.dma_semaphore, #tpu.memory_space<semaphore_mem>>
      %dma_start3A = arith.constant 0 : i32
      %dma_start3A_65 = tpu.memref_slice %arg5[%add3A_63, %dma_start3A] : memref<20480x128xf32, #tpu.memory_space<hbm>> -> memref<128x128xf32, #tpu.memory_space<hbm>>
      %dma_start3A_66 = arith.constant 0 : i32
      %dma_start3A_67 = tpu.memref_slice %arg5[%add3A_63, %dma_start3A_66] : memref<20480x128xf32, #tpu.memory_space<hbm>> -> memref<128x128xf32, #tpu.memory_space<hbm>>
      tpu.enqueue_dma source(%arg8 : memref<128x128xf32, #tpu.memory_space<vmem>>) target(%dma_start3A_67 : memref<128x128xf32, #tpu.memory_space<hbm>>) target_semaphore(%run_scoped3A_64 : memref<!tpu.dma_semaphore, #tpu.memory_space<semaphore_mem>>)
      %dma_wait3A = arith.constant 0 : i32
      %dma_wait3A_68 = tpu.memref_slice %arg5[%add3A_63, %dma_wait3A] : memref<20480x128xf32, #tpu.memory_space<hbm>> -> memref<128x128xf32, #tpu.memory_space<hbm>>
      %dma_wait3A_69 = arith.constant 0 : i32
      %dma_wait3A_70 = tpu.memref_slice %arg5[%add3A_63, %dma_wait3A_69] : memref<20480x128xf32, #tpu.memory_space<hbm>> -> memref<128x128xf32, #tpu.memory_space<hbm>>
      tpu.wait_dma2 semaphore(%run_scoped3A_64 : memref<!tpu.dma_semaphore, #tpu.memory_space<semaphore_mem>>) src(%arg8 : memref<128x128xf32, #tpu.memory_space<vmem>>) dst(%dma_wait3A_70 : memref<128x128xf32, #tpu.memory_space<hbm>>)
      tpu.yield
    }) : () -> ()
    return
  }
}

module attributes {stable_mosaic.version = 14 : i64} {
  func.func @_tc_scalings(%arg0: memref<20480x1xf32, #tpu.memory_space<vmem>>, %arg1: memref<10240x128xf32, #tpu.memory_space<vmem>>, %arg2: memref<10240x128xf32, #tpu.memory_space<vmem>>, %arg3: memref<10240x1xf32, #tpu.memory_space<vmem>>, %arg4: memref<10240x1xf32, #tpu.memory_space<vmem>>) attributes {dimension_semantics = [], scalar_prefetch = 0 : i64, scratch_operands = 0 : i64, tpu.core_type = #tpu.core_type<tc>} {
    %get3A = arith.constant 0 : index
    %get3A_0 = arith.constant 0 : index
    %get3A_1 = vector.load %arg0[%get3A, %get3A_0] : memref<20480x1xf32, #tpu.memory_space<vmem>>, vector<20480x1xf32>
    %slice3A = vector.extract_strided_slice %get3A_1 {offsets = [0, 0], sizes = [10240, 1], strides = [1, 1]} : vector<20480x1xf32> to vector<10240x1xf32>
    %slice3A_2 = vector.extract_strided_slice %get3A_1 {offsets = [10240, 0], sizes = [10240, 1], strides = [1, 1]} : vector<20480x1xf32> to vector<10240x1xf32>
    %add3A = arith.addf %slice3A, %slice3A_2 : vector<10240x1xf32>
    %add3A_3 = arith.constant 1.000000e+00 : f32
    %add3A_4 = vector.broadcast %add3A_3 : f32 to vector<10240x1xf32>
    %add3A_5 = arith.addf %add3A, %add3A_4 : vector<10240x1xf32>
    %rsqrt3A = math.rsqrt %add3A_5 : vector<10240x1xf32>
    %swap3A = arith.constant 0 : index
    %swap3A_6 = arith.constant 0 : index
    %swap3A_7 = vector.load %arg3[%swap3A, %swap3A_6] : memref<10240x1xf32, #tpu.memory_space<vmem>>, vector<10240x1xf32>
    tpu.vector_store %arg3[%swap3A, %swap3A_6], %rsqrt3A {strides = array<i32>} : memref<10240x1xf32, #tpu.memory_space<vmem>>, vector<10240x1xf32>,
    %div3A = arith.constant 1.000000e+00 : f32
    %div3A_8 = vector.broadcast %div3A : f32 to vector<10240x1xf32>
    %div3A_9 = arith.divf %div3A_8, %add3A_5 : vector<10240x1xf32>
    %swap3A_10 = arith.constant 0 : index
    %swap3A_11 = arith.constant 0 : index
    %swap3A_12 = vector.load %arg4[%swap3A_10, %swap3A_11] : memref<10240x1xf32, #tpu.memory_space<vmem>>, vector<10240x1xf32>
    tpu.vector_store %arg4[%swap3A_10, %swap3A_11], %div3A_9 {strides = array<i32>} : memref<10240x1xf32, #tpu.memory_space<vmem>>, vector<10240x1xf32>,
    %get3A_13 = arith.constant 0 : index
    %get3A_14 = arith.constant 0 : index
    %get3A_15 = vector.load %arg1[%get3A_13, %get3A_14] : memref<10240x128xf32, #tpu.memory_space<vmem>>, vector<10240x128xf32>
    %mul3A = vector.broadcast %rsqrt3A : vector<10240x1xf32> to vector<10240x128xf32>
    %mul3A_16 = arith.mulf %get3A_15, %mul3A : vector<10240x128xf32>
    %swap3A_17 = arith.constant 0 : index
    %swap3A_18 = arith.constant 0 : index
    %swap3A_19 = vector.load %arg2[%swap3A_17, %swap3A_18] : memref<10240x128xf32, #tpu.memory_space<vmem>>, vector<10240x128xf32>
    tpu.vector_store %arg2[%swap3A_17, %swap3A_18], %mul3A_16 {strides = array<i32>} : memref<10240x128xf32, #tpu.memory_space<vmem>>, vector<10240x128xf32>,
    return
  }
}

module attributes {stable_mosaic.version = 14 : i64} {
  func.func @_tc_combine(%arg0: memref<20480x128xf32, #tpu.memory_space<vmem>>, %arg1: memref<10240x128xf32, #tpu.memory_space<vmem>>, %arg2: memref<10240x1xf32, #tpu.memory_space<vmem>>, %arg3: memref<10240x128xf32, #tpu.memory_space<vmem>>) attributes {dimension_semantics = [], scalar_prefetch = 0 : i64, scratch_operands = 0 : i64, tpu.core_type = #tpu.core_type<tc>} {
    %get3A = arith.constant 0 : index
    %get3A_0 = arith.constant 0 : index
    %get3A_1 = vector.load %arg0[%get3A, %get3A_0] : memref<20480x128xf32, #tpu.memory_space<vmem>>, vector<20480x128xf32>
    %slice3A = vector.extract_strided_slice %get3A_1 {offsets = [0, 0], sizes = [10240, 128], strides = [1, 1]} : vector<20480x128xf32> to vector<10240x128xf32>
    %slice3A_2 = vector.extract_strided_slice %get3A_1 {offsets = [10240, 0], sizes = [10240, 128], strides = [1, 1]} : vector<20480x128xf32> to vector<10240x128xf32>
    %add3A = arith.addf %slice3A, %slice3A_2 : vector<10240x128xf32>
    %get3A_3 = arith.constant 0 : index
    %get3A_4 = arith.constant 0 : index
    %get3A_5 = vector.load %arg1[%get3A_3, %get3A_4] : memref<10240x128xf32, #tpu.memory_space<vmem>>, vector<10240x128xf32>
    %add3A_6 = arith.addf %add3A, %get3A_5 : vector<10240x128xf32>
    %get3A_7 = arith.constant 0 : index
    %get3A_8 = arith.constant 0 : index
    %get3A_9 = vector.load %arg2[%get3A_7, %get3A_8] : memref<10240x1xf32, #tpu.memory_space<vmem>>, vector<10240x1xf32>
    %mul3A = vector.broadcast %get3A_9 : vector<10240x1xf32> to vector<10240x128xf32>
    %mul3A_10 = arith.mulf %add3A_6, %mul3A : vector<10240x128xf32>
    %swap3A = arith.constant 0 : index
    %swap3A_11 = arith.constant 0 : index
    %swap3A_12 = vector.load %arg3[%swap3A, %swap3A_11] : memref<10240x128xf32, #tpu.memory_space<vmem>>, vector<10240x128xf32>
    tpu.vector_store %arg3[%swap3A, %swap3A_11], %mul3A_10 {strides = array<i32>} : memref<10240x128xf32, #tpu.memory_space<vmem>>, vector<10240x128xf32>,
    return
  }
}

module attributes {stable_mosaic.version = 14 : i64} {
  func.func @_tc_head(%arg0: memref<20480x128xf32, #tpu.memory_space<vmem>>, %arg1: memref<10240x128xf32, #tpu.memory_space<vmem>>, %arg2: memref<10240x1xf32, #tpu.memory_space<vmem>>, %arg3: memref<1x10240xi32, #tpu.memory_space<vmem>>, %arg4: memref<128x128xf32, #tpu.memory_space<vmem>>, %arg5: memref<1x128xf32, #tpu.memory_space<vmem>>, %arg6: memref<128x256xf32, #tpu.memory_space<vmem>>, %arg7: memref<1x256xf32, #tpu.memory_space<vmem>>, %arg8: memref<1x256xf32, #tpu.memory_space<vmem>>, %arg9: memref<1x256xf32, #tpu.memory_space<vmem>>, %arg10: memref<256x128xf32, #tpu.memory_space<vmem>>, %arg11: memref<1x128xf32, #tpu.memory_space<vmem>>, %arg12: memref<1x128xf32, #tpu.memory_space<vmem>>, %arg13: memref<1x128xf32, #tpu.memory_space<vmem>>, %arg14: memref<128x1xf32, #tpu.memory_space<vmem>>, %arg15: memref<1x1xf32, #tpu.memory_space<vmem>>, %arg16: memref<64x1xf32, #tpu.memory_space<vmem>>) attributes {dimension_semantics = [], scalar_prefetch = 0 : i64, scratch_operands = 0 : i64, tpu.core_type = #tpu.core_type<tc>} {
    %get3A = arith.constant 0 : index
    %get3A_0 = arith.constant 0 : index
    %get3A_1 = vector.load %arg0[%get3A, %get3A_0] : memref<20480x128xf32, #tpu.memory_space<vmem>>, vector<20480x128xf32>
    %slice3A = vector.extract_strided_slice %get3A_1 {offsets = [0, 0], sizes = [10240, 128], strides = [1, 1]} : vector<20480x128xf32> to vector<10240x128xf32>
    %slice3A_2 = vector.extract_strided_slice %get3A_1 {offsets = [10240, 0], sizes = [10240, 128], strides = [1, 1]} : vector<20480x128xf32> to vector<10240x128xf32>
    %add3A = arith.addf %slice3A, %slice3A_2 : vector<10240x128xf32>
    %get3A_3 = arith.constant 0 : index
    %get3A_4 = arith.constant 0 : index
    %get3A_5 = vector.load %arg1[%get3A_3, %get3A_4] : memref<10240x128xf32, #tpu.memory_space<vmem>>, vector<10240x128xf32>
    %add3A_6 = arith.addf %add3A, %get3A_5 : vector<10240x128xf32>
    %get3A_7 = arith.constant 0 : index
    %get3A_8 = arith.constant 0 : index
    %get3A_9 = vector.load %arg2[%get3A_7, %get3A_8] : memref<10240x1xf32, #tpu.memory_space<vmem>>, vector<10240x1xf32>
    %mul3A = vector.broadcast %get3A_9 : vector<10240x1xf32> to vector<10240x128xf32>
    %mul3A_10 = arith.mulf %add3A_6, %mul3A : vector<10240x128xf32>
    %get3A_11 = arith.constant 0 : index
    %get3A_12 = arith.constant 0 : index
    %get3A_13 = vector.load %arg4[%get3A_11, %get3A_12] : memref<128x128xf32, #tpu.memory_space<vmem>>, vector<128x128xf32>
    %dot_general3A = arith.constant dense<0.000000e+00> : vector<10240x128xf32>
    %dot_general3A_14 = tpu.matmul %mul3A_10, %get3A_13, %dot_general3A {dimension_numbers = #tpu.dot_dimension_numbers<[1], [0], [0], [1], [0, 0, 1, 1], [], []>, transpose_lhs_hint = false} : vector<10240x128xf32>, vector<128x128xf32>, vector<10240x128xf32> -> vector<10240x128xf32>
    %get3A_15 = arith.constant 0 : index
    %get3A_16 = arith.constant 0 : index
    %get3A_17 = vector.load %arg5[%get3A_15, %get3A_16] : memref<1x128xf32, #tpu.memory_space<vmem>>, vector<1x128xf32>
    %add3A_18 = vector.broadcast %get3A_17 : vector<1x128xf32> to vector<10240x128xf32>
    %add3A_19 = arith.addf %dot_general3A_14, %add3A_18 : vector<10240x128xf32>
    %iota3A = tpu.iota {dimensions = array<i32: 0>} : vector<64x1xi32>
    %get3A_20 = arith.constant 0 : index
    %get3A_21 = arith.constant 0 : index
    %get3A_22 = vector.load %arg3[%get3A_20, %get3A_21] : memref<1x10240xi32, #tpu.memory_space<vmem>>, vector<1x10240xi32>
    %eq3A = vector.broadcast %get3A_22 : vector<1x10240xi32> to vector<64x10240xi32>
    %eq3A_23 = vector.broadcast %iota3A : vector<64x1xi32> to vector<64x10240xi32>
    %eq3A_24 = arith.cmpi eq, %eq3A, %eq3A_23 : vector<64x10240xi32>
    %convert_element_type3A = arith.extui %eq3A_24 : vector<64x10240xi1> to vector<64x10240xi32>
    %convert_element_type3A_25 = arith.sitofp %convert_element_type3A : vector<64x10240xi32> to vector<64x10240xf32>
    %dot_general3A_26 = arith.constant dense<0.000000e+00> : vector<64x128xf32>
    %dot_general3A_27 = tpu.matmul %convert_element_type3A_25, %add3A_19, %dot_general3A_26 {dimension_numbers = #tpu.dot_dimension_numbers<[1], [0], [0], [1], [0, 0, 1, 1], [], []>, precision = #tpu.contract_precision<fp32>, transpose_lhs_hint = false} : vector<64x10240xf32>, vector<10240x128xf32>, vector<64x128xf32> -> vector<64x128xf32>
    %get3A_28 = arith.constant 0 : index
    %get3A_29 = arith.constant 0 : index
    %get3A_30 = vector.load %arg6[%get3A_28, %get3A_29] : memref<128x256xf32, #tpu.memory_space<vmem>>, vector<128x256xf32>
    %dot_general3A_31 = arith.constant dense<0.000000e+00> : vector<64x256xf32>
    %dot_general3A_32 = tpu.matmul %dot_general3A_27, %get3A_30, %dot_general3A_31 {dimension_numbers = #tpu.dot_dimension_numbers<[1], [0], [0], [1], [0, 0, 1, 1], [], []>, transpose_lhs_hint = false} : vector<64x128xf32>, vector<128x256xf32>, vector<64x256xf32> -> vector<64x256xf32>
    %get3A_33 = arith.constant 0 : index
    %get3A_34 = arith.constant 0 : index
    %get3A_35 = vector.load %arg7[%get3A_33, %get3A_34] : memref<1x256xf32, #tpu.memory_space<vmem>>, vector<1x256xf32>
    %add3A_36 = vector.broadcast %get3A_35 : vector<1x256xf32> to vector<64x256xf32>
    %add3A_37 = arith.addf %dot_general3A_32, %add3A_36 : vector<64x256xf32>
    %get3A_38 = arith.constant 0 : index
    %get3A_39 = arith.constant 0 : index
    %get3A_40 = vector.load %arg8[%get3A_38, %get3A_39] : memref<1x256xf32, #tpu.memory_space<vmem>>, vector<1x256xf32>
    %get3A_41 = arith.constant 0 : index
    %get3A_42 = arith.constant 0 : index
    %get3A_43 = vector.load %arg9[%get3A_41, %get3A_42] : memref<1x256xf32, #tpu.memory_space<vmem>>, vector<1x256xf32>
    %reduce_sum3A = arith.constant dense<0.000000e+00> : vector<256xf32>
    %reduce_sum3A_44 = vector.multi_reduction <add>, %add3A_37, %reduce_sum3A [0] : vector<64x256xf32> to vector<256xf32>
    %broadcast_in_dim3A = vector.shape_cast %reduce_sum3A_44 : vector<256xf32> to vector<1x256xf32>
    %div3A = arith.constant 6.400000e+01 : f32
    %div3A_45 = vector.broadcast %div3A : f32 to vector<1x256xf32>
    %div3A_46 = arith.divf %broadcast_in_dim3A, %div3A_45 : vector<1x256xf32>
    %sub3A = vector.broadcast %div3A_46 : vector<1x256xf32> to vector<64x256xf32>
    %sub3A_47 = arith.subf %add3A_37, %sub3A : vector<64x256xf32>
    %integer_pow3A = arith.mulf %sub3A_47, %sub3A_47 : vector<64x256xf32>
    %reduce_sum3A_48 = arith.constant dense<0.000000e+00> : vector<256xf32>
    %reduce_sum3A_49 = vector.multi_reduction <add>, %integer_pow3A, %reduce_sum3A_48 [0] : vector<64x256xf32> to vector<256xf32>
    %broadcast_in_dim3A_50 = vector.shape_cast %reduce_sum3A_49 : vector<256xf32> to vector<1x256xf32>
    %div3A_51 = arith.constant 6.400000e+01 : f32
    %div3A_52 = vector.broadcast %div3A_51 : f32 to vector<1x256xf32>
    %div3A_53 = arith.divf %broadcast_in_dim3A_50, %div3A_52 : vector<1x256xf32>
    %sub3A_54 = vector.broadcast %div3A_46 : vector<1x256xf32> to vector<64x256xf32>
    %sub3A_55 = arith.subf %add3A_37, %sub3A_54 : vector<64x256xf32>
    %add3A_56 = arith.constant 9.99999974E-6 : f32
    %add3A_57 = vector.broadcast %add3A_56 : f32 to vector<1x256xf32>
    %add3A_58 = arith.addf %div3A_53, %add3A_57 : vector<1x256xf32>
    %sqrt3A = math.sqrt %add3A_58 : vector<1x256xf32>
    %div3A_59 = vector.broadcast %sqrt3A : vector<1x256xf32> to vector<64x256xf32>
    %div3A_60 = arith.divf %sub3A_55, %div3A_59 : vector<64x256xf32>
    %mul3A_61 = vector.broadcast %get3A_40 : vector<1x256xf32> to vector<64x256xf32>
    %mul3A_62 = arith.mulf %div3A_60, %mul3A_61 : vector<64x256xf32>
    %add3A_63 = vector.broadcast %get3A_43 : vector<1x256xf32> to vector<64x256xf32>
    %add3A_64 = arith.addf %mul3A_62, %add3A_63 : vector<64x256xf32>
    %max3A = arith.constant 0.000000e+00 : f32
    %max3A_65 = vector.broadcast %max3A : f32 to vector<64x256xf32>
    %max3A_66 = arith.maximumf %add3A_64, %max3A_65 : vector<64x256xf32>
    %get3A_67 = arith.constant 0 : index
    %get3A_68 = arith.constant 0 : index
    %get3A_69 = vector.load %arg10[%get3A_67, %get3A_68] : memref<256x128xf32, #tpu.memory_space<vmem>>, vector<256x128xf32>
    %dot_general3A_70 = arith.constant dense<0.000000e+00> : vector<64x128xf32>
    %dot_general3A_71 = tpu.matmul %max3A_66, %get3A_69, %dot_general3A_70 {dimension_numbers = #tpu.dot_dimension_numbers<[1], [0], [0], [1], [0, 0, 1, 1], [], []>, transpose_lhs_hint = false} : vector<64x256xf32>, vector<256x128xf32>, vector<64x128xf32> -> vector<64x128xf32>
    %get3A_72 = arith.constant 0 : index
    %get3A_73 = arith.constant 0 : index
    %get3A_74 = vector.load %arg11[%get3A_72, %get3A_73] : memref<1x128xf32, #tpu.memory_space<vmem>>, vector<1x128xf32>
    %add3A_75 = vector.broadcast %get3A_74 : vector<1x128xf32> to vector<64x128xf32>
    %add3A_76 = arith.addf %dot_general3A_71, %add3A_75 : vector<64x128xf32>
    %get3A_77 = arith.constant 0 : index
    %get3A_78 = arith.constant 0 : index
    %get3A_79 = vector.load %arg12[%get3A_77, %get3A_78] : memref<1x128xf32, #tpu.memory_space<vmem>>, vector<1x128xf32>
    %get3A_80 = arith.constant 0 : index
    %get3A_81 = arith.constant 0 : index
    %get3A_82 = vector.load %arg13[%get3A_80, %get3A_81] : memref<1x128xf32, #tpu.memory_space<vmem>>, vector<1x128xf32>
    %reduce_sum3A_83 = arith.constant dense<0.000000e+00> : vector<128xf32>
    %reduce_sum3A_84 = vector.multi_reduction <add>, %add3A_76, %reduce_sum3A_83 [0] : vector<64x128xf32> to vector<128xf32>
    %broadcast_in_dim3A_85 = vector.shape_cast %reduce_sum3A_84 : vector<128xf32> to vector<1x128xf32>
    %div3A_86 = arith.constant 6.400000e+01 : f32
    %div3A_87 = vector.broadcast %div3A_86 : f32 to vector<1x128xf32>
    %div3A_88 = arith.divf %broadcast_in_dim3A_85, %div3A_87 : vector<1x128xf32>
    %sub3A_89 = vector.broadcast %div3A_88 : vector<1x128xf32> to vector<64x128xf32>
    %sub3A_90 = arith.subf %add3A_76, %sub3A_89 : vector<64x128xf32>
    %integer_pow3A_91 = arith.mulf %sub3A_90, %sub3A_90 : vector<64x128xf32>
    %reduce_sum3A_92 = arith.constant dense<0.000000e+00> : vector<128xf32>
    %reduce_sum3A_93 = vector.multi_reduction <add>, %integer_pow3A_91, %reduce_sum3A_92 [0] : vector<64x128xf32> to vector<128xf32>
    %broadcast_in_dim3A_94 = vector.shape_cast %reduce_sum3A_93 : vector<128xf32> to vector<1x128xf32>
    %div3A_95 = arith.constant 6.400000e+01 : f32
    %div3A_96 = vector.broadcast %div3A_95 : f32 to vector<1x128xf32>
    %div3A_97 = arith.divf %broadcast_in_dim3A_94, %div3A_96 : vector<1x128xf32>
    %sub3A_98 = vector.broadcast %div3A_88 : vector<1x128xf32> to vector<64x128xf32>
    %sub3A_99 = arith.subf %add3A_76, %sub3A_98 : vector<64x128xf32>
    %add3A_100 = arith.constant 9.99999974E-6 : f32
    %add3A_101 = vector.broadcast %add3A_100 : f32 to vector<1x128xf32>
    %add3A_102 = arith.addf %div3A_97, %add3A_101 : vector<1x128xf32>
    %sqrt3A_103 = math.sqrt %add3A_102 : vector<1x128xf32>
    %div3A_104 = vector.broadcast %sqrt3A_103 : vector<1x128xf32> to vector<64x128xf32>
    %div3A_105 = arith.divf %sub3A_99, %div3A_104 : vector<64x128xf32>
    %mul3A_106 = vector.broadcast %get3A_79 : vector<1x128xf32> to vector<64x128xf32>
    %mul3A_107 = arith.mulf %div3A_105, %mul3A_106 : vector<64x128xf32>
    %add3A_108 = vector.broadcast %get3A_82 : vector<1x128xf32> to vector<64x128xf32>
    %add3A_109 = arith.addf %mul3A_107, %add3A_108 : vector<64x128xf32>
    %max3A_110 = arith.constant 0.000000e+00 : f32
    %max3A_111 = vector.broadcast %max3A_110 : f32 to vector<64x128xf32>
    %max3A_112 = arith.maximumf %add3A_109, %max3A_111 : vector<64x128xf32>
    %get3A_113 = arith.constant 0 : index
    %get3A_114 = arith.constant 0 : index
    %get3A_115 = vector.load %arg14[%get3A_113, %get3A_114] : memref<128x1xf32, #tpu.memory_space<vmem>>, vector<128x1xf32>
    %dot_general3A_116 = arith.constant dense<0.000000e+00> : vector<64x1xf32>
    %dot_general3A_117 = tpu.matmul %max3A_112, %get3A_115, %dot_general3A_116 {dimension_numbers = #tpu.dot_dimension_numbers<[1], [0], [0], [1], [0, 0, 1, 1], [], []>, transpose_lhs_hint = false} : vector<64x128xf32>, vector<128x1xf32>, vector<64x1xf32> -> vector<64x1xf32>
    %get3A_118 = arith.constant 0 : index
    %get3A_119 = arith.constant 0 : index
    %get3A_120 = vector.load %arg15[%get3A_118, %get3A_119] : memref<1x1xf32, #tpu.memory_space<vmem>>, vector<1x1xf32>
    %add3A_121 = vector.broadcast %get3A_120 : vector<1x1xf32> to vector<64x1xf32>
    %add3A_122 = arith.addf %dot_general3A_117, %add3A_121 : vector<64x1xf32>
    %swap3A = arith.constant 0 : index
    %swap3A_123 = arith.constant 0 : index
    %swap3A_124 = vector.load %arg16[%swap3A, %swap3A_123] : memref<64x1xf32, #tpu.memory_space<vmem>>, vector<64x1xf32>
    tpu.vector_store %arg16[%swap3A, %swap3A_123], %add3A_122 {strides = array<i32>} : memref<64x1xf32, #tpu.memory_space<vmem>>, vector<64x1xf32>,
    return
  }
}

</mosaic_0001>

<sc_bundles>
// kernel: kernel.12.cloned.1.call-start
scs
__scs_entry_jumppad:
0x0: {  	(pc) =	sbr.rel $0x88, $3  }
0x1: {  	(tag) =	ssettag $0x0;
	lr =	simm.s32 $0x1  }
0x2: {  	[smem:$0x3F91] =	sst lr;
	_ =	strace $0xD0000000  }
0x3: {  	_ = 	snop  }
0x4: {  	_ = 	snop  }
0x5: {  	_ = 	snop  }
0x6: {  	_ = 	snop  }
0x7: {  	_ = 	snop  }
__scs_overlays_trampoline_lowered:
0x8: {  	[smem:$0x3FA0] =	sst s0  }
0x9: {  	[smem:$0x3FA1] =	sst s1  }
0xa: {  	[smem:$0x3FA2] =	sst s2  }
0xb: {  	[smem:$0x3FA3] =	sst s3  }
0xc: {  	[smem:$0x3FA4] =	sst s4  }
0xd: {  	[smem:$0x3FA5] =	sst s5  }
0xe: {  	[smem:$0x3FA6] =	sst s6  }
0xf: {  	[smem:$0x3FA7] =	sst s7  }
0x10: {  	[smem:$0x3FA8] =	sst s8  }
0x11: {  	[smem:$0x3FA9] =	sst s9;
	s0 =	simm.s32 @!p0 $0x0  }
0x12: {  	s1 =	sld [smem:$0x3F8F];
	s0 =	simm.s32 @p0 $0x1  }
0x13: {  	[smem:$0x3FAA] =	sst s0;
	s0 =	simm.s32 @!p1 $0x0  }
0x14: {  	s2 =	sld [smem:$0x3F8E];
	s0 =	simm.s32 @p1 $0x1  }
0x15: {  	[smem:$0x3FAB] =	sst s0;
	s0 =	simm.s32 @!p2 $0x0  }
0x16: {  	s3 =	sld [smem:$0x3FDB];
	s0 =	simm.s32 @p2 $0x1  }
0x17: {  	s4 =	simm.s32 $0x1BF5;
	[smem:$0x3FAD] =	sst s0  }
0x18: {  	s0 =	sld [smem:$0x3F90];
	_ =	swait.ge [sflag:s4], $0x0  }
0x19: {  	s7 =	sld [smem:$0x3F91]  }
0x1a: {  	s8 =	sadd.s32 $0xFFFFE003, lr  }
0x1b: {  	s9 =	sadd.s32 $0xFFFFFEF7, lr;
	s5 =	simm.s32 $0xFFFFFFFF;
	p2 =	slt.u32 s8, $0xFFFFF086  }
0x1c: {  	p1 =	slt.u32 s9, $0xF7A;
	s5 =	simm.s32 @!p2 $0x0  }
0x1d: {  	s5 =	simm.s32 @p1 $0x1;
	p0 =	seq.s32 s7, s2  }
0x1e: {  	s7 =	smul.u32 @!p0 $0xF7A, s2;
	p2 =	seq.s32 @!p0 s5, $0x0  }
0x1f: {  	s9 =	smul.u32 $0xF7A, s1;
	s8 =	simm.s32 @!p0 $0x1BF5;
	p2 =	por !p2, p0  }
0x20: {  	[sflag:s8] =	ssyncset.s32 @!p0 $0xFFFFF086;
	s6 =	sadd.s32 @!p0 s3, s7;
	s7 =	simm.s32 @!p0 $0x108  }
0x21: {  	s3 =	sadd.s32 s3, s9;
	s6 =	sadd.s32 @!p0 $0x88, s6;
	s7 =	simm.s32 @p2 $0x1082  }
0x22: {  	[simem:s7], [sflag:s8] =	dma.local @!p0 [hbm:s6], $0xF7A  }
0x23: {  	s9 =	sor.u32 $0xD0000000, s2;
	s6 =	simm.s32 $0x108;
	_ =	swait.ge @!p0 [sflag:s8], $0x0  }
0x24: {  	s3 =	sadd.s32 $0x88, s3;
	s6 =	simm.s32 @!p1 $0x1082;
	[sflag:s4] =	ssyncset.s32 $0xFFFFF086  }
0x25: {  	[simem:s6], [sflag:s4] =	dma.local [hbm:s3], $0xF7A  }
0x26: {  	[smem:$0x3F91] =	sst s1;
	(tag) =	ssettag s2;
	_ =	strace s9  }
0x27: {  	s1 =	sld [smem:$0x3FA1]  }
0x28: {  	s2 =	sld [smem:$0x3FA2]  }
0x29: {  	s4 =	sld [smem:$0x3FA4]  }
0x2a: {  	p0 =	seq.s32 s5, $0x0;
	s5 =	sld [smem:$0x3FA5]  }
0x2b: {  	s6 =	sld [smem:$0x3FA6]  }
0x2c: {  	s7 =	sld [smem:$0x3FA7]  }
0x2d: {  	s3 =	simm.s32 $0x108;
	s8 =	sld [smem:$0x3FA8]  }
0x2e: {  	s3 =	simm.s32 @!p0 $0x1082;
	s9 =	sld [smem:$0x3FA9]  }
0x2f: {  	lr =	sadd.s32 s0, s3;
	s0 =	sld [smem:$0x3FA0]  }
0x30: {  	s3 =	sld [smem:$0x3FA3]  }
0x31: {  	[smem:$0x3FAC] =	sst s10  }
0x32: {  	s10 =	sld [smem:$0x3FAA];
	_ =	sdelay $0x3  }
0x33: {  	p0 =	seq.s32 s10, $0x1;
	s10 =	sld [smem:$0x3FAC];
	_ =	sdelay $0x3  }
0x34: {  	[smem:$0x3FAC] =	sst s10  }
0x35: {  	s10 =	sld [smem:$0x3FAB];
	_ =	sdelay $0x3  }
0x36: {  	p1 =	seq.s32 s10, $0x1;
	s10 =	sld [smem:$0x3FAC];
	_ =	sdelay $0x3  }
0x37: {  	[smem:$0x3FAC] =	sst s10  }
0x38: {  	s10 =	sld [smem:$0x3FAD]  }
0x39: {  	_ = 	snop;
	(pc) =	sbr.ind lr, $3  }
0x3a: {  	_ = 	snop  }
0x3b: {  	_ = 	snop  }
0x3c: {  	p2 =	seq.s32 s10, $0x1;
	s10 =	sld [smem:$0x3FAC]  }
0x3d: {  	_ =	shalt  }
0x3e: {  	_ =	shalt  }
0x3f: {  	_ =	shalt  }
0x40: {  	_ =	shalt  }
0x41: {  	_ =	shalt  }
0x42: {  	_ =	shalt  }
0x43: {  	_ =	shalt  }
0x44: {  	_ =	shalt  }
0x45: {  	_ =	shalt  }
0x46: {  	_ =	shalt  }
0x47: {  	_ =	shalt  }
0x48: {  	_ =	shalt  }
0x49: {  	_ =	shalt  }
0x4a: {  	_ =	shalt  }
0x4b: {  	_ =	shalt  }
0x4c: {  	_ =	shalt  }
0x4d: {  	_ =	shalt  }
0x4e: {  	_ =	shalt  }
0x4f: {  	_ =	shalt  }
0x50: {  	_ =	shalt  }
0x51: {  	_ =	shalt  }
0x52: {  	_ =	shalt  }
0x53: {  	_ =	shalt  }
0x54: {  	_ =	shalt  }
0x55: {  	_ =	shalt  }
0x56: {  	_ =	shalt  }
0x57: {  	_ =	shalt  }
0x58: {  	_ =	shalt  }
0x59: {  	_ =	shalt  }
0x5a: {  	_ =	shalt  }
0x5b: {  	_ =	shalt  }
0x5c: {  	_ =	shalt  }
0x5d: {  	_ =	shalt  }
0x5e: {  	_ =	shalt  }
0x5f: {  	_ =	shalt  }
0x60: {  	_ =	shalt  }
0x61: {  	_ =	shalt  }
0x62: {  	_ =	shalt  }
0x63: {  	_ =	shalt  }
0x64: {  	_ =	shalt  }
0x65: {  	_ =	shalt  }
0x66: {  	_ =	shalt  }
0x67: {  	_ =	shalt  }
0x68: {  	_ =	shalt  }
0x69: {  	_ =	shalt  }
0x6a: {  	_ =	shalt  }
0x6b: {  	_ =	shalt  }
0x6c: {  	_ =	shalt  }
0x6d: {  	_ =	shalt  }
0x6e: {  	_ =	shalt  }
0x6f: {  	_ =	shalt  }
0x70: {  	_ =	shalt  }
0x71: {  	_ =	shalt  }
0x72: {  	_ =	shalt  }
0x73: {  	_ =	shalt  }
0x74: {  	_ =	shalt  }
0x75: {  	_ =	shalt  }
0x76: {  	_ =	shalt  }
0x77: {  	_ =	shalt  }
0x78: {  	_ =	shalt  }
0x79: {  	_ =	shalt  }
0x7a: {  	_ =	shalt  }
0x7b: {  	_ =	shalt  }
0x7c: {  	_ =	shalt  }
0x7d: {  	_ =	shalt  }
0x7e: {  	_ =	shalt  }
0x7f: {  	_ =	shalt  }
0x80: {  	_ =	shalt  }
0x81: {  	_ =	shalt  }
0x82: {  	_ =	shalt  }
0x83: {  	_ =	shalt  }
0x84: {  	_ =	shalt  }
0x85: {  	_ =	shalt  }
0x86: {  	_ =	shalt  }
0x87: {  	_ =	shalt  }
.Lfunc_end0:
.L_simem_size_0:
called_computation_lowered:
.L_overlay_start_0:
0x88: {  	s2 =	sld [smem:$0x3FD9]  }
0x89: {  	s3 =	sld [smem:$0x3FFE];
	_ =	sdelay $0x1  }
0x8a: {  	s1 =	srdreg.scid  }
0x8b: {  	s0 =	sand.u32 $0x1, s1  }
0x8c: {  	s16 =	sshll.u32 s0, $0xA;
	s2 =	sadd.s32 s3, s2  }
0x8d: {  	s2 =	sadd.s32 s2, s16  }
0x8e: {  	[smem:$0x3FB8] =	sst s2  }
0x8f: {  	_ = 	snop  }
0x90: {  	(tm) =	ssettm $0x1  }
0x91: {  	s17 =	sld [smem:$0x3FFB];
	_ =	sdelay $0x3  }
0x92: {  	_ =	strace s17  }
0x93: {  	s2 =	sld [smem:$0x3FFC];
	_ =	sdelay $0x3  }
0x94: {  	_ =	strace s2  }
0x95: {  	s2 =	sld [smem:$0x3FFD];
	_ =	sdelay $0x3  }
0x96: {  	_ =	strace s2  }
0x97: {  	_ =	strace $0x8FFFFFFF  }
0x98: {  	s18 =	sld [smem:$0x3FDB];
	_ =	sdelay $0x1  }
0x99: {  	s19 =	simm.s32 $_scs_section_size  }
0x9a: {  	s4 =	simm.s32 $_size__tile_overlayer_lowered;
	s5 =	simm.s32 $_tile_overlayer_lowered  }
0x9b: {  	s22 =	simm.s32 $0x1BFF;
	s21 =	sshll.u32 s5, $0x1;
	s2 =	sadd.s32 s19, s18  }
0x9c: {  	s6 =	simm.s32 $0x0;
	s20 =	sshll.u32 s4, $0x1;
	s4 =	sadd.s32 s21, s2  }
0x9d: {  	[timem:s6], [sflag:s22] =	dma.local [hbm:s4], s20  }
0x9e: {  	_ =	swait.ge [sflag:s22], s20  }
0x9f: {  	s3 =	ssub.s32 $0x0, s20;
	[sflag:s22] =	ssyncset.done $0x0  }
0xa0: {  	[sflag:s22] =	ssyncadd.s32 s3;
	_ =	sdelay $0x1  }
0xa1: {  	s23 =	simm.s32 $0x1B8B  }
0xa2: {  	_ =	swait.ge [sflag:s23], $0x1  }
0xa3: {  	[sflag:s23] =	ssyncset.done $0x0  }
0xa4: {  	s25 =	simm.s32 $0x1B8E;
	s24 =	sld [smem:$0x3FFE];
	[sflag:s23] =	ssyncadd.s32 $0xFFFFFFFF  }
0xa5: {  	s26 =	simm.s32 $execute0_lowered;
	[smem:$0x3FD2] =	sst s25  }
0xa6: {  	s4 =	sshll.u32 s26, $0x1;
	_ =	strace $0x80000046;
	[dreg:$0x1] =	wrdreg $0xFFFFFFFF  }
0xa7: {  	s28 =	simm.s32 $_size_execute0_lowered;
	s2 =	sadd.s32 s2, s4;
	[dreg:$0x0] =	wrdreg $0x0  }
0xa8: {  	s4 =	sshll.u32 s28, $0x1;
	[dreg:$0x2] =	wrdreg s2  }
0xa9: {  	[dreg:$0x3] =	wrdreg s4  }
0xaa: {  	[dreg:$0x4] =	wrdreg $0xC0  }
0xab: {  	_ =	task [dreg:s6], $0x5FFFF  }
0xac: {  	[dreg:$0x1] =	wrdreg $0xFFFFFFFF  }
0xad: {  	[dreg:$0x0] =	wrdreg $0x60  }
0xae: {  	[dreg:$0x2] =	wrdreg s24  }
0xaf: {  	[dreg:$0x3] =	wrdreg $0x6B800  }
0xb0: {  	[dreg:$0x4] =	wrdreg $0x9  }
0xb1: {  	_ =	task.clear_ibuf [dreg:s6], $0x5FFFF;
	_ =	strace $0x90000046  }
0xb2: {  	s29 =	simm.s32 $0x9;
	_ =	strace $0x80000048  }
0xb3: {  	_ =	swait.ge [sflag:s29], $0x1  }
0xb4: {  	[sflag:s29] =	ssyncadd.s32 $0xFFFFFFFF  }
0xb5: {  	_ =	strace $0x90000048  }
0xb6: {  	_ =	sfence  }
0xb7: {  	s30 =	sld [smem:$0x0];
	_ =	sdelay $0x2  }
0xb8: {  	s31 =	sshll.u32 s1, $0xD;
	s1 =	sshrl.u32 s1, $0x2  }
0xb9: {  	s3 =	sand.u32 $0x4000, s31;
	s1 =	sadd.s32 s1, s30  }
0xba: {  	s0 =	sor.u32 s3, s0;
	s1 =	sshll.u32 s1, $0x11  }
0xbb: {  	s0 =	sor.u32 s1, s0  }
0xbc: {  	s0 =	sadd.s32 $0x8F2B, s0  }
0xbd: {  	[sflag:s0] =	ssyncadd.remote.s32 $0x1  }
0xbe: {  	_ =	sfence.sel $0xFFFF  }
0xbf: {  	[dreg:$0x0] =	wrdreg $0xFFFFFFFF;
	(pc) =	sbr.abs _section_cstart, $3  }
0xc0: {  	[dreg:$0x1] =	wrdreg $0xFFFFFFFF  }
0xc1: {  	_ =	task.clear_ibuf [dreg:s6], $0x2FFFF;
	_ =	strace $0x9FFFFFFF  }
0xc2: {  	(tm) =	ssettm $0x7FFFFFFF  }
0xc3: {  	_ =	shalt  }
tec
execute0_lowered:
.L_overlay_start_1:
0x0: {  	(tag) =	ssettag $0x1  }
0x1: {  	s1 =	srdreg.scid;
	s5 =	rddreg [dreg:$0x0]  }
0x2: {  	s0 =	stileid.u32;
	s2 =	rddreg [dreg:$0x1];
	s3 =	simm.s32 $0x0  }
0x3: {  	s19 =	simm.s32 $0x1;
	s20 =	simm.s32 $0x6900;
	s21 =	simm.s32 $0x6880  }
0x4: {  	s22 =	simm.s32 $0x0;
	s15 =	sand.u32 $0x1, s1;
	s12 =	smul.u32 $0x280, s0  }
0x5: {  	[smem:$0x7FF] =	sst s3;
	s9 =	sadd.s32 $0x4A00, s5;
	s10 =	sadd.s32 $0x1A200, s5  }
0x6: {  	s26 =	sshll.u32 s0, $0x7;
	s18 =	sor.u32 $0x40, s0;
	s1 =	sshll.u32 s15, $0x4  }
0x7: {  	s4 =	smul.u32 $0x2800, s15;
	s8 =	ssub.s32 $0x2, s15;
	s14 =	sand.u32 $0x380, s26  }
0x8: {  	s30 =	sshll.u32 s18, $0x7;
	s31 =	sshll.u32 s18, $0xB;
	p0 =	sne.s32 s15, $0x0  }
0x9: {  	s15 =	simm.s32 $0x2800;
	s18 =	simm.s32 $0x2880;
	s6 =	sor.u32 s0, s1  }
0xa: {  	s1 =	rddreg [dreg:$0x2];
	_ =	strace $0x80000047;
	s28 =	sshrl.u32 s8, $0x1  }
0xb: {  	s7 =	smul.u32 $0x500, s6;
	s4 =	sadd.s32 s12, s4;
	s25 =	sshll.u32 s6, $0x7  }
0xc: {  	s16 =	sor.u32 $0x20, s6;
	s17 =	ssub.s32 s8, s28;
	s6 =	sshll.u32 s6, $0xB  }
0xd: {  	s8 =	sand.u32 $0x2400, s30;
	s12 =	sadd.s32 s12, s2;
	s24 =	sshrl.u32 s4, $0x3  }
0xe: {  	s4 =	sadd.s32 $0x5000, s5;
	s29 =	sshll.u32 s16, $0x7;
	s6 =	sadd.s32 s10, s6  }
0xf: {  	s11 =	sadd.s32 s7, s5;
	s13 =	sadd.s32 s24, s5;
	s5 =	sand.u32 $0xC00, s25  }
0x10: {  	s16 =	sshll.u32 s16, $0xB;
	s7 =	sand.u32 $0x1C00, s29;
	s5 =	sor.u32 s14, s5  }
0x11: {  	s7 =	sor.u32 s14, s7;
	s14 =	sor.u32 s14, s8;
	s8 =	sadd.s32 s10, s16  }
0x12: {  	s10 =	sadd.s32 s10, s31;
	s11 =	sadd.s32 $0xF800, s11;
	s13 =	sadd.s32 $0x19800, s13  }
0x13: {  	s16 =	simm.s32 $0x2;
	s5 =	sshrl.u32 s5, $0x3;
	s7 =	sshrl.u32 s7, $0x3  }
0x14: {  	s14 =	sshrl.u32 s14, $0x3;
	s5 =	sadd.s32 s9, s5;
	s7 =	sadd.s32 s9, s7  }
0x15: {  	v0 =	vimm.f32 $0.0e+00;
	v1 =	vimm.f32 $1.000000000e+00;
	s9 =	sadd.s32 s9, s14;
	s14 =	smax.u32 s17, $0x1;
	s17 =	simm.s32 $0x80  }
.LBB2_1:
0x16: {  	[tilespmem:s15], [sflag:$0x2] =	stream.linear.gather [hbm4b:s5+s3], $0x80, $0x38;
	[tilespmem:$0x6E00] =	vst v63  }
0x17: {  	_ =	swait.ge [sflag:s16], $0x80  }
0x18: {  	[sflag:s16] =	ssyncset.done $0x0  }
0x19: {  	[sflag:s16] =	ssyncadd.s32 $0xFFFFFF80  }
0x1a: {  	[tilespmem:s18], [sflag:$0x1] =	stream.indirect.gather [hbm4b:s4+s17], $0x80, s15, s17, $0xb8;
	[tilespmem:$0x6E00] =	vst v63  }
0x1b: {  	_ =	swait.ge [sflag:s19], $0x4000  }
0x1c: {  	[sflag:s19] =	ssyncset.done $0x0  }
0x1d: {  	[sflag:s19] =	ssyncadd.s32 $0xFFFFC000  }
0x1e: {  	[hbm4b:s6+s3] =	stream.linear.scatter [tilespmem:s18], [sflag:$0x2], $0x4000, $0x38;
	[tilespmem:$0x6E00] =	vst v63  }
0x1f: {  	_ =	swait.ge [sflag:s16], $0x4000  }
0x20: {  	[sflag:s16] =	ssyncset.done $0x0  }
0x21: {  	[sflag:s16] =	ssyncadd.s32 $0xFFFFC000  }
0x22: {  	[tilespmem:s15], [sflag:$0x2] =	stream.linear.gather [hbm4b:s7+s3], $0x80, $0x38;
	[tilespmem:$0x6E00] =	vst v63  }
0x23: {  	_ =	swait.ge [sflag:s16], $0x80  }
0x24: {  	[sflag:s16] =	ssyncset.done $0x0  }
0x25: {  	[sflag:s16] =	ssyncadd.s32 $0xFFFFFF80  }
0x26: {  	[tilespmem:s18], [sflag:$0x1] =	stream.indirect.gather [hbm4b:s4+s17], $0x80, s15, s17, $0xb8;
	[tilespmem:$0x6E00] =	vst v63  }
0x27: {  	_ =	swait.ge [sflag:s19], $0x4000  }
0x28: {  	[sflag:s19] =	ssyncset.done $0x0  }
0x29: {  	[sflag:s19] =	ssyncadd.s32 $0xFFFFC000  }
0x2a: {  	[hbm4b:s8+s3] =	stream.linear.scatter [tilespmem:s18], [sflag:$0x2], $0x4000, $0x38;
	[tilespmem:$0x6E00] =	vst v63  }
0x2b: {  	_ =	swait.ge [sflag:s16], $0x4000  }
0x2c: {  	s23 =	simm.s32 @!p0 $0x0;
	[sflag:s16] =	ssyncset.done $0x0  }
0x2d: {  	s24 =	simm.s32 @!p0 $0x2800;
	s25 =	simm.s32 @!p0 $0x2;
	[sflag:s16] =	ssyncadd.s32 $0xFFFFC000  }
0x2e: {  	[tilespmem:s24], [sflag:$0x2] =	stream.linear.gather @!p0 [hbm4b:s9+s23], $0x80, $0x38;
	[tilespmem:$0x6E00] =	vst v63  }
0x2f: {  	_ =	swait.ge @!p0 [sflag:s25], $0x80  }
0x30: {  	[sflag:s25] =	ssyncset.done @!p0 $0x0  }
0x31: {  	s26 =	simm.s32 @!p0 $0x80;
	s28 =	simm.s32 @!p0 $0x2880;
	[sflag:s25] =	ssyncadd.s32 @!p0 $0xFFFFFF80  }
0x32: {  	[tilespmem:s28], [sflag:$0x1] =	stream.indirect.gather @!p0 [hbm4b:s4+s26], $0x80, s24, s26, $0xb8;
	[tilespmem:$0x6E00] =	vst v63  }
0x33: {  	s24 =	simm.s32 @!p0 $0x1  }
0x34: {  	_ =	swait.ge @!p0 [sflag:s24], $0x4000  }
0x35: {  	[sflag:s24] =	ssyncset.done @!p0 $0x0  }
0x36: {  	[sflag:s24] =	ssyncadd.s32 @!p0 $0xFFFFC000  }
0x37: {  	[hbm4b:s10+s23] =	stream.linear.scatter @!p0 [tilespmem:s28], [sflag:$0x2], $0x4000, $0x38;
	[tilespmem:$0x6E00] =	vst v63  }
0x38: {  	_ =	swait.ge @!p0 [sflag:s25], $0x4000  }
0x39: {  	[sflag:s25] =	ssyncset.done @!p0 $0x0  }
0x3a: {  	[sflag:s25] =	ssyncadd.s32 @!p0 $0xFFFFC000  }
0x3b: {  	[tilespmem:$0x6900] =	vst v0  }
0x3c: {  	[tilespmem:$0x6910] =	vst v0  }
0x3d: {  	[tilespmem:$0x6920] =	vst v0  }
0x3e: {  	[tilespmem:$0x6930] =	vst v0  }
0x3f: {  	[tilespmem:$0x6940] =	vst v0  }
0x40: {  	[tilespmem:$0x6950] =	vst v0  }
0x41: {  	[tilespmem:$0x6960] =	vst v0  }
0x42: {  	[tilespmem:$0x6970] =	vst v0  }
0x43: {  	[tilespmem:$0x6980] =	vst v0  }
0x44: {  	[tilespmem:$0x6990] =	vst v0  }
0x45: {  	[tilespmem:$0x69A0] =	vst v0  }
0x46: {  	[tilespmem:$0x69B0] =	vst v0  }
0x47: {  	[tilespmem:$0x69C0] =	vst v0  }
0x48: {  	[tilespmem:$0x69D0] =	vst v0  }
0x49: {  	[tilespmem:$0x69E0] =	vst v0  }
0x4a: {  	[tilespmem:$0x69F0] =	vst v0  }
0x4b: {  	[tilespmem:$0x6A00] =	vst v0  }
0x4c: {  	[tilespmem:$0x6A10] =	vst v0  }
0x4d: {  	[tilespmem:$0x6A20] =	vst v0  }
0x4e: {  	[tilespmem:$0x6A30] =	vst v0  }
0x4f: {  	[tilespmem:$0x6A40] =	vst v0  }
0x50: {  	[tilespmem:$0x6A50] =	vst v0  }
0x51: {  	[tilespmem:$0x6A60] =	vst v0  }
0x52: {  	[tilespmem:$0x6A70] =	vst v0  }
0x53: {  	[tilespmem:$0x6A80] =	vst v0  }
0x54: {  	[tilespmem:$0x6A90] =	vst v0  }
0x55: {  	[tilespmem:$0x6AA0] =	vst v0  }
0x56: {  	[tilespmem:$0x6AB0] =	vst v0  }
0x57: {  	[tilespmem:$0x6AC0] =	vst v0  }
0x58: {  	[tilespmem:$0x6AD0] =	vst v0  }
0x59: {  	[tilespmem:$0x6AE0] =	vst v0  }
0x5a: {  	[tilespmem:$0x6AF0] =	vst v0  }
0x5b: {  	[tilespmem:$0x6B00] =	vst v0  }
0x5c: {  	[tilespmem:$0x6B10] =	vst v0  }
0x5d: {  	[tilespmem:$0x6B20] =	vst v0  }
0x5e: {  	[tilespmem:$0x6B30] =	vst v0  }
0x5f: {  	[tilespmem:$0x6B40] =	vst v0  }
0x60: {  	[tilespmem:$0x6B50] =	vst v0  }
0x61: {  	[tilespmem:$0x6B60] =	vst v0  }
0x62: {  	[tilespmem:$0x6B70] =	vst v0  }
0x63: {  	[tilespmem:$0x6880] =	vst v1  }
0x64: {  	[tilespmem:$0x6890] =	vst v1  }
0x65: {  	[tilespmem:$0x68A0] =	vst v1  }
0x66: {  	[tilespmem:$0x68B0] =	vst v1  }
0x67: {  	[tilespmem:$0x68C0] =	vst v1  }
0x68: {  	[tilespmem:$0x68D0] =	vst v1  }
0x69: {  	[tilespmem:$0x68E0] =	vst v1  }
0x6a: {  	[tilespmem:$0x68F0] =	vst v1  }
0x6b: {  	[tilespmem:s3], [sflag:$0x2] =	stream.linear.gather [hbm4b:s11+s3], $0x2800, $0x38;
	[tilespmem:$0x6E00] =	vst v63  }
0x6c: {  	_ =	swait.ge [sflag:s16], $0x2800  }
0x6d: {  	[sflag:s16] =	ssyncset.done $0x0  }
0x6e: {  	[sflag:s16] =	ssyncadd.s32 $0xFFFFD800  }
0x6f: {  	[spmem:s12] =	stream.linear.scatter [tilespmem:s20], [sflag:$0x2], $0x280, $0x38;
	[tilespmem:$0x6E00] =	vst v63  }
0x70: {  	_ =	swait.ge [sflag:s16], $0x280  }
0x71: {  	[sflag:s16] =	ssyncset.done $0x0  }
0x72: {  	[sflag:s16] =	ssyncadd.s32 $0xFFFFFD80  }
0x73: {  	s31 =	simm.s32 $0x0;
	[bflag:$0x0] =	sbarrier.arrive $0xFFFF  }
0x74: {  	[spmem:s2] =	stream.indirect.scatter.add.f32 [tilespmem:s21], [sflag:$0x2], $0x1, s31, s17, $0xb8;
	[tilespmem:$0x6E00] =	vst v63  }
0x75: {  	_ =	swait.ge [sflag:s16], $0x80  }
0x76: {  	s23 =	simm.s32 $0x200;
	[sflag:s16] =	ssyncset.done $0x0  }
.LBB2_2:
0x77: {  	s24 =	sshra.s32 s23, $0x2;
	[sflag:s16] =	ssyncadd.s32 $0xFFFFFF80;
	p1 =	sne.s32 s23, $0x9E00  }
0x78: {  	[spmem:s2] =	stream.indirect.scatter.add.f32 [tilespmem:s21], [sflag:$0x2], $0x1, s24, s17, $0xb8;
	[tilespmem:$0x6E00] =	vst v63  }
.Ltmp0:
0x79: {  	_ = 	snop;
	(pc) =	sbr.rel @p1 .LBB2_2-.Ltmp0, $4  }
0x7a: {  	_ = 	snop  }
0x7b: {  	s23 =	sadd.s32 $0x200, s23  }
0x7c: {  	_ =	swait.ge [sflag:s16], $0x80  }
0x7d: {  	[sflag:s16] =	ssyncset.done $0x0  }
0x7e: {  	[sflag:s16] =	ssyncadd.s32 $0xFFFFFF80  }
0x7f: {  	[bflag:$0x0] =	sbarrier.arrive $0xFFFF  }
0x80: {  	[tilespmem:s20], [sflag:$0x2] =	stream.linear.gather [spmem:s12], $0x280, $0x38;
	[tilespmem:$0x6E00] =	vst v63  }
0x81: {  	s22 =	sadd.s32 $0x1, s22;
	_ =	swait.ge [sflag:s16], $0x280  }
0x82: {  	p1 =	sne.s32 s22, s14;
	[sflag:s16] =	ssyncset.done $0x0  }
.Ltmp1:
0x83: {  	[sflag:s16] =	ssyncadd.s32 $0xFFFFFD80;
	(pc) =	sbr.rel @p1 .LBB2_1-.Ltmp1, $4  }
0x84: {  	[hbm4b:s13+s3] =	stream.linear.scatter [tilespmem:s20], [sflag:$0x2], $0x280, $0x38;
	[tilespmem:$0x6E00] =	vst v63  }
0x85: {  	_ =	swait.ge [sflag:s16], $0x280  }
0x86: {  	[sflag:s16] =	ssyncset.done $0x0  }
0x87: {  	[sflag:s16] =	ssyncadd.s32 $0xFFFFFD80  }
0x88: {  	_ =	sfence.sel $0x180000  }
0x89: {  	[bflag:$0x0] =	sbarrier.arrive $0xFFFF  }
0x8a: {  	p0 =	sne.s32 s0, $0x0;
	_ =	strace $0x90000047  }
0x8b: {  	s0 =	sadd.s32 @!p0 $0x100000, s1;
	[bflag:$0x2] =	sbarrier.arrive $0xFFFF  }
0x8c: {  	[sflag:s0] =	ssyncadd.tile.s32 @!p0 $0x1;
	_ =	shalt  }
.Lfunc_end2:
_tile_overlayer_lowered:
.L_overlay_start_2:
0x8d: {  	(tag) =	ssettag $0x2  }
0x8e: {  	s0 =	rddreg [dreg:$0x0];
	s2 =	stileid.u32  }
0x8f: {  	s1 =	rddreg [dreg:$0x1];
	p0 =	sne.s32 s2, $0x0  }
0x90: {  	s3 =	rddreg [dreg:$0x2];
	[bflag:$0x3] =	sbarrier.arrive $0xFFFF;
	s2 =	simm.s32 @!p0 $0x1C02  }
0x91: {  	[timem:s3], [sflag:s2] =	dma.local @!p0 [hbm:s0], s1  }
0x92: {  	s0 =	simm.s32 @!p0 $0x2  }
0x93: {  	_ =	swait.ge @!p0 [sflag:s0], s1  }
0x94: {  	s1 =	ssub.s32 @!p0 $0x0, s1;
	[sflag:s0] =	ssyncset.done @!p0 $0x0  }
0x95: {  	[sflag:s0] =	ssyncadd.s32 @!p0 s1  }
0x96: {  	[bflag:$0x3] =	sbarrier.arrive $0xFFFF  }
0x97: {  	_ =	shalt  }

// kernel: kernel.15.cloned.1.call-start
scs
__scs_entry_jumppad:
0x0: {  	(pc) =	sbr.rel $0x88, $3  }
0x1: {  	(tag) =	ssettag $0x0;
	lr =	simm.s32 $0x1  }
0x2: {  	[smem:$0x3F91] =	sst lr;
	_ =	strace $0xD0000000  }
0x3: {  	_ = 	snop  }
0x4: {  	_ = 	snop  }
0x5: {  	_ = 	snop  }
0x6: {  	_ = 	snop  }
0x7: {  	_ = 	snop  }
__scs_overlays_trampoline_lowered:
0x8: {  	[smem:$0x3FA0] =	sst s0  }
0x9: {  	[smem:$0x3FA1] =	sst s1  }
0xa: {  	[smem:$0x3FA2] =	sst s2  }
0xb: {  	[smem:$0x3FA3] =	sst s3  }
0xc: {  	[smem:$0x3FA4] =	sst s4  }
0xd: {  	[smem:$0x3FA5] =	sst s5  }
0xe: {  	[smem:$0x3FA6] =	sst s6  }
0xf: {  	[smem:$0x3FA7] =	sst s7  }
0x10: {  	[smem:$0x3FA8] =	sst s8  }
0x11: {  	[smem:$0x3FA9] =	sst s9;
	s0 =	simm.s32 @!p0 $0x0  }
0x12: {  	s1 =	sld [smem:$0x3F8F];
	s0 =	simm.s32 @p0 $0x1  }
0x13: {  	[smem:$0x3FAA] =	sst s0;
	s0 =	simm.s32 @!p1 $0x0  }
0x14: {  	s2 =	sld [smem:$0x3F8E];
	s0 =	simm.s32 @p1 $0x1  }
0x15: {  	[smem:$0x3FAB] =	sst s0;
	s0 =	simm.s32 @!p2 $0x0  }
0x16: {  	s3 =	sld [smem:$0x3FDB];
	s0 =	simm.s32 @p2 $0x1  }
0x17: {  	s4 =	simm.s32 $0x1BF5;
	[smem:$0x3FAD] =	sst s0  }
0x18: {  	s0 =	sld [smem:$0x3F90];
	_ =	swait.ge [sflag:s4], $0x0  }
0x19: {  	s7 =	sld [smem:$0x3F91]  }
0x1a: {  	s8 =	sadd.s32 $0xFFFFE003, lr  }
0x1b: {  	s9 =	sadd.s32 $0xFFFFFEF7, lr;
	s5 =	simm.s32 $0xFFFFFFFF;
	p2 =	slt.u32 s8, $0xFFFFF086  }
0x1c: {  	p1 =	slt.u32 s9, $0xF7A;
	s5 =	simm.s32 @!p2 $0x0  }
0x1d: {  	s5 =	simm.s32 @p1 $0x1;
	p0 =	seq.s32 s7, s2  }
0x1e: {  	s7 =	smul.u32 @!p0 $0xF7A, s2;
	p2 =	seq.s32 @!p0 s5, $0x0  }
0x1f: {  	s9 =	smul.u32 $0xF7A, s1;
	s8 =	simm.s32 @!p0 $0x1BF5;
	p2 =	por !p2, p0  }
0x20: {  	[sflag:s8] =	ssyncset.s32 @!p0 $0xFFFFF086;
	s6 =	sadd.s32 @!p0 s3, s7;
	s7 =	simm.s32 @!p0 $0x108  }
0x21: {  	s3 =	sadd.s32 s3, s9;
	s6 =	sadd.s32 @!p0 $0x88, s6;
	s7 =	simm.s32 @p2 $0x1082  }
0x22: {  	[simem:s7], [sflag:s8] =	dma.local @!p0 [hbm:s6], $0xF7A  }
0x23: {  	s9 =	sor.u32 $0xD0000000, s2;
	s6 =	simm.s32 $0x108;
	_ =	swait.ge @!p0 [sflag:s8], $0x0  }
0x24: {  	s3 =	sadd.s32 $0x88, s3;
	s6 =	simm.s32 @!p1 $0x1082;
	[sflag:s4] =	ssyncset.s32 $0xFFFFF086  }
0x25: {  	[simem:s6], [sflag:s4] =	dma.local [hbm:s3], $0xF7A  }
0x26: {  	[smem:$0x3F91] =	sst s1;
	(tag) =	ssettag s2;
	_ =	strace s9  }
0x27: {  	s1 =	sld [smem:$0x3FA1]  }
0x28: {  	s2 =	sld [smem:$0x3FA2]  }
0x29: {  	s4 =	sld [smem:$0x3FA4]  }
0x2a: {  	p0 =	seq.s32 s5, $0x0;
	s5 =	sld [smem:$0x3FA5]  }
0x2b: {  	s6 =	sld [smem:$0x3FA6]  }
0x2c: {  	s7 =	sld [smem:$0x3FA7]  }
0x2d: {  	s3 =	simm.s32 $0x108;
	s8 =	sld [smem:$0x3FA8]  }
0x2e: {  	s3 =	simm.s32 @!p0 $0x1082;
	s9 =	sld [smem:$0x3FA9]  }
0x2f: {  	lr =	sadd.s32 s0, s3;
	s0 =	sld [smem:$0x3FA0]  }
0x30: {  	s3 =	sld [smem:$0x3FA3]  }
0x31: {  	[smem:$0x3FAC] =	sst s10  }
0x32: {  	s10 =	sld [smem:$0x3FAA];
	_ =	sdelay $0x3  }
0x33: {  	p0 =	seq.s32 s10, $0x1;
	s10 =	sld [smem:$0x3FAC];
	_ =	sdelay $0x3  }
0x34: {  	[smem:$0x3FAC] =	sst s10  }
0x35: {  	s10 =	sld [smem:$0x3FAB];
	_ =	sdelay $0x3  }
0x36: {  	p1 =	seq.s32 s10, $0x1;
	s10 =	sld [smem:$0x3FAC];
	_ =	sdelay $0x3  }
0x37: {  	[smem:$0x3FAC] =	sst s10  }
0x38: {  	s10 =	sld [smem:$0x3FAD]  }
0x39: {  	_ = 	snop;
	(pc) =	sbr.ind lr, $3  }
0x3a: {  	_ = 	snop  }
0x3b: {  	_ = 	snop  }
0x3c: {  	p2 =	seq.s32 s10, $0x1;
	s10 =	sld [smem:$0x3FAC]  }
0x3d: {  	_ =	shalt  }
0x3e: {  	_ =	shalt  }
0x3f: {  	_ =	shalt  }
0x40: {  	_ =	shalt  }
0x41: {  	_ =	shalt  }
0x42: {  	_ =	shalt  }
0x43: {  	_ =	shalt  }
0x44: {  	_ =	shalt  }
0x45: {  	_ =	shalt  }
0x46: {  	_ =	shalt  }
0x47: {  	_ =	shalt  }
0x48: {  	_ =	shalt  }
0x49: {  	_ =	shalt  }
0x4a: {  	_ =	shalt  }
0x4b: {  	_ =	shalt  }
0x4c: {  	_ =	shalt  }
0x4d: {  	_ =	shalt  }
0x4e: {  	_ =	shalt  }
0x4f: {  	_ =	shalt  }
0x50: {  	_ =	shalt  }
0x51: {  	_ =	shalt  }
0x52: {  	_ =	shalt  }
0x53: {  	_ =	shalt  }
0x54: {  	_ =	shalt  }
0x55: {  	_ =	shalt  }
0x56: {  	_ =	shalt  }
0x57: {  	_ =	shalt  }
0x58: {  	_ =	shalt  }
0x59: {  	_ =	shalt  }
0x5a: {  	_ =	shalt  }
0x5b: {  	_ =	shalt  }
0x5c: {  	_ =	shalt  }
0x5d: {  	_ =	shalt  }
0x5e: {  	_ =	shalt  }
0x5f: {  	_ =	shalt  }
0x60: {  	_ =	shalt  }
0x61: {  	_ =	shalt  }
0x62: {  	_ =	shalt  }
0x63: {  	_ =	shalt  }
0x64: {  	_ =	shalt  }
0x65: {  	_ =	shalt  }
0x66: {  	_ =	shalt  }
0x67: {  	_ =	shalt  }
0x68: {  	_ =	shalt  }
0x69: {  	_ =	shalt  }
0x6a: {  	_ =	shalt  }
0x6b: {  	_ =	shalt  }
0x6c: {  	_ =	shalt  }
0x6d: {  	_ =	shalt  }
0x6e: {  	_ =	shalt  }
0x6f: {  	_ =	shalt  }
0x70: {  	_ =	shalt  }
0x71: {  	_ =	shalt  }
0x72: {  	_ =	shalt  }
0x73: {  	_ =	shalt  }
0x74: {  	_ =	shalt  }
0x75: {  	_ =	shalt  }
0x76: {  	_ =	shalt  }
0x77: {  	_ =	shalt  }
0x78: {  	_ =	shalt  }
0x79: {  	_ =	shalt  }
0x7a: {  	_ =	shalt  }
0x7b: {  	_ =	shalt  }
0x7c: {  	_ =	shalt  }
0x7d: {  	_ =	shalt  }
0x7e: {  	_ =	shalt  }
0x7f: {  	_ =	shalt  }
0x80: {  	_ =	shalt  }
0x81: {  	_ =	shalt  }
0x82: {  	_ =	shalt  }
0x83: {  	_ =	shalt  }
0x84: {  	_ =	shalt  }
0x85: {  	_ =	shalt  }
0x86: {  	_ =	shalt  }
0x87: {  	_ =	shalt  }
.Lfunc_end0:
.L_simem_size_0:
called_computation.1_lowered:
.L_overlay_start_0:
0x88: {  	s2 =	sld [smem:$0x3FD9]  }
0x89: {  	s3 =	sld [smem:$0x3FFE];
	_ =	sdelay $0x1  }
0x8a: {  	s1 =	srdreg.scid  }
0x8b: {  	s0 =	sand.u32 $0x1, s1  }
0x8c: {  	s16 =	sshll.u32 s0, $0xA;
	s2 =	sadd.s32 s3, s2  }
0x8d: {  	s2 =	sadd.s32 s2, s16  }
0x8e: {  	[smem:$0x3FB8] =	sst s2  }
0x8f: {  	_ = 	snop  }
0x90: {  	(tm) =	ssettm $0x1  }
0x91: {  	s17 =	sld [smem:$0x3FFB];
	_ =	sdelay $0x3  }
0x92: {  	_ =	strace s17  }
0x93: {  	s2 =	sld [smem:$0x3FFC];
	_ =	sdelay $0x3  }
0x94: {  	_ =	strace s2  }
0x95: {  	s2 =	sld [smem:$0x3FFD];
	_ =	sdelay $0x3  }
0x96: {  	_ =	strace s2  }
0x97: {  	_ =	strace $0x8FFFFFFF  }
0x98: {  	s18 =	sld [smem:$0x3FDB];
	_ =	sdelay $0x1  }
0x99: {  	s19 =	simm.s32 $_scs_section_size  }
0x9a: {  	s4 =	simm.s32 $_size__tile_overlayer_lowered;
	s5 =	simm.s32 $_tile_overlayer_lowered  }
0x9b: {  	s22 =	simm.s32 $0x1BFF;
	s21 =	sshll.u32 s5, $0x1;
	s2 =	sadd.s32 s19, s18  }
0x9c: {  	s6 =	simm.s32 $0x0;
	s20 =	sshll.u32 s4, $0x1;
	s4 =	sadd.s32 s21, s2  }
0x9d: {  	[timem:s6], [sflag:s22] =	dma.local [hbm:s4], s20  }
0x9e: {  	_ =	swait.ge [sflag:s22], s20  }
0x9f: {  	s3 =	ssub.s32 $0x0, s20;
	[sflag:s22] =	ssyncset.done $0x0  }
0xa0: {  	[sflag:s22] =	ssyncadd.s32 s3;
	_ =	sdelay $0x1  }
0xa1: {  	s23 =	simm.s32 $0x1B8B  }
0xa2: {  	_ =	swait.ge [sflag:s23], $0x1  }
0xa3: {  	[sflag:s23] =	ssyncset.done $0x0  }
0xa4: {  	s25 =	simm.s32 $0x1B8E;
	s24 =	sld [smem:$0x3FFE];
	[sflag:s23] =	ssyncadd.s32 $0xFFFFFFFF  }
0xa5: {  	s26 =	simm.s32 $execute0_lowered;
	[smem:$0x3FD2] =	sst s25  }
0xa6: {  	s4 =	sshll.u32 s26, $0x1;
	_ =	strace $0x80000049;
	[dreg:$0x1] =	wrdreg $0xFFFFFFFF  }
0xa7: {  	s28 =	simm.s32 $_size_execute0_lowered;
	s2 =	sadd.s32 s2, s4;
	[dreg:$0x0] =	wrdreg $0x0  }
0xa8: {  	s4 =	sshll.u32 s28, $0x1;
	[dreg:$0x2] =	wrdreg s2  }
0xa9: {  	[dreg:$0x3] =	wrdreg s4  }
0xaa: {  	[dreg:$0x4] =	wrdreg $0xC0  }
0xab: {  	_ =	task [dreg:s6], $0x5FFFF  }
0xac: {  	[dreg:$0x1] =	wrdreg $0xFFFFFFFF  }
0xad: {  	[dreg:$0x0] =	wrdreg $0x60  }
0xae: {  	[dreg:$0x2] =	wrdreg s24  }
0xaf: {  	[dreg:$0x3] =	wrdreg $0x90000  }
0xb0: {  	[dreg:$0x4] =	wrdreg $0x9  }
0xb1: {  	_ =	task.clear_ibuf [dreg:s6], $0x5FFFF;
	_ =	strace $0x90000049  }
0xb2: {  	s29 =	simm.s32 $0x9;
	_ =	strace $0x8000004B  }
0xb3: {  	_ =	swait.ge [sflag:s29], $0x1  }
0xb4: {  	[sflag:s29] =	ssyncadd.s32 $0xFFFFFFFF  }
0xb5: {  	_ =	strace $0x9000004B  }
0xb6: {  	_ =	sfence  }
0xb7: {  	s30 =	sld [smem:$0x0];
	_ =	sdelay $0x2  }
0xb8: {  	s31 =	sshll.u32 s1, $0xD;
	s1 =	sshrl.u32 s1, $0x2  }
0xb9: {  	s3 =	sand.u32 $0x4000, s31;
	s1 =	sadd.s32 s1, s30  }
0xba: {  	s0 =	sor.u32 s3, s0;
	s1 =	sshll.u32 s1, $0x11  }
0xbb: {  	s0 =	sor.u32 s1, s0  }
0xbc: {  	s0 =	sadd.s32 $0x8F2B, s0  }
0xbd: {  	[sflag:s0] =	ssyncadd.remote.s32 $0x1  }
0xbe: {  	_ =	sfence.sel $0xFFFF  }
0xbf: {  	[dreg:$0x0] =	wrdreg $0xFFFFFFFF;
	(pc) =	sbr.abs _section_cstart, $3  }
0xc0: {  	[dreg:$0x1] =	wrdreg $0xFFFFFFFF  }
0xc1: {  	_ =	task.clear_ibuf [dreg:s6], $0x2FFFF;
	_ =	strace $0x9FFFFFFF  }
0xc2: {  	(tm) =	ssettm $0x7FFFFFFF  }
0xc3: {  	_ =	shalt  }
tec
execute0_lowered:
.L_overlay_start_1:
0x0: {  	(tag) =	ssettag $0x1  }
0x1: {  	s0 =	rddreg [dreg:$0x0]  }
0x2: {  	s2 =	rddreg [dreg:$0x1];
	s1 =	srdreg.scid  }
0x3: {  	s9 =	stileid.u32;
	s3 =	simm.s32 $0x0;
	s20 =	simm.s32 $0x1000  }
0x4: {  	s21 =	simm.s32 $0x3;
	s23 =	simm.s32 $0x80;
	s24 =	simm.s32 $0x5000  }
0x5: {  	s28 =	simm.s32 $0x0;
	s1 =	sand.u32 $0x1, s1;
	s5 =	smul.u32 $0x280, s9  }
0x6: {  	[smem:$0x7FF] =	sst s3;
	s4 =	sadd.s32 $0x19800, s0;
	s7 =	smul.u32 $0x50000, s9  }
0x7: {  	s10 =	sadd.s32 $0x5800, s0;
	s11 =	sadd.s32 $0xF800, s0;
	s13 =	smul.u32 $0x2800, s9  }
0x8: {  	s6 =	smul.u32 $0x2800, s1;
	_ =	strace $0x8000004A;
	s26 =	ssub.s32 $0x2, s1  }
0x9: {  	s25 =	sshll.u32 s1, $0x4;
	s1 =	smul.u32 $0x28000, s1;
	s8 =	sshrl.u32 s26, $0x1  }
0xa: {  	s7 =	sshrl.u32 s7, $0x2;
	s5 =	sadd.s32 s5, s6;
	s6 =	sor.u32 s9, s25  }
0xb: {  	s17 =	ssub.s32 s26, s8;
	s1 =	sadd.s32 s13, s1;
	s25 =	simm.s32 $0x1  }
0xc: {  	s26 =	simm.s32 $0x2;
	s5 =	sshll.u32 s5, $0x4;
	s12 =	smul.u32 $0x2800, s6  }
0xd: {  	s1 =	sor.u32 $0x400, s1;
	s0 =	sadd.s32 s5, s0;
	s5 =	sadd.s32 s7, s2  }
0xe: {  	s17 =	smax.u32 s17, $0x1;
	s1 =	sshrl.u32 s1, $0x3;
	s6 =	sadd.s32 $0x4000, s5  }
0xf: {  	s7 =	sadd.s32 $0x8000, s5;
	s8 =	sadd.s32 $0xC000, s5;
	s29 =	sadd.s32 $0x41800, s0  }
0x10: {  	s9 =	sadd.s32 $0x10000, s5;
	s30 =	sadd.s32 $0x42000, s0;
	[dreg:$0x5] =	wrdreg s29  }
0x11: {  	s12 =	sshrl.u32 s12, $0x3;
	s31 =	sadd.s32 $0x42800, s0;
	[dreg:$0x6] =	wrdreg s30  }
0x12: {  	s15 =	sadd.s32 $0x43000, s0;
	s14 =	sadd.s32 s10, s12;
	[dreg:$0x7] =	wrdreg s31  }
0x13: {  	s16 =	sadd.s32 $0x43800, s0;
	s12 =	sadd.s32 s11, s12;
	[dreg:$0x3] =	wrdreg s14  }
0x14: {  	v0 =	vimm.f32 $0.0e+00;
	s18 =	sadd.s32 s1, s11;
	s19 =	sadd.s32 s1, s10;
	[dreg:$0x4] =	wrdreg s12  }
.LBB2_1:
0x15: {  	s0 =	simm.s32 $0x0;
	s1 =	simm.s32 $0x200  }
.LBB2_2:
0x16: {  	p0 =	sne.s32 s1, $0xFE00;
	[tilespmem:s0+$0x1070] =	vst v0  }
0x17: {  	[tilespmem:s0+$0x1000] =	vst v0  }
0x18: {  	[tilespmem:s0+$0x1010] =	vst v0  }
.Ltmp0:
0x19: {  	[tilespmem:s0+$0x1020] =	vst v0;
	(pc) =	sbr.rel @p0 .LBB2_2-.Ltmp0, $4  }
0x1a: {  	[tilespmem:s0+$0x1030] =	vst v0  }
0x1b: {  	[tilespmem:s0+$0x1040] =	vst v0  }
0x1c: {  	[tilespmem:s0+$0x1050] =	vst v0  }
0x1d: {  	[tilespmem:s0+$0x1060] =	vst v0;
	s0 =	sshra.s32 s1, $0x2;
	s1 =	sadd.s32 $0x200, s1  }
0x1e: {  	[tilespmem:s0+$0x1070] =	vst v0  }
0x1f: {  	[tilespmem:s0+$0x1000] =	vst v0  }
0x20: {  	[tilespmem:s0+$0x1010] =	vst v0  }
0x21: {  	[tilespmem:s0+$0x1020] =	vst v0  }
0x22: {  	[tilespmem:s0+$0x1030] =	vst v0  }
0x23: {  	[tilespmem:s0+$0x1040] =	vst v0  }
0x24: {  	[tilespmem:s0+$0x1050] =	vst v0  }
0x25: {  	[tilespmem:s0+$0x1060] =	vst v0  }
0x26: {  	[spmem:s5] =	stream.linear.scatter [tilespmem:s20], [sflag:$0x3], $0x4000, $0x38;
	[tilespmem:$0x1D000] =	vst v63  }
0x27: {  	_ =	swait.ge [sflag:s21], $0x4000  }
0x28: {  	[sflag:s21] =	ssyncset.done $0x0  }
0x29: {  	[sflag:s21] =	ssyncadd.s32 $0xFFFFC000  }
0x2a: {  	[spmem:s6] =	stream.linear.scatter [tilespmem:s20], [sflag:$0x3], $0x4000, $0x38;
	[tilespmem:$0x1D000] =	vst v63  }
0x2b: {  	_ =	swait.ge [sflag:s21], $0x4000  }
0x2c: {  	[sflag:s21] =	ssyncset.done $0x0  }
0x2d: {  	[sflag:s21] =	ssyncadd.s32 $0xFFFFC000  }
0x2e: {  	[spmem:s7] =	stream.linear.scatter [tilespmem:s20], [sflag:$0x3], $0x4000, $0x38;
	[tilespmem:$0x1D000] =	vst v63  }
0x2f: {  	_ =	swait.ge [sflag:s21], $0x4000  }
0x30: {  	[sflag:s21] =	ssyncset.done $0x0  }
0x31: {  	[sflag:s21] =	ssyncadd.s32 $0xFFFFC000  }
0x32: {  	[spmem:s8] =	stream.linear.scatter [tilespmem:s20], [sflag:$0x3], $0x4000, $0x38;
	[tilespmem:$0x1D000] =	vst v63  }
0x33: {  	_ =	swait.ge [sflag:s21], $0x4000  }
0x34: {  	[sflag:s21] =	ssyncset.done $0x0  }
0x35: {  	[sflag:s21] =	ssyncadd.s32 $0xFFFFC000  }
0x36: {  	[spmem:s9] =	stream.linear.scatter [tilespmem:s20], [sflag:$0x3], $0x4000, $0x38;
	[tilespmem:$0x1D000] =	vst v63  }
0x37: {  	_ =	swait.ge [sflag:s21], $0x4000  }
0x38: {  	[sflag:s21] =	ssyncset.done $0x0  }
0x39: {  	s14 =	simm.s32 $0x0;
	s1 =	rddreg [dreg:$0x3];
	[sflag:s21] =	ssyncadd.s32 $0xFFFFC000  }
0x3a: {  	[tilespmem:s14], [sflag:$0x3] =	stream.linear.gather [hbm4b:s1+s14], $0x400, $0x38;
	[tilespmem:$0x1D000] =	vst v63  }
0x3b: {  	_ =	swait.ge [sflag:s21], $0x400  }
0x3c: {  	[sflag:s21] =	ssyncset.done $0x0  }
0x3d: {  	s10 =	simm.s32 $0x800;
	s22 =	rddreg [dreg:$0x4];
	[sflag:s21] =	ssyncadd.s32 $0xFFFFFC00  }
0x3e: {  	[tilespmem:s10], [sflag:$0x3] =	stream.linear.gather [hbm4b:s22+s14], $0x400, $0x38;
	[tilespmem:$0x1D000] =	vst v63  }
0x3f: {  	s11 =	simm.s32 $0x0;
	_ =	swait.ge [sflag:s21], $0x400  }
0x40: {  	p0 =	por $0x0, $0x0;
	s0 =	sand.u32 $0x3, s14;
	[sflag:s21] =	ssyncset.done $0x0  }
0x41: {  	s12 =	sshll.u32 s0, $0x8;
	s1 =	sand.u32 $0x400, s11;
	[sflag:s21] =	ssyncadd.s32 $0xFFFFFC00  }
0x42: {  	p1 =	sne.s32 @!p0 s0, $0x0;
	s1 =	sor.u32 s12, s1;
	[bflag:$0x0] =	sbarrier.arrive $0xFFFF  }
0x43: {  	[tilespmem:s20], [sflag:$0x1] =	stream.indirect.gather [hbm4b:s4+s23], $0x80, s1, s23, $0xb8;
	[tilespmem:$0x1D000] =	vst v63  }
0x44: {  	s0 =	simm.s32 $0x400;
	p0 =	por p1, p0;
	s10 =	sor.u32 $0x80, s1  }
0x45: {  	[tilespmem:s24], [sflag:$0x2] =	stream.indirect.gather [hbm4b:s4+s23], $0x80, s10, s23, $0xb8;
	[tilespmem:$0x1D000] =	vst v63  }
0x46: {  	s0 =	sand.u32 @!p0 $0x400, s0;
	s11 =	simm.s32 @!p0 $0x0;
	s22 =	simm.s32 @!p0 $0x3  }
0x47: {  	[tilespmem:s0], [sflag:$0x3] =	stream.linear.gather @!p0 [hbm4b:s19+s11], $0x400, $0x38;
	[tilespmem:$0x1D000] =	vst v63  }
0x48: {  	_ =	swait.ge @!p0 [sflag:s22], $0x400  }
0x49: {  	[sflag:s22] =	ssyncset.done @!p0 $0x0  }
0x4a: {  	s0 =	sor.u32 @!p0 $0x800, s0;
	[sflag:s22] =	ssyncadd.s32 @!p0 $0xFFFFFC00  }
0x4b: {  	[tilespmem:s0], [sflag:$0x3] =	stream.linear.gather @!p0 [hbm4b:s18+s11], $0x400, $0x38;
	[tilespmem:$0x1D000] =	vst v63  }
0x4c: {  	_ =	swait.ge @!p0 [sflag:s22], $0x400  }
0x4d: {  	[sflag:s22] =	ssyncset.done @!p0 $0x0  }
0x4e: {  	[sflag:s22] =	ssyncadd.s32 @!p0 $0xFFFFFC00  }
0x4f: {  	_ =	swait.ge [sflag:s25], $0x4000  }
0x50: {  	[sflag:s25] =	ssyncset.done $0x0  }
0x51: {  	s13 =	sor.u32 $0x800, s1;
	[sflag:s25] =	ssyncadd.s32 $0xFFFFC000  }
0x52: {  	[spmem:s2] =	stream.indirect.scatter.add.f32 [tilespmem:s20], [sflag:$0x3], $0x80, s13, s23, $0xb8;
	[tilespmem:$0x1D000] =	vst v63  }
0x53: {  	_ =	swait.ge [sflag:s21], $0x4000  }
0x54: {  	[sflag:s21] =	ssyncset.done $0x0  }
0x55: {  	s31 =	simm.s32 $0x600;
	[sflag:s21] =	ssyncadd.s32 $0xFFFFC000  }
0x56: {  	s29 =	sadd.s32 $0x20, s18;
	s30 =	sadd.s32 $0x20, s19;
	_ =	swait.ge [sflag:s26], $0x4000  }
0x57: {  	p1 =	por $0x0, $0x0;
	s14 =	simm.s32 $0x100;
	[sflag:s26] =	ssyncset.done $0x0  }
0x58: {  	s1 =	simm.s32 $0x1;
	s10 =	sor.u32 $0x800, s10;
	[sflag:s26] =	ssyncadd.s32 $0xFFFFC000  }
0x59: {  	[spmem:s2] =	stream.indirect.scatter.add.f32 [tilespmem:s24], [sflag:$0x3], $0x80, s10, s23, $0xb8;
	[tilespmem:$0x1D000] =	vst v63  }
0x5a: {  	s0 =	simm.s32 $0x500;
	s22 =	sand.u32 $0x3, s1;
	_ =	swait.ge [sflag:s21], $0x4000  }
0x5b: {  	s11 =	sand.u32 $0x400, s14;
	s10 =	sshll.u32 s22, $0x8;
	[sflag:s21] =	ssyncset.done $0x0  }
.LBB2_4:
0x5c: {  	s10 =	sor.u32 s10, s11  }
0x5d: {  	p0 =	sne.s32 @!p1 s22, $0x0;
	[sflag:s21] =	ssyncadd.s32 $0xFFFFC000;
	s11 =	smov.u32 s31  }
0x5e: {  	[tilespmem:s20], [sflag:$0x1] =	stream.indirect.gather [hbm4b:s4+s23], $0x80, s10, s23, $0xb8;
	[tilespmem:$0x1D000] =	vst v63  }
0x5f: {  	s31 =	sadd.s32 $0x100, s31;
	s22 =	sor.u32 $0x80, s10;
	p1 =	por p0, p1  }
0x60: {  	[tilespmem:s24], [sflag:$0x2] =	stream.indirect.gather [hbm4b:s4+s23], $0x80, s22, s23, $0xb8;
	[tilespmem:$0x1D000] =	vst v63  }
0x61: {  	s0 =	sand.u32 @!p1 $0x400, s0;
	s12 =	simm.s32 @!p1 $0x0;
	s13 =	simm.s32 @!p1 $0x3  }
0x62: {  	[tilespmem:s0], [sflag:$0x3] =	stream.linear.gather @!p1 [hbm4b:s30+s12], $0x400, $0x38;
	[tilespmem:$0x1D000] =	vst v63  }
0x63: {  	p0 =	sne.s32 s31, $0x2C00;
	s14 =	sor.u32 @!p1 $0x800, s0;
	_ =	swait.ge @!p1 [sflag:s13], $0x400  }
0x64: {  	s0 =	smov.u32 s11;
	[sflag:s13] =	ssyncset.done @!p1 $0x0  }
0x65: {  	[sflag:s13] =	ssyncadd.s32 @!p1 $0xFFFFFC00  }
0x66: {  	[tilespmem:s14], [sflag:$0x3] =	stream.linear.gather @!p1 [hbm4b:s29+s12], $0x400, $0x38;
	[tilespmem:$0x1D000] =	vst v63  }
0x67: {  	_ =	swait.ge @!p1 [sflag:s13], $0x400  }
0x68: {  	[sflag:s13] =	ssyncset.done @!p1 $0x0  }
0x69: {  	[sflag:s13] =	ssyncadd.s32 @!p1 $0xFFFFFC00  }
0x6a: {  	_ =	swait.ge [sflag:s25], $0x4000  }
0x6b: {  	[sflag:s25] =	ssyncset.done $0x0  }
0x6c: {  	s10 =	sor.u32 $0x800, s10;
	[sflag:s25] =	ssyncadd.s32 $0xFFFFC000  }
0x6d: {  	[spmem:s2] =	stream.indirect.scatter.add.f32 [tilespmem:s20], [sflag:$0x3], $0x80, s10, s23, $0xb8;
	[tilespmem:$0x1D000] =	vst v63  }
0x6e: {  	_ =	swait.ge [sflag:s21], $0x4000  }
0x6f: {  	[sflag:s21] =	ssyncset.done $0x0  }
0x70: {  	[sflag:s21] =	ssyncadd.s32 $0xFFFFC000  }
0x71: {  	s30 =	sadd.s32 $0x20, s30;
	s29 =	sadd.s32 $0x20, s29;
	_ =	swait.ge [sflag:s26], $0x4000  }
.Ltmp1:
0x72: {  	s1 =	sadd.s32 $0x1, s1;
	[sflag:s26] =	ssyncset.done $0x0;
	(pc) =	sbr.rel @p0 .LBB2_4-.Ltmp1, $4  }
0x73: {  	p1 =	sgt.u32 s1, $0x23;
	s10 =	sor.u32 $0x800, s22;
	[sflag:s26] =	ssyncadd.s32 $0xFFFFC000  }
0x74: {  	[spmem:s2] =	stream.indirect.scatter.add.f32 [tilespmem:s24], [sflag:$0x3], $0x80, s10, s23, $0xb8;
	[tilespmem:$0x1D000] =	vst v63  }
0x75: {  	s11 =	sadd.s32 $0xFFFFFC00, s0;
	s22 =	sand.u32 $0x3, s1;
	_ =	swait.ge [sflag:s21], $0x4000  }
0x76: {  	s11 =	sand.u32 $0x400, s11;
	s10 =	sshll.u32 s22, $0x8;
	[sflag:s21] =	ssyncset.done $0x0  }
0x77: {  	s1 =	sor.u32 s10, s11;
	p0 =	sne.s32 @!p1 s22, $0x0;
	[sflag:s21] =	ssyncadd.s32 $0xFFFFC000  }
0x78: {  	[tilespmem:s20], [sflag:$0x1] =	stream.indirect.gather [hbm4b:s4+s23], $0x80, s1, s23, $0xb8;
	[tilespmem:$0x1D000] =	vst v63  }
0x79: {  	s10 =	sor.u32 $0x80, s1;
	p0 =	por p0, p1  }
0x7a: {  	[tilespmem:s24], [sflag:$0x2] =	stream.indirect.gather [hbm4b:s4+s23], $0x80, s10, s23, $0xb8;
	[tilespmem:$0x1D000] =	vst v63  }
0x7b: {  	s0 =	sand.u32 @!p0 $0x400, s0;
	s11 =	simm.s32 @!p0 $0x0;
	s12 =	simm.s32 @!p0 $0x3  }
0x7c: {  	[tilespmem:s0], [sflag:$0x3] =	stream.linear.gather @!p0 [hbm4b:s30+s11], $0x400, $0x38;
	[tilespmem:$0x1D000] =	vst v63  }
0x7d: {  	_ =	swait.ge @!p0 [sflag:s12], $0x400  }
0x7e: {  	[sflag:s12] =	ssyncset.done @!p0 $0x0  }
0x7f: {  	s0 =	sor.u32 @!p0 $0x800, s0;
	[sflag:s12] =	ssyncadd.s32 @!p0 $0xFFFFFC00  }
0x80: {  	[tilespmem:s0], [sflag:$0x3] =	stream.linear.gather @!p0 [hbm4b:s29+s11], $0x400, $0x38;
	[tilespmem:$0x1D000] =	vst v63  }
0x81: {  	_ =	swait.ge @!p0 [sflag:s12], $0x400  }
0x82: {  	[sflag:s12] =	ssyncset.done @!p0 $0x0  }
0x83: {  	[sflag:s12] =	ssyncadd.s32 @!p0 $0xFFFFFC00  }
0x84: {  	_ =	swait.ge [sflag:s25], $0x4000  }
0x85: {  	[sflag:s25] =	ssyncset.done $0x0  }
0x86: {  	s14 =	sor.u32 $0x800, s1;
	[sflag:s25] =	ssyncadd.s32 $0xFFFFC000  }
0x87: {  	[spmem:s2] =	stream.indirect.scatter.add.f32 [tilespmem:s20], [sflag:$0x3], $0x80, s14, s23, $0xb8;
	[tilespmem:$0x1D000] =	vst v63  }
0x88: {  	_ =	swait.ge [sflag:s21], $0x4000  }
0x89: {  	[sflag:s21] =	ssyncset.done $0x0  }
0x8a: {  	[sflag:s21] =	ssyncadd.s32 $0xFFFFC000  }
0x8b: {  	_ =	swait.ge [sflag:s26], $0x4000  }
0x8c: {  	[sflag:s26] =	ssyncset.done $0x0  }
0x8d: {  	s22 =	sor.u32 $0x800, s10;
	[sflag:s26] =	ssyncadd.s32 $0xFFFFC000  }
0x8e: {  	[spmem:s2] =	stream.indirect.scatter.add.f32 [tilespmem:s24], [sflag:$0x3], $0x80, s22, s23, $0xb8;
	[tilespmem:$0x1D000] =	vst v63  }
0x8f: {  	_ =	swait.ge [sflag:s21], $0x4000  }
0x90: {  	[sflag:s21] =	ssyncset.done $0x0  }
0x91: {  	[sflag:s21] =	ssyncadd.s32 $0xFFFFC000  }
0x92: {  	[bflag:$0x0] =	sbarrier.arrive $0xFFFF  }
0x93: {  	[tilespmem:s20], [sflag:$0x3] =	stream.linear.gather [spmem:s5], $0x4000, $0x38;
	[tilespmem:$0x1D000] =	vst v63  }
0x94: {  	_ =	swait.ge [sflag:s21], $0x4000  }
0x95: {  	[sflag:s21] =	ssyncset.done $0x0  }
0x96: {  	s29 =	rddreg [dreg:$0x5];
	[sflag:s21] =	ssyncadd.s32 $0xFFFFC000  }
0x97: {  	[hbm4b:s29+s3] =	stream.linear.scatter [tilespmem:s20], [sflag:$0x3], $0x4000, $0x38;
	[tilespmem:$0x1D000] =	vst v63  }
0x98: {  	_ =	swait.ge [sflag:s21], $0x4000  }
0x99: {  	[sflag:s21] =	ssyncset.done $0x0  }
0x9a: {  	[sflag:s21] =	ssyncadd.s32 $0xFFFFC000  }
0x9b: {  	[tilespmem:s20], [sflag:$0x3] =	stream.linear.gather [spmem:s6], $0x4000, $0x38;
	[tilespmem:$0x1D000] =	vst v63  }
0x9c: {  	_ =	swait.ge [sflag:s21], $0x4000  }
0x9d: {  	[sflag:s21] =	ssyncset.done $0x0  }
0x9e: {  	s30 =	rddreg [dreg:$0x6];
	[sflag:s21] =	ssyncadd.s32 $0xFFFFC000  }
0x9f: {  	[hbm4b:s30+s3] =	stream.linear.scatter [tilespmem:s20], [sflag:$0x3], $0x4000, $0x38;
	[tilespmem:$0x1D000] =	vst v63  }
0xa0: {  	_ =	swait.ge [sflag:s21], $0x4000  }
0xa1: {  	[sflag:s21] =	ssyncset.done $0x0  }
0xa2: {  	[sflag:s21] =	ssyncadd.s32 $0xFFFFC000  }
0xa3: {  	[tilespmem:s20], [sflag:$0x3] =	stream.linear.gather [spmem:s7], $0x4000, $0x38;
	[tilespmem:$0x1D000] =	vst v63  }
0xa4: {  	_ =	swait.ge [sflag:s21], $0x4000  }
0xa5: {  	[sflag:s21] =	ssyncset.done $0x0  }
0xa6: {  	s31 =	rddreg [dreg:$0x7];
	[sflag:s21] =	ssyncadd.s32 $0xFFFFC000  }
0xa7: {  	[hbm4b:s31+s3] =	stream.linear.scatter [tilespmem:s20], [sflag:$0x3], $0x4000, $0x38;
	[tilespmem:$0x1D000] =	vst v63  }
0xa8: {  	_ =	swait.ge [sflag:s21], $0x4000  }
0xa9: {  	[sflag:s21] =	ssyncset.done $0x0  }
0xaa: {  	[sflag:s21] =	ssyncadd.s32 $0xFFFFC000  }
0xab: {  	[tilespmem:s20], [sflag:$0x3] =	stream.linear.gather [spmem:s8], $0x4000, $0x38;
	[tilespmem:$0x1D000] =	vst v63  }
0xac: {  	_ =	swait.ge [sflag:s21], $0x4000  }
0xad: {  	[sflag:s21] =	ssyncset.done $0x0  }
0xae: {  	[sflag:s21] =	ssyncadd.s32 $0xFFFFC000  }
0xaf: {  	[hbm4b:s15+s3] =	stream.linear.scatter [tilespmem:s20], [sflag:$0x3], $0x4000, $0x38;
	[tilespmem:$0x1D000] =	vst v63  }
0xb0: {  	_ =	swait.ge [sflag:s21], $0x4000  }
0xb1: {  	[sflag:s21] =	ssyncset.done $0x0  }
0xb2: {  	[sflag:s21] =	ssyncadd.s32 $0xFFFFC000  }
0xb3: {  	[tilespmem:s20], [sflag:$0x3] =	stream.linear.gather [spmem:s9], $0x4000, $0x38;
	[tilespmem:$0x1D000] =	vst v63  }
0xb4: {  	s28 =	sadd.s32 $0x1, s28;
	_ =	swait.ge [sflag:s21], $0x4000  }
0xb5: {  	p0 =	sne.s32 s28, s17;
	[sflag:s21] =	ssyncset.done $0x0  }
.Ltmp2:
0xb6: {  	[sflag:s21] =	ssyncadd.s32 $0xFFFFC000;
	(pc) =	sbr.rel @p0 .LBB2_1-.Ltmp2, $4  }
0xb7: {  	[hbm4b:s16+s3] =	stream.linear.scatter [tilespmem:s20], [sflag:$0x3], $0x4000, $0x38;
	[tilespmem:$0x1D000] =	vst v63  }
0xb8: {  	_ =	swait.ge [sflag:s21], $0x4000  }
0xb9: {  	[sflag:s21] =	ssyncset.done $0x0  }
0xba: {  	[sflag:s21] =	ssyncadd.s32 $0xFFFFC000  }
0xbb: {  	_ =	sfence.sel $0x180000  }
0xbc: {  	[bflag:$0x0] =	sbarrier.arrive $0xFFFF  }
0xbd: {  	_ =	strace $0x9000004A  }
0xbe: {  	s0 =	stileid.u32;
	[bflag:$0x2] =	sbarrier.arrive $0xFFFF  }
0xbf: {  	p0 =	sne.s32 s0, $0x0;
	s0 =	rddreg [dreg:$0x2]  }
0xc0: {  	s0 =	sadd.s32 @!p0 $0x100000, s0  }
0xc1: {  	[sflag:s0] =	ssyncadd.tile.s32 @!p0 $0x1;
	_ =	shalt  }
.Lfunc_end2:
_tile_overlayer_lowered:
.L_overlay_start_2:
0xc2: {  	(tag) =	ssettag $0x2  }
0xc3: {  	s0 =	rddreg [dreg:$0x0];
	s2 =	stileid.u32  }
0xc4: {  	s1 =	rddreg [dreg:$0x1];
	p0 =	sne.s32 s2, $0x0  }
0xc5: {  	s3 =	rddreg [dreg:$0x2];
	[bflag:$0x3] =	sbarrier.arrive $0xFFFF;
	s2 =	simm.s32 @!p0 $0x1C03  }
0xc6: {  	[timem:s3], [sflag:s2] =	dma.local @!p0 [hbm:s0], s1  }
0xc7: {  	s0 =	simm.s32 @!p0 $0x3  }
0xc8: {  	_ =	swait.ge @!p0 [sflag:s0], s1  }
0xc9: {  	s1 =	ssub.s32 @!p0 $0x0, s1;
	[sflag:s0] =	ssyncset.done @!p0 $0x0  }
0xca: {  	[sflag:s0] =	ssyncadd.s32 @!p0 s1  }
0xcb: {  	[bflag:$0x3] =	sbarrier.arrive $0xFFFF  }
0xcc: {  	_ =	shalt  }

// kernel: kernel.18.cloned.1.call-start
scs
__scs_entry_jumppad:
0x0: {  	(pc) =	sbr.rel $0x88, $3  }
0x1: {  	(tag) =	ssettag $0x0;
	lr =	simm.s32 $0x1  }
0x2: {  	[smem:$0x3F91] =	sst lr;
	_ =	strace $0xD0000000  }
0x3: {  	_ = 	snop  }
0x4: {  	_ = 	snop  }
0x5: {  	_ = 	snop  }
0x6: {  	_ = 	snop  }
0x7: {  	_ = 	snop  }
__scs_overlays_trampoline_lowered:
0x8: {  	[smem:$0x3FA0] =	sst s0  }
0x9: {  	[smem:$0x3FA1] =	sst s1  }
0xa: {  	[smem:$0x3FA2] =	sst s2  }
0xb: {  	[smem:$0x3FA3] =	sst s3  }
0xc: {  	[smem:$0x3FA4] =	sst s4  }
0xd: {  	[smem:$0x3FA5] =	sst s5  }
0xe: {  	[smem:$0x3FA6] =	sst s6  }
0xf: {  	[smem:$0x3FA7] =	sst s7  }
0x10: {  	[smem:$0x3FA8] =	sst s8  }
0x11: {  	[smem:$0x3FA9] =	sst s9;
	s0 =	simm.s32 @!p0 $0x0  }
0x12: {  	s1 =	sld [smem:$0x3F8F];
	s0 =	simm.s32 @p0 $0x1  }
0x13: {  	[smem:$0x3FAA] =	sst s0;
	s0 =	simm.s32 @!p1 $0x0  }
0x14: {  	s2 =	sld [smem:$0x3F8E];
	s0 =	simm.s32 @p1 $0x1  }
0x15: {  	[smem:$0x3FAB] =	sst s0;
	s0 =	simm.s32 @!p2 $0x0  }
0x16: {  	s3 =	sld [smem:$0x3FDB];
	s0 =	simm.s32 @p2 $0x1  }
0x17: {  	s4 =	simm.s32 $0x1BF5;
	[smem:$0x3FAD] =	sst s0  }
0x18: {  	s0 =	sld [smem:$0x3F90];
	_ =	swait.ge [sflag:s4], $0x0  }
0x19: {  	s7 =	sld [smem:$0x3F91]  }
0x1a: {  	s8 =	sadd.s32 $0xFFFFE003, lr  }
0x1b: {  	s9 =	sadd.s32 $0xFFFFFEF7, lr;
	s5 =	simm.s32 $0xFFFFFFFF;
	p2 =	slt.u32 s8, $0xFFFFF086  }
0x1c: {  	p1 =	slt.u32 s9, $0xF7A;
	s5 =	simm.s32 @!p2 $0x0  }
0x1d: {  	s5 =	simm.s32 @p1 $0x1;
	p0 =	seq.s32 s7, s2  }
0x1e: {  	s7 =	smul.u32 @!p0 $0xF7A, s2;
	p2 =	seq.s32 @!p0 s5, $0x0  }
0x1f: {  	s9 =	smul.u32 $0xF7A, s1;
	s8 =	simm.s32 @!p0 $0x1BF5;
	p2 =	por !p2, p0  }
0x20: {  	[sflag:s8] =	ssyncset.s32 @!p0 $0xFFFFF086;
	s6 =	sadd.s32 @!p0 s3, s7;
	s7 =	simm.s32 @!p0 $0x108  }
0x21: {  	s3 =	sadd.s32 s3, s9;
	s6 =	sadd.s32 @!p0 $0x88, s6;
	s7 =	simm.s32 @p2 $0x1082  }
0x22: {  	[simem:s7], [sflag:s8] =	dma.local @!p0 [hbm:s6], $0xF7A  }
0x23: {  	s9 =	sor.u32 $0xD0000000, s2;
	s6 =	simm.s32 $0x108;
	_ =	swait.ge @!p0 [sflag:s8], $0x0  }
0x24: {  	s3 =	sadd.s32 $0x88, s3;
	s6 =	simm.s32 @!p1 $0x1082;
	[sflag:s4] =	ssyncset.s32 $0xFFFFF086  }
0x25: {  	[simem:s6], [sflag:s4] =	dma.local [hbm:s3], $0xF7A  }
0x26: {  	[smem:$0x3F91] =	sst s1;
	(tag) =	ssettag s2;
	_ =	strace s9  }
0x27: {  	s1 =	sld [smem:$0x3FA1]  }
0x28: {  	s2 =	sld [smem:$0x3FA2]  }
0x29: {  	s4 =	sld [smem:$0x3FA4]  }
0x2a: {  	p0 =	seq.s32 s5, $0x0;
	s5 =	sld [smem:$0x3FA5]  }
0x2b: {  	s6 =	sld [smem:$0x3FA6]  }
0x2c: {  	s7 =	sld [smem:$0x3FA7]  }
0x2d: {  	s3 =	simm.s32 $0x108;
	s8 =	sld [smem:$0x3FA8]  }
0x2e: {  	s3 =	simm.s32 @!p0 $0x1082;
	s9 =	sld [smem:$0x3FA9]  }
0x2f: {  	lr =	sadd.s32 s0, s3;
	s0 =	sld [smem:$0x3FA0]  }
0x30: {  	s3 =	sld [smem:$0x3FA3]  }
0x31: {  	[smem:$0x3FAC] =	sst s10  }
0x32: {  	s10 =	sld [smem:$0x3FAA];
	_ =	sdelay $0x3  }
0x33: {  	p0 =	seq.s32 s10, $0x1;
	s10 =	sld [smem:$0x3FAC];
	_ =	sdelay $0x3  }
0x34: {  	[smem:$0x3FAC] =	sst s10  }
0x35: {  	s10 =	sld [smem:$0x3FAB];
	_ =	sdelay $0x3  }
0x36: {  	p1 =	seq.s32 s10, $0x1;
	s10 =	sld [smem:$0x3FAC];
	_ =	sdelay $0x3  }
0x37: {  	[smem:$0x3FAC] =	sst s10  }
0x38: {  	s10 =	sld [smem:$0x3FAD]  }
0x39: {  	_ = 	snop;
	(pc) =	sbr.ind lr, $3  }
0x3a: {  	_ = 	snop  }
0x3b: {  	_ = 	snop  }
0x3c: {  	p2 =	seq.s32 s10, $0x1;
	s10 =	sld [smem:$0x3FAC]  }
0x3d: {  	_ =	shalt  }
0x3e: {  	_ =	shalt  }
0x3f: {  	_ =	shalt  }
0x40: {  	_ =	shalt  }
0x41: {  	_ =	shalt  }
0x42: {  	_ =	shalt  }
0x43: {  	_ =	shalt  }
0x44: {  	_ =	shalt  }
0x45: {  	_ =	shalt  }
0x46: {  	_ =	shalt  }
0x47: {  	_ =	shalt  }
0x48: {  	_ =	shalt  }
0x49: {  	_ =	shalt  }
0x4a: {  	_ =	shalt  }
0x4b: {  	_ =	shalt  }
0x4c: {  	_ =	shalt  }
0x4d: {  	_ =	shalt  }
0x4e: {  	_ =	shalt  }
0x4f: {  	_ =	shalt  }
0x50: {  	_ =	shalt  }
0x51: {  	_ =	shalt  }
0x52: {  	_ =	shalt  }
0x53: {  	_ =	shalt  }
0x54: {  	_ =	shalt  }
0x55: {  	_ =	shalt  }
0x56: {  	_ =	shalt  }
0x57: {  	_ =	shalt  }
0x58: {  	_ =	shalt  }
0x59: {  	_ =	shalt  }
0x5a: {  	_ =	shalt  }
0x5b: {  	_ =	shalt  }
0x5c: {  	_ =	shalt  }
0x5d: {  	_ =	shalt  }
0x5e: {  	_ =	shalt  }
0x5f: {  	_ =	shalt  }
0x60: {  	_ =	shalt  }
0x61: {  	_ =	shalt  }
0x62: {  	_ =	shalt  }
0x63: {  	_ =	shalt  }
0x64: {  	_ =	shalt  }
0x65: {  	_ =	shalt  }
0x66: {  	_ =	shalt  }
0x67: {  	_ =	shalt  }
0x68: {  	_ =	shalt  }
0x69: {  	_ =	shalt  }
0x6a: {  	_ =	shalt  }
0x6b: {  	_ =	shalt  }
0x6c: {  	_ =	shalt  }
0x6d: {  	_ =	shalt  }
0x6e: {  	_ =	shalt  }
0x6f: {  	_ =	shalt  }
0x70: {  	_ =	shalt  }
0x71: {  	_ =	shalt  }
0x72: {  	_ =	shalt  }
0x73: {  	_ =	shalt  }
0x74: {  	_ =	shalt  }
0x75: {  	_ =	shalt  }
0x76: {  	_ =	shalt  }
0x77: {  	_ =	shalt  }
0x78: {  	_ =	shalt  }
0x79: {  	_ =	shalt  }
0x7a: {  	_ =	shalt  }
0x7b: {  	_ =	shalt  }
0x7c: {  	_ =	shalt  }
0x7d: {  	_ =	shalt  }
0x7e: {  	_ =	shalt  }
0x7f: {  	_ =	shalt  }
0x80: {  	_ =	shalt  }
0x81: {  	_ =	shalt  }
0x82: {  	_ =	shalt  }
0x83: {  	_ =	shalt  }
0x84: {  	_ =	shalt  }
0x85: {  	_ =	shalt  }
0x86: {  	_ =	shalt  }
0x87: {  	_ =	shalt  }
.Lfunc_end0:
.L_simem_size_0:
called_computation.2_lowered:
.L_overlay_start_0:
0x88: {  	s2 =	sld [smem:$0x3FD9]  }
0x89: {  	s3 =	sld [smem:$0x3FFE];
	_ =	sdelay $0x1  }
0x8a: {  	s1 =	srdreg.scid  }
0x8b: {  	s0 =	sand.u32 $0x1, s1  }
0x8c: {  	s16 =	sshll.u32 s0, $0xA;
	s2 =	sadd.s32 s3, s2  }
0x8d: {  	s2 =	sadd.s32 s2, s16  }
0x8e: {  	[smem:$0x3FB8] =	sst s2  }
0x8f: {  	_ = 	snop  }
0x90: {  	(tm) =	ssettm $0x1  }
0x91: {  	s17 =	sld [smem:$0x3FFB];
	_ =	sdelay $0x3  }
0x92: {  	_ =	strace s17  }
0x93: {  	s2 =	sld [smem:$0x3FFC];
	_ =	sdelay $0x3  }
0x94: {  	_ =	strace s2  }
0x95: {  	s2 =	sld [smem:$0x3FFD];
	_ =	sdelay $0x3  }
0x96: {  	_ =	strace s2  }
0x97: {  	_ =	strace $0x8FFFFFFF  }
0x98: {  	s18 =	sld [smem:$0x3FDB];
	_ =	sdelay $0x1  }
0x99: {  	s19 =	simm.s32 $_scs_section_size  }
0x9a: {  	s4 =	simm.s32 $_size__tile_overlayer_lowered;
	s5 =	simm.s32 $_tile_overlayer_lowered  }
0x9b: {  	s22 =	simm.s32 $0x1BFF;
	s21 =	sshll.u32 s5, $0x1;
	s2 =	sadd.s32 s19, s18  }
0x9c: {  	s6 =	simm.s32 $0x0;
	s20 =	sshll.u32 s4, $0x1;
	s4 =	sadd.s32 s21, s2  }
0x9d: {  	[timem:s6], [sflag:s22] =	dma.local [hbm:s4], s20  }
0x9e: {  	_ =	swait.ge [sflag:s22], s20  }
0x9f: {  	s3 =	ssub.s32 $0x0, s20;
	[sflag:s22] =	ssyncset.done $0x0  }
0xa0: {  	[sflag:s22] =	ssyncadd.s32 s3;
	_ =	sdelay $0x1  }
0xa1: {  	s23 =	simm.s32 $0x1B8B  }
0xa2: {  	_ =	swait.ge [sflag:s23], $0x1  }
0xa3: {  	[sflag:s23] =	ssyncset.done $0x0  }
0xa4: {  	s25 =	simm.s32 $0x1B8E;
	s24 =	sld [smem:$0x3FFE];
	[sflag:s23] =	ssyncadd.s32 $0xFFFFFFFF  }
0xa5: {  	s26 =	simm.s32 $execute0_lowered;
	[smem:$0x3FD2] =	sst s25  }
0xa6: {  	s4 =	sshll.u32 s26, $0x1;
	_ =	strace $0x8000004C;
	[dreg:$0x1] =	wrdreg $0xFFFFFFFF  }
0xa7: {  	s28 =	simm.s32 $_size_execute0_lowered;
	s2 =	sadd.s32 s2, s4;
	[dreg:$0x0] =	wrdreg $0x0  }
0xa8: {  	s4 =	sshll.u32 s28, $0x1;
	[dreg:$0x2] =	wrdreg s2  }
0xa9: {  	[dreg:$0x3] =	wrdreg s4  }
0xaa: {  	[dreg:$0x4] =	wrdreg $0xC0  }
0xab: {  	_ =	task [dreg:s6], $0x5FFFF  }
0xac: {  	[dreg:$0x1] =	wrdreg $0xFFFFFFFF  }
0xad: {  	[dreg:$0x0] =	wrdreg $0x60  }
0xae: {  	[dreg:$0x2] =	wrdreg s24  }
0xaf: {  	[dreg:$0x3] =	wrdreg $0x90000  }
0xb0: {  	[dreg:$0x4] =	wrdreg $0x9  }
0xb1: {  	_ =	task.clear_ibuf [dreg:s6], $0x5FFFF;
	_ =	strace $0x9000004C  }
0xb2: {  	s29 =	simm.s32 $0x9;
	_ =	strace $0x8000004E  }
0xb3: {  	_ =	swait.ge [sflag:s29], $0x1  }
0xb4: {  	[sflag:s29] =	ssyncadd.s32 $0xFFFFFFFF  }
0xb5: {  	_ =	strace $0x9000004E  }
0xb6: {  	_ =	sfence  }
0xb7: {  	s30 =	sld [smem:$0x0];
	_ =	sdelay $0x2  }
0xb8: {  	s31 =	sshll.u32 s1, $0xD;
	s1 =	sshrl.u32 s1, $0x2  }
0xb9: {  	s3 =	sand.u32 $0x4000, s31;
	s1 =	sadd.s32 s1, s30  }
0xba: {  	s0 =	sor.u32 s3, s0;
	s1 =	sshll.u32 s1, $0x11  }
0xbb: {  	s0 =	sor.u32 s1, s0  }
0xbc: {  	s0 =	sadd.s32 $0x8F2B, s0  }
0xbd: {  	[sflag:s0] =	ssyncadd.remote.s32 $0x1  }
0xbe: {  	_ =	sfence.sel $0xFFFF  }
0xbf: {  	[dreg:$0x0] =	wrdreg $0xFFFFFFFF;
	(pc) =	sbr.abs _section_cstart, $3  }
0xc0: {  	[dreg:$0x1] =	wrdreg $0xFFFFFFFF  }
0xc1: {  	_ =	task.clear_ibuf [dreg:s6], $0x2FFFF;
	_ =	strace $0x9FFFFFFF  }
0xc2: {  	(tm) =	ssettm $0x7FFFFFFF  }
0xc3: {  	_ =	shalt  }
tec
execute0_lowered:
.L_overlay_start_1:
0x0: {  	(tag) =	ssettag $0x1  }
0x1: {  	s0 =	rddreg [dreg:$0x0]  }
0x2: {  	s2 =	rddreg [dreg:$0x1];
	s1 =	srdreg.scid  }
0x3: {  	s9 =	stileid.u32;
	s3 =	simm.s32 $0x0;
	s20 =	simm.s32 $0x1000  }
0x4: {  	s21 =	simm.s32 $0x3;
	s23 =	simm.s32 $0x80;
	s24 =	simm.s32 $0x5000  }
0x5: {  	s28 =	simm.s32 $0x0;
	s1 =	sand.u32 $0x1, s1;
	s5 =	smul.u32 $0x280, s9  }
0x6: {  	[smem:$0x7FF] =	sst s3;
	s4 =	sadd.s32 $0x19800, s0;
	s7 =	smul.u32 $0x50000, s9  }
0x7: {  	s10 =	sadd.s32 $0x5800, s0;
	s11 =	sadd.s32 $0xF800, s0;
	s13 =	smul.u32 $0x2800, s9  }
0x8: {  	s6 =	smul.u32 $0x2800, s1;
	_ =	strace $0x8000004D;
	s26 =	ssub.s32 $0x2, s1  }
0x9: {  	s25 =	sshll.u32 s1, $0x4;
	s1 =	smul.u32 $0x28000, s1;
	s8 =	sshrl.u32 s26, $0x1  }
0xa: {  	s7 =	sshrl.u32 s7, $0x2;
	s5 =	sadd.s32 s5, s6;
	s6 =	sor.u32 s9, s25  }
0xb: {  	s17 =	ssub.s32 s26, s8;
	s1 =	sadd.s32 s13, s1;
	s25 =	simm.s32 $0x1  }
0xc: {  	s26 =	simm.s32 $0x2;
	s5 =	sshll.u32 s5, $0x4;
	s12 =	smul.u32 $0x2800, s6  }
0xd: {  	s1 =	sor.u32 $0x400, s1;
	s0 =	sadd.s32 s5, s0;
	s5 =	sadd.s32 s7, s2  }
0xe: {  	s17 =	smax.u32 s17, $0x1;
	s1 =	sshrl.u32 s1, $0x3;
	s6 =	sadd.s32 $0x4000, s5  }
0xf: {  	s7 =	sadd.s32 $0x8000, s5;
	s8 =	sadd.s32 $0xC000, s5;
	s29 =	sadd.s32 $0x41800, s0  }
0x10: {  	s9 =	sadd.s32 $0x10000, s5;
	s30 =	sadd.s32 $0x42000, s0;
	[dreg:$0x5] =	wrdreg s29  }
0x11: {  	s12 =	sshrl.u32 s12, $0x3;
	s31 =	sadd.s32 $0x42800, s0;
	[dreg:$0x6] =	wrdreg s30  }
0x12: {  	s15 =	sadd.s32 $0x43000, s0;
	s14 =	sadd.s32 s10, s12;
	[dreg:$0x7] =	wrdreg s31  }
0x13: {  	s16 =	sadd.s32 $0x43800, s0;
	s12 =	sadd.s32 s11, s12;
	[dreg:$0x3] =	wrdreg s14  }
0x14: {  	v0 =	vimm.f32 $0.0e+00;
	s18 =	sadd.s32 s1, s11;
	s19 =	sadd.s32 s1, s10;
	[dreg:$0x4] =	wrdreg s12  }
.LBB2_1:
0x15: {  	s0 =	simm.s32 $0x0;
	s1 =	simm.s32 $0x200  }
.LBB2_2:
0x16: {  	p0 =	sne.s32 s1, $0xFE00;
	[tilespmem:s0+$0x1070] =	vst v0  }
0x17: {  	[tilespmem:s0+$0x1000] =	vst v0  }
0x18: {  	[tilespmem:s0+$0x1010] =	vst v0  }
.Ltmp0:
0x19: {  	[tilespmem:s0+$0x1020] =	vst v0;
	(pc) =	sbr.rel @p0 .LBB2_2-.Ltmp0, $4  }
0x1a: {  	[tilespmem:s0+$0x1030] =	vst v0  }
0x1b: {  	[tilespmem:s0+$0x1040] =	vst v0  }
0x1c: {  	[tilespmem:s0+$0x1050] =	vst v0  }
0x1d: {  	[tilespmem:s0+$0x1060] =	vst v0;
	s0 =	sshra.s32 s1, $0x2;
	s1 =	sadd.s32 $0x200, s1  }
0x1e: {  	[tilespmem:s0+$0x1070] =	vst v0  }
0x1f: {  	[tilespmem:s0+$0x1000] =	vst v0  }
0x20: {  	[tilespmem:s0+$0x1010] =	vst v0  }
0x21: {  	[tilespmem:s0+$0x1020] =	vst v0  }
0x22: {  	[tilespmem:s0+$0x1030] =	vst v0  }
0x23: {  	[tilespmem:s0+$0x1040] =	vst v0  }
0x24: {  	[tilespmem:s0+$0x1050] =	vst v0  }
0x25: {  	[tilespmem:s0+$0x1060] =	vst v0  }
0x26: {  	[spmem:s5] =	stream.linear.scatter [tilespmem:s20], [sflag:$0x3], $0x4000, $0x38;
	[tilespmem:$0x1D000] =	vst v63  }
0x27: {  	_ =	swait.ge [sflag:s21], $0x4000  }
0x28: {  	[sflag:s21] =	ssyncset.done $0x0  }
0x29: {  	[sflag:s21] =	ssyncadd.s32 $0xFFFFC000  }
0x2a: {  	[spmem:s6] =	stream.linear.scatter [tilespmem:s20], [sflag:$0x3], $0x4000, $0x38;
	[tilespmem:$0x1D000] =	vst v63  }
0x2b: {  	_ =	swait.ge [sflag:s21], $0x4000  }
0x2c: {  	[sflag:s21] =	ssyncset.done $0x0  }
0x2d: {  	[sflag:s21] =	ssyncadd.s32 $0xFFFFC000  }
0x2e: {  	[spmem:s7] =	stream.linear.scatter [tilespmem:s20], [sflag:$0x3], $0x4000, $0x38;
	[tilespmem:$0x1D000] =	vst v63  }
0x2f: {  	_ =	swait.ge [sflag:s21], $0x4000  }
0x30: {  	[sflag:s21] =	ssyncset.done $0x0  }
0x31: {  	[sflag:s21] =	ssyncadd.s32 $0xFFFFC000  }
0x32: {  	[spmem:s8] =	stream.linear.scatter [tilespmem:s20], [sflag:$0x3], $0x4000, $0x38;
	[tilespmem:$0x1D000] =	vst v63  }
0x33: {  	_ =	swait.ge [sflag:s21], $0x4000  }
0x34: {  	[sflag:s21] =	ssyncset.done $0x0  }
0x35: {  	[sflag:s21] =	ssyncadd.s32 $0xFFFFC000  }
0x36: {  	[spmem:s9] =	stream.linear.scatter [tilespmem:s20], [sflag:$0x3], $0x4000, $0x38;
	[tilespmem:$0x1D000] =	vst v63  }
0x37: {  	_ =	swait.ge [sflag:s21], $0x4000  }
0x38: {  	[sflag:s21] =	ssyncset.done $0x0  }
0x39: {  	s14 =	simm.s32 $0x0;
	s1 =	rddreg [dreg:$0x3];
	[sflag:s21] =	ssyncadd.s32 $0xFFFFC000  }
0x3a: {  	[tilespmem:s14], [sflag:$0x3] =	stream.linear.gather [hbm4b:s1+s14], $0x400, $0x38;
	[tilespmem:$0x1D000] =	vst v63  }
0x3b: {  	_ =	swait.ge [sflag:s21], $0x400  }
0x3c: {  	[sflag:s21] =	ssyncset.done $0x0  }
0x3d: {  	s10 =	simm.s32 $0x800;
	s22 =	rddreg [dreg:$0x4];
	[sflag:s21] =	ssyncadd.s32 $0xFFFFFC00  }
0x3e: {  	[tilespmem:s10], [sflag:$0x3] =	stream.linear.gather [hbm4b:s22+s14], $0x400, $0x38;
	[tilespmem:$0x1D000] =	vst v63  }
0x3f: {  	s11 =	simm.s32 $0x0;
	_ =	swait.ge [sflag:s21], $0x400  }
0x40: {  	p0 =	por $0x0, $0x0;
	s0 =	sand.u32 $0x3, s14;
	[sflag:s21] =	ssyncset.done $0x0  }
0x41: {  	s12 =	sshll.u32 s0, $0x8;
	s1 =	sand.u32 $0x400, s11;
	[sflag:s21] =	ssyncadd.s32 $0xFFFFFC00  }
0x42: {  	p1 =	sne.s32 @!p0 s0, $0x0;
	s1 =	sor.u32 s12, s1;
	[bflag:$0x0] =	sbarrier.arrive $0xFFFF  }
0x43: {  	[tilespmem:s20], [sflag:$0x1] =	stream.indirect.gather [hbm4b:s4+s23], $0x80, s1, s23, $0xb8;
	[tilespmem:$0x1D000] =	vst v63  }
0x44: {  	s0 =	simm.s32 $0x400;
	p0 =	por p1, p0;
	s10 =	sor.u32 $0x80, s1  }
0x45: {  	[tilespmem:s24], [sflag:$0x2] =	stream.indirect.gather [hbm4b:s4+s23], $0x80, s10, s23, $0xb8;
	[tilespmem:$0x1D000] =	vst v63  }
0x46: {  	s0 =	sand.u32 @!p0 $0x400, s0;
	s11 =	simm.s32 @!p0 $0x0;
	s22 =	simm.s32 @!p0 $0x3  }
0x47: {  	[tilespmem:s0], [sflag:$0x3] =	stream.linear.gather @!p0 [hbm4b:s19+s11], $0x400, $0x38;
	[tilespmem:$0x1D000] =	vst v63  }
0x48: {  	_ =	swait.ge @!p0 [sflag:s22], $0x400  }
0x49: {  	[sflag:s22] =	ssyncset.done @!p0 $0x0  }
0x4a: {  	s0 =	sor.u32 @!p0 $0x800, s0;
	[sflag:s22] =	ssyncadd.s32 @!p0 $0xFFFFFC00  }
0x4b: {  	[tilespmem:s0], [sflag:$0x3] =	stream.linear.gather @!p0 [hbm4b:s18+s11], $0x400, $0x38;
	[tilespmem:$0x1D000] =	vst v63  }
0x4c: {  	_ =	swait.ge @!p0 [sflag:s22], $0x400  }
0x4d: {  	[sflag:s22] =	ssyncset.done @!p0 $0x0  }
0x4e: {  	[sflag:s22] =	ssyncadd.s32 @!p0 $0xFFFFFC00  }
0x4f: {  	_ =	swait.ge [sflag:s25], $0x4000  }
0x50: {  	[sflag:s25] =	ssyncset.done $0x0  }
0x51: {  	s13 =	sor.u32 $0x800, s1;
	[sflag:s25] =	ssyncadd.s32 $0xFFFFC000  }
0x52: {  	[spmem:s2] =	stream.indirect.scatter.add.f32 [tilespmem:s20], [sflag:$0x3], $0x80, s13, s23, $0xb8;
	[tilespmem:$0x1D000] =	vst v63  }
0x53: {  	_ =	swait.ge [sflag:s21], $0x4000  }
0x54: {  	[sflag:s21] =	ssyncset.done $0x0  }
0x55: {  	s31 =	simm.s32 $0x600;
	[sflag:s21] =	ssyncadd.s32 $0xFFFFC000  }
0x56: {  	s29 =	sadd.s32 $0x20, s18;
	s30 =	sadd.s32 $0x20, s19;
	_ =	swait.ge [sflag:s26], $0x4000  }
0x57: {  	p1 =	por $0x0, $0x0;
	s14 =	simm.s32 $0x100;
	[sflag:s26] =	ssyncset.done $0x0  }
0x58: {  	s1 =	simm.s32 $0x1;
	s10 =	sor.u32 $0x800, s10;
	[sflag:s26] =	ssyncadd.s32 $0xFFFFC000  }
0x59: {  	[spmem:s2] =	stream.indirect.scatter.add.f32 [tilespmem:s24], [sflag:$0x3], $0x80, s10, s23, $0xb8;
	[tilespmem:$0x1D000] =	vst v63  }
0x5a: {  	s0 =	simm.s32 $0x500;
	s22 =	sand.u32 $0x3, s1;
	_ =	swait.ge [sflag:s21], $0x4000  }
0x5b: {  	s11 =	sand.u32 $0x400, s14;
	s10 =	sshll.u32 s22, $0x8;
	[sflag:s21] =	ssyncset.done $0x0  }
.LBB2_4:
0x5c: {  	s10 =	sor.u32 s10, s11  }
0x5d: {  	p0 =	sne.s32 @!p1 s22, $0x0;
	[sflag:s21] =	ssyncadd.s32 $0xFFFFC000;
	s11 =	smov.u32 s31  }
0x5e: {  	[tilespmem:s20], [sflag:$0x1] =	stream.indirect.gather [hbm4b:s4+s23], $0x80, s10, s23, $0xb8;
	[tilespmem:$0x1D000] =	vst v63  }
0x5f: {  	s31 =	sadd.s32 $0x100, s31;
	s22 =	sor.u32 $0x80, s10;
	p1 =	por p0, p1  }
0x60: {  	[tilespmem:s24], [sflag:$0x2] =	stream.indirect.gather [hbm4b:s4+s23], $0x80, s22, s23, $0xb8;
	[tilespmem:$0x1D000] =	vst v63  }
0x61: {  	s0 =	sand.u32 @!p1 $0x400, s0;
	s12 =	simm.s32 @!p1 $0x0;
	s13 =	simm.s32 @!p1 $0x3  }
0x62: {  	[tilespmem:s0], [sflag:$0x3] =	stream.linear.gather @!p1 [hbm4b:s30+s12], $0x400, $0x38;
	[tilespmem:$0x1D000] =	vst v63  }
0x63: {  	p0 =	sne.s32 s31, $0x2C00;
	s14 =	sor.u32 @!p1 $0x800, s0;
	_ =	swait.ge @!p1 [sflag:s13], $0x400  }
0x64: {  	s0 =	smov.u32 s11;
	[sflag:s13] =	ssyncset.done @!p1 $0x0  }
0x65: {  	[sflag:s13] =	ssyncadd.s32 @!p1 $0xFFFFFC00  }
0x66: {  	[tilespmem:s14], [sflag:$0x3] =	stream.linear.gather @!p1 [hbm4b:s29+s12], $0x400, $0x38;
	[tilespmem:$0x1D000] =	vst v63  }
0x67: {  	_ =	swait.ge @!p1 [sflag:s13], $0x400  }
0x68: {  	[sflag:s13] =	ssyncset.done @!p1 $0x0  }
0x69: {  	[sflag:s13] =	ssyncadd.s32 @!p1 $0xFFFFFC00  }
0x6a: {  	_ =	swait.ge [sflag:s25], $0x4000  }
0x6b: {  	[sflag:s25] =	ssyncset.done $0x0  }
0x6c: {  	s10 =	sor.u32 $0x800, s10;
	[sflag:s25] =	ssyncadd.s32 $0xFFFFC000  }
0x6d: {  	[spmem:s2] =	stream.indirect.scatter.add.f32 [tilespmem:s20], [sflag:$0x3], $0x80, s10, s23, $0xb8;
	[tilespmem:$0x1D000] =	vst v63  }
0x6e: {  	_ =	swait.ge [sflag:s21], $0x4000  }
0x6f: {  	[sflag:s21] =	ssyncset.done $0x0  }
0x70: {  	[sflag:s21] =	ssyncadd.s32 $0xFFFFC000  }
0x71: {  	s30 =	sadd.s32 $0x20, s30;
	s29 =	sadd.s32 $0x20, s29;
	_ =	swait.ge [sflag:s26], $0x4000  }
.Ltmp1:
0x72: {  	s1 =	sadd.s32 $0x1, s1;
	[sflag:s26] =	ssyncset.done $0x0;
	(pc) =	sbr.rel @p0 .LBB2_4-.Ltmp1, $4  }
0x73: {  	p1 =	sgt.u32 s1, $0x23;
	s10 =	sor.u32 $0x800, s22;
	[sflag:s26] =	ssyncadd.s32 $0xFFFFC000  }
0x74: {  	[spmem:s2] =	stream.indirect.scatter.add.f32 [tilespmem:s24], [sflag:$0x3], $0x80, s10, s23, $0xb8;
	[tilespmem:$0x1D000] =	vst v63  }
0x75: {  	s11 =	sadd.s32 $0xFFFFFC00, s0;
	s22 =	sand.u32 $0x3, s1;
	_ =	swait.ge [sflag:s21], $0x4000  }
0x76: {  	s11 =	sand.u32 $0x400, s11;
	s10 =	sshll.u32 s22, $0x8;
	[sflag:s21] =	ssyncset.done $0x0  }
0x77: {  	s1 =	sor.u32 s10, s11;
	p0 =	sne.s32 @!p1 s22, $0x0;
	[sflag:s21] =	ssyncadd.s32 $0xFFFFC000  }
0x78: {  	[tilespmem:s20], [sflag:$0x1] =	stream.indirect.gather [hbm4b:s4+s23], $0x80, s1, s23, $0xb8;
	[tilespmem:$0x1D000] =	vst v63  }
0x79: {  	s10 =	sor.u32 $0x80, s1;
	p0 =	por p0, p1  }
0x7a: {  	[tilespmem:s24], [sflag:$0x2] =	stream.indirect.gather [hbm4b:s4+s23], $0x80, s10, s23, $0xb8;
	[tilespmem:$0x1D000] =	vst v63  }
0x7b: {  	s0 =	sand.u32 @!p0 $0x400, s0;
	s11 =	simm.s32 @!p0 $0x0;
	s12 =	simm.s32 @!p0 $0x3  }
0x7c: {  	[tilespmem:s0], [sflag:$0x3] =	stream.linear.gather @!p0 [hbm4b:s30+s11], $0x400, $0x38;
	[tilespmem:$0x1D000] =	vst v63  }
0x7d: {  	_ =	swait.ge @!p0 [sflag:s12], $0x400  }
0x7e: {  	[sflag:s12] =	ssyncset.done @!p0 $0x0  }
0x7f: {  	s0 =	sor.u32 @!p0 $0x800, s0;
	[sflag:s12] =	ssyncadd.s32 @!p0 $0xFFFFFC00  }
0x80: {  	[tilespmem:s0], [sflag:$0x3] =	stream.linear.gather @!p0 [hbm4b:s29+s11], $0x400, $0x38;
	[tilespmem:$0x1D000] =	vst v63  }
0x81: {  	_ =	swait.ge @!p0 [sflag:s12], $0x400  }
0x82: {  	[sflag:s12] =	ssyncset.done @!p0 $0x0  }
0x83: {  	[sflag:s12] =	ssyncadd.s32 @!p0 $0xFFFFFC00  }
0x84: {  	_ =	swait.ge [sflag:s25], $0x4000  }
0x85: {  	[sflag:s25] =	ssyncset.done $0x0  }
0x86: {  	s14 =	sor.u32 $0x800, s1;
	[sflag:s25] =	ssyncadd.s32 $0xFFFFC000  }
0x87: {  	[spmem:s2] =	stream.indirect.scatter.add.f32 [tilespmem:s20], [sflag:$0x3], $0x80, s14, s23, $0xb8;
	[tilespmem:$0x1D000] =	vst v63  }
0x88: {  	_ =	swait.ge [sflag:s21], $0x4000  }
0x89: {  	[sflag:s21] =	ssyncset.done $0x0  }
0x8a: {  	[sflag:s21] =	ssyncadd.s32 $0xFFFFC000  }
0x8b: {  	_ =	swait.ge [sflag:s26], $0x4000  }
0x8c: {  	[sflag:s26] =	ssyncset.done $0x0  }
0x8d: {  	s22 =	sor.u32 $0x800, s10;
	[sflag:s26] =	ssyncadd.s32 $0xFFFFC000  }
0x8e: {  	[spmem:s2] =	stream.indirect.scatter.add.f32 [tilespmem:s24], [sflag:$0x3], $0x80, s22, s23, $0xb8;
	[tilespmem:$0x1D000] =	vst v63  }
0x8f: {  	_ =	swait.ge [sflag:s21], $0x4000  }
0x90: {  	[sflag:s21] =	ssyncset.done $0x0  }
0x91: {  	[sflag:s21] =	ssyncadd.s32 $0xFFFFC000  }
0x92: {  	[bflag:$0x0] =	sbarrier.arrive $0xFFFF  }
0x93: {  	[tilespmem:s20], [sflag:$0x3] =	stream.linear.gather [spmem:s5], $0x4000, $0x38;
	[tilespmem:$0x1D000] =	vst v63  }
0x94: {  	_ =	swait.ge [sflag:s21], $0x4000  }
0x95: {  	[sflag:s21] =	ssyncset.done $0x0  }
0x96: {  	s29 =	rddreg [dreg:$0x5];
	[sflag:s21] =	ssyncadd.s32 $0xFFFFC000  }
0x97: {  	[hbm4b:s29+s3] =	stream.linear.scatter [tilespmem:s20], [sflag:$0x3], $0x4000, $0x38;
	[tilespmem:$0x1D000] =	vst v63  }
0x98: {  	_ =	swait.ge [sflag:s21], $0x4000  }
0x99: {  	[sflag:s21] =	ssyncset.done $0x0  }
0x9a: {  	[sflag:s21] =	ssyncadd.s32 $0xFFFFC000  }
0x9b: {  	[tilespmem:s20], [sflag:$0x3] =	stream.linear.gather [spmem:s6], $0x4000, $0x38;
	[tilespmem:$0x1D000] =	vst v63  }
0x9c: {  	_ =	swait.ge [sflag:s21], $0x4000  }
0x9d: {  	[sflag:s21] =	ssyncset.done $0x0  }
0x9e: {  	s30 =	rddreg [dreg:$0x6];
	[sflag:s21] =	ssyncadd.s32 $0xFFFFC000  }
0x9f: {  	[hbm4b:s30+s3] =	stream.linear.scatter [tilespmem:s20], [sflag:$0x3], $0x4000, $0x38;
	[tilespmem:$0x1D000] =	vst v63  }
0xa0: {  	_ =	swait.ge [sflag:s21], $0x4000  }
0xa1: {  	[sflag:s21] =	ssyncset.done $0x0  }
0xa2: {  	[sflag:s21] =	ssyncadd.s32 $0xFFFFC000  }
0xa3: {  	[tilespmem:s20], [sflag:$0x3] =	stream.linear.gather [spmem:s7], $0x4000, $0x38;
	[tilespmem:$0x1D000] =	vst v63  }
0xa4: {  	_ =	swait.ge [sflag:s21], $0x4000  }
0xa5: {  	[sflag:s21] =	ssyncset.done $0x0  }
0xa6: {  	s31 =	rddreg [dreg:$0x7];
	[sflag:s21] =	ssyncadd.s32 $0xFFFFC000  }
0xa7: {  	[hbm4b:s31+s3] =	stream.linear.scatter [tilespmem:s20], [sflag:$0x3], $0x4000, $0x38;
	[tilespmem:$0x1D000] =	vst v63  }
0xa8: {  	_ =	swait.ge [sflag:s21], $0x4000  }
0xa9: {  	[sflag:s21] =	ssyncset.done $0x0  }
0xaa: {  	[sflag:s21] =	ssyncadd.s32 $0xFFFFC000  }
0xab: {  	[tilespmem:s20], [sflag:$0x3] =	stream.linear.gather [spmem:s8], $0x4000, $0x38;
	[tilespmem:$0x1D000] =	vst v63  }
0xac: {  	_ =	swait.ge [sflag:s21], $0x4000  }
0xad: {  	[sflag:s21] =	ssyncset.done $0x0  }
0xae: {  	[sflag:s21] =	ssyncadd.s32 $0xFFFFC000  }
0xaf: {  	[hbm4b:s15+s3] =	stream.linear.scatter [tilespmem:s20], [sflag:$0x3], $0x4000, $0x38;
	[tilespmem:$0x1D000] =	vst v63  }
0xb0: {  	_ =	swait.ge [sflag:s21], $0x4000  }
0xb1: {  	[sflag:s21] =	ssyncset.done $0x0  }
0xb2: {  	[sflag:s21] =	ssyncadd.s32 $0xFFFFC000  }
0xb3: {  	[tilespmem:s20], [sflag:$0x3] =	stream.linear.gather [spmem:s9], $0x4000, $0x38;
	[tilespmem:$0x1D000] =	vst v63  }
0xb4: {  	s28 =	sadd.s32 $0x1, s28;
	_ =	swait.ge [sflag:s21], $0x4000  }
0xb5: {  	p0 =	sne.s32 s28, s17;
	[sflag:s21] =	ssyncset.done $0x0  }
.Ltmp2:
0xb6: {  	[sflag:s21] =	ssyncadd.s32 $0xFFFFC000;
	(pc) =	sbr.rel @p0 .LBB2_1-.Ltmp2, $4  }
0xb7: {  	[hbm4b:s16+s3] =	stream.linear.scatter [tilespmem:s20], [sflag:$0x3], $0x4000, $0x38;
	[tilespmem:$0x1D000] =	vst v63  }
0xb8: {  	_ =	swait.ge [sflag:s21], $0x4000  }
0xb9: {  	[sflag:s21] =	ssyncset.done $0x0  }
0xba: {  	[sflag:s21] =	ssyncadd.s32 $0xFFFFC000  }
0xbb: {  	_ =	sfence.sel $0x180000  }
0xbc: {  	[bflag:$0x0] =	sbarrier.arrive $0xFFFF  }
0xbd: {  	_ =	strace $0x9000004D  }
0xbe: {  	s0 =	stileid.u32;
	[bflag:$0x2] =	sbarrier.arrive $0xFFFF  }
0xbf: {  	p0 =	sne.s32 s0, $0x0;
	s0 =	rddreg [dreg:$0x2]  }
0xc0: {  	s0 =	sadd.s32 @!p0 $0x100000, s0  }
0xc1: {  	[sflag:s0] =	ssyncadd.tile.s32 @!p0 $0x1;
	_ =	shalt  }
.Lfunc_end2:
_tile_overlayer_lowered:
.L_overlay_start_2:
0xc2: {  	(tag) =	ssettag $0x2  }
0xc3: {  	s0 =	rddreg [dreg:$0x0];
	s2 =	stileid.u32  }
0xc4: {  	s1 =	rddreg [dreg:$0x1];
	p0 =	sne.s32 s2, $0x0  }
0xc5: {  	s3 =	rddreg [dreg:$0x2];
	[bflag:$0x3] =	sbarrier.arrive $0xFFFF;
	s2 =	simm.s32 @!p0 $0x1C03  }
0xc6: {  	[timem:s3], [sflag:s2] =	dma.local @!p0 [hbm:s0], s1  }
0xc7: {  	s0 =	simm.s32 @!p0 $0x3  }
0xc8: {  	_ =	swait.ge @!p0 [sflag:s0], s1  }
0xc9: {  	s1 =	ssub.s32 @!p0 $0x0, s1;
	[sflag:s0] =	ssyncset.done @!p0 $0x0  }
0xca: {  	[sflag:s0] =	ssyncadd.s32 @!p0 s1  }
0xcb: {  	[bflag:$0x3] =	sbarrier.arrive $0xFFFF  }
0xcc: {  	_ =	shalt  }

// kernel: kernel.21.cloned.1.call-start
scs
__scs_entry_jumppad:
0x0: {  	(pc) =	sbr.rel $0x88, $3  }
0x1: {  	(tag) =	ssettag $0x0;
	lr =	simm.s32 $0x1  }
0x2: {  	[smem:$0x3F91] =	sst lr;
	_ =	strace $0xD0000000  }
0x3: {  	_ = 	snop  }
0x4: {  	_ = 	snop  }
0x5: {  	_ = 	snop  }
0x6: {  	_ = 	snop  }
0x7: {  	_ = 	snop  }
__scs_overlays_trampoline_lowered:
0x8: {  	[smem:$0x3FA0] =	sst s0  }
0x9: {  	[smem:$0x3FA1] =	sst s1  }
0xa: {  	[smem:$0x3FA2] =	sst s2  }
0xb: {  	[smem:$0x3FA3] =	sst s3  }
0xc: {  	[smem:$0x3FA4] =	sst s4  }
0xd: {  	[smem:$0x3FA5] =	sst s5  }
0xe: {  	[smem:$0x3FA6] =	sst s6  }
0xf: {  	[smem:$0x3FA7] =	sst s7  }
0x10: {  	[smem:$0x3FA8] =	sst s8  }
0x11: {  	[smem:$0x3FA9] =	sst s9;
	s0 =	simm.s32 @!p0 $0x0  }
0x12: {  	s1 =	sld [smem:$0x3F8F];
	s0 =	simm.s32 @p0 $0x1  }
0x13: {  	[smem:$0x3FAA] =	sst s0;
	s0 =	simm.s32 @!p1 $0x0  }
0x14: {  	s2 =	sld [smem:$0x3F8E];
	s0 =	simm.s32 @p1 $0x1  }
0x15: {  	[smem:$0x3FAB] =	sst s0;
	s0 =	simm.s32 @!p2 $0x0  }
0x16: {  	s3 =	sld [smem:$0x3FDB];
	s0 =	simm.s32 @p2 $0x1  }
0x17: {  	s4 =	simm.s32 $0x1BF5;
	[smem:$0x3FAD] =	sst s0  }
0x18: {  	s0 =	sld [smem:$0x3F90];
	_ =	swait.ge [sflag:s4], $0x0  }
0x19: {  	s7 =	sld [smem:$0x3F91]  }
0x1a: {  	s8 =	sadd.s32 $0xFFFFE003, lr  }
0x1b: {  	s9 =	sadd.s32 $0xFFFFFEF7, lr;
	s5 =	simm.s32 $0xFFFFFFFF;
	p2 =	slt.u32 s8, $0xFFFFF086  }
0x1c: {  	p1 =	slt.u32 s9, $0xF7A;
	s5 =	simm.s32 @!p2 $0x0  }
0x1d: {  	s5 =	simm.s32 @p1 $0x1;
	p0 =	seq.s32 s7, s2  }
0x1e: {  	s7 =	smul.u32 @!p0 $0xF7A, s2;
	p2 =	seq.s32 @!p0 s5, $0x0  }
0x1f: {  	s9 =	smul.u32 $0xF7A, s1;
	s8 =	simm.s32 @!p0 $0x1BF5;
	p2 =	por !p2, p0  }
0x20: {  	[sflag:s8] =	ssyncset.s32 @!p0 $0xFFFFF086;
	s6 =	sadd.s32 @!p0 s3, s7;
	s7 =	simm.s32 @!p0 $0x108  }
0x21: {  	s3 =	sadd.s32 s3, s9;
	s6 =	sadd.s32 @!p0 $0x88, s6;
	s7 =	simm.s32 @p2 $0x1082  }
0x22: {  	[simem:s7], [sflag:s8] =	dma.local @!p0 [hbm:s6], $0xF7A  }
0x23: {  	s9 =	sor.u32 $0xD0000000, s2;
	s6 =	simm.s32 $0x108;
	_ =	swait.ge @!p0 [sflag:s8], $0x0  }
0x24: {  	s3 =	sadd.s32 $0x88, s3;
	s6 =	simm.s32 @!p1 $0x1082;
	[sflag:s4] =	ssyncset.s32 $0xFFFFF086  }
0x25: {  	[simem:s6], [sflag:s4] =	dma.local [hbm:s3], $0xF7A  }
0x26: {  	[smem:$0x3F91] =	sst s1;
	(tag) =	ssettag s2;
	_ =	strace s9  }
0x27: {  	s1 =	sld [smem:$0x3FA1]  }
0x28: {  	s2 =	sld [smem:$0x3FA2]  }
0x29: {  	s4 =	sld [smem:$0x3FA4]  }
0x2a: {  	p0 =	seq.s32 s5, $0x0;
	s5 =	sld [smem:$0x3FA5]  }
0x2b: {  	s6 =	sld [smem:$0x3FA6]  }
0x2c: {  	s7 =	sld [smem:$0x3FA7]  }
0x2d: {  	s3 =	simm.s32 $0x108;
	s8 =	sld [smem:$0x3FA8]  }
0x2e: {  	s3 =	simm.s32 @!p0 $0x1082;
	s9 =	sld [smem:$0x3FA9]  }
0x2f: {  	lr =	sadd.s32 s0, s3;
	s0 =	sld [smem:$0x3FA0]  }
0x30: {  	s3 =	sld [smem:$0x3FA3]  }
0x31: {  	[smem:$0x3FAC] =	sst s10  }
0x32: {  	s10 =	sld [smem:$0x3FAA];
	_ =	sdelay $0x3  }
0x33: {  	p0 =	seq.s32 s10, $0x1;
	s10 =	sld [smem:$0x3FAC];
	_ =	sdelay $0x3  }
0x34: {  	[smem:$0x3FAC] =	sst s10  }
0x35: {  	s10 =	sld [smem:$0x3FAB];
	_ =	sdelay $0x3  }
0x36: {  	p1 =	seq.s32 s10, $0x1;
	s10 =	sld [smem:$0x3FAC];
	_ =	sdelay $0x3  }
0x37: {  	[smem:$0x3FAC] =	sst s10  }
0x38: {  	s10 =	sld [smem:$0x3FAD]  }
0x39: {  	_ = 	snop;
	(pc) =	sbr.ind lr, $3  }
0x3a: {  	_ = 	snop  }
0x3b: {  	_ = 	snop  }
0x3c: {  	p2 =	seq.s32 s10, $0x1;
	s10 =	sld [smem:$0x3FAC]  }
0x3d: {  	_ =	shalt  }
0x3e: {  	_ =	shalt  }
0x3f: {  	_ =	shalt  }
0x40: {  	_ =	shalt  }
0x41: {  	_ =	shalt  }
0x42: {  	_ =	shalt  }
0x43: {  	_ =	shalt  }
0x44: {  	_ =	shalt  }
0x45: {  	_ =	shalt  }
0x46: {  	_ =	shalt  }
0x47: {  	_ =	shalt  }
0x48: {  	_ =	shalt  }
0x49: {  	_ =	shalt  }
0x4a: {  	_ =	shalt  }
0x4b: {  	_ =	shalt  }
0x4c: {  	_ =	shalt  }
0x4d: {  	_ =	shalt  }
0x4e: {  	_ =	shalt  }
0x4f: {  	_ =	shalt  }
0x50: {  	_ =	shalt  }
0x51: {  	_ =	shalt  }
0x52: {  	_ =	shalt  }
0x53: {  	_ =	shalt  }
0x54: {  	_ =	shalt  }
0x55: {  	_ =	shalt  }
0x56: {  	_ =	shalt  }
0x57: {  	_ =	shalt  }
0x58: {  	_ =	shalt  }
0x59: {  	_ =	shalt  }
0x5a: {  	_ =	shalt  }
0x5b: {  	_ =	shalt  }
0x5c: {  	_ =	shalt  }
0x5d: {  	_ =	shalt  }
0x5e: {  	_ =	shalt  }
0x5f: {  	_ =	shalt  }
0x60: {  	_ =	shalt  }
0x61: {  	_ =	shalt  }
0x62: {  	_ =	shalt  }
0x63: {  	_ =	shalt  }
0x64: {  	_ =	shalt  }
0x65: {  	_ =	shalt  }
0x66: {  	_ =	shalt  }
0x67: {  	_ =	shalt  }
0x68: {  	_ =	shalt  }
0x69: {  	_ =	shalt  }
0x6a: {  	_ =	shalt  }
0x6b: {  	_ =	shalt  }
0x6c: {  	_ =	shalt  }
0x6d: {  	_ =	shalt  }
0x6e: {  	_ =	shalt  }
0x6f: {  	_ =	shalt  }
0x70: {  	_ =	shalt  }
0x71: {  	_ =	shalt  }
0x72: {  	_ =	shalt  }
0x73: {  	_ =	shalt  }
0x74: {  	_ =	shalt  }
0x75: {  	_ =	shalt  }
0x76: {  	_ =	shalt  }
0x77: {  	_ =	shalt  }
0x78: {  	_ =	shalt  }
0x79: {  	_ =	shalt  }
0x7a: {  	_ =	shalt  }
0x7b: {  	_ =	shalt  }
0x7c: {  	_ =	shalt  }
0x7d: {  	_ =	shalt  }
0x7e: {  	_ =	shalt  }
0x7f: {  	_ =	shalt  }
0x80: {  	_ =	shalt  }
0x81: {  	_ =	shalt  }
0x82: {  	_ =	shalt  }
0x83: {  	_ =	shalt  }
0x84: {  	_ =	shalt  }
0x85: {  	_ =	shalt  }
0x86: {  	_ =	shalt  }
0x87: {  	_ =	shalt  }
.Lfunc_end0:
.L_simem_size_0:
called_computation.3_lowered:
.L_overlay_start_0:
0x88: {  	s2 =	sld [smem:$0x3FD9]  }
0x89: {  	s3 =	sld [smem:$0x3FFE];
	_ =	sdelay $0x1  }
0x8a: {  	s1 =	srdreg.scid  }
0x8b: {  	s0 =	sand.u32 $0x1, s1  }
0x8c: {  	s16 =	sshll.u32 s0, $0xA;
	s2 =	sadd.s32 s3, s2  }
0x8d: {  	s2 =	sadd.s32 s2, s16  }
0x8e: {  	[smem:$0x3FB8] =	sst s2  }
0x8f: {  	_ = 	snop  }
0x90: {  	(tm) =	ssettm $0x1  }
0x91: {  	s17 =	sld [smem:$0x3FFB];
	_ =	sdelay $0x3  }
0x92: {  	_ =	strace s17  }
0x93: {  	s2 =	sld [smem:$0x3FFC];
	_ =	sdelay $0x3  }
0x94: {  	_ =	strace s2  }
0x95: {  	s2 =	sld [smem:$0x3FFD];
	_ =	sdelay $0x3  }
0x96: {  	_ =	strace s2  }
0x97: {  	_ =	strace $0x8FFFFFFF  }
0x98: {  	s18 =	sld [smem:$0x3FDB];
	_ =	sdelay $0x1  }
0x99: {  	s19 =	simm.s32 $_scs_section_size  }
0x9a: {  	s4 =	simm.s32 $_size__tile_overlayer_lowered;
	s5 =	simm.s32 $_tile_overlayer_lowered  }
0x9b: {  	s22 =	simm.s32 $0x1BFF;
	s21 =	sshll.u32 s5, $0x1;
	s2 =	sadd.s32 s19, s18  }
0x9c: {  	s6 =	simm.s32 $0x0;
	s20 =	sshll.u32 s4, $0x1;
	s4 =	sadd.s32 s21, s2  }
0x9d: {  	[timem:s6], [sflag:s22] =	dma.local [hbm:s4], s20  }
0x9e: {  	_ =	swait.ge [sflag:s22], s20  }
0x9f: {  	s3 =	ssub.s32 $0x0, s20;
	[sflag:s22] =	ssyncset.done $0x0  }
0xa0: {  	[sflag:s22] =	ssyncadd.s32 s3;
	_ =	sdelay $0x1  }
0xa1: {  	s23 =	simm.s32 $0x1B8B  }
0xa2: {  	_ =	swait.ge [sflag:s23], $0x1  }
0xa3: {  	[sflag:s23] =	ssyncset.done $0x0  }
0xa4: {  	s25 =	simm.s32 $0x1B8E;
	s24 =	sld [smem:$0x3FFE];
	[sflag:s23] =	ssyncadd.s32 $0xFFFFFFFF  }
0xa5: {  	s26 =	simm.s32 $execute0_lowered;
	[smem:$0x3FD2] =	sst s25  }
0xa6: {  	s4 =	sshll.u32 s26, $0x1;
	_ =	strace $0x8000004F;
	[dreg:$0x1] =	wrdreg $0xFFFFFFFF  }
0xa7: {  	s28 =	simm.s32 $_size_execute0_lowered;
	s2 =	sadd.s32 s2, s4;
	[dreg:$0x0] =	wrdreg $0x0  }
0xa8: {  	s4 =	sshll.u32 s28, $0x1;
	[dreg:$0x2] =	wrdreg s2  }
0xa9: {  	[dreg:$0x3] =	wrdreg s4  }
0xaa: {  	[dreg:$0x4] =	wrdreg $0xC0  }
0xab: {  	_ =	task [dreg:s6], $0x5FFFF  }
0xac: {  	[dreg:$0x1] =	wrdreg $0xFFFFFFFF  }
0xad: {  	[dreg:$0x0] =	wrdreg $0x60  }
0xae: {  	[dreg:$0x2] =	wrdreg s24  }
0xaf: {  	[dreg:$0x3] =	wrdreg $0x90000  }
0xb0: {  	[dreg:$0x4] =	wrdreg $0x9  }
0xb1: {  	_ =	task.clear_ibuf [dreg:s6], $0x5FFFF;
	_ =	strace $0x9000004F  }
0xb2: {  	s29 =	simm.s32 $0x9;
	_ =	strace $0x80000051  }
0xb3: {  	_ =	swait.ge [sflag:s29], $0x1  }
0xb4: {  	[sflag:s29] =	ssyncadd.s32 $0xFFFFFFFF  }
0xb5: {  	_ =	strace $0x90000051  }
0xb6: {  	_ =	sfence  }
0xb7: {  	s30 =	sld [smem:$0x0];
	_ =	sdelay $0x2  }
0xb8: {  	s31 =	sshll.u32 s1, $0xD;
	s1 =	sshrl.u32 s1, $0x2  }
0xb9: {  	s3 =	sand.u32 $0x4000, s31;
	s1 =	sadd.s32 s1, s30  }
0xba: {  	s0 =	sor.u32 s3, s0;
	s1 =	sshll.u32 s1, $0x11  }
0xbb: {  	s0 =	sor.u32 s1, s0  }
0xbc: {  	s0 =	sadd.s32 $0x8F2B, s0  }
0xbd: {  	[sflag:s0] =	ssyncadd.remote.s32 $0x1  }
0xbe: {  	_ =	sfence.sel $0xFFFF  }
0xbf: {  	[dreg:$0x0] =	wrdreg $0xFFFFFFFF;
	(pc) =	sbr.abs _section_cstart, $3  }
0xc0: {  	[dreg:$0x1] =	wrdreg $0xFFFFFFFF  }
0xc1: {  	_ =	task.clear_ibuf [dreg:s6], $0x2FFFF;
	_ =	strace $0x9FFFFFFF  }
0xc2: {  	(tm) =	ssettm $0x7FFFFFFF  }
0xc3: {  	_ =	shalt  }
tec
execute0_lowered:
.L_overlay_start_1:
0x0: {  	(tag) =	ssettag $0x1  }
0x1: {  	s0 =	rddreg [dreg:$0x0]  }
0x2: {  	s2 =	rddreg [dreg:$0x1];
	s1 =	srdreg.scid  }
0x3: {  	s9 =	stileid.u32;
	s3 =	simm.s32 $0x0;
	s20 =	simm.s32 $0x1000  }
0x4: {  	s21 =	simm.s32 $0x3;
	s23 =	simm.s32 $0x80;
	s24 =	simm.s32 $0x5000  }
0x5: {  	s28 =	simm.s32 $0x0;
	s1 =	sand.u32 $0x1, s1;
	s5 =	smul.u32 $0x280, s9  }
0x6: {  	[smem:$0x7FF] =	sst s3;
	s4 =	sadd.s32 $0x19800, s0;
	s7 =	smul.u32 $0x50000, s9  }
0x7: {  	s10 =	sadd.s32 $0x5800, s0;
	s11 =	sadd.s32 $0xF800, s0;
	s13 =	smul.u32 $0x2800, s9  }
0x8: {  	s6 =	smul.u32 $0x2800, s1;
	_ =	strace $0x80000050;
	s26 =	ssub.s32 $0x2, s1  }
0x9: {  	s25 =	sshll.u32 s1, $0x4;
	s1 =	smul.u32 $0x28000, s1;
	s8 =	sshrl.u32 s26, $0x1  }
0xa: {  	s7 =	sshrl.u32 s7, $0x2;
	s5 =	sadd.s32 s5, s6;
	s6 =	sor.u32 s9, s25  }
0xb: {  	s17 =	ssub.s32 s26, s8;
	s1 =	sadd.s32 s13, s1;
	s25 =	simm.s32 $0x1  }
0xc: {  	s26 =	simm.s32 $0x2;
	s5 =	sshll.u32 s5, $0x4;
	s12 =	smul.u32 $0x2800, s6  }
0xd: {  	s1 =	sor.u32 $0x400, s1;
	s0 =	sadd.s32 s5, s0;
	s5 =	sadd.s32 s7, s2  }
0xe: {  	s17 =	smax.u32 s17, $0x1;
	s1 =	sshrl.u32 s1, $0x3;
	s6 =	sadd.s32 $0x4000, s5  }
0xf: {  	s7 =	sadd.s32 $0x8000, s5;
	s8 =	sadd.s32 $0xC000, s5;
	s29 =	sadd.s32 $0x41800, s0  }
0x10: {  	s9 =	sadd.s32 $0x10000, s5;
	s30 =	sadd.s32 $0x42000, s0;
	[dreg:$0x5] =	wrdreg s29  }
0x11: {  	s12 =	sshrl.u32 s12, $0x3;
	s31 =	sadd.s32 $0x42800, s0;
	[dreg:$0x6] =	wrdreg s30  }
0x12: {  	s15 =	sadd.s32 $0x43000, s0;
	s14 =	sadd.s32 s10, s12;
	[dreg:$0x7] =	wrdreg s31  }
0x13: {  	s16 =	sadd.s32 $0x43800, s0;
	s12 =	sadd.s32 s11, s12;
	[dreg:$0x3] =	wrdreg s14  }
0x14: {  	v0 =	vimm.f32 $0.0e+00;
	s18 =	sadd.s32 s1, s11;
	s19 =	sadd.s32 s1, s10;
	[dreg:$0x4] =	wrdreg s12  }
.LBB2_1:
0x15: {  	s0 =	simm.s32 $0x0;
	s1 =	simm.s32 $0x200  }
.LBB2_2:
0x16: {  	p0 =	sne.s32 s1, $0xFE00;
	[tilespmem:s0+$0x1070] =	vst v0  }
0x17: {  	[tilespmem:s0+$0x1000] =	vst v0  }
0x18: {  	[tilespmem:s0+$0x1010] =	vst v0  }
.Ltmp0:
0x19: {  	[tilespmem:s0+$0x1020] =	vst v0;
	(pc) =	sbr.rel @p0 .LBB2_2-.Ltmp0, $4  }
0x1a: {  	[tilespmem:s0+$0x1030] =	vst v0  }
0x1b: {  	[tilespmem:s0+$0x1040] =	vst v0  }
0x1c: {  	[tilespmem:s0+$0x1050] =	vst v0  }
0x1d: {  	[tilespmem:s0+$0x1060] =	vst v0;
	s0 =	sshra.s32 s1, $0x2;
	s1 =	sadd.s32 $0x200, s1  }
0x1e: {  	[tilespmem:s0+$0x1070] =	vst v0  }
0x1f: {  	[tilespmem:s0+$0x1000] =	vst v0  }
0x20: {  	[tilespmem:s0+$0x1010] =	vst v0  }
0x21: {  	[tilespmem:s0+$0x1020] =	vst v0  }
0x22: {  	[tilespmem:s0+$0x1030] =	vst v0  }
0x23: {  	[tilespmem:s0+$0x1040] =	vst v0  }
0x24: {  	[tilespmem:s0+$0x1050] =	vst v0  }
0x25: {  	[tilespmem:s0+$0x1060] =	vst v0  }
0x26: {  	[spmem:s5] =	stream.linear.scatter [tilespmem:s20], [sflag:$0x3], $0x4000, $0x38;
	[tilespmem:$0x1D000] =	vst v63  }
0x27: {  	_ =	swait.ge [sflag:s21], $0x4000  }
0x28: {  	[sflag:s21] =	ssyncset.done $0x0  }
0x29: {  	[sflag:s21] =	ssyncadd.s32 $0xFFFFC000  }
0x2a: {  	[spmem:s6] =	stream.linear.scatter [tilespmem:s20], [sflag:$0x3], $0x4000, $0x38;
	[tilespmem:$0x1D000] =	vst v63  }
0x2b: {  	_ =	swait.ge [sflag:s21], $0x4000  }
0x2c: {  	[sflag:s21] =	ssyncset.done $0x0  }
0x2d: {  	[sflag:s21] =	ssyncadd.s32 $0xFFFFC000  }
0x2e: {  	[spmem:s7] =	stream.linear.scatter [tilespmem:s20], [sflag:$0x3], $0x4000, $0x38;
	[tilespmem:$0x1D000] =	vst v63  }
0x2f: {  	_ =	swait.ge [sflag:s21], $0x4000  }
0x30: {  	[sflag:s21] =	ssyncset.done $0x0  }
0x31: {  	[sflag:s21] =	ssyncadd.s32 $0xFFFFC000  }
0x32: {  	[spmem:s8] =	stream.linear.scatter [tilespmem:s20], [sflag:$0x3], $0x4000, $0x38;
	[tilespmem:$0x1D000] =	vst v63  }
0x33: {  	_ =	swait.ge [sflag:s21], $0x4000  }
0x34: {  	[sflag:s21] =	ssyncset.done $0x0  }
0x35: {  	[sflag:s21] =	ssyncadd.s32 $0xFFFFC000  }
0x36: {  	[spmem:s9] =	stream.linear.scatter [tilespmem:s20], [sflag:$0x3], $0x4000, $0x38;
	[tilespmem:$0x1D000] =	vst v63  }
0x37: {  	_ =	swait.ge [sflag:s21], $0x4000  }
0x38: {  	[sflag:s21] =	ssyncset.done $0x0  }
0x39: {  	s14 =	simm.s32 $0x0;
	s1 =	rddreg [dreg:$0x3];
	[sflag:s21] =	ssyncadd.s32 $0xFFFFC000  }
0x3a: {  	[tilespmem:s14], [sflag:$0x3] =	stream.linear.gather [hbm4b:s1+s14], $0x400, $0x38;
	[tilespmem:$0x1D000] =	vst v63  }
0x3b: {  	_ =	swait.ge [sflag:s21], $0x400  }
0x3c: {  	[sflag:s21] =	ssyncset.done $0x0  }
0x3d: {  	s10 =	simm.s32 $0x800;
	s22 =	rddreg [dreg:$0x4];
	[sflag:s21] =	ssyncadd.s32 $0xFFFFFC00  }
0x3e: {  	[tilespmem:s10], [sflag:$0x3] =	stream.linear.gather [hbm4b:s22+s14], $0x400, $0x38;
	[tilespmem:$0x1D000] =	vst v63  }
0x3f: {  	s11 =	simm.s32 $0x0;
	_ =	swait.ge [sflag:s21], $0x400  }
0x40: {  	p0 =	por $0x0, $0x0;
	s0 =	sand.u32 $0x3, s14;
	[sflag:s21] =	ssyncset.done $0x0  }
0x41: {  	s12 =	sshll.u32 s0, $0x8;
	s1 =	sand.u32 $0x400, s11;
	[sflag:s21] =	ssyncadd.s32 $0xFFFFFC00  }
0x42: {  	p1 =	sne.s32 @!p0 s0, $0x0;
	s1 =	sor.u32 s12, s1;
	[bflag:$0x0] =	sbarrier.arrive $0xFFFF  }
0x43: {  	[tilespmem:s20], [sflag:$0x1] =	stream.indirect.gather [hbm4b:s4+s23], $0x80, s1, s23, $0xb8;
	[tilespmem:$0x1D000] =	vst v63  }
0x44: {  	s0 =	simm.s32 $0x400;
	p0 =	por p1, p0;
	s10 =	sor.u32 $0x80, s1  }
0x45: {  	[tilespmem:s24], [sflag:$0x2] =	stream.indirect.gather [hbm4b:s4+s23], $0x80, s10, s23, $0xb8;
	[tilespmem:$0x1D000] =	vst v63  }
0x46: {  	s0 =	sand.u32 @!p0 $0x400, s0;
	s11 =	simm.s32 @!p0 $0x0;
	s22 =	simm.s32 @!p0 $0x3  }
0x47: {  	[tilespmem:s0], [sflag:$0x3] =	stream.linear.gather @!p0 [hbm4b:s19+s11], $0x400, $0x38;
	[tilespmem:$0x1D000] =	vst v63  }
0x48: {  	_ =	swait.ge @!p0 [sflag:s22], $0x400  }
0x49: {  	[sflag:s22] =	ssyncset.done @!p0 $0x0  }
0x4a: {  	s0 =	sor.u32 @!p0 $0x800, s0;
	[sflag:s22] =	ssyncadd.s32 @!p0 $0xFFFFFC00  }
0x4b: {  	[tilespmem:s0], [sflag:$0x3] =	stream.linear.gather @!p0 [hbm4b:s18+s11], $0x400, $0x38;
	[tilespmem:$0x1D000] =	vst v63  }
0x4c: {  	_ =	swait.ge @!p0 [sflag:s22], $0x400  }
0x4d: {  	[sflag:s22] =	ssyncset.done @!p0 $0x0  }
0x4e: {  	[sflag:s22] =	ssyncadd.s32 @!p0 $0xFFFFFC00  }
0x4f: {  	_ =	swait.ge [sflag:s25], $0x4000  }
0x50: {  	[sflag:s25] =	ssyncset.done $0x0  }
0x51: {  	s13 =	sor.u32 $0x800, s1;
	[sflag:s25] =	ssyncadd.s32 $0xFFFFC000  }
0x52: {  	[spmem:s2] =	stream.indirect.scatter.add.f32 [tilespmem:s20], [sflag:$0x3], $0x80, s13, s23, $0xb8;
	[tilespmem:$0x1D000] =	vst v63  }
0x53: {  	_ =	swait.ge [sflag:s21], $0x4000  }
0x54: {  	[sflag:s21] =	ssyncset.done $0x0  }
0x55: {  	s31 =	simm.s32 $0x600;
	[sflag:s21] =	ssyncadd.s32 $0xFFFFC000  }
0x56: {  	s29 =	sadd.s32 $0x20, s18;
	s30 =	sadd.s32 $0x20, s19;
	_ =	swait.ge [sflag:s26], $0x4000  }
0x57: {  	p1 =	por $0x0, $0x0;
	s14 =	simm.s32 $0x100;
	[sflag:s26] =	ssyncset.done $0x0  }
0x58: {  	s1 =	simm.s32 $0x1;
	s10 =	sor.u32 $0x800, s10;
	[sflag:s26] =	ssyncadd.s32 $0xFFFFC000  }
0x59: {  	[spmem:s2] =	stream.indirect.scatter.add.f32 [tilespmem:s24], [sflag:$0x3], $0x80, s10, s23, $0xb8;
	[tilespmem:$0x1D000] =	vst v63  }
0x5a: {  	s0 =	simm.s32 $0x500;
	s22 =	sand.u32 $0x3, s1;
	_ =	swait.ge [sflag:s21], $0x4000  }
0x5b: {  	s11 =	sand.u32 $0x400, s14;
	s10 =	sshll.u32 s22, $0x8;
	[sflag:s21] =	ssyncset.done $0x0  }
.LBB2_4:
0x5c: {  	s10 =	sor.u32 s10, s11  }
0x5d: {  	p0 =	sne.s32 @!p1 s22, $0x0;
	[sflag:s21] =	ssyncadd.s32 $0xFFFFC000;
	s11 =	smov.u32 s31  }
0x5e: {  	[tilespmem:s20], [sflag:$0x1] =	stream.indirect.gather [hbm4b:s4+s23], $0x80, s10, s23, $0xb8;
	[tilespmem:$0x1D000] =	vst v63  }
0x5f: {  	s31 =	sadd.s32 $0x100, s31;
	s22 =	sor.u32 $0x80, s10;
	p1 =	por p0, p1  }
0x60: {  	[tilespmem:s24], [sflag:$0x2] =	stream.indirect.gather [hbm4b:s4+s23], $0x80, s22, s23, $0xb8;
	[tilespmem:$0x1D000] =	vst v63  }
0x61: {  	s0 =	sand.u32 @!p1 $0x400, s0;
	s12 =	simm.s32 @!p1 $0x0;
	s13 =	simm.s32 @!p1 $0x3  }
0x62: {  	[tilespmem:s0], [sflag:$0x3] =	stream.linear.gather @!p1 [hbm4b:s30+s12], $0x400, $0x38;
	[tilespmem:$0x1D000] =	vst v63  }
0x63: {  	p0 =	sne.s32 s31, $0x2C00;
	s14 =	sor.u32 @!p1 $0x800, s0;
	_ =	swait.ge @!p1 [sflag:s13], $0x400  }
0x64: {  	s0 =	smov.u32 s11;
	[sflag:s13] =	ssyncset.done @!p1 $0x0  }
0x65: {  	[sflag:s13] =	ssyncadd.s32 @!p1 $0xFFFFFC00  }
0x66: {  	[tilespmem:s14], [sflag:$0x3] =	stream.linear.gather @!p1 [hbm4b:s29+s12], $0x400, $0x38;
	[tilespmem:$0x1D000] =	vst v63  }
0x67: {  	_ =	swait.ge @!p1 [sflag:s13], $0x400  }
0x68: {  	[sflag:s13] =	ssyncset.done @!p1 $0x0  }
0x69: {  	[sflag:s13] =	ssyncadd.s32 @!p1 $0xFFFFFC00  }
0x6a: {  	_ =	swait.ge [sflag:s25], $0x4000  }
0x6b: {  	[sflag:s25] =	ssyncset.done $0x0  }
0x6c: {  	s10 =	sor.u32 $0x800, s10;
	[sflag:s25] =	ssyncadd.s32 $0xFFFFC000  }
0x6d: {  	[spmem:s2] =	stream.indirect.scatter.add.f32 [tilespmem:s20], [sflag:$0x3], $0x80, s10, s23, $0xb8;
	[tilespmem:$0x1D000] =	vst v63  }
0x6e: {  	_ =	swait.ge [sflag:s21], $0x4000  }
0x6f: {  	[sflag:s21] =	ssyncset.done $0x0  }
0x70: {  	[sflag:s21] =	ssyncadd.s32 $0xFFFFC000  }
0x71: {  	s30 =	sadd.s32 $0x20, s30;
	s29 =	sadd.s32 $0x20, s29;
	_ =	swait.ge [sflag:s26], $0x4000  }
.Ltmp1:
0x72: {  	s1 =	sadd.s32 $0x1, s1;
	[sflag:s26] =	ssyncset.done $0x0;
	(pc) =	sbr.rel @p0 .LBB2_4-.Ltmp1, $4  }
0x73: {  	p1 =	sgt.u32 s1, $0x23;
	s10 =	sor.u32 $0x800, s22;
	[sflag:s26] =	ssyncadd.s32 $0xFFFFC000  }
0x74: {  	[spmem:s2] =	stream.indirect.scatter.add.f32 [tilespmem:s24], [sflag:$0x3], $0x80, s10, s23, $0xb8;
	[tilespmem:$0x1D000] =	vst v63  }
0x75: {  	s11 =	sadd.s32 $0xFFFFFC00, s0;
	s22 =	sand.u32 $0x3, s1;
	_ =	swait.ge [sflag:s21], $0x4000  }
0x76: {  	s11 =	sand.u32 $0x400, s11;
	s10 =	sshll.u32 s22, $0x8;
	[sflag:s21] =	ssyncset.done $0x0  }
0x77: {  	s1 =	sor.u32 s10, s11;
	p0 =	sne.s32 @!p1 s22, $0x0;
	[sflag:s21] =	ssyncadd.s32 $0xFFFFC000  }
0x78: {  	[tilespmem:s20], [sflag:$0x1] =	stream.indirect.gather [hbm4b:s4+s23], $0x80, s1, s23, $0xb8;
	[tilespmem:$0x1D000] =	vst v63  }
0x79: {  	s10 =	sor.u32 $0x80, s1;
	p0 =	por p0, p1  }
0x7a: {  	[tilespmem:s24], [sflag:$0x2] =	stream.indirect.gather [hbm4b:s4+s23], $0x80, s10, s23, $0xb8;
	[tilespmem:$0x1D000] =	vst v63  }
0x7b: {  	s0 =	sand.u32 @!p0 $0x400, s0;
	s11 =	simm.s32 @!p0 $0x0;
	s12 =	simm.s32 @!p0 $0x3  }
0x7c: {  	[tilespmem:s0], [sflag:$0x3] =	stream.linear.gather @!p0 [hbm4b:s30+s11], $0x400, $0x38;
	[tilespmem:$0x1D000] =	vst v63  }
0x7d: {  	_ =	swait.ge @!p0 [sflag:s12], $0x400  }
0x7e: {  	[sflag:s12] =	ssyncset.done @!p0 $0x0  }
0x7f: {  	s0 =	sor.u32 @!p0 $0x800, s0;
	[sflag:s12] =	ssyncadd.s32 @!p0 $0xFFFFFC00  }
0x80: {  	[tilespmem:s0], [sflag:$0x3] =	stream.linear.gather @!p0 [hbm4b:s29+s11], $0x400, $0x38;
	[tilespmem:$0x1D000] =	vst v63  }
0x81: {  	_ =	swait.ge @!p0 [sflag:s12], $0x400  }
0x82: {  	[sflag:s12] =	ssyncset.done @!p0 $0x0  }
0x83: {  	[sflag:s12] =	ssyncadd.s32 @!p0 $0xFFFFFC00  }
0x84: {  	_ =	swait.ge [sflag:s25], $0x4000  }
0x85: {  	[sflag:s25] =	ssyncset.done $0x0  }
0x86: {  	s14 =	sor.u32 $0x800, s1;
	[sflag:s25] =	ssyncadd.s32 $0xFFFFC000  }
0x87: {  	[spmem:s2] =	stream.indirect.scatter.add.f32 [tilespmem:s20], [sflag:$0x3], $0x80, s14, s23, $0xb8;
	[tilespmem:$0x1D000] =	vst v63  }
0x88: {  	_ =	swait.ge [sflag:s21], $0x4000  }
0x89: {  	[sflag:s21] =	ssyncset.done $0x0  }
0x8a: {  	[sflag:s21] =	ssyncadd.s32 $0xFFFFC000  }
0x8b: {  	_ =	swait.ge [sflag:s26], $0x4000  }
0x8c: {  	[sflag:s26] =	ssyncset.done $0x0  }
0x8d: {  	s22 =	sor.u32 $0x800, s10;
	[sflag:s26] =	ssyncadd.s32 $0xFFFFC000  }
0x8e: {  	[spmem:s2] =	stream.indirect.scatter.add.f32 [tilespmem:s24], [sflag:$0x3], $0x80, s22, s23, $0xb8;
	[tilespmem:$0x1D000] =	vst v63  }
0x8f: {  	_ =	swait.ge [sflag:s21], $0x4000  }
0x90: {  	[sflag:s21] =	ssyncset.done $0x0  }
0x91: {  	[sflag:s21] =	ssyncadd.s32 $0xFFFFC000  }
0x92: {  	[bflag:$0x0] =	sbarrier.arrive $0xFFFF  }
0x93: {  	[tilespmem:s20], [sflag:$0x3] =	stream.linear.gather [spmem:s5], $0x4000, $0x38;
	[tilespmem:$0x1D000] =	vst v63  }
0x94: {  	_ =	swait.ge [sflag:s21], $0x4000  }
0x95: {  	[sflag:s21] =	ssyncset.done $0x0  }
0x96: {  	s29 =	rddreg [dreg:$0x5];
	[sflag:s21] =	ssyncadd.s32 $0xFFFFC000  }
0x97: {  	[hbm4b:s29+s3] =	stream.linear.scatter [tilespmem:s20], [sflag:$0x3], $0x4000, $0x38;
	[tilespmem:$0x1D000] =	vst v63  }
0x98: {  	_ =	swait.ge [sflag:s21], $0x4000  }
0x99: {  	[sflag:s21] =	ssyncset.done $0x0  }
0x9a: {  	[sflag:s21] =	ssyncadd.s32 $0xFFFFC000  }
0x9b: {  	[tilespmem:s20], [sflag:$0x3] =	stream.linear.gather [spmem:s6], $0x4000, $0x38;
	[tilespmem:$0x1D000] =	vst v63  }
0x9c: {  	_ =	swait.ge [sflag:s21], $0x4000  }
0x9d: {  	[sflag:s21] =	ssyncset.done $0x0  }
0x9e: {  	s30 =	rddreg [dreg:$0x6];
	[sflag:s21] =	ssyncadd.s32 $0xFFFFC000  }
0x9f: {  	[hbm4b:s30+s3] =	stream.linear.scatter [tilespmem:s20], [sflag:$0x3], $0x4000, $0x38;
	[tilespmem:$0x1D000] =	vst v63  }
0xa0: {  	_ =	swait.ge [sflag:s21], $0x4000  }
0xa1: {  	[sflag:s21] =	ssyncset.done $0x0  }
0xa2: {  	[sflag:s21] =	ssyncadd.s32 $0xFFFFC000  }
0xa3: {  	[tilespmem:s20], [sflag:$0x3] =	stream.linear.gather [spmem:s7], $0x4000, $0x38;
	[tilespmem:$0x1D000] =	vst v63  }
0xa4: {  	_ =	swait.ge [sflag:s21], $0x4000  }
0xa5: {  	[sflag:s21] =	ssyncset.done $0x0  }
0xa6: {  	s31 =	rddreg [dreg:$0x7];
	[sflag:s21] =	ssyncadd.s32 $0xFFFFC000  }
0xa7: {  	[hbm4b:s31+s3] =	stream.linear.scatter [tilespmem:s20], [sflag:$0x3], $0x4000, $0x38;
	[tilespmem:$0x1D000] =	vst v63  }
0xa8: {  	_ =	swait.ge [sflag:s21], $0x4000  }
0xa9: {  	[sflag:s21] =	ssyncset.done $0x0  }
0xaa: {  	[sflag:s21] =	ssyncadd.s32 $0xFFFFC000  }
0xab: {  	[tilespmem:s20], [sflag:$0x3] =	stream.linear.gather [spmem:s8], $0x4000, $0x38;
	[tilespmem:$0x1D000] =	vst v63  }
0xac: {  	_ =	swait.ge [sflag:s21], $0x4000  }
0xad: {  	[sflag:s21] =	ssyncset.done $0x0  }
0xae: {  	[sflag:s21] =	ssyncadd.s32 $0xFFFFC000  }
0xaf: {  	[hbm4b:s15+s3] =	stream.linear.scatter [tilespmem:s20], [sflag:$0x3], $0x4000, $0x38;
	[tilespmem:$0x1D000] =	vst v63  }
0xb0: {  	_ =	swait.ge [sflag:s21], $0x4000  }
0xb1: {  	[sflag:s21] =	ssyncset.done $0x0  }
0xb2: {  	[sflag:s21] =	ssyncadd.s32 $0xFFFFC000  }
0xb3: {  	[tilespmem:s20], [sflag:$0x3] =	stream.linear.gather [spmem:s9], $0x4000, $0x38;
	[tilespmem:$0x1D000] =	vst v63  }
0xb4: {  	s28 =	sadd.s32 $0x1, s28;
	_ =	swait.ge [sflag:s21], $0x4000  }
0xb5: {  	p0 =	sne.s32 s28, s17;
	[sflag:s21] =	ssyncset.done $0x0  }
.Ltmp2:
0xb6: {  	[sflag:s21] =	ssyncadd.s32 $0xFFFFC000;
	(pc) =	sbr.rel @p0 .LBB2_1-.Ltmp2, $4  }
0xb7: {  	[hbm4b:s16+s3] =	stream.linear.scatter [tilespmem:s20], [sflag:$0x3], $0x4000, $0x38;
	[tilespmem:$0x1D000] =	vst v63  }
0xb8: {  	_ =	swait.ge [sflag:s21], $0x4000  }
0xb9: {  	[sflag:s21] =	ssyncset.done $0x0  }
0xba: {  	[sflag:s21] =	ssyncadd.s32 $0xFFFFC000  }
0xbb: {  	_ =	sfence.sel $0x180000  }
0xbc: {  	[bflag:$0x0] =	sbarrier.arrive $0xFFFF  }
0xbd: {  	_ =	strace $0x90000050  }
0xbe: {  	s0 =	stileid.u32;
	[bflag:$0x2] =	sbarrier.arrive $0xFFFF  }
0xbf: {  	p0 =	sne.s32 s0, $0x0;
	s0 =	rddreg [dreg:$0x2]  }
0xc0: {  	s0 =	sadd.s32 @!p0 $0x100000, s0  }
0xc1: {  	[sflag:s0] =	ssyncadd.tile.s32 @!p0 $0x1;
	_ =	shalt  }
.Lfunc_end2:
_tile_overlayer_lowered:
.L_overlay_start_2:
0xc2: {  	(tag) =	ssettag $0x2  }
0xc3: {  	s0 =	rddreg [dreg:$0x0];
	s2 =	stileid.u32  }
0xc4: {  	s1 =	rddreg [dreg:$0x1];
	p0 =	sne.s32 s2, $0x0  }
0xc5: {  	s3 =	rddreg [dreg:$0x2];
	[bflag:$0x3] =	sbarrier.arrive $0xFFFF;
	s2 =	simm.s32 @!p0 $0x1C03  }
0xc6: {  	[timem:s3], [sflag:s2] =	dma.local @!p0 [hbm:s0], s1  }
0xc7: {  	s0 =	simm.s32 @!p0 $0x3  }
0xc8: {  	_ =	swait.ge @!p0 [sflag:s0], s1  }
0xc9: {  	s1 =	ssub.s32 @!p0 $0x0, s1;
	[sflag:s0] =	ssyncset.done @!p0 $0x0  }
0xca: {  	[sflag:s0] =	ssyncadd.s32 @!p0 s1  }
0xcb: {  	[bflag:$0x3] =	sbarrier.arrive $0xFFFF  }
0xcc: {  	_ =	shalt  }

// kernel: kernel.24.cloned.1.call-start
scs
__scs_entry_jumppad:
0x0: {  	(pc) =	sbr.rel $0x88, $3  }
0x1: {  	(tag) =	ssettag $0x0;
	lr =	simm.s32 $0x1  }
0x2: {  	[smem:$0x3F91] =	sst lr;
	_ =	strace $0xD0000000  }
0x3: {  	_ = 	snop  }
0x4: {  	_ = 	snop  }
0x5: {  	_ = 	snop  }
0x6: {  	_ = 	snop  }
0x7: {  	_ = 	snop  }
__scs_overlays_trampoline_lowered:
0x8: {  	[smem:$0x3FA0] =	sst s0  }
0x9: {  	[smem:$0x3FA1] =	sst s1  }
0xa: {  	[smem:$0x3FA2] =	sst s2  }
0xb: {  	[smem:$0x3FA3] =	sst s3  }
0xc: {  	[smem:$0x3FA4] =	sst s4  }
0xd: {  	[smem:$0x3FA5] =	sst s5  }
0xe: {  	[smem:$0x3FA6] =	sst s6  }
0xf: {  	[smem:$0x3FA7] =	sst s7  }
0x10: {  	[smem:$0x3FA8] =	sst s8  }
0x11: {  	[smem:$0x3FA9] =	sst s9;
	s0 =	simm.s32 @!p0 $0x0  }
0x12: {  	s1 =	sld [smem:$0x3F8F];
	s0 =	simm.s32 @p0 $0x1  }
0x13: {  	[smem:$0x3FAA] =	sst s0;
	s0 =	simm.s32 @!p1 $0x0  }
0x14: {  	s2 =	sld [smem:$0x3F8E];
	s0 =	simm.s32 @p1 $0x1  }
0x15: {  	[smem:$0x3FAB] =	sst s0;
	s0 =	simm.s32 @!p2 $0x0  }
0x16: {  	s3 =	sld [smem:$0x3FDB];
	s0 =	simm.s32 @p2 $0x1  }
0x17: {  	s4 =	simm.s32 $0x1BF5;
	[smem:$0x3FAD] =	sst s0  }
0x18: {  	s0 =	sld [smem:$0x3F90];
	_ =	swait.ge [sflag:s4], $0x0  }
0x19: {  	s7 =	sld [smem:$0x3F91]  }
0x1a: {  	s8 =	sadd.s32 $0xFFFFE003, lr  }
0x1b: {  	s9 =	sadd.s32 $0xFFFFFEF7, lr;
	s5 =	simm.s32 $0xFFFFFFFF;
	p2 =	slt.u32 s8, $0xFFFFF086  }
0x1c: {  	p1 =	slt.u32 s9, $0xF7A;
	s5 =	simm.s32 @!p2 $0x0  }
0x1d: {  	s5 =	simm.s32 @p1 $0x1;
	p0 =	seq.s32 s7, s2  }
0x1e: {  	s7 =	smul.u32 @!p0 $0xF7A, s2;
	p2 =	seq.s32 @!p0 s5, $0x0  }
0x1f: {  	s9 =	smul.u32 $0xF7A, s1;
	s8 =	simm.s32 @!p0 $0x1BF5;
	p2 =	por !p2, p0  }
0x20: {  	[sflag:s8] =	ssyncset.s32 @!p0 $0xFFFFF086;
	s6 =	sadd.s32 @!p0 s3, s7;
	s7 =	simm.s32 @!p0 $0x108  }
0x21: {  	s3 =	sadd.s32 s3, s9;
	s6 =	sadd.s32 @!p0 $0x88, s6;
	s7 =	simm.s32 @p2 $0x1082  }
0x22: {  	[simem:s7], [sflag:s8] =	dma.local @!p0 [hbm:s6], $0xF7A  }
0x23: {  	s9 =	sor.u32 $0xD0000000, s2;
	s6 =	simm.s32 $0x108;
	_ =	swait.ge @!p0 [sflag:s8], $0x0  }
0x24: {  	s3 =	sadd.s32 $0x88, s3;
	s6 =	simm.s32 @!p1 $0x1082;
	[sflag:s4] =	ssyncset.s32 $0xFFFFF086  }
0x25: {  	[simem:s6], [sflag:s4] =	dma.local [hbm:s3], $0xF7A  }
0x26: {  	[smem:$0x3F91] =	sst s1;
	(tag) =	ssettag s2;
	_ =	strace s9  }
0x27: {  	s1 =	sld [smem:$0x3FA1]  }
0x28: {  	s2 =	sld [smem:$0x3FA2]  }
0x29: {  	s4 =	sld [smem:$0x3FA4]  }
0x2a: {  	p0 =	seq.s32 s5, $0x0;
	s5 =	sld [smem:$0x3FA5]  }
0x2b: {  	s6 =	sld [smem:$0x3FA6]  }
0x2c: {  	s7 =	sld [smem:$0x3FA7]  }
0x2d: {  	s3 =	simm.s32 $0x108;
	s8 =	sld [smem:$0x3FA8]  }
0x2e: {  	s3 =	simm.s32 @!p0 $0x1082;
	s9 =	sld [smem:$0x3FA9]  }
0x2f: {  	lr =	sadd.s32 s0, s3;
	s0 =	sld [smem:$0x3FA0]  }
0x30: {  	s3 =	sld [smem:$0x3FA3]  }
0x31: {  	[smem:$0x3FAC] =	sst s10  }
0x32: {  	s10 =	sld [smem:$0x3FAA];
	_ =	sdelay $0x3  }
0x33: {  	p0 =	seq.s32 s10, $0x1;
	s10 =	sld [smem:$0x3FAC];
	_ =	sdelay $0x3  }
0x34: {  	[smem:$0x3FAC] =	sst s10  }
0x35: {  	s10 =	sld [smem:$0x3FAB];
	_ =	sdelay $0x3  }
0x36: {  	p1 =	seq.s32 s10, $0x1;
	s10 =	sld [smem:$0x3FAC];
	_ =	sdelay $0x3  }
0x37: {  	[smem:$0x3FAC] =	sst s10  }
0x38: {  	s10 =	sld [smem:$0x3FAD]  }
0x39: {  	_ = 	snop;
	(pc) =	sbr.ind lr, $3  }
0x3a: {  	_ = 	snop  }
0x3b: {  	_ = 	snop  }
0x3c: {  	p2 =	seq.s32 s10, $0x1;
	s10 =	sld [smem:$0x3FAC]  }
0x3d: {  	_ =	shalt  }
0x3e: {  	_ =	shalt  }
0x3f: {  	_ =	shalt  }
0x40: {  	_ =	shalt  }
0x41: {  	_ =	shalt  }
0x42: {  	_ =	shalt  }
0x43: {  	_ =	shalt  }
0x44: {  	_ =	shalt  }
0x45: {  	_ =	shalt  }
0x46: {  	_ =	shalt  }
0x47: {  	_ =	shalt  }
0x48: {  	_ =	shalt  }
0x49: {  	_ =	shalt  }
0x4a: {  	_ =	shalt  }
0x4b: {  	_ =	shalt  }
0x4c: {  	_ =	shalt  }
0x4d: {  	_ =	shalt  }
0x4e: {  	_ =	shalt  }
0x4f: {  	_ =	shalt  }
0x50: {  	_ =	shalt  }
0x51: {  	_ =	shalt  }
0x52: {  	_ =	shalt  }
0x53: {  	_ =	shalt  }
0x54: {  	_ =	shalt  }
0x55: {  	_ =	shalt  }
0x56: {  	_ =	shalt  }
0x57: {  	_ =	shalt  }
0x58: {  	_ =	shalt  }
0x59: {  	_ =	shalt  }
0x5a: {  	_ =	shalt  }
0x5b: {  	_ =	shalt  }
0x5c: {  	_ =	shalt  }
0x5d: {  	_ =	shalt  }
0x5e: {  	_ =	shalt  }
0x5f: {  	_ =	shalt  }
0x60: {  	_ =	shalt  }
0x61: {  	_ =	shalt  }
0x62: {  	_ =	shalt  }
0x63: {  	_ =	shalt  }
0x64: {  	_ =	shalt  }
0x65: {  	_ =	shalt  }
0x66: {  	_ =	shalt  }
0x67: {  	_ =	shalt  }
0x68: {  	_ =	shalt  }
0x69: {  	_ =	shalt  }
0x6a: {  	_ =	shalt  }
0x6b: {  	_ =	shalt  }
0x6c: {  	_ =	shalt  }
0x6d: {  	_ =	shalt  }
0x6e: {  	_ =	shalt  }
0x6f: {  	_ =	shalt  }
0x70: {  	_ =	shalt  }
0x71: {  	_ =	shalt  }
0x72: {  	_ =	shalt  }
0x73: {  	_ =	shalt  }
0x74: {  	_ =	shalt  }
0x75: {  	_ =	shalt  }
0x76: {  	_ =	shalt  }
0x77: {  	_ =	shalt  }
0x78: {  	_ =	shalt  }
0x79: {  	_ =	shalt  }
0x7a: {  	_ =	shalt  }
0x7b: {  	_ =	shalt  }
0x7c: {  	_ =	shalt  }
0x7d: {  	_ =	shalt  }
0x7e: {  	_ =	shalt  }
0x7f: {  	_ =	shalt  }
0x80: {  	_ =	shalt  }
0x81: {  	_ =	shalt  }
0x82: {  	_ =	shalt  }
0x83: {  	_ =	shalt  }
0x84: {  	_ =	shalt  }
0x85: {  	_ =	shalt  }
0x86: {  	_ =	shalt  }
0x87: {  	_ =	shalt  }
.Lfunc_end0:
.L_simem_size_0:
called_computation.4_lowered:
.L_overlay_start_0:
0x88: {  	s2 =	sld [smem:$0x3FD9]  }
0x89: {  	s3 =	sld [smem:$0x3FFE];
	_ =	sdelay $0x1  }
0x8a: {  	s1 =	srdreg.scid  }
0x8b: {  	s0 =	sand.u32 $0x1, s1  }
0x8c: {  	s16 =	sshll.u32 s0, $0xA;
	s2 =	sadd.s32 s3, s2  }
0x8d: {  	s2 =	sadd.s32 s2, s16  }
0x8e: {  	[smem:$0x3FB8] =	sst s2  }
0x8f: {  	_ = 	snop  }
0x90: {  	(tm) =	ssettm $0x1  }
0x91: {  	s17 =	sld [smem:$0x3FFB];
	_ =	sdelay $0x3  }
0x92: {  	_ =	strace s17  }
0x93: {  	s2 =	sld [smem:$0x3FFC];
	_ =	sdelay $0x3  }
0x94: {  	_ =	strace s2  }
0x95: {  	s2 =	sld [smem:$0x3FFD];
	_ =	sdelay $0x3  }
0x96: {  	_ =	strace s2  }
0x97: {  	_ =	strace $0x8FFFFFFF  }
0x98: {  	s18 =	sld [smem:$0x3FDB];
	_ =	sdelay $0x1  }
0x99: {  	s19 =	simm.s32 $_scs_section_size  }
0x9a: {  	s4 =	simm.s32 $_size__tile_overlayer_lowered;
	s5 =	simm.s32 $_tile_overlayer_lowered  }
0x9b: {  	s22 =	simm.s32 $0x1BFF;
	s21 =	sshll.u32 s5, $0x1;
	s2 =	sadd.s32 s19, s18  }
0x9c: {  	s6 =	simm.s32 $0x0;
	s20 =	sshll.u32 s4, $0x1;
	s4 =	sadd.s32 s21, s2  }
0x9d: {  	[timem:s6], [sflag:s22] =	dma.local [hbm:s4], s20  }
0x9e: {  	_ =	swait.ge [sflag:s22], s20  }
0x9f: {  	s3 =	ssub.s32 $0x0, s20;
	[sflag:s22] =	ssyncset.done $0x0  }
0xa0: {  	[sflag:s22] =	ssyncadd.s32 s3;
	_ =	sdelay $0x1  }
0xa1: {  	s23 =	simm.s32 $0x1B8B  }
0xa2: {  	_ =	swait.ge [sflag:s23], $0x1  }
0xa3: {  	[sflag:s23] =	ssyncset.done $0x0  }
0xa4: {  	s25 =	simm.s32 $0x1B8E;
	s24 =	sld [smem:$0x3FFE];
	[sflag:s23] =	ssyncadd.s32 $0xFFFFFFFF  }
0xa5: {  	s26 =	simm.s32 $execute0_lowered;
	[smem:$0x3FD2] =	sst s25  }
0xa6: {  	s4 =	sshll.u32 s26, $0x1;
	_ =	strace $0x80000052;
	[dreg:$0x1] =	wrdreg $0xFFFFFFFF  }
0xa7: {  	s28 =	simm.s32 $_size_execute0_lowered;
	s2 =	sadd.s32 s2, s4;
	[dreg:$0x0] =	wrdreg $0x0  }
0xa8: {  	s4 =	sshll.u32 s28, $0x1;
	[dreg:$0x2] =	wrdreg s2  }
0xa9: {  	[dreg:$0x3] =	wrdreg s4  }
0xaa: {  	[dreg:$0x4] =	wrdreg $0xC0  }
0xab: {  	_ =	task [dreg:s6], $0x5FFFF  }
0xac: {  	[dreg:$0x1] =	wrdreg $0xFFFFFFFF  }
0xad: {  	[dreg:$0x0] =	wrdreg $0x60  }
0xae: {  	[dreg:$0x2] =	wrdreg s24  }
0xaf: {  	[dreg:$0x3] =	wrdreg $0x90000  }
0xb0: {  	[dreg:$0x4] =	wrdreg $0x9  }
0xb1: {  	_ =	task.clear_ibuf [dreg:s6], $0x5FFFF;
	_ =	strace $0x90000052  }
0xb2: {  	s29 =	simm.s32 $0x9;
	_ =	strace $0x80000054  }
0xb3: {  	_ =	swait.ge [sflag:s29], $0x1  }
0xb4: {  	[sflag:s29] =	ssyncadd.s32 $0xFFFFFFFF  }
0xb5: {  	_ =	strace $0x90000054  }
0xb6: {  	_ =	sfence  }
0xb7: {  	s30 =	sld [smem:$0x0];
	_ =	sdelay $0x2  }
0xb8: {  	s31 =	sshll.u32 s1, $0xD;
	s1 =	sshrl.u32 s1, $0x2  }
0xb9: {  	s3 =	sand.u32 $0x4000, s31;
	s1 =	sadd.s32 s1, s30  }
0xba: {  	s0 =	sor.u32 s3, s0;
	s1 =	sshll.u32 s1, $0x11  }
0xbb: {  	s0 =	sor.u32 s1, s0  }
0xbc: {  	s0 =	sadd.s32 $0x8F2B, s0  }
0xbd: {  	[sflag:s0] =	ssyncadd.remote.s32 $0x1  }
0xbe: {  	_ =	sfence.sel $0xFFFF  }
0xbf: {  	[dreg:$0x0] =	wrdreg $0xFFFFFFFF;
	(pc) =	sbr.abs _section_cstart, $3  }
0xc0: {  	[dreg:$0x1] =	wrdreg $0xFFFFFFFF  }
0xc1: {  	_ =	task.clear_ibuf [dreg:s6], $0x2FFFF;
	_ =	strace $0x9FFFFFFF  }
0xc2: {  	(tm) =	ssettm $0x7FFFFFFF  }
0xc3: {  	_ =	shalt  }
tec
execute0_lowered:
.L_overlay_start_1:
0x0: {  	(tag) =	ssettag $0x1  }
0x1: {  	s0 =	rddreg [dreg:$0x0]  }
0x2: {  	s2 =	rddreg [dreg:$0x1];
	s1 =	srdreg.scid  }
0x3: {  	s9 =	stileid.u32;
	s3 =	simm.s32 $0x0;
	s20 =	simm.s32 $0x1000  }
0x4: {  	s21 =	simm.s32 $0x3;
	s23 =	simm.s32 $0x80;
	s24 =	simm.s32 $0x5000  }
0x5: {  	s28 =	simm.s32 $0x0;
	s1 =	sand.u32 $0x1, s1;
	s5 =	smul.u32 $0x280, s9  }
0x6: {  	[smem:$0x7FF] =	sst s3;
	s4 =	sadd.s32 $0x19800, s0;
	s7 =	smul.u32 $0x50000, s9  }
0x7: {  	s10 =	sadd.s32 $0x5800, s0;
	s11 =	sadd.s32 $0xF800, s0;
	s13 =	smul.u32 $0x2800, s9  }
0x8: {  	s6 =	smul.u32 $0x2800, s1;
	_ =	strace $0x80000053;
	s26 =	ssub.s32 $0x2, s1  }
0x9: {  	s25 =	sshll.u32 s1, $0x4;
	s1 =	smul.u32 $0x28000, s1;
	s8 =	sshrl.u32 s26, $0x1  }
0xa: {  	s7 =	sshrl.u32 s7, $0x2;
	s5 =	sadd.s32 s5, s6;
	s6 =	sor.u32 s9, s25  }
0xb: {  	s17 =	ssub.s32 s26, s8;
	s1 =	sadd.s32 s13, s1;
	s25 =	simm.s32 $0x1  }
0xc: {  	s26 =	simm.s32 $0x2;
	s5 =	sshll.u32 s5, $0x4;
	s12 =	smul.u32 $0x2800, s6  }
0xd: {  	s1 =	sor.u32 $0x400, s1;
	s0 =	sadd.s32 s5, s0;
	s5 =	sadd.s32 s7, s2  }
0xe: {  	s17 =	smax.u32 s17, $0x1;
	s1 =	sshrl.u32 s1, $0x3;
	s6 =	sadd.s32 $0x4000, s5  }
0xf: {  	s7 =	sadd.s32 $0x8000, s5;
	s8 =	sadd.s32 $0xC000, s5;
	s29 =	sadd.s32 $0x41800, s0  }
0x10: {  	s9 =	sadd.s32 $0x10000, s5;
	s30 =	sadd.s32 $0x42000, s0;
	[dreg:$0x5] =	wrdreg s29  }
0x11: {  	s12 =	sshrl.u32 s12, $0x3;
	s31 =	sadd.s32 $0x42800, s0;
	[dreg:$0x6] =	wrdreg s30  }
0x12: {  	s15 =	sadd.s32 $0x43000, s0;
	s14 =	sadd.s32 s10, s12;
	[dreg:$0x7] =	wrdreg s31  }
0x13: {  	s16 =	sadd.s32 $0x43800, s0;
	s12 =	sadd.s32 s11, s12;
	[dreg:$0x3] =	wrdreg s14  }
0x14: {  	v0 =	vimm.f32 $0.0e+00;
	s18 =	sadd.s32 s1, s11;
	s19 =	sadd.s32 s1, s10;
	[dreg:$0x4] =	wrdreg s12  }
.LBB2_1:
0x15: {  	s0 =	simm.s32 $0x0;
	s1 =	simm.s32 $0x200  }
.LBB2_2:
0x16: {  	p0 =	sne.s32 s1, $0xFE00;
	[tilespmem:s0+$0x1070] =	vst v0  }
0x17: {  	[tilespmem:s0+$0x1000] =	vst v0  }
0x18: {  	[tilespmem:s0+$0x1010] =	vst v0  }
.Ltmp0:
0x19: {  	[tilespmem:s0+$0x1020] =	vst v0;
	(pc) =	sbr.rel @p0 .LBB2_2-.Ltmp0, $4  }
0x1a: {  	[tilespmem:s0+$0x1030] =	vst v0  }
0x1b: {  	[tilespmem:s0+$0x1040] =	vst v0  }
0x1c: {  	[tilespmem:s0+$0x1050] =	vst v0  }
0x1d: {  	[tilespmem:s0+$0x1060] =	vst v0;
	s0 =	sshra.s32 s1, $0x2;
	s1 =	sadd.s32 $0x200, s1  }
0x1e: {  	[tilespmem:s0+$0x1070] =	vst v0  }
0x1f: {  	[tilespmem:s0+$0x1000] =	vst v0  }
0x20: {  	[tilespmem:s0+$0x1010] =	vst v0  }
0x21: {  	[tilespmem:s0+$0x1020] =	vst v0  }
0x22: {  	[tilespmem:s0+$0x1030] =	vst v0  }
0x23: {  	[tilespmem:s0+$0x1040] =	vst v0  }
0x24: {  	[tilespmem:s0+$0x1050] =	vst v0  }
0x25: {  	[tilespmem:s0+$0x1060] =	vst v0  }
0x26: {  	[spmem:s5] =	stream.linear.scatter [tilespmem:s20], [sflag:$0x3], $0x4000, $0x38;
	[tilespmem:$0x1D000] =	vst v63  }
0x27: {  	_ =	swait.ge [sflag:s21], $0x4000  }
0x28: {  	[sflag:s21] =	ssyncset.done $0x0  }
0x29: {  	[sflag:s21] =	ssyncadd.s32 $0xFFFFC000  }
0x2a: {  	[spmem:s6] =	stream.linear.scatter [tilespmem:s20], [sflag:$0x3], $0x4000, $0x38;
	[tilespmem:$0x1D000] =	vst v63  }
0x2b: {  	_ =	swait.ge [sflag:s21], $0x4000  }
0x2c: {  	[sflag:s21] =	ssyncset.done $0x0  }
0x2d: {  	[sflag:s21] =	ssyncadd.s32 $0xFFFFC000  }
0x2e: {  	[spmem:s7] =	stream.linear.scatter [tilespmem:s20], [sflag:$0x3], $0x4000, $0x38;
	[tilespmem:$0x1D000] =	vst v63  }
0x2f: {  	_ =	swait.ge [sflag:s21], $0x4000  }
0x30: {  	[sflag:s21] =	ssyncset.done $0x0  }
0x31: {  	[sflag:s21] =	ssyncadd.s32 $0xFFFFC000  }
0x32: {  	[spmem:s8] =	stream.linear.scatter [tilespmem:s20], [sflag:$0x3], $0x4000, $0x38;
	[tilespmem:$0x1D000] =	vst v63  }
0x33: {  	_ =	swait.ge [sflag:s21], $0x4000  }
0x34: {  	[sflag:s21] =	ssyncset.done $0x0  }
0x35: {  	[sflag:s21] =	ssyncadd.s32 $0xFFFFC000  }
0x36: {  	[spmem:s9] =	stream.linear.scatter [tilespmem:s20], [sflag:$0x3], $0x4000, $0x38;
	[tilespmem:$0x1D000] =	vst v63  }
0x37: {  	_ =	swait.ge [sflag:s21], $0x4000  }
0x38: {  	[sflag:s21] =	ssyncset.done $0x0  }
0x39: {  	s14 =	simm.s32 $0x0;
	s1 =	rddreg [dreg:$0x3];
	[sflag:s21] =	ssyncadd.s32 $0xFFFFC000  }
0x3a: {  	[tilespmem:s14], [sflag:$0x3] =	stream.linear.gather [hbm4b:s1+s14], $0x400, $0x38;
	[tilespmem:$0x1D000] =	vst v63  }
0x3b: {  	_ =	swait.ge [sflag:s21], $0x400  }
0x3c: {  	[sflag:s21] =	ssyncset.done $0x0  }
0x3d: {  	s10 =	simm.s32 $0x800;
	s22 =	rddreg [dreg:$0x4];
	[sflag:s21] =	ssyncadd.s32 $0xFFFFFC00  }
0x3e: {  	[tilespmem:s10], [sflag:$0x3] =	stream.linear.gather [hbm4b:s22+s14], $0x400, $0x38;
	[tilespmem:$0x1D000] =	vst v63  }
0x3f: {  	s11 =	simm.s32 $0x0;
	_ =	swait.ge [sflag:s21], $0x400  }
0x40: {  	p0 =	por $0x0, $0x0;
	s0 =	sand.u32 $0x3, s14;
	[sflag:s21] =	ssyncset.done $0x0  }
0x41: {  	s12 =	sshll.u32 s0, $0x8;
	s1 =	sand.u32 $0x400, s11;
	[sflag:s21] =	ssyncadd.s32 $0xFFFFFC00  }
0x42: {  	p1 =	sne.s32 @!p0 s0, $0x0;
	s1 =	sor.u32 s12, s1;
	[bflag:$0x0] =	sbarrier.arrive $0xFFFF  }
0x43: {  	[tilespmem:s20], [sflag:$0x1] =	stream.indirect.gather [hbm4b:s4+s23], $0x80, s1, s23, $0xb8;
	[tilespmem:$0x1D000] =	vst v63  }
0x44: {  	s0 =	simm.s32 $0x400;
	p0 =	por p1, p0;
	s10 =	sor.u32 $0x80, s1  }
0x45: {  	[tilespmem:s24], [sflag:$0x2] =	stream.indirect.gather [hbm4b:s4+s23], $0x80, s10, s23, $0xb8;
	[tilespmem:$0x1D000] =	vst v63  }
0x46: {  	s0 =	sand.u32 @!p0 $0x400, s0;
	s11 =	simm.s32 @!p0 $0x0;
	s22 =	simm.s32 @!p0 $0x3  }
0x47: {  	[tilespmem:s0], [sflag:$0x3] =	stream.linear.gather @!p0 [hbm4b:s19+s11], $0x400, $0x38;
	[tilespmem:$0x1D000] =	vst v63  }
0x48: {  	_ =	swait.ge @!p0 [sflag:s22], $0x400  }
0x49: {  	[sflag:s22] =	ssyncset.done @!p0 $0x0  }
0x4a: {  	s0 =	sor.u32 @!p0 $0x800, s0;
	[sflag:s22] =	ssyncadd.s32 @!p0 $0xFFFFFC00  }
0x4b: {  	[tilespmem:s0], [sflag:$0x3] =	stream.linear.gather @!p0 [hbm4b:s18+s11], $0x400, $0x38;
	[tilespmem:$0x1D000] =	vst v63  }
0x4c: {  	_ =	swait.ge @!p0 [sflag:s22], $0x400  }
0x4d: {  	[sflag:s22] =	ssyncset.done @!p0 $0x0  }
0x4e: {  	[sflag:s22] =	ssyncadd.s32 @!p0 $0xFFFFFC00  }
0x4f: {  	_ =	swait.ge [sflag:s25], $0x4000  }
0x50: {  	[sflag:s25] =	ssyncset.done $0x0  }
0x51: {  	s13 =	sor.u32 $0x800, s1;
	[sflag:s25] =	ssyncadd.s32 $0xFFFFC000  }
0x52: {  	[spmem:s2] =	stream.indirect.scatter.add.f32 [tilespmem:s20], [sflag:$0x3], $0x80, s13, s23, $0xb8;
	[tilespmem:$0x1D000] =	vst v63  }
0x53: {  	_ =	swait.ge [sflag:s21], $0x4000  }
0x54: {  	[sflag:s21] =	ssyncset.done $0x0  }
0x55: {  	s31 =	simm.s32 $0x600;
	[sflag:s21] =	ssyncadd.s32 $0xFFFFC000  }
0x56: {  	s29 =	sadd.s32 $0x20, s18;
	s30 =	sadd.s32 $0x20, s19;
	_ =	swait.ge [sflag:s26], $0x4000  }
0x57: {  	p1 =	por $0x0, $0x0;
	s14 =	simm.s32 $0x100;
	[sflag:s26] =	ssyncset.done $0x0  }
0x58: {  	s1 =	simm.s32 $0x1;
	s10 =	sor.u32 $0x800, s10;
	[sflag:s26] =	ssyncadd.s32 $0xFFFFC000  }
0x59: {  	[spmem:s2] =	stream.indirect.scatter.add.f32 [tilespmem:s24], [sflag:$0x3], $0x80, s10, s23, $0xb8;
	[tilespmem:$0x1D000] =	vst v63  }
0x5a: {  	s0 =	simm.s32 $0x500;
	s22 =	sand.u32 $0x3, s1;
	_ =	swait.ge [sflag:s21], $0x4000  }
0x5b: {  	s11 =	sand.u32 $0x400, s14;
	s10 =	sshll.u32 s22, $0x8;
	[sflag:s21] =	ssyncset.done $0x0  }
.LBB2_4:
0x5c: {  	s10 =	sor.u32 s10, s11  }
0x5d: {  	p0 =	sne.s32 @!p1 s22, $0x0;
	[sflag:s21] =	ssyncadd.s32 $0xFFFFC000;
	s11 =	smov.u32 s31  }
0x5e: {  	[tilespmem:s20], [sflag:$0x1] =	stream.indirect.gather [hbm4b:s4+s23], $0x80, s10, s23, $0xb8;
	[tilespmem:$0x1D000] =	vst v63  }
0x5f: {  	s31 =	sadd.s32 $0x100, s31;
	s22 =	sor.u32 $0x80, s10;
	p1 =	por p0, p1  }
0x60: {  	[tilespmem:s24], [sflag:$0x2] =	stream.indirect.gather [hbm4b:s4+s23], $0x80, s22, s23, $0xb8;
	[tilespmem:$0x1D000] =	vst v63  }
0x61: {  	s0 =	sand.u32 @!p1 $0x400, s0;
	s12 =	simm.s32 @!p1 $0x0;
	s13 =	simm.s32 @!p1 $0x3  }
0x62: {  	[tilespmem:s0], [sflag:$0x3] =	stream.linear.gather @!p1 [hbm4b:s30+s12], $0x400, $0x38;
	[tilespmem:$0x1D000] =	vst v63  }
0x63: {  	p0 =	sne.s32 s31, $0x2C00;
	s14 =	sor.u32 @!p1 $0x800, s0;
	_ =	swait.ge @!p1 [sflag:s13], $0x400  }
0x64: {  	s0 =	smov.u32 s11;
	[sflag:s13] =	ssyncset.done @!p1 $0x0  }
0x65: {  	[sflag:s13] =	ssyncadd.s32 @!p1 $0xFFFFFC00  }
0x66: {  	[tilespmem:s14], [sflag:$0x3] =	stream.linear.gather @!p1 [hbm4b:s29+s12], $0x400, $0x38;
	[tilespmem:$0x1D000] =	vst v63  }
0x67: {  	_ =	swait.ge @!p1 [sflag:s13], $0x400  }
0x68: {  	[sflag:s13] =	ssyncset.done @!p1 $0x0  }
0x69: {  	[sflag:s13] =	ssyncadd.s32 @!p1 $0xFFFFFC00  }
0x6a: {  	_ =	swait.ge [sflag:s25], $0x4000  }
0x6b: {  	[sflag:s25] =	ssyncset.done $0x0  }
0x6c: {  	s10 =	sor.u32 $0x800, s10;
	[sflag:s25] =	ssyncadd.s32 $0xFFFFC000  }
0x6d: {  	[spmem:s2] =	stream.indirect.scatter.add.f32 [tilespmem:s20], [sflag:$0x3], $0x80, s10, s23, $0xb8;
	[tilespmem:$0x1D000] =	vst v63  }
0x6e: {  	_ =	swait.ge [sflag:s21], $0x4000  }
0x6f: {  	[sflag:s21] =	ssyncset.done $0x0  }
0x70: {  	[sflag:s21] =	ssyncadd.s32 $0xFFFFC000  }
0x71: {  	s30 =	sadd.s32 $0x20, s30;
	s29 =	sadd.s32 $0x20, s29;
	_ =	swait.ge [sflag:s26], $0x4000  }
.Ltmp1:
0x72: {  	s1 =	sadd.s32 $0x1, s1;
	[sflag:s26] =	ssyncset.done $0x0;
	(pc) =	sbr.rel @p0 .LBB2_4-.Ltmp1, $4  }
0x73: {  	p1 =	sgt.u32 s1, $0x23;
	s10 =	sor.u32 $0x800, s22;
	[sflag:s26] =	ssyncadd.s32 $0xFFFFC000  }
0x74: {  	[spmem:s2] =	stream.indirect.scatter.add.f32 [tilespmem:s24], [sflag:$0x3], $0x80, s10, s23, $0xb8;
	[tilespmem:$0x1D000] =	vst v63  }
0x75: {  	s11 =	sadd.s32 $0xFFFFFC00, s0;
	s22 =	sand.u32 $0x3, s1;
	_ =	swait.ge [sflag:s21], $0x4000  }
0x76: {  	s11 =	sand.u32 $0x400, s11;
	s10 =	sshll.u32 s22, $0x8;
	[sflag:s21] =	ssyncset.done $0x0  }
0x77: {  	s1 =	sor.u32 s10, s11;
	p0 =	sne.s32 @!p1 s22, $0x0;
	[sflag:s21] =	ssyncadd.s32 $0xFFFFC000  }
0x78: {  	[tilespmem:s20], [sflag:$0x1] =	stream.indirect.gather [hbm4b:s4+s23], $0x80, s1, s23, $0xb8;
	[tilespmem:$0x1D000] =	vst v63  }
0x79: {  	s10 =	sor.u32 $0x80, s1;
	p0 =	por p0, p1  }
0x7a: {  	[tilespmem:s24], [sflag:$0x2] =	stream.indirect.gather [hbm4b:s4+s23], $0x80, s10, s23, $0xb8;
	[tilespmem:$0x1D000] =	vst v63  }
0x7b: {  	s0 =	sand.u32 @!p0 $0x400, s0;
	s11 =	simm.s32 @!p0 $0x0;
	s12 =	simm.s32 @!p0 $0x3  }
0x7c: {  	[tilespmem:s0], [sflag:$0x3] =	stream.linear.gather @!p0 [hbm4b:s30+s11], $0x400, $0x38;
	[tilespmem:$0x1D000] =	vst v63  }
0x7d: {  	_ =	swait.ge @!p0 [sflag:s12], $0x400  }
0x7e: {  	[sflag:s12] =	ssyncset.done @!p0 $0x0  }
0x7f: {  	s0 =	sor.u32 @!p0 $0x800, s0;
	[sflag:s12] =	ssyncadd.s32 @!p0 $0xFFFFFC00  }
0x80: {  	[tilespmem:s0], [sflag:$0x3] =	stream.linear.gather @!p0 [hbm4b:s29+s11], $0x400, $0x38;
	[tilespmem:$0x1D000] =	vst v63  }
0x81: {  	_ =	swait.ge @!p0 [sflag:s12], $0x400  }
0x82: {  	[sflag:s12] =	ssyncset.done @!p0 $0x0  }
0x83: {  	[sflag:s12] =	ssyncadd.s32 @!p0 $0xFFFFFC00  }
0x84: {  	_ =	swait.ge [sflag:s25], $0x4000  }
0x85: {  	[sflag:s25] =	ssyncset.done $0x0  }
0x86: {  	s14 =	sor.u32 $0x800, s1;
	[sflag:s25] =	ssyncadd.s32 $0xFFFFC000  }
0x87: {  	[spmem:s2] =	stream.indirect.scatter.add.f32 [tilespmem:s20], [sflag:$0x3], $0x80, s14, s23, $0xb8;
	[tilespmem:$0x1D000] =	vst v63  }
0x88: {  	_ =	swait.ge [sflag:s21], $0x4000  }
0x89: {  	[sflag:s21] =	ssyncset.done $0x0  }
0x8a: {  	[sflag:s21] =	ssyncadd.s32 $0xFFFFC000  }
0x8b: {  	_ =	swait.ge [sflag:s26], $0x4000  }
0x8c: {  	[sflag:s26] =	ssyncset.done $0x0  }
0x8d: {  	s22 =	sor.u32 $0x800, s10;
	[sflag:s26] =	ssyncadd.s32 $0xFFFFC000  }
0x8e: {  	[spmem:s2] =	stream.indirect.scatter.add.f32 [tilespmem:s24], [sflag:$0x3], $0x80, s22, s23, $0xb8;
	[tilespmem:$0x1D000] =	vst v63  }
0x8f: {  	_ =	swait.ge [sflag:s21], $0x4000  }
0x90: {  	[sflag:s21] =	ssyncset.done $0x0  }
0x91: {  	[sflag:s21] =	ssyncadd.s32 $0xFFFFC000  }
0x92: {  	[bflag:$0x0] =	sbarrier.arrive $0xFFFF  }
0x93: {  	[tilespmem:s20], [sflag:$0x3] =	stream.linear.gather [spmem:s5], $0x4000, $0x38;
	[tilespmem:$0x1D000] =	vst v63  }
0x94: {  	_ =	swait.ge [sflag:s21], $0x4000  }
0x95: {  	[sflag:s21] =	ssyncset.done $0x0  }
0x96: {  	s29 =	rddreg [dreg:$0x5];
	[sflag:s21] =	ssyncadd.s32 $0xFFFFC000  }
0x97: {  	[hbm4b:s29+s3] =	stream.linear.scatter [tilespmem:s20], [sflag:$0x3], $0x4000, $0x38;
	[tilespmem:$0x1D000] =	vst v63  }
0x98: {  	_ =	swait.ge [sflag:s21], $0x4000  }
0x99: {  	[sflag:s21] =	ssyncset.done $0x0  }
0x9a: {  	[sflag:s21] =	ssyncadd.s32 $0xFFFFC000  }
0x9b: {  	[tilespmem:s20], [sflag:$0x3] =	stream.linear.gather [spmem:s6], $0x4000, $0x38;
	[tilespmem:$0x1D000] =	vst v63  }
0x9c: {  	_ =	swait.ge [sflag:s21], $0x4000  }
0x9d: {  	[sflag:s21] =	ssyncset.done $0x0  }
0x9e: {  	s30 =	rddreg [dreg:$0x6];
	[sflag:s21] =	ssyncadd.s32 $0xFFFFC000  }
0x9f: {  	[hbm4b:s30+s3] =	stream.linear.scatter [tilespmem:s20], [sflag:$0x3], $0x4000, $0x38;
	[tilespmem:$0x1D000] =	vst v63  }
0xa0: {  	_ =	swait.ge [sflag:s21], $0x4000  }
0xa1: {  	[sflag:s21] =	ssyncset.done $0x0  }
0xa2: {  	[sflag:s21] =	ssyncadd.s32 $0xFFFFC000  }
0xa3: {  	[tilespmem:s20], [sflag:$0x3] =	stream.linear.gather [spmem:s7], $0x4000, $0x38;
	[tilespmem:$0x1D000] =	vst v63  }
0xa4: {  	_ =	swait.ge [sflag:s21], $0x4000  }
0xa5: {  	[sflag:s21] =	ssyncset.done $0x0  }
0xa6: {  	s31 =	rddreg [dreg:$0x7];
	[sflag:s21] =	ssyncadd.s32 $0xFFFFC000  }
0xa7: {  	[hbm4b:s31+s3] =	stream.linear.scatter [tilespmem:s20], [sflag:$0x3], $0x4000, $0x38;
	[tilespmem:$0x1D000] =	vst v63  }
0xa8: {  	_ =	swait.ge [sflag:s21], $0x4000  }
0xa9: {  	[sflag:s21] =	ssyncset.done $0x0  }
0xaa: {  	[sflag:s21] =	ssyncadd.s32 $0xFFFFC000  }
0xab: {  	[tilespmem:s20], [sflag:$0x3] =	stream.linear.gather [spmem:s8], $0x4000, $0x38;
	[tilespmem:$0x1D000] =	vst v63  }
0xac: {  	_ =	swait.ge [sflag:s21], $0x4000  }
0xad: {  	[sflag:s21] =	ssyncset.done $0x0  }
0xae: {  	[sflag:s21] =	ssyncadd.s32 $0xFFFFC000  }
0xaf: {  	[hbm4b:s15+s3] =	stream.linear.scatter [tilespmem:s20], [sflag:$0x3], $0x4000, $0x38;
	[tilespmem:$0x1D000] =	vst v63  }
0xb0: {  	_ =	swait.ge [sflag:s21], $0x4000  }
0xb1: {  	[sflag:s21] =	ssyncset.done $0x0  }
0xb2: {  	[sflag:s21] =	ssyncadd.s32 $0xFFFFC000  }
0xb3: {  	[tilespmem:s20], [sflag:$0x3] =	stream.linear.gather [spmem:s9], $0x4000, $0x38;
	[tilespmem:$0x1D000] =	vst v63  }
0xb4: {  	s28 =	sadd.s32 $0x1, s28;
	_ =	swait.ge [sflag:s21], $0x4000  }
0xb5: {  	p0 =	sne.s32 s28, s17;
	[sflag:s21] =	ssyncset.done $0x0  }
.Ltmp2:
0xb6: {  	[sflag:s21] =	ssyncadd.s32 $0xFFFFC000;
	(pc) =	sbr.rel @p0 .LBB2_1-.Ltmp2, $4  }
0xb7: {  	[hbm4b:s16+s3] =	stream.linear.scatter [tilespmem:s20], [sflag:$0x3], $0x4000, $0x38;
	[tilespmem:$0x1D000] =	vst v63  }
0xb8: {  	_ =	swait.ge [sflag:s21], $0x4000  }
0xb9: {  	[sflag:s21] =	ssyncset.done $0x0  }
0xba: {  	[sflag:s21] =	ssyncadd.s32 $0xFFFFC000  }
0xbb: {  	_ =	sfence.sel $0x180000  }
0xbc: {  	[bflag:$0x0] =	sbarrier.arrive $0xFFFF  }
0xbd: {  	_ =	strace $0x90000053  }
0xbe: {  	s0 =	stileid.u32;
	[bflag:$0x2] =	sbarrier.arrive $0xFFFF  }
0xbf: {  	p0 =	sne.s32 s0, $0x0;
	s0 =	rddreg [dreg:$0x2]  }
0xc0: {  	s0 =	sadd.s32 @!p0 $0x100000, s0  }
0xc1: {  	[sflag:s0] =	ssyncadd.tile.s32 @!p0 $0x1;
	_ =	shalt  }
.Lfunc_end2:
_tile_overlayer_lowered:
.L_overlay_start_2:
0xc2: {  	(tag) =	ssettag $0x2  }
0xc3: {  	s0 =	rddreg [dreg:$0x0];
	s2 =	stileid.u32  }
0xc4: {  	s1 =	rddreg [dreg:$0x1];
	p0 =	sne.s32 s2, $0x0  }
0xc5: {  	s3 =	rddreg [dreg:$0x2];
	[bflag:$0x3] =	sbarrier.arrive $0xFFFF;
	s2 =	simm.s32 @!p0 $0x1C03  }
0xc6: {  	[timem:s3], [sflag:s2] =	dma.local @!p0 [hbm:s0], s1  }
0xc7: {  	s0 =	simm.s32 @!p0 $0x3  }
0xc8: {  	_ =	swait.ge @!p0 [sflag:s0], s1  }
0xc9: {  	s1 =	ssub.s32 @!p0 $0x0, s1;
	[sflag:s0] =	ssyncset.done @!p0 $0x0  }
0xca: {  	[sflag:s0] =	ssyncadd.s32 @!p0 s1  }
0xcb: {  	[bflag:$0x3] =	sbarrier.arrive $0xFFFF  }
0xcc: {  	_ =	shalt  }

</sc_bundles>
